<compile_context>
chip_gen: v7x
topology: tpu7x:2x2x1
jax: 0.10.2.dev20260603
libtpu: 0.0.44.dev20260713+nightly
codegen_flags: <defaults>
</compile_context>

<pallas_src>
import functools

import jax
import jax.numpy as jnp
from jax import lax
from jax.experimental import pallas as pl
from jax.experimental.pallas import tpu as pltpu
from jax.experimental.pallas import tpu_sc as plsc

_MAX_ITEMS = 1000000
_B = 16384
_D = 128
_L = 16
_NW = 32
_BATCH_ROWS = 128
_PAD = 2 * _BATCH_ROWS
_WEIGHT = 0.1
_MOMENT = 0.5
_WARM_UP = 1.0 / 1000.0
_COOL_DOWN = 1.0 / 100000.0


def _sc_call(activations, samples, hist_ref):
    mesh = plsc.VectorSubcoreMesh(core_axis_name="c", subcore_axis_name="s")

    @functools.partial(
        pl.kernel,
        out_type=(
            jax.ShapeDtypeStruct((_NW, _L), jnp.float32),
            jax.ShapeDtypeStruct((_B + _L, _D), jnp.float32),
        ),
        mesh=mesh,
        compiler_params=pltpu.CompilerParams(needs_layout_passes=False),
        scratch_types=[
            pltpu.VMEM((_B,), jnp.int32),
            pltpu.VMEM((_B + _PAD,), jnp.int32),
            pltpu.VMEM((_B + _PAD,), jnp.int32),
            pltpu.VMEM((_B + _PAD,), jnp.int32),
            pltpu.VMEM((_BATCH_ROWS, _D), jnp.float32),
            pltpu.VMEM((_BATCH_ROWS, _D), jnp.float32),
            pltpu.VMEM((_BATCH_ROWS, _D), jnp.float32),
            pltpu.VMEM((_L, _D), jnp.float32),
            pltpu.VMEM((_L,), jnp.float32),
            pltpu.SemaphoreType.DMA,
            pltpu.SemaphoreType.DMA,
            pltpu.SemaphoreType.DMA,
        ],
    )
    def body(act_hbm, smp_hbm, hist, loss_hbm, upd_hbm,
             smp_v, pos_v, sid_v, posu_v, old_b, act_b, u_b, cur_v, lss_v,
             s0, s1, s2):
        wid = lax.axis_index("s") * 2 + lax.axis_index("c")
        lanes = lax.iota(jnp.int32, _L)

        pltpu.sync_copy(smp_hbm, smp_v)

        def build(v, cnt):
            s = smp_v[pl.ds(v * _L, _L)]
            own = (jnp.bitwise_and(s, _NW - 1) == wid) & (s > 0) & (s < _MAX_ITEMS)
            inc = jnp.cumsum(own.astype(jnp.int32))
            offs = cnt + inc - 1
            plsc.store_scatter(pos_v, [offs], v * _L + lanes, mask=own)
            plsc.store_scatter(sid_v, [offs], s, mask=own)
            plsc.store_scatter(posu_v, [offs], v * _L + lanes, mask=own)
            return cnt + jnp.max(inc)

        n_own = lax.fori_loop(0, _B // _L, build, jnp.int32(0))
        for pc in range(_BATCH_ROWS // _L):
            idxs = n_own + pc * _L + lanes
            plsc.store_scatter(pos_v, [idxs], lanes * 0)
            plsc.store_scatter(sid_v, [idxs], lanes * 0 + _MAX_ITEMS)
            plsc.store_scatter(posu_v, [idxs], _B + lanes)

        nchunks = (n_own + _L - 1) // _L
        nbatch = (n_own + _BATCH_ROWS - 1) // _BATCH_ROWS

        def p1(kb, lossvec):
            b0 = kb * _BATCH_ROWS
            cp_a = pltpu.async_copy(
                act_hbm.at[pos_v.at[pl.ds(b0, _BATCH_ROWS)]], act_b, s0)
            cp_h = pltpu.async_copy(
                hist.at[sid_v.at[pl.ds(b0, _BATCH_ROWS)]], old_b, s1)
            cp_a.wait()
            cp_h.wait()
            descs = []
            for g in range(_BATCH_ROWS // _L):
                valid = (b0 + g * _L + lanes) < n_own
                rows = g * _L + lanes

                def col(c4, lv, rows=rows, valid=valid):
                    for cc in range(4):
                        colv = lanes * 0 + (c4 * 4 + cc)
                        o = plsc.load_gather(old_b, [rows, colv])
                        a = plsc.load_gather(act_b, [rows, colv])
                        d = jnp.where(valid, o - a, 0.0)
                        plsc.store_scatter(u_b, [rows, colv], (_MOMENT - 1.0) * d)
                        lv = lv + d * d
                    return lv

                lossvec = lax.fori_loop(0, _D // 4, col, lossvec)
                posu = posu_v[pl.ds(b0 + g * _L, _L)]
                descs.append(pltpu.async_copy(
                    u_b.at[pl.ds(g * _L, _L)], upd_hbm.at[posu], s2))
            for dsc in descs:
                dsc.wait()
            return lossvec

        lossvec = lax.fori_loop(0, nbatch, p1, jnp.zeros((_L,), jnp.float32))
        lss_v[...] = lossvec
        pltpu.sync_copy(lss_v, loss_hbm.at[wid])

        def p2(k, carry):
            base = k * _L
            valid = (base + lanes) < n_own
            sid = sid_v[pl.ds(base, _L)]
            posu = posu_v[pl.ds(base, _L)]
            sidr = jnp.where(valid, sid, _MAX_ITEMS + lanes)
            rank = jnp.zeros((_L,), jnp.int32)
            for j in range(_L - 1):
                sj = jnp.sum(jnp.where(lanes == j, sidr, 0))
                rank = rank + jnp.where((lanes > j) & (sidr == sj), 1, 0)
            maxrank = jnp.max(rank)
            cp_u = pltpu.async_copy(
                upd_hbm.at[posu], u_b.at[pl.ds(0, _L)], s0)

            def round_body(r):
                sel = (rank == r) & valid
                idx = jnp.where(sel, sid, _MAX_ITEMS)
                pltpu.async_copy(hist.at[idx], cur_v, s1).wait()

                def addc(c4, t):
                    for cc in range(4):
                        colv = lanes * 0 + (c4 * 4 + cc)
                        cu = plsc.load_gather(cur_v, [lanes, colv])
                        uu = plsc.load_gather(u_b, [lanes, colv])
                        plsc.store_scatter(
                            cur_v, [lanes, colv],
                            cu + jnp.where(sel, uu, 0.0))
                    return t

                lax.fori_loop(0, _D // 4, addc, jnp.int32(0))
                pltpu.async_copy(cur_v, hist.at[idx], s1).wait()
                return r + 1

            cp_u.wait()
            lax.while_loop(lambda r: r <= maxrank, round_body, jnp.int32(0))
            return carry

        lax.fori_loop(0, nchunks, p2, jnp.int32(0))

    return body(activations, samples, hist_ref)


def kernel(activations, samples, history, iterations):
    warm_up = _WARM_UP * iterations
    cool_down = _COOL_DOWN * iterations
    weight = _WEIGHT * warm_up / (1.0 + warm_up) / (1.0 + cool_down)

    hist_ref = jax.new_ref(history)
    loss_parts, _ = _sc_call(activations, samples, hist_ref)
    new_history = hist_ref[...]
    reg_loss = jnp.sum(loss_parts) * (weight / (_B * float(_D)))
    return activations, reg_loss, new_history, iterations + 1.0

# --- scband reference (transcript-rebuilt; emitter-appended) ---
"""Pipeline reference for scband-temporal-activity-regularizer-7885559955975 (READ-ONLY COPY).

The authoritative reference and input builder live on the scoring server;
editing this copy changes nothing except your own understanding.
"""

import jax, jax.numpy as jnp
import numpy as np

MAX_ITEMS = 1000000
WEIGHT = 0.1
MOMENT = 0.5
WARM_UP = 1.0 / 1000.0
COOL_DOWN = 1.0 / 100000.0
BATCH = 16384
DIM = 128


def setup_inputs(seed: int = 0) -> dict:
    key = jax.random.key(seed)
    k1, k2 = jax.random.split(key)
    activations = jax.random.normal(k1, (BATCH, DIM), dtype=jnp.float32)
    samples = jax.random.randint(k2, (BATCH,), 0, MAX_ITEMS, dtype=jnp.int64 if jax.config.jax_enable_x64 else jnp.int32)
    # non-trainable state: per-sample activation history and iteration counter
    history = jnp.zeros((MAX_ITEMS + 1, DIM), dtype=jnp.float32)
    iterations = jnp.array(1.0, dtype=jnp.float32)
    return {"activations": activations, "samples": samples, "history": history, "iterations": iterations}


def reference(activations, samples, history, iterations):
    # mask out sample id 0 and ids >= max_items
    mask = jnp.logical_and(samples > 0, samples < MAX_ITEMS).astype(jnp.float32)
    masked_samples = jnp.minimum(samples, MAX_ITEMS)
    # gather old activations from history table
    old_activations = jnp.take(history, masked_samples, axis=0)
    # iteration-dependent loss weight schedule
    warm_up = WARM_UP * iterations
    cool_down = COOL_DOWN * iterations
    weight = WEIGHT * warm_up / (1.0 + warm_up) / (1.0 + cool_down)
    # keras 'mse' objective: mean over last axis
    per_sample = jnp.mean(jnp.square(old_activations - activations), axis=-1)
    reg_loss = jnp.mean(per_sample * mask) * weight
    # history update (tf.scatter_sub semantics: accumulate duplicates)
    diff_activations = (old_activations - activations) * mask[:, None]
    new_history = history.at[masked_samples].add(-(1.0 - MOMENT) * diff_activations)
    new_iterations = iterations + 1.0
    # layer output is the pass-through activations
    return activations, reg_loss, new_history, new_iterations

if __name__ == "__main__":
    import jax
    _d = setup_inputs()
    print(jax.jit(kernel)(*tuple(_d.values())))

</pallas_src>

<mosaic_0001>
#map = affine_map<(d0, d1) -> (0, 0)>
#map1 = affine_map<(d0, d1) -> (0)>
module attributes {stable_mosaic.version = 14 : i64} {
  func.func @new_body(%arg0: i32, %arg1: i32, %arg2: memref<16384x128xf32, #tpu.memory_space<hbm>>, %arg3: memref<16384xi32, #tpu.memory_space<hbm>>, %arg4: memref<1000001x128xf32, #tpu.memory_space<hbm>>, %arg5: memref<32x16xf32, #tpu.memory_space<hbm>>, %arg6: memref<16400x128xf32, #tpu.memory_space<hbm>>, %arg7: memref<1000001x128xf32, #tpu.memory_space<hbm>>, %arg8: memref<16384xi32, #tpu.memory_space<vmem>>, %arg9: memref<16640xi32, #tpu.memory_space<vmem>>, %arg10: memref<16640xi32, #tpu.memory_space<vmem>>, %arg11: memref<16640xi32, #tpu.memory_space<vmem>>, %arg12: memref<128x128xf32, #tpu.memory_space<vmem>>, %arg13: memref<128x128xf32, #tpu.memory_space<vmem>>, %arg14: memref<128x128xf32, #tpu.memory_space<vmem>>, %arg15: memref<16x128xf32, #tpu.memory_space<vmem>>, %arg16: memref<16xf32, #tpu.memory_space<vmem>>, %arg17: memref<!tpu.dma_semaphore, #tpu.memory_space<semaphore_mem>>, %arg18: memref<!tpu.dma_semaphore, #tpu.memory_space<semaphore_mem>>, %arg19: memref<!tpu.dma_semaphore, #tpu.memory_space<semaphore_mem>>) attributes {dimension_semantics = [#tpu.dimension_semantics<core_parallel>, #tpu.dimension_semantics<subcore_parallel>], iteration_bounds = array<i64: 2, 16>, scalar_prefetch = 0 : i64, scratch_operands = 12 : i64, tpu.core_type = #tpu.core_type<sc_vector_subcore>, window_params = [{transform_indices = #map}, {transform_indices = #map1}, {transform_indices = #map}, {transform_indices = #map}, {transform_indices = #map}, {transform_indices = #map}]} {
    %mul3A = arith.constant 2 : i32
    %mul3A_0 = arith.muli %arg1, %mul3A : i32
    %add3A = arith.addi %mul3A_0, %arg0 : i32
    %iota3A = tpu.iota {dimensions = array<i32: 0>} : vector<16xi32>
    "tpu.region"() ({
      %run_scoped3A = tpu.sem_alloc : memref<!tpu.dma_semaphore, #tpu.memory_space<semaphore_mem>>
      tpu.enqueue_dma source(%arg3 : memref<16384xi32, #tpu.memory_space<hbm>>) target(%arg8 : memref<16384xi32, #tpu.memory_space<vmem>>) target_semaphore(%run_scoped3A : memref<!tpu.dma_semaphore, #tpu.memory_space<semaphore_mem>>)
      tpu.wait_dma2 semaphore(%run_scoped3A : memref<!tpu.dma_semaphore, #tpu.memory_space<semaphore_mem>>) src(%arg3 : memref<16384xi32, #tpu.memory_space<hbm>>) dst(%arg8 : memref<16384xi32, #tpu.memory_space<vmem>>)
      tpu.yield
    }) : () -> ()
    %scan3A = arith.constant 0 : i32
    %scan3A_1 = arith.constant 0 : i32
    %scan3A_2 = arith.constant 1024 : i32
    %scan3A_3 = arith.addi %scan3A_1, %scan3A_2 : i32
    %scan3A_4 = arith.constant 1 : i32
    %scan3A_5 = scf.for %scan3A_205 = %scan3A_1 to %scan3A_3 step %scan3A_4 iter_args(%scan3A_206 = %scan3A) -> (i32)  : i32 {
      %mul3A_207 = arith.constant 16 : i32
      %mul3A_208 = arith.muli %scan3A_205, %mul3A_207 : i32
      %get3A = arith.index_cast %mul3A_208 : i32 to index
      %get3A_209 = tpu.vector_load %arg8[%get3A] {strides = array<i32>} : memref<16384xi32, #tpu.memory_space<vmem>>, vector<16xi32>,
      %and3A_210 = arith.constant 31 : i32
      %and3A_211 = vector.broadcast %and3A_210 : i32 to vector<16xi32>
      %and3A_212 = arith.andi %get3A_209, %and3A_211 : vector<16xi32>
      %eq3A = vector.broadcast %add3A : i32 to vector<16xi32>
      %eq3A_213 = arith.cmpi eq, %and3A_212, %eq3A : vector<16xi32>
      %gt3A = arith.constant 0 : i32
      %gt3A_214 = vector.broadcast %gt3A : i32 to vector<16xi32>
      %gt3A_215 = arith.cmpi sgt, %get3A_209, %gt3A_214 : vector<16xi32>
      %and3A_216 = arith.andi %eq3A_213, %gt3A_215 : vector<16xi1>
      %lt3A = arith.constant 1000000 : i32
      %lt3A_217 = vector.broadcast %lt3A : i32 to vector<16xi32>
      %lt3A_218 = arith.cmpi slt, %get3A_209, %lt3A_217 : vector<16xi32>
      %and3A_219 = arith.andi %and3A_216, %lt3A_218 : vector<16xi1>
      %convert_element_type3A = arith.extui %and3A_219 : vector<16xi1> to vector<16xi32>
      %cumsum3A = arith.constant true
      %cumsum3A_220 = vector.broadcast %cumsum3A : i1 to vector<16xi1>
      %cumsum3A_221 = tpu.scan <sum>, %convert_element_type3A masked %cumsum3A_220 : vector<16xi32>, vector<16xi1> -> vector<16xi32>
      %add3A_222 = vector.broadcast %scan3A_206 : i32 to vector<16xi32>
      %add3A_223 = arith.addi %add3A_222, %cumsum3A_221 : vector<16xi32>
      %sub3A_224 = arith.constant 1 : i32
      %sub3A_225 = vector.broadcast %sub3A_224 : i32 to vector<16xi32>
      %sub3A_226 = arith.subi %add3A_223, %sub3A_225 : vector<16xi32>
      %mul3A_227 = arith.constant 16 : i32
      %mul3A_228 = arith.muli %scan3A_205, %mul3A_227 : i32
      %add3A_229 = vector.broadcast %mul3A_228 : i32 to vector<16xi32>
      %add3A_230 = arith.addi %add3A_229, %iota3A : vector<16xi32>
      tpu.vector_store_idx %arg9[%sub3A_226], %add3A_230 masked %and3A_219 : memref<16640xi32, #tpu.memory_space<vmem>>[vector<16xi32>], vector<16xi32>, vector<16xi1>
      tpu.vector_store_idx %arg10[%sub3A_226], %get3A_209 masked %and3A_219 : memref<16640xi32, #tpu.memory_space<vmem>>[vector<16xi32>], vector<16xi32>, vector<16xi1>
      %mul3A_231 = arith.constant 16 : i32
      %mul3A_232 = arith.muli %scan3A_205, %mul3A_231 : i32
      %add3A_233 = vector.broadcast %mul3A_232 : i32 to vector<16xi32>
      %add3A_234 = arith.addi %add3A_233, %iota3A : vector<16xi32>
      tpu.vector_store_idx %arg11[%sub3A_226], %add3A_234 masked %and3A_219 : memref<16640xi32, #tpu.memory_space<vmem>>[vector<16xi32>], vector<16xi32>, vector<16xi1>
      %reduce_max3A = arith.constant true
      %reduce_max3A_235 = vector.broadcast %reduce_max3A : i1 to vector<16xi1>
      %reduce_max3A_236 = arith.constant -2147483648 : i32
      %reduce_max3A_237 = vector.broadcast %reduce_max3A_236 : i32 to vector<16xi32>
      %reduce_max3A_238 = arith.xori %cumsum3A_221, %reduce_max3A_237 : vector<16xi32>
      %reduce_max3A_239 = tpu.scan <max>, %reduce_max3A_238 masked %reduce_max3A_235 : vector<16xi32>, vector<16xi1> -> vector<16xi32>
      %reduce_max3A_240 = arith.xori %reduce_max3A_239, %reduce_max3A_237 : vector<16xi32>
      %reduce_max3A_241 = vector.extract %reduce_max3A_240[15] : i32 from vector<16xi32>
      %add3A_242 = arith.addi %scan3A_206, %reduce_max3A_241 : i32
      scf.yield %add3A_242 : i32
    }
    %scan3A_6 = arith.constant 1024 : i32
    %add3A_7 = arith.constant 0 : i32
    %add3A_8 = arith.addi %scan3A_5, %add3A_7 : i32
    %add3A_9 = vector.broadcast %add3A_8 : i32 to vector<16xi32>
    %add3A_10 = arith.addi %add3A_9, %iota3A : vector<16xi32>
    %mul3A_11 = arith.constant 0 : i32
    %mul3A_12 = vector.broadcast %mul3A_11 : i32 to vector<16xi32>
    %mul3A_13 = arith.muli %iota3A, %mul3A_12 : vector<16xi32>
    tpu.vector_store_idx %arg9[%add3A_10], %mul3A_13 : memref<16640xi32, #tpu.memory_space<vmem>>[vector<16xi32>], vector<16xi32>,
    %mul3A_14 = arith.constant 0 : i32
    %mul3A_15 = vector.broadcast %mul3A_14 : i32 to vector<16xi32>
    %mul3A_16 = arith.muli %iota3A, %mul3A_15 : vector<16xi32>
    %add3A_17 = arith.constant 1000000 : i32
    %add3A_18 = vector.broadcast %add3A_17 : i32 to vector<16xi32>
    %add3A_19 = arith.addi %mul3A_16, %add3A_18 : vector<16xi32>
    tpu.vector_store_idx %arg10[%add3A_10], %add3A_19 : memref<16640xi32, #tpu.memory_space<vmem>>[vector<16xi32>], vector<16xi32>,
    %add3A_20 = arith.constant 16384 : i32
    %add3A_21 = vector.broadcast %add3A_20 : i32 to vector<16xi32>
    %add3A_22 = arith.addi %add3A_21, %iota3A : vector<16xi32>
    tpu.vector_store_idx %arg11[%add3A_10], %add3A_22 : memref<16640xi32, #tpu.memory_space<vmem>>[vector<16xi32>], vector<16xi32>,
    %add3A_23 = arith.constant 16 : i32
    %add3A_24 = arith.addi %scan3A_5, %add3A_23 : i32
    %add3A_25 = vector.broadcast %add3A_24 : i32 to vector<16xi32>
    %add3A_26 = arith.addi %add3A_25, %iota3A : vector<16xi32>
    %mul3A_27 = arith.constant 0 : i32
    %mul3A_28 = vector.broadcast %mul3A_27 : i32 to vector<16xi32>
    %mul3A_29 = arith.muli %iota3A, %mul3A_28 : vector<16xi32>
    tpu.vector_store_idx %arg9[%add3A_26], %mul3A_29 : memref<16640xi32, #tpu.memory_space<vmem>>[vector<16xi32>], vector<16xi32>,
    %mul3A_30 = arith.constant 0 : i32
    %mul3A_31 = vector.broadcast %mul3A_30 : i32 to vector<16xi32>
    %mul3A_32 = arith.muli %iota3A, %mul3A_31 : vector<16xi32>
    %add3A_33 = arith.constant 1000000 : i32
    %add3A_34 = vector.broadcast %add3A_33 : i32 to vector<16xi32>
    %add3A_35 = arith.addi %mul3A_32, %add3A_34 : vector<16xi32>
    tpu.vector_store_idx %arg10[%add3A_26], %add3A_35 : memref<16640xi32, #tpu.memory_space<vmem>>[vector<16xi32>], vector<16xi32>,
    %add3A_36 = arith.constant 16384 : i32
    %add3A_37 = vector.broadcast %add3A_36 : i32 to vector<16xi32>
    %add3A_38 = arith.addi %add3A_37, %iota3A : vector<16xi32>
    tpu.vector_store_idx %arg11[%add3A_26], %add3A_38 : memref<16640xi32, #tpu.memory_space<vmem>>[vector<16xi32>], vector<16xi32>,
    %add3A_39 = arith.constant 32 : i32
    %add3A_40 = arith.addi %scan3A_5, %add3A_39 : i32
    %add3A_41 = vector.broadcast %add3A_40 : i32 to vector<16xi32>
    %add3A_42 = arith.addi %add3A_41, %iota3A : vector<16xi32>
    %mul3A_43 = arith.constant 0 : i32
    %mul3A_44 = vector.broadcast %mul3A_43 : i32 to vector<16xi32>
    %mul3A_45 = arith.muli %iota3A, %mul3A_44 : vector<16xi32>
    tpu.vector_store_idx %arg9[%add3A_42], %mul3A_45 : memref<16640xi32, #tpu.memory_space<vmem>>[vector<16xi32>], vector<16xi32>,
    %mul3A_46 = arith.constant 0 : i32
    %mul3A_47 = vector.broadcast %mul3A_46 : i32 to vector<16xi32>
    %mul3A_48 = arith.muli %iota3A, %mul3A_47 : vector<16xi32>
    %add3A_49 = arith.constant 1000000 : i32
    %add3A_50 = vector.broadcast %add3A_49 : i32 to vector<16xi32>
    %add3A_51 = arith.addi %mul3A_48, %add3A_50 : vector<16xi32>
    tpu.vector_store_idx %arg10[%add3A_42], %add3A_51 : memref<16640xi32, #tpu.memory_space<vmem>>[vector<16xi32>], vector<16xi32>,
    %add3A_52 = arith.constant 16384 : i32
    %add3A_53 = vector.broadcast %add3A_52 : i32 to vector<16xi32>
    %add3A_54 = arith.addi %add3A_53, %iota3A : vector<16xi32>
    tpu.vector_store_idx %arg11[%add3A_42], %add3A_54 : memref<16640xi32, #tpu.memory_space<vmem>>[vector<16xi32>], vector<16xi32>,
    %add3A_55 = arith.constant 48 : i32
    %add3A_56 = arith.addi %scan3A_5, %add3A_55 : i32
    %add3A_57 = vector.broadcast %add3A_56 : i32 to vector<16xi32>
    %add3A_58 = arith.addi %add3A_57, %iota3A : vector<16xi32>
    %mul3A_59 = arith.constant 0 : i32
    %mul3A_60 = vector.broadcast %mul3A_59 : i32 to vector<16xi32>
    %mul3A_61 = arith.muli %iota3A, %mul3A_60 : vector<16xi32>
    tpu.vector_store_idx %arg9[%add3A_58], %mul3A_61 : memref<16640xi32, #tpu.memory_space<vmem>>[vector<16xi32>], vector<16xi32>,
    %mul3A_62 = arith.constant 0 : i32
    %mul3A_63 = vector.broadcast %mul3A_62 : i32 to vector<16xi32>
    %mul3A_64 = arith.muli %iota3A, %mul3A_63 : vector<16xi32>
    %add3A_65 = arith.constant 1000000 : i32
    %add3A_66 = vector.broadcast %add3A_65 : i32 to vector<16xi32>
    %add3A_67 = arith.addi %mul3A_64, %add3A_66 : vector<16xi32>
    tpu.vector_store_idx %arg10[%add3A_58], %add3A_67 : memref<16640xi32, #tpu.memory_space<vmem>>[vector<16xi32>], vector<16xi32>,
    %add3A_68 = arith.constant 16384 : i32
    %add3A_69 = vector.broadcast %add3A_68 : i32 to vector<16xi32>
    %add3A_70 = arith.addi %add3A_69, %iota3A : vector<16xi32>
    tpu.vector_store_idx %arg11[%add3A_58], %add3A_70 : memref<16640xi32, #tpu.memory_space<vmem>>[vector<16xi32>], vector<16xi32>,
    %add3A_71 = arith.constant 64 : i32
    %add3A_72 = arith.addi %scan3A_5, %add3A_71 : i32
    %add3A_73 = vector.broadcast %add3A_72 : i32 to vector<16xi32>
    %add3A_74 = arith.addi %add3A_73, %iota3A : vector<16xi32>
    %mul3A_75 = arith.constant 0 : i32
    %mul3A_76 = vector.broadcast %mul3A_75 : i32 to vector<16xi32>
    %mul3A_77 = arith.muli %iota3A, %mul3A_76 : vector<16xi32>
    tpu.vector_store_idx %arg9[%add3A_74], %mul3A_77 : memref<16640xi32, #tpu.memory_space<vmem>>[vector<16xi32>], vector<16xi32>,
    %mul3A_78 = arith.constant 0 : i32
    %mul3A_79 = vector.broadcast %mul3A_78 : i32 to vector<16xi32>
    %mul3A_80 = arith.muli %iota3A, %mul3A_79 : vector<16xi32>
    %add3A_81 = arith.constant 1000000 : i32
    %add3A_82 = vector.broadcast %add3A_81 : i32 to vector<16xi32>
    %add3A_83 = arith.addi %mul3A_80, %add3A_82 : vector<16xi32>
    tpu.vector_store_idx %arg10[%add3A_74], %add3A_83 : memref<16640xi32, #tpu.memory_space<vmem>>[vector<16xi32>], vector<16xi32>,
    %add3A_84 = arith.constant 16384 : i32
    %add3A_85 = vector.broadcast %add3A_84 : i32 to vector<16xi32>
    %add3A_86 = arith.addi %add3A_85, %iota3A : vector<16xi32>
    tpu.vector_store_idx %arg11[%add3A_74], %add3A_86 : memref<16640xi32, #tpu.memory_space<vmem>>[vector<16xi32>], vector<16xi32>,
    %add3A_87 = arith.constant 80 : i32
    %add3A_88 = arith.addi %scan3A_5, %add3A_87 : i32
    %add3A_89 = vector.broadcast %add3A_88 : i32 to vector<16xi32>
    %add3A_90 = arith.addi %add3A_89, %iota3A : vector<16xi32>
    %mul3A_91 = arith.constant 0 : i32
    %mul3A_92 = vector.broadcast %mul3A_91 : i32 to vector<16xi32>
    %mul3A_93 = arith.muli %iota3A, %mul3A_92 : vector<16xi32>
    tpu.vector_store_idx %arg9[%add3A_90], %mul3A_93 : memref<16640xi32, #tpu.memory_space<vmem>>[vector<16xi32>], vector<16xi32>,
    %mul3A_94 = arith.constant 0 : i32
    %mul3A_95 = vector.broadcast %mul3A_94 : i32 to vector<16xi32>
    %mul3A_96 = arith.muli %iota3A, %mul3A_95 : vector<16xi32>
    %add3A_97 = arith.constant 1000000 : i32
    %add3A_98 = vector.broadcast %add3A_97 : i32 to vector<16xi32>
    %add3A_99 = arith.addi %mul3A_96, %add3A_98 : vector<16xi32>
    tpu.vector_store_idx %arg10[%add3A_90], %add3A_99 : memref<16640xi32, #tpu.memory_space<vmem>>[vector<16xi32>], vector<16xi32>,
    %add3A_100 = arith.constant 16384 : i32
    %add3A_101 = vector.broadcast %add3A_100 : i32 to vector<16xi32>
    %add3A_102 = arith.addi %add3A_101, %iota3A : vector<16xi32>
    tpu.vector_store_idx %arg11[%add3A_90], %add3A_102 : memref<16640xi32, #tpu.memory_space<vmem>>[vector<16xi32>], vector<16xi32>,
    %add3A_103 = arith.constant 96 : i32
    %add3A_104 = arith.addi %scan3A_5, %add3A_103 : i32
    %add3A_105 = vector.broadcast %add3A_104 : i32 to vector<16xi32>
    %add3A_106 = arith.addi %add3A_105, %iota3A : vector<16xi32>
    %mul3A_107 = arith.constant 0 : i32
    %mul3A_108 = vector.broadcast %mul3A_107 : i32 to vector<16xi32>
    %mul3A_109 = arith.muli %iota3A, %mul3A_108 : vector<16xi32>
    tpu.vector_store_idx %arg9[%add3A_106], %mul3A_109 : memref<16640xi32, #tpu.memory_space<vmem>>[vector<16xi32>], vector<16xi32>,
    %mul3A_110 = arith.constant 0 : i32
    %mul3A_111 = vector.broadcast %mul3A_110 : i32 to vector<16xi32>
    %mul3A_112 = arith.muli %iota3A, %mul3A_111 : vector<16xi32>
    %add3A_113 = arith.constant 1000000 : i32
    %add3A_114 = vector.broadcast %add3A_113 : i32 to vector<16xi32>
    %add3A_115 = arith.addi %mul3A_112, %add3A_114 : vector<16xi32>
    tpu.vector_store_idx %arg10[%add3A_106], %add3A_115 : memref<16640xi32, #tpu.memory_space<vmem>>[vector<16xi32>], vector<16xi32>,
    %add3A_116 = arith.constant 16384 : i32
    %add3A_117 = vector.broadcast %add3A_116 : i32 to vector<16xi32>
    %add3A_118 = arith.addi %add3A_117, %iota3A : vector<16xi32>
    tpu.vector_store_idx %arg11[%add3A_106], %add3A_118 : memref<16640xi32, #tpu.memory_space<vmem>>[vector<16xi32>], vector<16xi32>,
    %add3A_119 = arith.constant 112 : i32
    %add3A_120 = arith.addi %scan3A_5, %add3A_119 : i32
    %add3A_121 = vector.broadcast %add3A_120 : i32 to vector<16xi32>
    %add3A_122 = arith.addi %add3A_121, %iota3A : vector<16xi32>
    %mul3A_123 = arith.constant 0 : i32
    %mul3A_124 = vector.broadcast %mul3A_123 : i32 to vector<16xi32>
    %mul3A_125 = arith.muli %iota3A, %mul3A_124 : vector<16xi32>
    tpu.vector_store_idx %arg9[%add3A_122], %mul3A_125 : memref<16640xi32, #tpu.memory_space<vmem>>[vector<16xi32>], vector<16xi32>,
    %mul3A_126 = arith.constant 0 : i32
    %mul3A_127 = vector.broadcast %mul3A_126 : i32 to vector<16xi32>
    %mul3A_128 = arith.muli %iota3A, %mul3A_127 : vector<16xi32>
    %add3A_129 = arith.constant 1000000 : i32
    %add3A_130 = vector.broadcast %add3A_129 : i32 to vector<16xi32>
    %add3A_131 = arith.addi %mul3A_128, %add3A_130 : vector<16xi32>
    tpu.vector_store_idx %arg10[%add3A_122], %add3A_131 : memref<16640xi32, #tpu.memory_space<vmem>>[vector<16xi32>], vector<16xi32>,
    %add3A_132 = arith.constant 16384 : i32
    %add3A_133 = vector.broadcast %add3A_132 : i32 to vector<16xi32>
    %add3A_134 = arith.addi %add3A_133, %iota3A : vector<16xi32>
    tpu.vector_store_idx %arg11[%add3A_122], %add3A_134 : memref<16640xi32, #tpu.memory_space<vmem>>[vector<16xi32>], vector<16xi32>,
    %add3A_135 = arith.constant 16 : i32
    %add3A_136 = arith.addi %scan3A_5, %add3A_135 : i32
    %sub3A = arith.constant 1 : i32
    %sub3A_137 = arith.subi %add3A_136, %sub3A : i32
    %jit3A = arith.constant 16 : i32
    %div3A = arith.divsi %sub3A_137, %jit3A : i32
    %sign3A = arith.constant 0 : i32
    %sign3A_138 = arith.cmpi sgt, %sub3A_137, %sign3A : i32
    %sign3A_139 = arith.extui %sign3A_138 : i1 to i32
    %sign3A_140 = arith.constant 0 : i32
    %sign3A_141 = arith.cmpi slt, %sub3A_137, %sign3A_140 : i32
    %sign3A_142 = arith.extui %sign3A_141 : i1 to i32
    %sign3A_143 = arith.subi %sign3A_139, %sign3A_142 : i32
    %sign3A_144 = arith.constant 0 : i32
    %sign3A_145 = arith.cmpi sgt, %jit3A, %sign3A_144 : i32
    %sign3A_146 = arith.extui %sign3A_145 : i1 to i32
    %sign3A_147 = arith.constant 0 : i32
    %sign3A_148 = arith.cmpi slt, %jit3A, %sign3A_147 : i32
    %sign3A_149 = arith.extui %sign3A_148 : i1 to i32
    %sign3A_150 = arith.subi %sign3A_146, %sign3A_149 : i32
    %ne3A = arith.cmpi ne, %sign3A_143, %sign3A_150 : i32
    %rem3A = arith.remsi %sub3A_137, %jit3A : i32
    %ne3A_151 = arith.constant 0 : i32
    %ne3A_152 = arith.cmpi ne, %rem3A, %ne3A_151 : i32
    %and3A = arith.andi %ne3A, %ne3A_152 : i1
    %sub3A_153 = arith.constant 1 : i32
    %sub3A_154 = arith.subi %div3A, %sub3A_153 : i32
    %select_n3A = arith.select %and3A, %sub3A_154, %div3A : i32
    %add3A_155 = arith.constant 128 : i32
    %add3A_156 = arith.addi %scan3A_5, %add3A_155 : i32
    %sub3A_157 = arith.constant 1 : i32
    %sub3A_158 = arith.subi %add3A_156, %sub3A_157 : i32
    %jit3A_159 = arith.constant 128 : i32
    %div3A_160 = arith.divsi %sub3A_158, %jit3A_159 : i32
    %sign3A_161 = arith.constant 0 : i32
    %sign3A_162 = arith.cmpi sgt, %sub3A_158, %sign3A_161 : i32
    %sign3A_163 = arith.extui %sign3A_162 : i1 to i32
    %sign3A_164 = arith.constant 0 : i32
    %sign3A_165 = arith.cmpi slt, %sub3A_158, %sign3A_164 : i32
    %sign3A_166 = arith.extui %sign3A_165 : i1 to i32
    %sign3A_167 = arith.subi %sign3A_163, %sign3A_166 : i32
    %sign3A_168 = arith.constant 0 : i32
    %sign3A_169 = arith.cmpi sgt, %jit3A_159, %sign3A_168 : i32
    %sign3A_170 = arith.extui %sign3A_169 : i1 to i32
    %sign3A_171 = arith.constant 0 : i32
    %sign3A_172 = arith.cmpi slt, %jit3A_159, %sign3A_171 : i32
    %sign3A_173 = arith.extui %sign3A_172 : i1 to i32
    %sign3A_174 = arith.subi %sign3A_170, %sign3A_173 : i32
    %ne3A_175 = arith.cmpi ne, %sign3A_167, %sign3A_174 : i32
    %rem3A_176 = arith.remsi %sub3A_158, %jit3A_159 : i32
    %ne3A_177 = arith.constant 0 : i32
    %ne3A_178 = arith.cmpi ne, %rem3A_176, %ne3A_177 : i32
    %and3A_179 = arith.andi %ne3A_175, %ne3A_178 : i1
    %sub3A_180 = arith.constant 1 : i32
    %sub3A_181 = arith.subi %div3A_160, %sub3A_180 : i32
    %select_n3A_182 = arith.select %and3A_179, %sub3A_181, %div3A_160 : i32
    %broadcast_in_dim3A = arith.constant 0.000000e+00 : f32
    %broadcast_in_dim3A_183 = vector.broadcast %broadcast_in_dim3A : f32 to vector<16xf32>
    %while3A = arith.constant 0 : i32
    %while3A_184 = arith.subi %select_n3A_182, %while3A : i32
    %while3A_185 = arith.addi %while3A, %while3A_184 : i32
    %while3A_186 = arith.constant 1 : i32
    %while3A_187 = arith.divsi %while3A_184, %while3A_186 : i32
    %while3A_188 = arith.muli %while3A_187, %while3A_186 : i32
    %while3A_189 = arith.addi %while3A, %while3A_188 : i32
    %while3A_190 = arith.constant 1 : i32
    %while3A_191 = scf.for %while3A_205 = %while3A to %while3A_189 step %while3A_190 iter_args(%while3A_206 = %broadcast_in_dim3A_183) -> (vector<16xf32>)  : i32 {
      %mul3A_207 = arith.constant 128 : i32
      %mul3A_208 = arith.muli %while3A_205, %mul3A_207 : i32
      %dma_start3A = tpu.memref_slice %arg9[%mul3A_208] : memref<16640xi32, #tpu.memory_space<vmem>> -> memref<128xi32, #tpu.memory_space<vmem>>
      %dma_start3A_209 = arith.constant 0 : i32
      %dma_start3A_210 = arith.constant 0 : i32
      %dma_start3A_211 = tpu.memref_slice %arg2[%dma_start3A_209, %dma_start3A_210] : memref<16384x128xf32, #tpu.memory_space<hbm>> -> memref<16384x128xf32, #tpu.memory_space<hbm>>
      tpu.enqueue_indirect_dma source(%dma_start3A_211 : memref<16384x128xf32, #tpu.memory_space<hbm>>) target(%arg13 : memref<128x128xf32, #tpu.memory_space<vmem>>) offsets(%dma_start3A : memref<128xi32, #tpu.memory_space<vmem>>) semaphore(%arg17 : memref<!tpu.dma_semaphore, #tpu.memory_space<semaphore_mem>>)
      %dma_start3A_212 = tpu.memref_slice %arg10[%mul3A_208] : memref<16640xi32, #tpu.memory_space<vmem>> -> memref<128xi32, #tpu.memory_space<vmem>>
      %dma_start3A_213 = arith.constant 0 : i32
      %dma_start3A_214 = arith.constant 0 : i32
      %dma_start3A_215 = tpu.memref_slice %arg4[%dma_start3A_213, %dma_start3A_214] : memref<1000001x128xf32, #tpu.memory_space<hbm>> -> memref<1000001x128xf32, #tpu.memory_space<hbm>>
      tpu.enqueue_indirect_dma source(%dma_start3A_215 : memref<1000001x128xf32, #tpu.memory_space<hbm>>) target(%arg12 : memref<128x128xf32, #tpu.memory_space<vmem>>) offsets(%dma_start3A_212 : memref<128xi32, #tpu.memory_space<vmem>>) semaphore(%arg18 : memref<!tpu.dma_semaphore, #tpu.memory_space<semaphore_mem>>)
      %dma_wait3A = tpu.memref_slice %arg9[%mul3A_208] : memref<16640xi32, #tpu.memory_space<vmem>> -> memref<128xi32, #tpu.memory_space<vmem>>
      %dma_wait3A_216 = arith.constant 0 : i32
      %dma_wait3A_217 = arith.constant 0 : i32
      %dma_wait3A_218 = tpu.memref_slice %arg2[%dma_wait3A_216, %dma_wait3A_217] : memref<16384x128xf32, #tpu.memory_space<hbm>> -> memref<16384x128xf32, #tpu.memory_space<hbm>>
      tpu.wait_indirect_dma semaphore(%arg17 : memref<!tpu.dma_semaphore, #tpu.memory_space<semaphore_mem>>) src(%dma_wait3A_218 : memref<16384x128xf32, #tpu.memory_space<hbm>>) dst(%arg13 : memref<128x128xf32, #tpu.memory_space<vmem>>)
      %dma_wait3A_219 = tpu.memref_slice %arg10[%mul3A_208] : memref<16640xi32, #tpu.memory_space<vmem>> -> memref<128xi32, #tpu.memory_space<vmem>>
      %dma_wait3A_220 = arith.constant 0 : i32
      %dma_wait3A_221 = arith.constant 0 : i32
      %dma_wait3A_222 = tpu.memref_slice %arg4[%dma_wait3A_220, %dma_wait3A_221] : memref<1000001x128xf32, #tpu.memory_space<hbm>> -> memref<1000001x128xf32, #tpu.memory_space<hbm>>
      tpu.wait_indirect_dma semaphore(%arg18 : memref<!tpu.dma_semaphore, #tpu.memory_space<semaphore_mem>>) src(%dma_wait3A_222 : memref<1000001x128xf32, #tpu.memory_space<hbm>>) dst(%arg12 : memref<128x128xf32, #tpu.memory_space<vmem>>)
      %add3A_223 = arith.constant 0 : i32
      %add3A_224 = arith.addi %mul3A_208, %add3A_223 : i32
      %add3A_225 = vector.broadcast %add3A_224 : i32 to vector<16xi32>
      %add3A_226 = arith.addi %add3A_225, %iota3A : vector<16xi32>
      %lt3A = vector.broadcast %scan3A_5 : i32 to vector<16xi32>
      %lt3A_227 = arith.cmpi slt, %add3A_226, %lt3A : vector<16xi32>
      %add3A_228 = arith.constant 0 : i32
      %add3A_229 = vector.broadcast %add3A_228 : i32 to vector<16xi32>
      %add3A_230 = arith.addi %add3A_229, %iota3A : vector<16xi32>
      %scan3A_231 = arith.constant 0 : i32
      %scan3A_232 = arith.constant 32 : i32
      %scan3A_233 = arith.addi %scan3A_231, %scan3A_232 : i32
      %scan3A_234 = arith.constant 1 : i32
      %scan3A_235 = scf.for %scan3A_469 = %scan3A_231 to %scan3A_233 step %scan3A_234 iter_args(%scan3A_470 = %while3A_206) -> (vector<16xf32>)  : i32 {
        %mul3A_471 = arith.constant 0 : i32
        %mul3A_472 = vector.broadcast %mul3A_471 : i32 to vector<16xi32>
        %mul3A_473 = arith.muli %iota3A, %mul3A_472 : vector<16xi32>
        %mul3A_474 = arith.constant 4 : i32
        %mul3A_475 = arith.muli %scan3A_469, %mul3A_474 : i32
        %add3A_476 = arith.constant 0 : i32
        %add3A_477 = arith.addi %mul3A_475, %add3A_476 : i32
        %add3A_478 = vector.broadcast %add3A_477 : i32 to vector<16xi32>
        %add3A_479 = arith.addi %mul3A_473, %add3A_478 : vector<16xi32>
        %gather3A = tpu.vector_load_idx %arg12[%add3A_230, %add3A_479] : memref<128x128xf32, #tpu.memory_space<vmem>>[vector<16xi32>, vector<16xi32>], vector<16xf32>,
        %gather3A_480 = tpu.vector_load_idx %arg13[%add3A_230, %add3A_479] : memref<128x128xf32, #tpu.memory_space<vmem>>[vector<16xi32>, vector<16xi32>], vector<16xf32>,
        %sub3A_481 = arith.subf %gather3A, %gather3A_480 : vector<16xf32>
        %jit3A_482 = arith.constant 0.000000e+00 : f32
        %broadcast_in_dim3A_483 = vector.broadcast %jit3A_482 : f32 to vector<16xf32>
        %select_n3A_484 = arith.select %lt3A_227, %sub3A_481, %broadcast_in_dim3A_483 : vector<16xi1>, vector<16xf32>
        %mul3A_485 = arith.constant -5.000000e-01 : f32
        %mul3A_486 = vector.broadcast %mul3A_485 : f32 to vector<16xf32>
        %mul3A_487 = arith.mulf %mul3A_486, %select_n3A_484 : vector<16xf32>
        tpu.vector_store_idx %arg14[%add3A_230, %add3A_479], %mul3A_487 : memref<128x128xf32, #tpu.memory_space<vmem>>[vector<16xi32>, vector<16xi32>], vector<16xf32>,
        %mul3A_488 = arith.mulf %select_n3A_484, %select_n3A_484 : vector<16xf32>
        %add3A_489 = arith.addf %scan3A_470, %mul3A_488 : vector<16xf32>
        %mul3A_490 = arith.constant 0 : i32
        %mul3A_491 = vector.broadcast %mul3A_490 : i32 to vector<16xi32>
        %mul3A_492 = arith.muli %iota3A, %mul3A_491 : vector<16xi32>
        %mul3A_493 = arith.constant 4 : i32
        %mul3A_494 = arith.muli %scan3A_469, %mul3A_493 : i32
        %add3A_495 = arith.constant 1 : i32
        %add3A_496 = arith.addi %mul3A_494, %add3A_495 : i32
        %add3A_497 = vector.broadcast %add3A_496 : i32 to vector<16xi32>
        %add3A_498 = arith.addi %mul3A_492, %add3A_497 : vector<16xi32>
        %gather3A_499 = tpu.vector_load_idx %arg12[%add3A_230, %add3A_498] : memref<128x128xf32, #tpu.memory_space<vmem>>[vector<16xi32>, vector<16xi32>], vector<16xf32>,
        %gather3A_500 = tpu.vector_load_idx %arg13[%add3A_230, %add3A_498] : memref<128x128xf32, #tpu.memory_space<vmem>>[vector<16xi32>, vector<16xi32>], vector<16xf32>,
        %sub3A_501 = arith.subf %gather3A_499, %gather3A_500 : vector<16xf32>
        %jit3A_502 = arith.constant 0.000000e+00 : f32
        %broadcast_in_dim3A_503 = vector.broadcast %jit3A_502 : f32 to vector<16xf32>
        %select_n3A_504 = arith.select %lt3A_227, %sub3A_501, %broadcast_in_dim3A_503 : vector<16xi1>, vector<16xf32>
        %mul3A_505 = arith.constant -5.000000e-01 : f32
        %mul3A_506 = vector.broadcast %mul3A_505 : f32 to vector<16xf32>
        %mul3A_507 = arith.mulf %mul3A_506, %select_n3A_504 : vector<16xf32>
        tpu.vector_store_idx %arg14[%add3A_230, %add3A_498], %mul3A_507 : memref<128x128xf32, #tpu.memory_space<vmem>>[vector<16xi32>, vector<16xi32>], vector<16xf32>,
        %mul3A_508 = arith.mulf %select_n3A_504, %select_n3A_504 : vector<16xf32>
        %add3A_509 = arith.addf %add3A_489, %mul3A_508 : vector<16xf32>
        %mul3A_510 = arith.constant 0 : i32
        %mul3A_511 = vector.broadcast %mul3A_510 : i32 to vector<16xi32>
        %mul3A_512 = arith.muli %iota3A, %mul3A_511 : vector<16xi32>
        %mul3A_513 = arith.constant 4 : i32
        %mul3A_514 = arith.muli %scan3A_469, %mul3A_513 : i32
        %add3A_515 = arith.constant 2 : i32
        %add3A_516 = arith.addi %mul3A_514, %add3A_515 : i32
        %add3A_517 = vector.broadcast %add3A_516 : i32 to vector<16xi32>
        %add3A_518 = arith.addi %mul3A_512, %add3A_517 : vector<16xi32>
        %gather3A_519 = tpu.vector_load_idx %arg12[%add3A_230, %add3A_518] : memref<128x128xf32, #tpu.memory_space<vmem>>[vector<16xi32>, vector<16xi32>], vector<16xf32>,
        %gather3A_520 = tpu.vector_load_idx %arg13[%add3A_230, %add3A_518] : memref<128x128xf32, #tpu.memory_space<vmem>>[vector<16xi32>, vector<16xi32>], vector<16xf32>,
        %sub3A_521 = arith.subf %gather3A_519, %gather3A_520 : vector<16xf32>
        %jit3A_522 = arith.constant 0.000000e+00 : f32
        %broadcast_in_dim3A_523 = vector.broadcast %jit3A_522 : f32 to vector<16xf32>
        %select_n3A_524 = arith.select %lt3A_227, %sub3A_521, %broadcast_in_dim3A_523 : vector<16xi1>, vector<16xf32>
        %mul3A_525 = arith.constant -5.000000e-01 : f32
        %mul3A_526 = vector.broadcast %mul3A_525 : f32 to vector<16xf32>
        %mul3A_527 = arith.mulf %mul3A_526, %select_n3A_524 : vector<16xf32>
        tpu.vector_store_idx %arg14[%add3A_230, %add3A_518], %mul3A_527 : memref<128x128xf32, #tpu.memory_space<vmem>>[vector<16xi32>, vector<16xi32>], vector<16xf32>,
        %mul3A_528 = arith.mulf %select_n3A_524, %select_n3A_524 : vector<16xf32>
        %add3A_529 = arith.addf %add3A_509, %mul3A_528 : vector<16xf32>
        %mul3A_530 = arith.constant 0 : i32
        %mul3A_531 = vector.broadcast %mul3A_530 : i32 to vector<16xi32>
        %mul3A_532 = arith.muli %iota3A, %mul3A_531 : vector<16xi32>
        %mul3A_533 = arith.constant 4 : i32
        %mul3A_534 = arith.muli %scan3A_469, %mul3A_533 : i32
        %add3A_535 = arith.constant 3 : i32
        %add3A_536 = arith.addi %mul3A_534, %add3A_535 : i32
        %add3A_537 = vector.broadcast %add3A_536 : i32 to vector<16xi32>
        %add3A_538 = arith.addi %mul3A_532, %add3A_537 : vector<16xi32>
        %gather3A_539 = tpu.vector_load_idx %arg12[%add3A_230, %add3A_538] : memref<128x128xf32, #tpu.memory_space<vmem>>[vector<16xi32>, vector<16xi32>], vector<16xf32>,
        %gather3A_540 = tpu.vector_load_idx %arg13[%add3A_230, %add3A_538] : memref<128x128xf32, #tpu.memory_space<vmem>>[vector<16xi32>, vector<16xi32>], vector<16xf32>,
        %sub3A_541 = arith.subf %gather3A_539, %gather3A_540 : vector<16xf32>
        %jit3A_542 = arith.constant 0.000000e+00 : f32
        %broadcast_in_dim3A_543 = vector.broadcast %jit3A_542 : f32 to vector<16xf32>
        %select_n3A_544 = arith.select %lt3A_227, %sub3A_541, %broadcast_in_dim3A_543 : vector<16xi1>, vector<16xf32>
        %mul3A_545 = arith.constant -5.000000e-01 : f32
        %mul3A_546 = vector.broadcast %mul3A_545 : f32 to vector<16xf32>
        %mul3A_547 = arith.mulf %mul3A_546, %select_n3A_544 : vector<16xf32>
        tpu.vector_store_idx %arg14[%add3A_230, %add3A_538], %mul3A_547 : memref<128x128xf32, #tpu.memory_space<vmem>>[vector<16xi32>, vector<16xi32>], vector<16xf32>,
        %mul3A_548 = arith.mulf %select_n3A_544, %select_n3A_544 : vector<16xf32>
        %add3A_549 = arith.addf %add3A_529, %mul3A_548 : vector<16xf32>
        scf.yield %add3A_549 : vector<16xf32>
      }
      %scan3A_236 = arith.constant 32 : i32
      %add3A_237 = arith.constant 0 : i32
      %add3A_238 = arith.addi %mul3A_208, %add3A_237 : i32
      %get3A = arith.index_cast %add3A_238 : i32 to index
      %get3A_239 = tpu.vector_load %arg11[%get3A] {strides = array<i32>} : memref<16640xi32, #tpu.memory_space<vmem>>, vector<16xi32>,
      %dma_start3A_240 = arith.constant 0 : i32
      %dma_start3A_241 = arith.constant 0 : i32
      %dma_start3A_242 = tpu.memref_slice %arg14[%dma_start3A_240, %dma_start3A_241] : memref<128x128xf32, #tpu.memory_space<vmem>> -> memref<16x128xf32, #tpu.memory_space<vmem>>
      %dma_start3A_243 = arith.constant 0 : i32
      %dma_start3A_244 = arith.constant 0 : i32
      %dma_start3A_245 = tpu.memref_slice %arg6[%dma_start3A_243, %dma_start3A_244] : memref<16400x128xf32, #tpu.memory_space<hbm>> -> memref<16400x128xf32, #tpu.memory_space<hbm>>
      tpu.enqueue_indirect_dma source(%dma_start3A_242 : memref<16x128xf32, #tpu.memory_space<vmem>>) target(%dma_start3A_245 : memref<16400x128xf32, #tpu.memory_space<hbm>>) offsets(%get3A_239 : vector<16xi32>) semaphore(%arg19 : memref<!tpu.dma_semaphore, #tpu.memory_space<semaphore_mem>>)
      %add3A_246 = arith.constant 16 : i32
      %add3A_247 = arith.addi %mul3A_208, %add3A_246 : i32
      %add3A_248 = vector.broadcast %add3A_247 : i32 to vector<16xi32>
      %add3A_249 = arith.addi %add3A_248, %iota3A : vector<16xi32>
      %lt3A_250 = vector.broadcast %scan3A_5 : i32 to vector<16xi32>
      %lt3A_251 = arith.cmpi slt, %add3A_249, %lt3A_250 : vector<16xi32>
      %add3A_252 = arith.constant 16 : i32
      %add3A_253 = vector.broadcast %add3A_252 : i32 to vector<16xi32>
      %add3A_254 = arith.addi %add3A_253, %iota3A : vector<16xi32>
      %scan3A_255 = arith.constant 0 : i32
      %scan3A_256 = arith.constant 32 : i32
      %scan3A_257 = arith.addi %scan3A_255, %scan3A_256 : i32
      %scan3A_258 = arith.constant 1 : i32
      %scan3A_259 = scf.for %scan3A_469 = %scan3A_255 to %scan3A_257 step %scan3A_258 iter_args(%scan3A_470 = %scan3A_235) -> (vector<16xf32>)  : i32 {
        %mul3A_471 = arith.constant 0 : i32
        %mul3A_472 = vector.broadcast %mul3A_471 : i32 to vector<16xi32>
        %mul3A_473 = arith.muli %iota3A, %mul3A_472 : vector<16xi32>
        %mul3A_474 = arith.constant 4 : i32
        %mul3A_475 = arith.muli %scan3A_469, %mul3A_474 : i32
        %add3A_476 = arith.constant 0 : i32
        %add3A_477 = arith.addi %mul3A_475, %add3A_476 : i32
        %add3A_478 = vector.broadcast %add3A_477 : i32 to vector<16xi32>
        %add3A_479 = arith.addi %mul3A_473, %add3A_478 : vector<16xi32>
        %gather3A = tpu.vector_load_idx %arg12[%add3A_254, %add3A_479] : memref<128x128xf32, #tpu.memory_space<vmem>>[vector<16xi32>, vector<16xi32>], vector<16xf32>,
        %gather3A_480 = tpu.vector_load_idx %arg13[%add3A_254, %add3A_479] : memref<128x128xf32, #tpu.memory_space<vmem>>[vector<16xi32>, vector<16xi32>], vector<16xf32>,
        %sub3A_481 = arith.subf %gather3A, %gather3A_480 : vector<16xf32>
        %jit3A_482 = arith.constant 0.000000e+00 : f32
        %broadcast_in_dim3A_483 = vector.broadcast %jit3A_482 : f32 to vector<16xf32>
        %select_n3A_484 = arith.select %lt3A_251, %sub3A_481, %broadcast_in_dim3A_483 : vector<16xi1>, vector<16xf32>
        %mul3A_485 = arith.constant -5.000000e-01 : f32
        %mul3A_486 = vector.broadcast %mul3A_485 : f32 to vector<16xf32>
        %mul3A_487 = arith.mulf %mul3A_486, %select_n3A_484 : vector<16xf32>
        tpu.vector_store_idx %arg14[%add3A_254, %add3A_479], %mul3A_487 : memref<128x128xf32, #tpu.memory_space<vmem>>[vector<16xi32>, vector<16xi32>], vector<16xf32>,
        %mul3A_488 = arith.mulf %select_n3A_484, %select_n3A_484 : vector<16xf32>
        %add3A_489 = arith.addf %scan3A_470, %mul3A_488 : vector<16xf32>
        %mul3A_490 = arith.constant 0 : i32
        %mul3A_491 = vector.broadcast %mul3A_490 : i32 to vector<16xi32>
        %mul3A_492 = arith.muli %iota3A, %mul3A_491 : vector<16xi32>
        %mul3A_493 = arith.constant 4 : i32
        %mul3A_494 = arith.muli %scan3A_469, %mul3A_493 : i32
        %add3A_495 = arith.constant 1 : i32
        %add3A_496 = arith.addi %mul3A_494, %add3A_495 : i32
        %add3A_497 = vector.broadcast %add3A_496 : i32 to vector<16xi32>
        %add3A_498 = arith.addi %mul3A_492, %add3A_497 : vector<16xi32>
        %gather3A_499 = tpu.vector_load_idx %arg12[%add3A_254, %add3A_498] : memref<128x128xf32, #tpu.memory_space<vmem>>[vector<16xi32>, vector<16xi32>], vector<16xf32>,
        %gather3A_500 = tpu.vector_load_idx %arg13[%add3A_254, %add3A_498] : memref<128x128xf32, #tpu.memory_space<vmem>>[vector<16xi32>, vector<16xi32>], vector<16xf32>,
        %sub3A_501 = arith.subf %gather3A_499, %gather3A_500 : vector<16xf32>
        %jit3A_502 = arith.constant 0.000000e+00 : f32
        %broadcast_in_dim3A_503 = vector.broadcast %jit3A_502 : f32 to vector<16xf32>
        %select_n3A_504 = arith.select %lt3A_251, %sub3A_501, %broadcast_in_dim3A_503 : vector<16xi1>, vector<16xf32>
        %mul3A_505 = arith.constant -5.000000e-01 : f32
        %mul3A_506 = vector.broadcast %mul3A_505 : f32 to vector<16xf32>
        %mul3A_507 = arith.mulf %mul3A_506, %select_n3A_504 : vector<16xf32>
        tpu.vector_store_idx %arg14[%add3A_254, %add3A_498], %mul3A_507 : memref<128x128xf32, #tpu.memory_space<vmem>>[vector<16xi32>, vector<16xi32>], vector<16xf32>,
        %mul3A_508 = arith.mulf %select_n3A_504, %select_n3A_504 : vector<16xf32>
        %add3A_509 = arith.addf %add3A_489, %mul3A_508 : vector<16xf32>
        %mul3A_510 = arith.constant 0 : i32
        %mul3A_511 = vector.broadcast %mul3A_510 : i32 to vector<16xi32>
        %mul3A_512 = arith.muli %iota3A, %mul3A_511 : vector<16xi32>
        %mul3A_513 = arith.constant 4 : i32
        %mul3A_514 = arith.muli %scan3A_469, %mul3A_513 : i32
        %add3A_515 = arith.constant 2 : i32
        %add3A_516 = arith.addi %mul3A_514, %add3A_515 : i32
        %add3A_517 = vector.broadcast %add3A_516 : i32 to vector<16xi32>
        %add3A_518 = arith.addi %mul3A_512, %add3A_517 : vector<16xi32>
        %gather3A_519 = tpu.vector_load_idx %arg12[%add3A_254, %add3A_518] : memref<128x128xf32, #tpu.memory_space<vmem>>[vector<16xi32>, vector<16xi32>], vector<16xf32>,
        %gather3A_520 = tpu.vector_load_idx %arg13[%add3A_254, %add3A_518] : memref<128x128xf32, #tpu.memory_space<vmem>>[vector<16xi32>, vector<16xi32>], vector<16xf32>,
        %sub3A_521 = arith.subf %gather3A_519, %gather3A_520 : vector<16xf32>
        %jit3A_522 = arith.constant 0.000000e+00 : f32
        %broadcast_in_dim3A_523 = vector.broadcast %jit3A_522 : f32 to vector<16xf32>
        %select_n3A_524 = arith.select %lt3A_251, %sub3A_521, %broadcast_in_dim3A_523 : vector<16xi1>, vector<16xf32>
        %mul3A_525 = arith.constant -5.000000e-01 : f32
        %mul3A_526 = vector.broadcast %mul3A_525 : f32 to vector<16xf32>
        %mul3A_527 = arith.mulf %mul3A_526, %select_n3A_524 : vector<16xf32>
        tpu.vector_store_idx %arg14[%add3A_254, %add3A_518], %mul3A_527 : memref<128x128xf32, #tpu.memory_space<vmem>>[vector<16xi32>, vector<16xi32>], vector<16xf32>,
        %mul3A_528 = arith.mulf %select_n3A_524, %select_n3A_524 : vector<16xf32>
        %add3A_529 = arith.addf %add3A_509, %mul3A_528 : vector<16xf32>
        %mul3A_530 = arith.constant 0 : i32
        %mul3A_531 = vector.broadcast %mul3A_530 : i32 to vector<16xi32>
        %mul3A_532 = arith.muli %iota3A, %mul3A_531 : vector<16xi32>
        %mul3A_533 = arith.constant 4 : i32
        %mul3A_534 = arith.muli %scan3A_469, %mul3A_533 : i32
        %add3A_535 = arith.constant 3 : i32
        %add3A_536 = arith.addi %mul3A_534, %add3A_535 : i32
        %add3A_537 = vector.broadcast %add3A_536 : i32 to vector<16xi32>
        %add3A_538 = arith.addi %mul3A_532, %add3A_537 : vector<16xi32>
        %gather3A_539 = tpu.vector_load_idx %arg12[%add3A_254, %add3A_538] : memref<128x128xf32, #tpu.memory_space<vmem>>[vector<16xi32>, vector<16xi32>], vector<16xf32>,
        %gather3A_540 = tpu.vector_load_idx %arg13[%add3A_254, %add3A_538] : memref<128x128xf32, #tpu.memory_space<vmem>>[vector<16xi32>, vector<16xi32>], vector<16xf32>,
        %sub3A_541 = arith.subf %gather3A_539, %gather3A_540 : vector<16xf32>
        %jit3A_542 = arith.constant 0.000000e+00 : f32
        %broadcast_in_dim3A_543 = vector.broadcast %jit3A_542 : f32 to vector<16xf32>
        %select_n3A_544 = arith.select %lt3A_251, %sub3A_541, %broadcast_in_dim3A_543 : vector<16xi1>, vector<16xf32>
        %mul3A_545 = arith.constant -5.000000e-01 : f32
        %mul3A_546 = vector.broadcast %mul3A_545 : f32 to vector<16xf32>
        %mul3A_547 = arith.mulf %mul3A_546, %select_n3A_544 : vector<16xf32>
        tpu.vector_store_idx %arg14[%add3A_254, %add3A_538], %mul3A_547 : memref<128x128xf32, #tpu.memory_space<vmem>>[vector<16xi32>, vector<16xi32>], vector<16xf32>,
        %mul3A_548 = arith.mulf %select_n3A_544, %select_n3A_544 : vector<16xf32>
        %add3A_549 = arith.addf %add3A_529, %mul3A_548 : vector<16xf32>
        scf.yield %add3A_549 : vector<16xf32>
      }
      %scan3A_260 = arith.constant 32 : i32
      %add3A_261 = arith.constant 16 : i32
      %add3A_262 = arith.addi %mul3A_208, %add3A_261 : i32
      %get3A_263 = arith.index_cast %add3A_262 : i32 to index
      %get3A_264 = tpu.vector_load %arg11[%get3A_263] {strides = array<i32>} : memref<16640xi32, #tpu.memory_space<vmem>>, vector<16xi32>,
      %dma_start3A_265 = arith.constant 16 : i32
      %dma_start3A_266 = arith.constant 0 : i32
      %dma_start3A_267 = tpu.memref_slice %arg14[%dma_start3A_265, %dma_start3A_266] : memref<128x128xf32, #tpu.memory_space<vmem>> -> memref<16x128xf32, #tpu.memory_space<vmem>>
      %dma_start3A_268 = arith.constant 0 : i32
      %dma_start3A_269 = arith.constant 0 : i32
      %dma_start3A_270 = tpu.memref_slice %arg6[%dma_start3A_268, %dma_start3A_269] : memref<16400x128xf32, #tpu.memory_space<hbm>> -> memref<16400x128xf32, #tpu.memory_space<hbm>>
      tpu.enqueue_indirect_dma source(%dma_start3A_267 : memref<16x128xf32, #tpu.memory_space<vmem>>) target(%dma_start3A_270 : memref<16400x128xf32, #tpu.memory_space<hbm>>) offsets(%get3A_264 : vector<16xi32>) semaphore(%arg19 : memref<!tpu.dma_semaphore, #tpu.memory_space<semaphore_mem>>)
      %add3A_271 = arith.constant 32 : i32
      %add3A_272 = arith.addi %mul3A_208, %add3A_271 : i32
      %add3A_273 = vector.broadcast %add3A_272 : i32 to vector<16xi32>
      %add3A_274 = arith.addi %add3A_273, %iota3A : vector<16xi32>
      %lt3A_275 = vector.broadcast %scan3A_5 : i32 to vector<16xi32>
      %lt3A_276 = arith.cmpi slt, %add3A_274, %lt3A_275 : vector<16xi32>
      %add3A_277 = arith.constant 32 : i32
      %add3A_278 = vector.broadcast %add3A_277 : i32 to vector<16xi32>
      %add3A_279 = arith.addi %add3A_278, %iota3A : vector<16xi32>
      %scan3A_280 = arith.constant 0 : i32
      %scan3A_281 = arith.constant 32 : i32
      %scan3A_282 = arith.addi %scan3A_280, %scan3A_281 : i32
      %scan3A_283 = arith.constant 1 : i32
      %scan3A_284 = scf.for %scan3A_469 = %scan3A_280 to %scan3A_282 step %scan3A_283 iter_args(%scan3A_470 = %scan3A_259) -> (vector<16xf32>)  : i32 {
        %mul3A_471 = arith.constant 0 : i32
        %mul3A_472 = vector.broadcast %mul3A_471 : i32 to vector<16xi32>
        %mul3A_473 = arith.muli %iota3A, %mul3A_472 : vector<16xi32>
        %mul3A_474 = arith.constant 4 : i32
        %mul3A_475 = arith.muli %scan3A_469, %mul3A_474 : i32
        %add3A_476 = arith.constant 0 : i32
        %add3A_477 = arith.addi %mul3A_475, %add3A_476 : i32
        %add3A_478 = vector.broadcast %add3A_477 : i32 to vector<16xi32>
        %add3A_479 = arith.addi %mul3A_473, %add3A_478 : vector<16xi32>
        %gather3A = tpu.vector_load_idx %arg12[%add3A_279, %add3A_479] : memref<128x128xf32, #tpu.memory_space<vmem>>[vector<16xi32>, vector<16xi32>], vector<16xf32>,
        %gather3A_480 = tpu.vector_load_idx %arg13[%add3A_279, %add3A_479] : memref<128x128xf32, #tpu.memory_space<vmem>>[vector<16xi32>, vector<16xi32>], vector<16xf32>,
        %sub3A_481 = arith.subf %gather3A, %gather3A_480 : vector<16xf32>
        %jit3A_482 = arith.constant 0.000000e+00 : f32
        %broadcast_in_dim3A_483 = vector.broadcast %jit3A_482 : f32 to vector<16xf32>
        %select_n3A_484 = arith.select %lt3A_276, %sub3A_481, %broadcast_in_dim3A_483 : vector<16xi1>, vector<16xf32>
        %mul3A_485 = arith.constant -5.000000e-01 : f32
        %mul3A_486 = vector.broadcast %mul3A_485 : f32 to vector<16xf32>
        %mul3A_487 = arith.mulf %mul3A_486, %select_n3A_484 : vector<16xf32>
        tpu.vector_store_idx %arg14[%add3A_279, %add3A_479], %mul3A_487 : memref<128x128xf32, #tpu.memory_space<vmem>>[vector<16xi32>, vector<16xi32>], vector<16xf32>,
        %mul3A_488 = arith.mulf %select_n3A_484, %select_n3A_484 : vector<16xf32>
        %add3A_489 = arith.addf %scan3A_470, %mul3A_488 : vector<16xf32>
        %mul3A_490 = arith.constant 0 : i32
        %mul3A_491 = vector.broadcast %mul3A_490 : i32 to vector<16xi32>
        %mul3A_492 = arith.muli %iota3A, %mul3A_491 : vector<16xi32>
        %mul3A_493 = arith.constant 4 : i32
        %mul3A_494 = arith.muli %scan3A_469, %mul3A_493 : i32
        %add3A_495 = arith.constant 1 : i32
        %add3A_496 = arith.addi %mul3A_494, %add3A_495 : i32
        %add3A_497 = vector.broadcast %add3A_496 : i32 to vector<16xi32>
        %add3A_498 = arith.addi %mul3A_492, %add3A_497 : vector<16xi32>
        %gather3A_499 = tpu.vector_load_idx %arg12[%add3A_279, %add3A_498] : memref<128x128xf32, #tpu.memory_space<vmem>>[vector<16xi32>, vector<16xi32>], vector<16xf32>,
        %gather3A_500 = tpu.vector_load_idx %arg13[%add3A_279, %add3A_498] : memref<128x128xf32, #tpu.memory_space<vmem>>[vector<16xi32>, vector<16xi32>], vector<16xf32>,
        %sub3A_501 = arith.subf %gather3A_499, %gather3A_500 : vector<16xf32>
        %jit3A_502 = arith.constant 0.000000e+00 : f32
        %broadcast_in_dim3A_503 = vector.broadcast %jit3A_502 : f32 to vector<16xf32>
        %select_n3A_504 = arith.select %lt3A_276, %sub3A_501, %broadcast_in_dim3A_503 : vector<16xi1>, vector<16xf32>
        %mul3A_505 = arith.constant -5.000000e-01 : f32
        %mul3A_506 = vector.broadcast %mul3A_505 : f32 to vector<16xf32>
        %mul3A_507 = arith.mulf %mul3A_506, %select_n3A_504 : vector<16xf32>
        tpu.vector_store_idx %arg14[%add3A_279, %add3A_498], %mul3A_507 : memref<128x128xf32, #tpu.memory_space<vmem>>[vector<16xi32>, vector<16xi32>], vector<16xf32>,
        %mul3A_508 = arith.mulf %select_n3A_504, %select_n3A_504 : vector<16xf32>
        %add3A_509 = arith.addf %add3A_489, %mul3A_508 : vector<16xf32>
        %mul3A_510 = arith.constant 0 : i32
        %mul3A_511 = vector.broadcast %mul3A_510 : i32 to vector<16xi32>
        %mul3A_512 = arith.muli %iota3A, %mul3A_511 : vector<16xi32>
        %mul3A_513 = arith.constant 4 : i32
        %mul3A_514 = arith.muli %scan3A_469, %mul3A_513 : i32
        %add3A_515 = arith.constant 2 : i32
        %add3A_516 = arith.addi %mul3A_514, %add3A_515 : i32
        %add3A_517 = vector.broadcast %add3A_516 : i32 to vector<16xi32>
        %add3A_518 = arith.addi %mul3A_512, %add3A_517 : vector<16xi32>
        %gather3A_519 = tpu.vector_load_idx %arg12[%add3A_279, %add3A_518] : memref<128x128xf32, #tpu.memory_space<vmem>>[vector<16xi32>, vector<16xi32>], vector<16xf32>,
        %gather3A_520 = tpu.vector_load_idx %arg13[%add3A_279, %add3A_518] : memref<128x128xf32, #tpu.memory_space<vmem>>[vector<16xi32>, vector<16xi32>], vector<16xf32>,
        %sub3A_521 = arith.subf %gather3A_519, %gather3A_520 : vector<16xf32>
        %jit3A_522 = arith.constant 0.000000e+00 : f32
        %broadcast_in_dim3A_523 = vector.broadcast %jit3A_522 : f32 to vector<16xf32>
        %select_n3A_524 = arith.select %lt3A_276, %sub3A_521, %broadcast_in_dim3A_523 : vector<16xi1>, vector<16xf32>
        %mul3A_525 = arith.constant -5.000000e-01 : f32
        %mul3A_526 = vector.broadcast %mul3A_525 : f32 to vector<16xf32>
        %mul3A_527 = arith.mulf %mul3A_526, %select_n3A_524 : vector<16xf32>
        tpu.vector_store_idx %arg14[%add3A_279, %add3A_518], %mul3A_527 : memref<128x128xf32, #tpu.memory_space<vmem>>[vector<16xi32>, vector<16xi32>], vector<16xf32>,
        %mul3A_528 = arith.mulf %select_n3A_524, %select_n3A_524 : vector<16xf32>
        %add3A_529 = arith.addf %add3A_509, %mul3A_528 : vector<16xf32>
        %mul3A_530 = arith.constant 0 : i32
        %mul3A_531 = vector.broadcast %mul3A_530 : i32 to vector<16xi32>
        %mul3A_532 = arith.muli %iota3A, %mul3A_531 : vector<16xi32>
        %mul3A_533 = arith.constant 4 : i32
        %mul3A_534 = arith.muli %scan3A_469, %mul3A_533 : i32
        %add3A_535 = arith.constant 3 : i32
        %add3A_536 = arith.addi %mul3A_534, %add3A_535 : i32
        %add3A_537 = vector.broadcast %add3A_536 : i32 to vector<16xi32>
        %add3A_538 = arith.addi %mul3A_532, %add3A_537 : vector<16xi32>
        %gather3A_539 = tpu.vector_load_idx %arg12[%add3A_279, %add3A_538] : memref<128x128xf32, #tpu.memory_space<vmem>>[vector<16xi32>, vector<16xi32>], vector<16xf32>,
        %gather3A_540 = tpu.vector_load_idx %arg13[%add3A_279, %add3A_538] : memref<128x128xf32, #tpu.memory_space<vmem>>[vector<16xi32>, vector<16xi32>], vector<16xf32>,
        %sub3A_541 = arith.subf %gather3A_539, %gather3A_540 : vector<16xf32>
        %jit3A_542 = arith.constant 0.000000e+00 : f32
        %broadcast_in_dim3A_543 = vector.broadcast %jit3A_542 : f32 to vector<16xf32>
        %select_n3A_544 = arith.select %lt3A_276, %sub3A_541, %broadcast_in_dim3A_543 : vector<16xi1>, vector<16xf32>
        %mul3A_545 = arith.constant -5.000000e-01 : f32
        %mul3A_546 = vector.broadcast %mul3A_545 : f32 to vector<16xf32>
        %mul3A_547 = arith.mulf %mul3A_546, %select_n3A_544 : vector<16xf32>
        tpu.vector_store_idx %arg14[%add3A_279, %add3A_538], %mul3A_547 : memref<128x128xf32, #tpu.memory_space<vmem>>[vector<16xi32>, vector<16xi32>], vector<16xf32>,
        %mul3A_548 = arith.mulf %select_n3A_544, %select_n3A_544 : vector<16xf32>
        %add3A_549 = arith.addf %add3A_529, %mul3A_548 : vector<16xf32>
        scf.yield %add3A_549 : vector<16xf32>
      }
      %scan3A_285 = arith.constant 32 : i32
      %add3A_286 = arith.constant 32 : i32
      %add3A_287 = arith.addi %mul3A_208, %add3A_286 : i32
      %get3A_288 = arith.index_cast %add3A_287 : i32 to index
      %get3A_289 = tpu.vector_load %arg11[%get3A_288] {strides = array<i32>} : memref<16640xi32, #tpu.memory_space<vmem>>, vector<16xi32>,
      %dma_start3A_290 = arith.constant 32 : i32
      %dma_start3A_291 = arith.constant 0 : i32
      %dma_start3A_292 = tpu.memref_slice %arg14[%dma_start3A_290, %dma_start3A_291] : memref<128x128xf32, #tpu.memory_space<vmem>> -> memref<16x128xf32, #tpu.memory_space<vmem>>
      %dma_start3A_293 = arith.constant 0 : i32
      %dma_start3A_294 = arith.constant 0 : i32
      %dma_start3A_295 = tpu.memref_slice %arg6[%dma_start3A_293, %dma_start3A_294] : memref<16400x128xf32, #tpu.memory_space<hbm>> -> memref<16400x128xf32, #tpu.memory_space<hbm>>
      tpu.enqueue_indirect_dma source(%dma_start3A_292 : memref<16x128xf32, #tpu.memory_space<vmem>>) target(%dma_start3A_295 : memref<16400x128xf32, #tpu.memory_space<hbm>>) offsets(%get3A_289 : vector<16xi32>) semaphore(%arg19 : memref<!tpu.dma_semaphore, #tpu.memory_space<semaphore_mem>>)
      %add3A_296 = arith.constant 48 : i32
      %add3A_297 = arith.addi %mul3A_208, %add3A_296 : i32
      %add3A_298 = vector.broadcast %add3A_297 : i32 to vector<16xi32>
      %add3A_299 = arith.addi %add3A_298, %iota3A : vector<16xi32>
      %lt3A_300 = vector.broadcast %scan3A_5 : i32 to vector<16xi32>
      %lt3A_301 = arith.cmpi slt, %add3A_299, %lt3A_300 : vector<16xi32>
      %add3A_302 = arith.constant 48 : i32
      %add3A_303 = vector.broadcast %add3A_302 : i32 to vector<16xi32>
      %add3A_304 = arith.addi %add3A_303, %iota3A : vector<16xi32>
      %scan3A_305 = arith.constant 0 : i32
      %scan3A_306 = arith.constant 32 : i32
      %scan3A_307 = arith.addi %scan3A_305, %scan3A_306 : i32
      %scan3A_308 = arith.constant 1 : i32
      %scan3A_309 = scf.for %scan3A_469 = %scan3A_305 to %scan3A_307 step %scan3A_308 iter_args(%scan3A_470 = %scan3A_284) -> (vector<16xf32>)  : i32 {
        %mul3A_471 = arith.constant 0 : i32
        %mul3A_472 = vector.broadcast %mul3A_471 : i32 to vector<16xi32>
        %mul3A_473 = arith.muli %iota3A, %mul3A_472 : vector<16xi32>
        %mul3A_474 = arith.constant 4 : i32
        %mul3A_475 = arith.muli %scan3A_469, %mul3A_474 : i32
        %add3A_476 = arith.constant 0 : i32
        %add3A_477 = arith.addi %mul3A_475, %add3A_476 : i32
        %add3A_478 = vector.broadcast %add3A_477 : i32 to vector<16xi32>
        %add3A_479 = arith.addi %mul3A_473, %add3A_478 : vector<16xi32>
        %gather3A = tpu.vector_load_idx %arg12[%add3A_304, %add3A_479] : memref<128x128xf32, #tpu.memory_space<vmem>>[vector<16xi32>, vector<16xi32>], vector<16xf32>,
        %gather3A_480 = tpu.vector_load_idx %arg13[%add3A_304, %add3A_479] : memref<128x128xf32, #tpu.memory_space<vmem>>[vector<16xi32>, vector<16xi32>], vector<16xf32>,
        %sub3A_481 = arith.subf %gather3A, %gather3A_480 : vector<16xf32>
        %jit3A_482 = arith.constant 0.000000e+00 : f32
        %broadcast_in_dim3A_483 = vector.broadcast %jit3A_482 : f32 to vector<16xf32>
        %select_n3A_484 = arith.select %lt3A_301, %sub3A_481, %broadcast_in_dim3A_483 : vector<16xi1>, vector<16xf32>
        %mul3A_485 = arith.constant -5.000000e-01 : f32
        %mul3A_486 = vector.broadcast %mul3A_485 : f32 to vector<16xf32>
        %mul3A_487 = arith.mulf %mul3A_486, %select_n3A_484 : vector<16xf32>
        tpu.vector_store_idx %arg14[%add3A_304, %add3A_479], %mul3A_487 : memref<128x128xf32, #tpu.memory_space<vmem>>[vector<16xi32>, vector<16xi32>], vector<16xf32>,
        %mul3A_488 = arith.mulf %select_n3A_484, %select_n3A_484 : vector<16xf32>
        %add3A_489 = arith.addf %scan3A_470, %mul3A_488 : vector<16xf32>
        %mul3A_490 = arith.constant 0 : i32
        %mul3A_491 = vector.broadcast %mul3A_490 : i32 to vector<16xi32>
        %mul3A_492 = arith.muli %iota3A, %mul3A_491 : vector<16xi32>
        %mul3A_493 = arith.constant 4 : i32
        %mul3A_494 = arith.muli %scan3A_469, %mul3A_493 : i32
        %add3A_495 = arith.constant 1 : i32
        %add3A_496 = arith.addi %mul3A_494, %add3A_495 : i32
        %add3A_497 = vector.broadcast %add3A_496 : i32 to vector<16xi32>
        %add3A_498 = arith.addi %mul3A_492, %add3A_497 : vector<16xi32>
        %gather3A_499 = tpu.vector_load_idx %arg12[%add3A_304, %add3A_498] : memref<128x128xf32, #tpu.memory_space<vmem>>[vector<16xi32>, vector<16xi32>], vector<16xf32>,
        %gather3A_500 = tpu.vector_load_idx %arg13[%add3A_304, %add3A_498] : memref<128x128xf32, #tpu.memory_space<vmem>>[vector<16xi32>, vector<16xi32>], vector<16xf32>,
        %sub3A_501 = arith.subf %gather3A_499, %gather3A_500 : vector<16xf32>
        %jit3A_502 = arith.constant 0.000000e+00 : f32
        %broadcast_in_dim3A_503 = vector.broadcast %jit3A_502 : f32 to vector<16xf32>
        %select_n3A_504 = arith.select %lt3A_301, %sub3A_501, %broadcast_in_dim3A_503 : vector<16xi1>, vector<16xf32>
        %mul3A_505 = arith.constant -5.000000e-01 : f32
        %mul3A_506 = vector.broadcast %mul3A_505 : f32 to vector<16xf32>
        %mul3A_507 = arith.mulf %mul3A_506, %select_n3A_504 : vector<16xf32>
        tpu.vector_store_idx %arg14[%add3A_304, %add3A_498], %mul3A_507 : memref<128x128xf32, #tpu.memory_space<vmem>>[vector<16xi32>, vector<16xi32>], vector<16xf32>,
        %mul3A_508 = arith.mulf %select_n3A_504, %select_n3A_504 : vector<16xf32>
        %add3A_509 = arith.addf %add3A_489, %mul3A_508 : vector<16xf32>
        %mul3A_510 = arith.constant 0 : i32
        %mul3A_511 = vector.broadcast %mul3A_510 : i32 to vector<16xi32>
        %mul3A_512 = arith.muli %iota3A, %mul3A_511 : vector<16xi32>
        %mul3A_513 = arith.constant 4 : i32
        %mul3A_514 = arith.muli %scan3A_469, %mul3A_513 : i32
        %add3A_515 = arith.constant 2 : i32
        %add3A_516 = arith.addi %mul3A_514, %add3A_515 : i32
        %add3A_517 = vector.broadcast %add3A_516 : i32 to vector<16xi32>
        %add3A_518 = arith.addi %mul3A_512, %add3A_517 : vector<16xi32>
        %gather3A_519 = tpu.vector_load_idx %arg12[%add3A_304, %add3A_518] : memref<128x128xf32, #tpu.memory_space<vmem>>[vector<16xi32>, vector<16xi32>], vector<16xf32>,
        %gather3A_520 = tpu.vector_load_idx %arg13[%add3A_304, %add3A_518] : memref<128x128xf32, #tpu.memory_space<vmem>>[vector<16xi32>, vector<16xi32>], vector<16xf32>,
        %sub3A_521 = arith.subf %gather3A_519, %gather3A_520 : vector<16xf32>
        %jit3A_522 = arith.constant 0.000000e+00 : f32
        %broadcast_in_dim3A_523 = vector.broadcast %jit3A_522 : f32 to vector<16xf32>
        %select_n3A_524 = arith.select %lt3A_301, %sub3A_521, %broadcast_in_dim3A_523 : vector<16xi1>, vector<16xf32>
        %mul3A_525 = arith.constant -5.000000e-01 : f32
        %mul3A_526 = vector.broadcast %mul3A_525 : f32 to vector<16xf32>
        %mul3A_527 = arith.mulf %mul3A_526, %select_n3A_524 : vector<16xf32>
        tpu.vector_store_idx %arg14[%add3A_304, %add3A_518], %mul3A_527 : memref<128x128xf32, #tpu.memory_space<vmem>>[vector<16xi32>, vector<16xi32>], vector<16xf32>,
        %mul3A_528 = arith.mulf %select_n3A_524, %select_n3A_524 : vector<16xf32>
        %add3A_529 = arith.addf %add3A_509, %mul3A_528 : vector<16xf32>
        %mul3A_530 = arith.constant 0 : i32
        %mul3A_531 = vector.broadcast %mul3A_530 : i32 to vector<16xi32>
        %mul3A_532 = arith.muli %iota3A, %mul3A_531 : vector<16xi32>
        %mul3A_533 = arith.constant 4 : i32
        %mul3A_534 = arith.muli %scan3A_469, %mul3A_533 : i32
        %add3A_535 = arith.constant 3 : i32
        %add3A_536 = arith.addi %mul3A_534, %add3A_535 : i32
        %add3A_537 = vector.broadcast %add3A_536 : i32 to vector<16xi32>
        %add3A_538 = arith.addi %mul3A_532, %add3A_537 : vector<16xi32>
        %gather3A_539 = tpu.vector_load_idx %arg12[%add3A_304, %add3A_538] : memref<128x128xf32, #tpu.memory_space<vmem>>[vector<16xi32>, vector<16xi32>], vector<16xf32>,
        %gather3A_540 = tpu.vector_load_idx %arg13[%add3A_304, %add3A_538] : memref<128x128xf32, #tpu.memory_space<vmem>>[vector<16xi32>, vector<16xi32>], vector<16xf32>,
        %sub3A_541 = arith.subf %gather3A_539, %gather3A_540 : vector<16xf32>
        %jit3A_542 = arith.constant 0.000000e+00 : f32
        %broadcast_in_dim3A_543 = vector.broadcast %jit3A_542 : f32 to vector<16xf32>
        %select_n3A_544 = arith.select %lt3A_301, %sub3A_541, %broadcast_in_dim3A_543 : vector<16xi1>, vector<16xf32>
        %mul3A_545 = arith.constant -5.000000e-01 : f32
        %mul3A_546 = vector.broadcast %mul3A_545 : f32 to vector<16xf32>
        %mul3A_547 = arith.mulf %mul3A_546, %select_n3A_544 : vector<16xf32>
        tpu.vector_store_idx %arg14[%add3A_304, %add3A_538], %mul3A_547 : memref<128x128xf32, #tpu.memory_space<vmem>>[vector<16xi32>, vector<16xi32>], vector<16xf32>,
        %mul3A_548 = arith.mulf %select_n3A_544, %select_n3A_544 : vector<16xf32>
        %add3A_549 = arith.addf %add3A_529, %mul3A_548 : vector<16xf32>
        scf.yield %add3A_549 : vector<16xf32>
      }
      %scan3A_310 = arith.constant 32 : i32
      %add3A_311 = arith.constant 48 : i32
      %add3A_312 = arith.addi %mul3A_208, %add3A_311 : i32
      %get3A_313 = arith.index_cast %add3A_312 : i32 to index
      %get3A_314 = tpu.vector_load %arg11[%get3A_313] {strides = array<i32>} : memref<16640xi32, #tpu.memory_space<vmem>>, vector<16xi32>,
      %dma_start3A_315 = arith.constant 48 : i32
      %dma_start3A_316 = arith.constant 0 : i32
      %dma_start3A_317 = tpu.memref_slice %arg14[%dma_start3A_315, %dma_start3A_316] : memref<128x128xf32, #tpu.memory_space<vmem>> -> memref<16x128xf32, #tpu.memory_space<vmem>>
      %dma_start3A_318 = arith.constant 0 : i32
      %dma_start3A_319 = arith.constant 0 : i32
      %dma_start3A_320 = tpu.memref_slice %arg6[%dma_start3A_318, %dma_start3A_319] : memref<16400x128xf32, #tpu.memory_space<hbm>> -> memref<16400x128xf32, #tpu.memory_space<hbm>>
      tpu.enqueue_indirect_dma source(%dma_start3A_317 : memref<16x128xf32, #tpu.memory_space<vmem>>) target(%dma_start3A_320 : memref<16400x128xf32, #tpu.memory_space<hbm>>) offsets(%get3A_314 : vector<16xi32>) semaphore(%arg19 : memref<!tpu.dma_semaphore, #tpu.memory_space<semaphore_mem>>)
      %add3A_321 = arith.constant 64 : i32
      %add3A_322 = arith.addi %mul3A_208, %add3A_321 : i32
      %add3A_323 = vector.broadcast %add3A_322 : i32 to vector<16xi32>
      %add3A_324 = arith.addi %add3A_323, %iota3A : vector<16xi32>
      %lt3A_325 = vector.broadcast %scan3A_5 : i32 to vector<16xi32>
      %lt3A_326 = arith.cmpi slt, %add3A_324, %lt3A_325 : vector<16xi32>
      %add3A_327 = arith.constant 64 : i32
      %add3A_328 = vector.broadcast %add3A_327 : i32 to vector<16xi32>
      %add3A_329 = arith.addi %add3A_328, %iota3A : vector<16xi32>
      %scan3A_330 = arith.constant 0 : i32
      %scan3A_331 = arith.constant 32 : i32
      %scan3A_332 = arith.addi %scan3A_330, %scan3A_331 : i32
      %scan3A_333 = arith.constant 1 : i32
      %scan3A_334 = scf.for %scan3A_469 = %scan3A_330 to %scan3A_332 step %scan3A_333 iter_args(%scan3A_470 = %scan3A_309) -> (vector<16xf32>)  : i32 {
        %mul3A_471 = arith.constant 0 : i32
        %mul3A_472 = vector.broadcast %mul3A_471 : i32 to vector<16xi32>
        %mul3A_473 = arith.muli %iota3A, %mul3A_472 : vector<16xi32>
        %mul3A_474 = arith.constant 4 : i32
        %mul3A_475 = arith.muli %scan3A_469, %mul3A_474 : i32
        %add3A_476 = arith.constant 0 : i32
        %add3A_477 = arith.addi %mul3A_475, %add3A_476 : i32
        %add3A_478 = vector.broadcast %add3A_477 : i32 to vector<16xi32>
        %add3A_479 = arith.addi %mul3A_473, %add3A_478 : vector<16xi32>
        %gather3A = tpu.vector_load_idx %arg12[%add3A_329, %add3A_479] : memref<128x128xf32, #tpu.memory_space<vmem>>[vector<16xi32>, vector<16xi32>], vector<16xf32>,
        %gather3A_480 = tpu.vector_load_idx %arg13[%add3A_329, %add3A_479] : memref<128x128xf32, #tpu.memory_space<vmem>>[vector<16xi32>, vector<16xi32>], vector<16xf32>,
        %sub3A_481 = arith.subf %gather3A, %gather3A_480 : vector<16xf32>
        %jit3A_482 = arith.constant 0.000000e+00 : f32
        %broadcast_in_dim3A_483 = vector.broadcast %jit3A_482 : f32 to vector<16xf32>
        %select_n3A_484 = arith.select %lt3A_326, %sub3A_481, %broadcast_in_dim3A_483 : vector<16xi1>, vector<16xf32>
        %mul3A_485 = arith.constant -5.000000e-01 : f32
        %mul3A_486 = vector.broadcast %mul3A_485 : f32 to vector<16xf32>
        %mul3A_487 = arith.mulf %mul3A_486, %select_n3A_484 : vector<16xf32>
        tpu.vector_store_idx %arg14[%add3A_329, %add3A_479], %mul3A_487 : memref<128x128xf32, #tpu.memory_space<vmem>>[vector<16xi32>, vector<16xi32>], vector<16xf32>,
        %mul3A_488 = arith.mulf %select_n3A_484, %select_n3A_484 : vector<16xf32>
        %add3A_489 = arith.addf %scan3A_470, %mul3A_488 : vector<16xf32>
        %mul3A_490 = arith.constant 0 : i32
        %mul3A_491 = vector.broadcast %mul3A_490 : i32 to vector<16xi32>
        %mul3A_492 = arith.muli %iota3A, %mul3A_491 : vector<16xi32>
        %mul3A_493 = arith.constant 4 : i32
        %mul3A_494 = arith.muli %scan3A_469, %mul3A_493 : i32
        %add3A_495 = arith.constant 1 : i32
        %add3A_496 = arith.addi %mul3A_494, %add3A_495 : i32
        %add3A_497 = vector.broadcast %add3A_496 : i32 to vector<16xi32>
        %add3A_498 = arith.addi %mul3A_492, %add3A_497 : vector<16xi32>
        %gather3A_499 = tpu.vector_load_idx %arg12[%add3A_329, %add3A_498] : memref<128x128xf32, #tpu.memory_space<vmem>>[vector<16xi32>, vector<16xi32>], vector<16xf32>,
        %gather3A_500 = tpu.vector_load_idx %arg13[%add3A_329, %add3A_498] : memref<128x128xf32, #tpu.memory_space<vmem>>[vector<16xi32>, vector<16xi32>], vector<16xf32>,
        %sub3A_501 = arith.subf %gather3A_499, %gather3A_500 : vector<16xf32>
        %jit3A_502 = arith.constant 0.000000e+00 : f32
        %broadcast_in_dim3A_503 = vector.broadcast %jit3A_502 : f32 to vector<16xf32>
        %select_n3A_504 = arith.select %lt3A_326, %sub3A_501, %broadcast_in_dim3A_503 : vector<16xi1>, vector<16xf32>
        %mul3A_505 = arith.constant -5.000000e-01 : f32
        %mul3A_506 = vector.broadcast %mul3A_505 : f32 to vector<16xf32>
        %mul3A_507 = arith.mulf %mul3A_506, %select_n3A_504 : vector<16xf32>
        tpu.vector_store_idx %arg14[%add3A_329, %add3A_498], %mul3A_507 : memref<128x128xf32, #tpu.memory_space<vmem>>[vector<16xi32>, vector<16xi32>], vector<16xf32>,
        %mul3A_508 = arith.mulf %select_n3A_504, %select_n3A_504 : vector<16xf32>
        %add3A_509 = arith.addf %add3A_489, %mul3A_508 : vector<16xf32>
        %mul3A_510 = arith.constant 0 : i32
        %mul3A_511 = vector.broadcast %mul3A_510 : i32 to vector<16xi32>
        %mul3A_512 = arith.muli %iota3A, %mul3A_511 : vector<16xi32>
        %mul3A_513 = arith.constant 4 : i32
        %mul3A_514 = arith.muli %scan3A_469, %mul3A_513 : i32
        %add3A_515 = arith.constant 2 : i32
        %add3A_516 = arith.addi %mul3A_514, %add3A_515 : i32
        %add3A_517 = vector.broadcast %add3A_516 : i32 to vector<16xi32>
        %add3A_518 = arith.addi %mul3A_512, %add3A_517 : vector<16xi32>
        %gather3A_519 = tpu.vector_load_idx %arg12[%add3A_329, %add3A_518] : memref<128x128xf32, #tpu.memory_space<vmem>>[vector<16xi32>, vector<16xi32>], vector<16xf32>,
        %gather3A_520 = tpu.vector_load_idx %arg13[%add3A_329, %add3A_518] : memref<128x128xf32, #tpu.memory_space<vmem>>[vector<16xi32>, vector<16xi32>], vector<16xf32>,
        %sub3A_521 = arith.subf %gather3A_519, %gather3A_520 : vector<16xf32>
        %jit3A_522 = arith.constant 0.000000e+00 : f32
        %broadcast_in_dim3A_523 = vector.broadcast %jit3A_522 : f32 to vector<16xf32>
        %select_n3A_524 = arith.select %lt3A_326, %sub3A_521, %broadcast_in_dim3A_523 : vector<16xi1>, vector<16xf32>
        %mul3A_525 = arith.constant -5.000000e-01 : f32
        %mul3A_526 = vector.broadcast %mul3A_525 : f32 to vector<16xf32>
        %mul3A_527 = arith.mulf %mul3A_526, %select_n3A_524 : vector<16xf32>
        tpu.vector_store_idx %arg14[%add3A_329, %add3A_518], %mul3A_527 : memref<128x128xf32, #tpu.memory_space<vmem>>[vector<16xi32>, vector<16xi32>], vector<16xf32>,
        %mul3A_528 = arith.mulf %select_n3A_524, %select_n3A_524 : vector<16xf32>
        %add3A_529 = arith.addf %add3A_509, %mul3A_528 : vector<16xf32>
        %mul3A_530 = arith.constant 0 : i32
        %mul3A_531 = vector.broadcast %mul3A_530 : i32 to vector<16xi32>
        %mul3A_532 = arith.muli %iota3A, %mul3A_531 : vector<16xi32>
        %mul3A_533 = arith.constant 4 : i32
        %mul3A_534 = arith.muli %scan3A_469, %mul3A_533 : i32
        %add3A_535 = arith.constant 3 : i32
        %add3A_536 = arith.addi %mul3A_534, %add3A_535 : i32
        %add3A_537 = vector.broadcast %add3A_536 : i32 to vector<16xi32>
        %add3A_538 = arith.addi %mul3A_532, %add3A_537 : vector<16xi32>
        %gather3A_539 = tpu.vector_load_idx %arg12[%add3A_329, %add3A_538] : memref<128x128xf32, #tpu.memory_space<vmem>>[vector<16xi32>, vector<16xi32>], vector<16xf32>,
        %gather3A_540 = tpu.vector_load_idx %arg13[%add3A_329, %add3A_538] : memref<128x128xf32, #tpu.memory_space<vmem>>[vector<16xi32>, vector<16xi32>], vector<16xf32>,
        %sub3A_541 = arith.subf %gather3A_539, %gather3A_540 : vector<16xf32>
        %jit3A_542 = arith.constant 0.000000e+00 : f32
        %broadcast_in_dim3A_543 = vector.broadcast %jit3A_542 : f32 to vector<16xf32>
        %select_n3A_544 = arith.select %lt3A_326, %sub3A_541, %broadcast_in_dim3A_543 : vector<16xi1>, vector<16xf32>
        %mul3A_545 = arith.constant -5.000000e-01 : f32
        %mul3A_546 = vector.broadcast %mul3A_545 : f32 to vector<16xf32>
        %mul3A_547 = arith.mulf %mul3A_546, %select_n3A_544 : vector<16xf32>
        tpu.vector_store_idx %arg14[%add3A_329, %add3A_538], %mul3A_547 : memref<128x128xf32, #tpu.memory_space<vmem>>[vector<16xi32>, vector<16xi32>], vector<16xf32>,
        %mul3A_548 = arith.mulf %select_n3A_544, %select_n3A_544 : vector<16xf32>
        %add3A_549 = arith.addf %add3A_529, %mul3A_548 : vector<16xf32>
        scf.yield %add3A_549 : vector<16xf32>
      }
      %scan3A_335 = arith.constant 32 : i32
      %add3A_336 = arith.constant 64 : i32
      %add3A_337 = arith.addi %mul3A_208, %add3A_336 : i32
      %get3A_338 = arith.index_cast %add3A_337 : i32 to index
      %get3A_339 = tpu.vector_load %arg11[%get3A_338] {strides = array<i32>} : memref<16640xi32, #tpu.memory_space<vmem>>, vector<16xi32>,
      %dma_start3A_340 = arith.constant 64 : i32
      %dma_start3A_341 = arith.constant 0 : i32
      %dma_start3A_342 = tpu.memref_slice %arg14[%dma_start3A_340, %dma_start3A_341] : memref<128x128xf32, #tpu.memory_space<vmem>> -> memref<16x128xf32, #tpu.memory_space<vmem>>
      %dma_start3A_343 = arith.constant 0 : i32
      %dma_start3A_344 = arith.constant 0 : i32
      %dma_start3A_345 = tpu.memref_slice %arg6[%dma_start3A_343, %dma_start3A_344] : memref<16400x128xf32, #tpu.memory_space<hbm>> -> memref<16400x128xf32, #tpu.memory_space<hbm>>
      tpu.enqueue_indirect_dma source(%dma_start3A_342 : memref<16x128xf32, #tpu.memory_space<vmem>>) target(%dma_start3A_345 : memref<16400x128xf32, #tpu.memory_space<hbm>>) offsets(%get3A_339 : vector<16xi32>) semaphore(%arg19 : memref<!tpu.dma_semaphore, #tpu.memory_space<semaphore_mem>>)
      %add3A_346 = arith.constant 80 : i32
      %add3A_347 = arith.addi %mul3A_208, %add3A_346 : i32
      %add3A_348 = vector.broadcast %add3A_347 : i32 to vector<16xi32>
      %add3A_349 = arith.addi %add3A_348, %iota3A : vector<16xi32>
      %lt3A_350 = vector.broadcast %scan3A_5 : i32 to vector<16xi32>
      %lt3A_351 = arith.cmpi slt, %add3A_349, %lt3A_350 : vector<16xi32>
      %add3A_352 = arith.constant 80 : i32
      %add3A_353 = vector.broadcast %add3A_352 : i32 to vector<16xi32>
      %add3A_354 = arith.addi %add3A_353, %iota3A : vector<16xi32>
      %scan3A_355 = arith.constant 0 : i32
      %scan3A_356 = arith.constant 32 : i32
      %scan3A_357 = arith.addi %scan3A_355, %scan3A_356 : i32
      %scan3A_358 = arith.constant 1 : i32
      %scan3A_359 = scf.for %scan3A_469 = %scan3A_355 to %scan3A_357 step %scan3A_358 iter_args(%scan3A_470 = %scan3A_334) -> (vector<16xf32>)  : i32 {
        %mul3A_471 = arith.constant 0 : i32
        %mul3A_472 = vector.broadcast %mul3A_471 : i32 to vector<16xi32>
        %mul3A_473 = arith.muli %iota3A, %mul3A_472 : vector<16xi32>
        %mul3A_474 = arith.constant 4 : i32
        %mul3A_475 = arith.muli %scan3A_469, %mul3A_474 : i32
        %add3A_476 = arith.constant 0 : i32
        %add3A_477 = arith.addi %mul3A_475, %add3A_476 : i32
        %add3A_478 = vector.broadcast %add3A_477 : i32 to vector<16xi32>
        %add3A_479 = arith.addi %mul3A_473, %add3A_478 : vector<16xi32>
        %gather3A = tpu.vector_load_idx %arg12[%add3A_354, %add3A_479] : memref<128x128xf32, #tpu.memory_space<vmem>>[vector<16xi32>, vector<16xi32>], vector<16xf32>,
        %gather3A_480 = tpu.vector_load_idx %arg13[%add3A_354, %add3A_479] : memref<128x128xf32, #tpu.memory_space<vmem>>[vector<16xi32>, vector<16xi32>], vector<16xf32>,
        %sub3A_481 = arith.subf %gather3A, %gather3A_480 : vector<16xf32>
        %jit3A_482 = arith.constant 0.000000e+00 : f32
        %broadcast_in_dim3A_483 = vector.broadcast %jit3A_482 : f32 to vector<16xf32>
        %select_n3A_484 = arith.select %lt3A_351, %sub3A_481, %broadcast_in_dim3A_483 : vector<16xi1>, vector<16xf32>
        %mul3A_485 = arith.constant -5.000000e-01 : f32
        %mul3A_486 = vector.broadcast %mul3A_485 : f32 to vector<16xf32>
        %mul3A_487 = arith.mulf %mul3A_486, %select_n3A_484 : vector<16xf32>
        tpu.vector_store_idx %arg14[%add3A_354, %add3A_479], %mul3A_487 : memref<128x128xf32, #tpu.memory_space<vmem>>[vector<16xi32>, vector<16xi32>], vector<16xf32>,
        %mul3A_488 = arith.mulf %select_n3A_484, %select_n3A_484 : vector<16xf32>
        %add3A_489 = arith.addf %scan3A_470, %mul3A_488 : vector<16xf32>
        %mul3A_490 = arith.constant 0 : i32
        %mul3A_491 = vector.broadcast %mul3A_490 : i32 to vector<16xi32>
        %mul3A_492 = arith.muli %iota3A, %mul3A_491 : vector<16xi32>
        %mul3A_493 = arith.constant 4 : i32
        %mul3A_494 = arith.muli %scan3A_469, %mul3A_493 : i32
        %add3A_495 = arith.constant 1 : i32
        %add3A_496 = arith.addi %mul3A_494, %add3A_495 : i32
        %add3A_497 = vector.broadcast %add3A_496 : i32 to vector<16xi32>
        %add3A_498 = arith.addi %mul3A_492, %add3A_497 : vector<16xi32>
        %gather3A_499 = tpu.vector_load_idx %arg12[%add3A_354, %add3A_498] : memref<128x128xf32, #tpu.memory_space<vmem>>[vector<16xi32>, vector<16xi32>], vector<16xf32>,
        %gather3A_500 = tpu.vector_load_idx %arg13[%add3A_354, %add3A_498] : memref<128x128xf32, #tpu.memory_space<vmem>>[vector<16xi32>, vector<16xi32>], vector<16xf32>,
        %sub3A_501 = arith.subf %gather3A_499, %gather3A_500 : vector<16xf32>
        %jit3A_502 = arith.constant 0.000000e+00 : f32
        %broadcast_in_dim3A_503 = vector.broadcast %jit3A_502 : f32 to vector<16xf32>
        %select_n3A_504 = arith.select %lt3A_351, %sub3A_501, %broadcast_in_dim3A_503 : vector<16xi1>, vector<16xf32>
        %mul3A_505 = arith.constant -5.000000e-01 : f32
        %mul3A_506 = vector.broadcast %mul3A_505 : f32 to vector<16xf32>
        %mul3A_507 = arith.mulf %mul3A_506, %select_n3A_504 : vector<16xf32>
        tpu.vector_store_idx %arg14[%add3A_354, %add3A_498], %mul3A_507 : memref<128x128xf32, #tpu.memory_space<vmem>>[vector<16xi32>, vector<16xi32>], vector<16xf32>,
        %mul3A_508 = arith.mulf %select_n3A_504, %select_n3A_504 : vector<16xf32>
        %add3A_509 = arith.addf %add3A_489, %mul3A_508 : vector<16xf32>
        %mul3A_510 = arith.constant 0 : i32
        %mul3A_511 = vector.broadcast %mul3A_510 : i32 to vector<16xi32>
        %mul3A_512 = arith.muli %iota3A, %mul3A_511 : vector<16xi32>
        %mul3A_513 = arith.constant 4 : i32
        %mul3A_514 = arith.muli %scan3A_469, %mul3A_513 : i32
        %add3A_515 = arith.constant 2 : i32
        %add3A_516 = arith.addi %mul3A_514, %add3A_515 : i32
        %add3A_517 = vector.broadcast %add3A_516 : i32 to vector<16xi32>
        %add3A_518 = arith.addi %mul3A_512, %add3A_517 : vector<16xi32>
        %gather3A_519 = tpu.vector_load_idx %arg12[%add3A_354, %add3A_518] : memref<128x128xf32, #tpu.memory_space<vmem>>[vector<16xi32>, vector<16xi32>], vector<16xf32>,
        %gather3A_520 = tpu.vector_load_idx %arg13[%add3A_354, %add3A_518] : memref<128x128xf32, #tpu.memory_space<vmem>>[vector<16xi32>, vector<16xi32>], vector<16xf32>,
        %sub3A_521 = arith.subf %gather3A_519, %gather3A_520 : vector<16xf32>
        %jit3A_522 = arith.constant 0.000000e+00 : f32
        %broadcast_in_dim3A_523 = vector.broadcast %jit3A_522 : f32 to vector<16xf32>
        %select_n3A_524 = arith.select %lt3A_351, %sub3A_521, %broadcast_in_dim3A_523 : vector<16xi1>, vector<16xf32>
        %mul3A_525 = arith.constant -5.000000e-01 : f32
        %mul3A_526 = vector.broadcast %mul3A_525 : f32 to vector<16xf32>
        %mul3A_527 = arith.mulf %mul3A_526, %select_n3A_524 : vector<16xf32>
        tpu.vector_store_idx %arg14[%add3A_354, %add3A_518], %mul3A_527 : memref<128x128xf32, #tpu.memory_space<vmem>>[vector<16xi32>, vector<16xi32>], vector<16xf32>,
        %mul3A_528 = arith.mulf %select_n3A_524, %select_n3A_524 : vector<16xf32>
        %add3A_529 = arith.addf %add3A_509, %mul3A_528 : vector<16xf32>
        %mul3A_530 = arith.constant 0 : i32
        %mul3A_531 = vector.broadcast %mul3A_530 : i32 to vector<16xi32>
        %mul3A_532 = arith.muli %iota3A, %mul3A_531 : vector<16xi32>
        %mul3A_533 = arith.constant 4 : i32
        %mul3A_534 = arith.muli %scan3A_469, %mul3A_533 : i32
        %add3A_535 = arith.constant 3 : i32
        %add3A_536 = arith.addi %mul3A_534, %add3A_535 : i32
        %add3A_537 = vector.broadcast %add3A_536 : i32 to vector<16xi32>
        %add3A_538 = arith.addi %mul3A_532, %add3A_537 : vector<16xi32>
        %gather3A_539 = tpu.vector_load_idx %arg12[%add3A_354, %add3A_538] : memref<128x128xf32, #tpu.memory_space<vmem>>[vector<16xi32>, vector<16xi32>], vector<16xf32>,
        %gather3A_540 = tpu.vector_load_idx %arg13[%add3A_354, %add3A_538] : memref<128x128xf32, #tpu.memory_space<vmem>>[vector<16xi32>, vector<16xi32>], vector<16xf32>,
        %sub3A_541 = arith.subf %gather3A_539, %gather3A_540 : vector<16xf32>
        %jit3A_542 = arith.constant 0.000000e+00 : f32
        %broadcast_in_dim3A_543 = vector.broadcast %jit3A_542 : f32 to vector<16xf32>
        %select_n3A_544 = arith.select %lt3A_351, %sub3A_541, %broadcast_in_dim3A_543 : vector<16xi1>, vector<16xf32>
        %mul3A_545 = arith.constant -5.000000e-01 : f32
        %mul3A_546 = vector.broadcast %mul3A_545 : f32 to vector<16xf32>
        %mul3A_547 = arith.mulf %mul3A_546, %select_n3A_544 : vector<16xf32>
        tpu.vector_store_idx %arg14[%add3A_354, %add3A_538], %mul3A_547 : memref<128x128xf32, #tpu.memory_space<vmem>>[vector<16xi32>, vector<16xi32>], vector<16xf32>,
        %mul3A_548 = arith.mulf %select_n3A_544, %select_n3A_544 : vector<16xf32>
        %add3A_549 = arith.addf %add3A_529, %mul3A_548 : vector<16xf32>
        scf.yield %add3A_549 : vector<16xf32>
      }
      %scan3A_360 = arith.constant 32 : i32
      %add3A_361 = arith.constant 80 : i32
      %add3A_362 = arith.addi %mul3A_208, %add3A_361 : i32
      %get3A_363 = arith.index_cast %add3A_362 : i32 to index
      %get3A_364 = tpu.vector_load %arg11[%get3A_363] {strides = array<i32>} : memref<16640xi32, #tpu.memory_space<vmem>>, vector<16xi32>,
      %dma_start3A_365 = arith.constant 80 : i32
      %dma_start3A_366 = arith.constant 0 : i32
      %dma_start3A_367 = tpu.memref_slice %arg14[%dma_start3A_365, %dma_start3A_366] : memref<128x128xf32, #tpu.memory_space<vmem>> -> memref<16x128xf32, #tpu.memory_space<vmem>>
      %dma_start3A_368 = arith.constant 0 : i32
      %dma_start3A_369 = arith.constant 0 : i32
      %dma_start3A_370 = tpu.memref_slice %arg6[%dma_start3A_368, %dma_start3A_369] : memref<16400x128xf32, #tpu.memory_space<hbm>> -> memref<16400x128xf32, #tpu.memory_space<hbm>>
      tpu.enqueue_indirect_dma source(%dma_start3A_367 : memref<16x128xf32, #tpu.memory_space<vmem>>) target(%dma_start3A_370 : memref<16400x128xf32, #tpu.memory_space<hbm>>) offsets(%get3A_364 : vector<16xi32>) semaphore(%arg19 : memref<!tpu.dma_semaphore, #tpu.memory_space<semaphore_mem>>)
      %add3A_371 = arith.constant 96 : i32
      %add3A_372 = arith.addi %mul3A_208, %add3A_371 : i32
      %add3A_373 = vector.broadcast %add3A_372 : i32 to vector<16xi32>
      %add3A_374 = arith.addi %add3A_373, %iota3A : vector<16xi32>
      %lt3A_375 = vector.broadcast %scan3A_5 : i32 to vector<16xi32>
      %lt3A_376 = arith.cmpi slt, %add3A_374, %lt3A_375 : vector<16xi32>
      %add3A_377 = arith.constant 96 : i32
      %add3A_378 = vector.broadcast %add3A_377 : i32 to vector<16xi32>
      %add3A_379 = arith.addi %add3A_378, %iota3A : vector<16xi32>
      %scan3A_380 = arith.constant 0 : i32
      %scan3A_381 = arith.constant 32 : i32
      %scan3A_382 = arith.addi %scan3A_380, %scan3A_381 : i32
      %scan3A_383 = arith.constant 1 : i32
      %scan3A_384 = scf.for %scan3A_469 = %scan3A_380 to %scan3A_382 step %scan3A_383 iter_args(%scan3A_470 = %scan3A_359) -> (vector<16xf32>)  : i32 {
        %mul3A_471 = arith.constant 0 : i32
        %mul3A_472 = vector.broadcast %mul3A_471 : i32 to vector<16xi32>
        %mul3A_473 = arith.muli %iota3A, %mul3A_472 : vector<16xi32>
        %mul3A_474 = arith.constant 4 : i32
        %mul3A_475 = arith.muli %scan3A_469, %mul3A_474 : i32
        %add3A_476 = arith.constant 0 : i32
        %add3A_477 = arith.addi %mul3A_475, %add3A_476 : i32
        %add3A_478 = vector.broadcast %add3A_477 : i32 to vector<16xi32>
        %add3A_479 = arith.addi %mul3A_473, %add3A_478 : vector<16xi32>
        %gather3A = tpu.vector_load_idx %arg12[%add3A_379, %add3A_479] : memref<128x128xf32, #tpu.memory_space<vmem>>[vector<16xi32>, vector<16xi32>], vector<16xf32>,
        %gather3A_480 = tpu.vector_load_idx %arg13[%add3A_379, %add3A_479] : memref<128x128xf32, #tpu.memory_space<vmem>>[vector<16xi32>, vector<16xi32>], vector<16xf32>,
        %sub3A_481 = arith.subf %gather3A, %gather3A_480 : vector<16xf32>
        %jit3A_482 = arith.constant 0.000000e+00 : f32
        %broadcast_in_dim3A_483 = vector.broadcast %jit3A_482 : f32 to vector<16xf32>
        %select_n3A_484 = arith.select %lt3A_376, %sub3A_481, %broadcast_in_dim3A_483 : vector<16xi1>, vector<16xf32>
        %mul3A_485 = arith.constant -5.000000e-01 : f32
        %mul3A_486 = vector.broadcast %mul3A_485 : f32 to vector<16xf32>
        %mul3A_487 = arith.mulf %mul3A_486, %select_n3A_484 : vector<16xf32>
        tpu.vector_store_idx %arg14[%add3A_379, %add3A_479], %mul3A_487 : memref<128x128xf32, #tpu.memory_space<vmem>>[vector<16xi32>, vector<16xi32>], vector<16xf32>,
        %mul3A_488 = arith.mulf %select_n3A_484, %select_n3A_484 : vector<16xf32>
        %add3A_489 = arith.addf %scan3A_470, %mul3A_488 : vector<16xf32>
        %mul3A_490 = arith.constant 0 : i32
        %mul3A_491 = vector.broadcast %mul3A_490 : i32 to vector<16xi32>
        %mul3A_492 = arith.muli %iota3A, %mul3A_491 : vector<16xi32>
        %mul3A_493 = arith.constant 4 : i32
        %mul3A_494 = arith.muli %scan3A_469, %mul3A_493 : i32
        %add3A_495 = arith.constant 1 : i32
        %add3A_496 = arith.addi %mul3A_494, %add3A_495 : i32
        %add3A_497 = vector.broadcast %add3A_496 : i32 to vector<16xi32>
        %add3A_498 = arith.addi %mul3A_492, %add3A_497 : vector<16xi32>
        %gather3A_499 = tpu.vector_load_idx %arg12[%add3A_379, %add3A_498] : memref<128x128xf32, #tpu.memory_space<vmem>>[vector<16xi32>, vector<16xi32>], vector<16xf32>,
        %gather3A_500 = tpu.vector_load_idx %arg13[%add3A_379, %add3A_498] : memref<128x128xf32, #tpu.memory_space<vmem>>[vector<16xi32>, vector<16xi32>], vector<16xf32>,
        %sub3A_501 = arith.subf %gather3A_499, %gather3A_500 : vector<16xf32>
        %jit3A_502 = arith.constant 0.000000e+00 : f32
        %broadcast_in_dim3A_503 = vector.broadcast %jit3A_502 : f32 to vector<16xf32>
        %select_n3A_504 = arith.select %lt3A_376, %sub3A_501, %broadcast_in_dim3A_503 : vector<16xi1>, vector<16xf32>
        %mul3A_505 = arith.constant -5.000000e-01 : f32
        %mul3A_506 = vector.broadcast %mul3A_505 : f32 to vector<16xf32>
        %mul3A_507 = arith.mulf %mul3A_506, %select_n3A_504 : vector<16xf32>
        tpu.vector_store_idx %arg14[%add3A_379, %add3A_498], %mul3A_507 : memref<128x128xf32, #tpu.memory_space<vmem>>[vector<16xi32>, vector<16xi32>], vector<16xf32>,
        %mul3A_508 = arith.mulf %select_n3A_504, %select_n3A_504 : vector<16xf32>
        %add3A_509 = arith.addf %add3A_489, %mul3A_508 : vector<16xf32>
        %mul3A_510 = arith.constant 0 : i32
        %mul3A_511 = vector.broadcast %mul3A_510 : i32 to vector<16xi32>
        %mul3A_512 = arith.muli %iota3A, %mul3A_511 : vector<16xi32>
        %mul3A_513 = arith.constant 4 : i32
        %mul3A_514 = arith.muli %scan3A_469, %mul3A_513 : i32
        %add3A_515 = arith.constant 2 : i32
        %add3A_516 = arith.addi %mul3A_514, %add3A_515 : i32
        %add3A_517 = vector.broadcast %add3A_516 : i32 to vector<16xi32>
        %add3A_518 = arith.addi %mul3A_512, %add3A_517 : vector<16xi32>
        %gather3A_519 = tpu.vector_load_idx %arg12[%add3A_379, %add3A_518] : memref<128x128xf32, #tpu.memory_space<vmem>>[vector<16xi32>, vector<16xi32>], vector<16xf32>,
        %gather3A_520 = tpu.vector_load_idx %arg13[%add3A_379, %add3A_518] : memref<128x128xf32, #tpu.memory_space<vmem>>[vector<16xi32>, vector<16xi32>], vector<16xf32>,
        %sub3A_521 = arith.subf %gather3A_519, %gather3A_520 : vector<16xf32>
        %jit3A_522 = arith.constant 0.000000e+00 : f32
        %broadcast_in_dim3A_523 = vector.broadcast %jit3A_522 : f32 to vector<16xf32>
        %select_n3A_524 = arith.select %lt3A_376, %sub3A_521, %broadcast_in_dim3A_523 : vector<16xi1>, vector<16xf32>
        %mul3A_525 = arith.constant -5.000000e-01 : f32
        %mul3A_526 = vector.broadcast %mul3A_525 : f32 to vector<16xf32>
        %mul3A_527 = arith.mulf %mul3A_526, %select_n3A_524 : vector<16xf32>
        tpu.vector_store_idx %arg14[%add3A_379, %add3A_518], %mul3A_527 : memref<128x128xf32, #tpu.memory_space<vmem>>[vector<16xi32>, vector<16xi32>], vector<16xf32>,
        %mul3A_528 = arith.mulf %select_n3A_524, %select_n3A_524 : vector<16xf32>
        %add3A_529 = arith.addf %add3A_509, %mul3A_528 : vector<16xf32>
        %mul3A_530 = arith.constant 0 : i32
        %mul3A_531 = vector.broadcast %mul3A_530 : i32 to vector<16xi32>
        %mul3A_532 = arith.muli %iota3A, %mul3A_531 : vector<16xi32>
        %mul3A_533 = arith.constant 4 : i32
        %mul3A_534 = arith.muli %scan3A_469, %mul3A_533 : i32
        %add3A_535 = arith.constant 3 : i32
        %add3A_536 = arith.addi %mul3A_534, %add3A_535 : i32
        %add3A_537 = vector.broadcast %add3A_536 : i32 to vector<16xi32>
        %add3A_538 = arith.addi %mul3A_532, %add3A_537 : vector<16xi32>
        %gather3A_539 = tpu.vector_load_idx %arg12[%add3A_379, %add3A_538] : memref<128x128xf32, #tpu.memory_space<vmem>>[vector<16xi32>, vector<16xi32>], vector<16xf32>,
        %gather3A_540 = tpu.vector_load_idx %arg13[%add3A_379, %add3A_538] : memref<128x128xf32, #tpu.memory_space<vmem>>[vector<16xi32>, vector<16xi32>], vector<16xf32>,
        %sub3A_541 = arith.subf %gather3A_539, %gather3A_540 : vector<16xf32>
        %jit3A_542 = arith.constant 0.000000e+00 : f32
        %broadcast_in_dim3A_543 = vector.broadcast %jit3A_542 : f32 to vector<16xf32>
        %select_n3A_544 = arith.select %lt3A_376, %sub3A_541, %broadcast_in_dim3A_543 : vector<16xi1>, vector<16xf32>
        %mul3A_545 = arith.constant -5.000000e-01 : f32
        %mul3A_546 = vector.broadcast %mul3A_545 : f32 to vector<16xf32>
        %mul3A_547 = arith.mulf %mul3A_546, %select_n3A_544 : vector<16xf32>
        tpu.vector_store_idx %arg14[%add3A_379, %add3A_538], %mul3A_547 : memref<128x128xf32, #tpu.memory_space<vmem>>[vector<16xi32>, vector<16xi32>], vector<16xf32>,
        %mul3A_548 = arith.mulf %select_n3A_544, %select_n3A_544 : vector<16xf32>
        %add3A_549 = arith.addf %add3A_529, %mul3A_548 : vector<16xf32>
        scf.yield %add3A_549 : vector<16xf32>
      }
      %scan3A_385 = arith.constant 32 : i32
      %add3A_386 = arith.constant 96 : i32
      %add3A_387 = arith.addi %mul3A_208, %add3A_386 : i32
      %get3A_388 = arith.index_cast %add3A_387 : i32 to index
      %get3A_389 = tpu.vector_load %arg11[%get3A_388] {strides = array<i32>} : memref<16640xi32, #tpu.memory_space<vmem>>, vector<16xi32>,
      %dma_start3A_390 = arith.constant 96 : i32
      %dma_start3A_391 = arith.constant 0 : i32
      %dma_start3A_392 = tpu.memref_slice %arg14[%dma_start3A_390, %dma_start3A_391] : memref<128x128xf32, #tpu.memory_space<vmem>> -> memref<16x128xf32, #tpu.memory_space<vmem>>
      %dma_start3A_393 = arith.constant 0 : i32
      %dma_start3A_394 = arith.constant 0 : i32
      %dma_start3A_395 = tpu.memref_slice %arg6[%dma_start3A_393, %dma_start3A_394] : memref<16400x128xf32, #tpu.memory_space<hbm>> -> memref<16400x128xf32, #tpu.memory_space<hbm>>
      tpu.enqueue_indirect_dma source(%dma_start3A_392 : memref<16x128xf32, #tpu.memory_space<vmem>>) target(%dma_start3A_395 : memref<16400x128xf32, #tpu.memory_space<hbm>>) offsets(%get3A_389 : vector<16xi32>) semaphore(%arg19 : memref<!tpu.dma_semaphore, #tpu.memory_space<semaphore_mem>>)
      %add3A_396 = arith.constant 112 : i32
      %add3A_397 = arith.addi %mul3A_208, %add3A_396 : i32
      %add3A_398 = vector.broadcast %add3A_397 : i32 to vector<16xi32>
      %add3A_399 = arith.addi %add3A_398, %iota3A : vector<16xi32>
      %lt3A_400 = vector.broadcast %scan3A_5 : i32 to vector<16xi32>
      %lt3A_401 = arith.cmpi slt, %add3A_399, %lt3A_400 : vector<16xi32>
      %add3A_402 = arith.constant 112 : i32
      %add3A_403 = vector.broadcast %add3A_402 : i32 to vector<16xi32>
      %add3A_404 = arith.addi %add3A_403, %iota3A : vector<16xi32>
      %scan3A_405 = arith.constant 0 : i32
      %scan3A_406 = arith.constant 32 : i32
      %scan3A_407 = arith.addi %scan3A_405, %scan3A_406 : i32
      %scan3A_408 = arith.constant 1 : i32
      %scan3A_409 = scf.for %scan3A_469 = %scan3A_405 to %scan3A_407 step %scan3A_408 iter_args(%scan3A_470 = %scan3A_384) -> (vector<16xf32>)  : i32 {
        %mul3A_471 = arith.constant 0 : i32
        %mul3A_472 = vector.broadcast %mul3A_471 : i32 to vector<16xi32>
        %mul3A_473 = arith.muli %iota3A, %mul3A_472 : vector<16xi32>
        %mul3A_474 = arith.constant 4 : i32
        %mul3A_475 = arith.muli %scan3A_469, %mul3A_474 : i32
        %add3A_476 = arith.constant 0 : i32
        %add3A_477 = arith.addi %mul3A_475, %add3A_476 : i32
        %add3A_478 = vector.broadcast %add3A_477 : i32 to vector<16xi32>
        %add3A_479 = arith.addi %mul3A_473, %add3A_478 : vector<16xi32>
        %gather3A = tpu.vector_load_idx %arg12[%add3A_404, %add3A_479] : memref<128x128xf32, #tpu.memory_space<vmem>>[vector<16xi32>, vector<16xi32>], vector<16xf32>,
        %gather3A_480 = tpu.vector_load_idx %arg13[%add3A_404, %add3A_479] : memref<128x128xf32, #tpu.memory_space<vmem>>[vector<16xi32>, vector<16xi32>], vector<16xf32>,
        %sub3A_481 = arith.subf %gather3A, %gather3A_480 : vector<16xf32>
        %jit3A_482 = arith.constant 0.000000e+00 : f32
        %broadcast_in_dim3A_483 = vector.broadcast %jit3A_482 : f32 to vector<16xf32>
        %select_n3A_484 = arith.select %lt3A_401, %sub3A_481, %broadcast_in_dim3A_483 : vector<16xi1>, vector<16xf32>
        %mul3A_485 = arith.constant -5.000000e-01 : f32
        %mul3A_486 = vector.broadcast %mul3A_485 : f32 to vector<16xf32>
        %mul3A_487 = arith.mulf %mul3A_486, %select_n3A_484 : vector<16xf32>
        tpu.vector_store_idx %arg14[%add3A_404, %add3A_479], %mul3A_487 : memref<128x128xf32, #tpu.memory_space<vmem>>[vector<16xi32>, vector<16xi32>], vector<16xf32>,
        %mul3A_488 = arith.mulf %select_n3A_484, %select_n3A_484 : vector<16xf32>
        %add3A_489 = arith.addf %scan3A_470, %mul3A_488 : vector<16xf32>
        %mul3A_490 = arith.constant 0 : i32
        %mul3A_491 = vector.broadcast %mul3A_490 : i32 to vector<16xi32>
        %mul3A_492 = arith.muli %iota3A, %mul3A_491 : vector<16xi32>
        %mul3A_493 = arith.constant 4 : i32
        %mul3A_494 = arith.muli %scan3A_469, %mul3A_493 : i32
        %add3A_495 = arith.constant 1 : i32
        %add3A_496 = arith.addi %mul3A_494, %add3A_495 : i32
        %add3A_497 = vector.broadcast %add3A_496 : i32 to vector<16xi32>
        %add3A_498 = arith.addi %mul3A_492, %add3A_497 : vector<16xi32>
        %gather3A_499 = tpu.vector_load_idx %arg12[%add3A_404, %add3A_498] : memref<128x128xf32, #tpu.memory_space<vmem>>[vector<16xi32>, vector<16xi32>], vector<16xf32>,
        %gather3A_500 = tpu.vector_load_idx %arg13[%add3A_404, %add3A_498] : memref<128x128xf32, #tpu.memory_space<vmem>>[vector<16xi32>, vector<16xi32>], vector<16xf32>,
        %sub3A_501 = arith.subf %gather3A_499, %gather3A_500 : vector<16xf32>
        %jit3A_502 = arith.constant 0.000000e+00 : f32
        %broadcast_in_dim3A_503 = vector.broadcast %jit3A_502 : f32 to vector<16xf32>
        %select_n3A_504 = arith.select %lt3A_401, %sub3A_501, %broadcast_in_dim3A_503 : vector<16xi1>, vector<16xf32>
        %mul3A_505 = arith.constant -5.000000e-01 : f32
        %mul3A_506 = vector.broadcast %mul3A_505 : f32 to vector<16xf32>
        %mul3A_507 = arith.mulf %mul3A_506, %select_n3A_504 : vector<16xf32>
        tpu.vector_store_idx %arg14[%add3A_404, %add3A_498], %mul3A_507 : memref<128x128xf32, #tpu.memory_space<vmem>>[vector<16xi32>, vector<16xi32>], vector<16xf32>,
        %mul3A_508 = arith.mulf %select_n3A_504, %select_n3A_504 : vector<16xf32>
        %add3A_509 = arith.addf %add3A_489, %mul3A_508 : vector<16xf32>
        %mul3A_510 = arith.constant 0 : i32
        %mul3A_511 = vector.broadcast %mul3A_510 : i32 to vector<16xi32>
        %mul3A_512 = arith.muli %iota3A, %mul3A_511 : vector<16xi32>
        %mul3A_513 = arith.constant 4 : i32
        %mul3A_514 = arith.muli %scan3A_469, %mul3A_513 : i32
        %add3A_515 = arith.constant 2 : i32
        %add3A_516 = arith.addi %mul3A_514, %add3A_515 : i32
        %add3A_517 = vector.broadcast %add3A_516 : i32 to vector<16xi32>
        %add3A_518 = arith.addi %mul3A_512, %add3A_517 : vector<16xi32>
        %gather3A_519 = tpu.vector_load_idx %arg12[%add3A_404, %add3A_518] : memref<128x128xf32, #tpu.memory_space<vmem>>[vector<16xi32>, vector<16xi32>], vector<16xf32>,
        %gather3A_520 = tpu.vector_load_idx %arg13[%add3A_404, %add3A_518] : memref<128x128xf32, #tpu.memory_space<vmem>>[vector<16xi32>, vector<16xi32>], vector<16xf32>,
        %sub3A_521 = arith.subf %gather3A_519, %gather3A_520 : vector<16xf32>
        %jit3A_522 = arith.constant 0.000000e+00 : f32
        %broadcast_in_dim3A_523 = vector.broadcast %jit3A_522 : f32 to vector<16xf32>
        %select_n3A_524 = arith.select %lt3A_401, %sub3A_521, %broadcast_in_dim3A_523 : vector<16xi1>, vector<16xf32>
        %mul3A_525 = arith.constant -5.000000e-01 : f32
        %mul3A_526 = vector.broadcast %mul3A_525 : f32 to vector<16xf32>
        %mul3A_527 = arith.mulf %mul3A_526, %select_n3A_524 : vector<16xf32>
        tpu.vector_store_idx %arg14[%add3A_404, %add3A_518], %mul3A_527 : memref<128x128xf32, #tpu.memory_space<vmem>>[vector<16xi32>, vector<16xi32>], vector<16xf32>,
        %mul3A_528 = arith.mulf %select_n3A_524, %select_n3A_524 : vector<16xf32>
        %add3A_529 = arith.addf %add3A_509, %mul3A_528 : vector<16xf32>
        %mul3A_530 = arith.constant 0 : i32
        %mul3A_531 = vector.broadcast %mul3A_530 : i32 to vector<16xi32>
        %mul3A_532 = arith.muli %iota3A, %mul3A_531 : vector<16xi32>
        %mul3A_533 = arith.constant 4 : i32
        %mul3A_534 = arith.muli %scan3A_469, %mul3A_533 : i32
        %add3A_535 = arith.constant 3 : i32
        %add3A_536 = arith.addi %mul3A_534, %add3A_535 : i32
        %add3A_537 = vector.broadcast %add3A_536 : i32 to vector<16xi32>
        %add3A_538 = arith.addi %mul3A_532, %add3A_537 : vector<16xi32>
        %gather3A_539 = tpu.vector_load_idx %arg12[%add3A_404, %add3A_538] : memref<128x128xf32, #tpu.memory_space<vmem>>[vector<16xi32>, vector<16xi32>], vector<16xf32>,
        %gather3A_540 = tpu.vector_load_idx %arg13[%add3A_404, %add3A_538] : memref<128x128xf32, #tpu.memory_space<vmem>>[vector<16xi32>, vector<16xi32>], vector<16xf32>,
        %sub3A_541 = arith.subf %gather3A_539, %gather3A_540 : vector<16xf32>
        %jit3A_542 = arith.constant 0.000000e+00 : f32
        %broadcast_in_dim3A_543 = vector.broadcast %jit3A_542 : f32 to vector<16xf32>
        %select_n3A_544 = arith.select %lt3A_401, %sub3A_541, %broadcast_in_dim3A_543 : vector<16xi1>, vector<16xf32>
        %mul3A_545 = arith.constant -5.000000e-01 : f32
        %mul3A_546 = vector.broadcast %mul3A_545 : f32 to vector<16xf32>
        %mul3A_547 = arith.mulf %mul3A_546, %select_n3A_544 : vector<16xf32>
        tpu.vector_store_idx %arg14[%add3A_404, %add3A_538], %mul3A_547 : memref<128x128xf32, #tpu.memory_space<vmem>>[vector<16xi32>, vector<16xi32>], vector<16xf32>,
        %mul3A_548 = arith.mulf %select_n3A_544, %select_n3A_544 : vector<16xf32>
        %add3A_549 = arith.addf %add3A_529, %mul3A_548 : vector<16xf32>
        scf.yield %add3A_549 : vector<16xf32>
      }
      %scan3A_410 = arith.constant 32 : i32
      %add3A_411 = arith.constant 112 : i32
      %add3A_412 = arith.addi %mul3A_208, %add3A_411 : i32
      %get3A_413 = arith.index_cast %add3A_412 : i32 to index
      %get3A_414 = tpu.vector_load %arg11[%get3A_413] {strides = array<i32>} : memref<16640xi32, #tpu.memory_space<vmem>>, vector<16xi32>,
      %dma_start3A_415 = arith.constant 112 : i32
      %dma_start3A_416 = arith.constant 0 : i32
      %dma_start3A_417 = tpu.memref_slice %arg14[%dma_start3A_415, %dma_start3A_416] : memref<128x128xf32, #tpu.memory_space<vmem>> -> memref<16x128xf32, #tpu.memory_space<vmem>>
      %dma_start3A_418 = arith.constant 0 : i32
      %dma_start3A_419 = arith.constant 0 : i32
      %dma_start3A_420 = tpu.memref_slice %arg6[%dma_start3A_418, %dma_start3A_419] : memref<16400x128xf32, #tpu.memory_space<hbm>> -> memref<16400x128xf32, #tpu.memory_space<hbm>>
      tpu.enqueue_indirect_dma source(%dma_start3A_417 : memref<16x128xf32, #tpu.memory_space<vmem>>) target(%dma_start3A_420 : memref<16400x128xf32, #tpu.memory_space<hbm>>) offsets(%get3A_414 : vector<16xi32>) semaphore(%arg19 : memref<!tpu.dma_semaphore, #tpu.memory_space<semaphore_mem>>)
      %dma_wait3A_421 = arith.constant 0 : i32
      %dma_wait3A_422 = arith.constant 0 : i32
      %dma_wait3A_423 = tpu.memref_slice %arg14[%dma_wait3A_421, %dma_wait3A_422] : memref<128x128xf32, #tpu.memory_space<vmem>> -> memref<16x128xf32, #tpu.memory_space<vmem>>
      %dma_wait3A_424 = arith.constant 0 : i32
      %dma_wait3A_425 = arith.constant 0 : i32
      %dma_wait3A_426 = tpu.memref_slice %arg6[%dma_wait3A_424, %dma_wait3A_425] : memref<16400x128xf32, #tpu.memory_space<hbm>> -> memref<16400x128xf32, #tpu.memory_space<hbm>>
      tpu.wait_indirect_dma semaphore(%arg19 : memref<!tpu.dma_semaphore, #tpu.memory_space<semaphore_mem>>) src(%dma_wait3A_423 : memref<16x128xf32, #tpu.memory_space<vmem>>) dst(%dma_wait3A_426 : memref<16400x128xf32, #tpu.memory_space<hbm>>)
      %dma_wait3A_427 = arith.constant 16 : i32
      %dma_wait3A_428 = arith.constant 0 : i32
      %dma_wait3A_429 = tpu.memref_slice %arg14[%dma_wait3A_427, %dma_wait3A_428] : memref<128x128xf32, #tpu.memory_space<vmem>> -> memref<16x128xf32, #tpu.memory_space<vmem>>
      %dma_wait3A_430 = arith.constant 0 : i32
      %dma_wait3A_431 = arith.constant 0 : i32
      %dma_wait3A_432 = tpu.memref_slice %arg6[%dma_wait3A_430, %dma_wait3A_431] : memref<16400x128xf32, #tpu.memory_space<hbm>> -> memref<16400x128xf32, #tpu.memory_space<hbm>>
      tpu.wait_indirect_dma semaphore(%arg19 : memref<!tpu.dma_semaphore, #tpu.memory_space<semaphore_mem>>) src(%dma_wait3A_429 : memref<16x128xf32, #tpu.memory_space<vmem>>) dst(%dma_wait3A_432 : memref<16400x128xf32, #tpu.memory_space<hbm>>)
      %dma_wait3A_433 = arith.constant 32 : i32
      %dma_wait3A_434 = arith.constant 0 : i32
      %dma_wait3A_435 = tpu.memref_slice %arg14[%dma_wait3A_433, %dma_wait3A_434] : memref<128x128xf32, #tpu.memory_space<vmem>> -> memref<16x128xf32, #tpu.memory_space<vmem>>
      %dma_wait3A_436 = arith.constant 0 : i32
      %dma_wait3A_437 = arith.constant 0 : i32
      %dma_wait3A_438 = tpu.memref_slice %arg6[%dma_wait3A_436, %dma_wait3A_437] : memref<16400x128xf32, #tpu.memory_space<hbm>> -> memref<16400x128xf32, #tpu.memory_space<hbm>>
      tpu.wait_indirect_dma semaphore(%arg19 : memref<!tpu.dma_semaphore, #tpu.memory_space<semaphore_mem>>) src(%dma_wait3A_435 : memref<16x128xf32, #tpu.memory_space<vmem>>) dst(%dma_wait3A_438 : memref<16400x128xf32, #tpu.memory_space<hbm>>)
      %dma_wait3A_439 = arith.constant 48 : i32
      %dma_wait3A_440 = arith.constant 0 : i32
      %dma_wait3A_441 = tpu.memref_slice %arg14[%dma_wait3A_439, %dma_wait3A_440] : memref<128x128xf32, #tpu.memory_space<vmem>> -> memref<16x128xf32, #tpu.memory_space<vmem>>
      %dma_wait3A_442 = arith.constant 0 : i32
      %dma_wait3A_443 = arith.constant 0 : i32
      %dma_wait3A_444 = tpu.memref_slice %arg6[%dma_wait3A_442, %dma_wait3A_443] : memref<16400x128xf32, #tpu.memory_space<hbm>> -> memref<16400x128xf32, #tpu.memory_space<hbm>>
      tpu.wait_indirect_dma semaphore(%arg19 : memref<!tpu.dma_semaphore, #tpu.memory_space<semaphore_mem>>) src(%dma_wait3A_441 : memref<16x128xf32, #tpu.memory_space<vmem>>) dst(%dma_wait3A_444 : memref<16400x128xf32, #tpu.memory_space<hbm>>)
      %dma_wait3A_445 = arith.constant 64 : i32
      %dma_wait3A_446 = arith.constant 0 : i32
      %dma_wait3A_447 = tpu.memref_slice %arg14[%dma_wait3A_445, %dma_wait3A_446] : memref<128x128xf32, #tpu.memory_space<vmem>> -> memref<16x128xf32, #tpu.memory_space<vmem>>
      %dma_wait3A_448 = arith.constant 0 : i32
      %dma_wait3A_449 = arith.constant 0 : i32
      %dma_wait3A_450 = tpu.memref_slice %arg6[%dma_wait3A_448, %dma_wait3A_449] : memref<16400x128xf32, #tpu.memory_space<hbm>> -> memref<16400x128xf32, #tpu.memory_space<hbm>>
      tpu.wait_indirect_dma semaphore(%arg19 : memref<!tpu.dma_semaphore, #tpu.memory_space<semaphore_mem>>) src(%dma_wait3A_447 : memref<16x128xf32, #tpu.memory_space<vmem>>) dst(%dma_wait3A_450 : memref<16400x128xf32, #tpu.memory_space<hbm>>)
      %dma_wait3A_451 = arith.constant 80 : i32
      %dma_wait3A_452 = arith.constant 0 : i32
      %dma_wait3A_453 = tpu.memref_slice %arg14[%dma_wait3A_451, %dma_wait3A_452] : memref<128x128xf32, #tpu.memory_space<vmem>> -> memref<16x128xf32, #tpu.memory_space<vmem>>
      %dma_wait3A_454 = arith.constant 0 : i32
      %dma_wait3A_455 = arith.constant 0 : i32
      %dma_wait3A_456 = tpu.memref_slice %arg6[%dma_wait3A_454, %dma_wait3A_455] : memref<16400x128xf32, #tpu.memory_space<hbm>> -> memref<16400x128xf32, #tpu.memory_space<hbm>>
      tpu.wait_indirect_dma semaphore(%arg19 : memref<!tpu.dma_semaphore, #tpu.memory_space<semaphore_mem>>) src(%dma_wait3A_453 : memref<16x128xf32, #tpu.memory_space<vmem>>) dst(%dma_wait3A_456 : memref<16400x128xf32, #tpu.memory_space<hbm>>)
      %dma_wait3A_457 = arith.constant 96 : i32
      %dma_wait3A_458 = arith.constant 0 : i32
      %dma_wait3A_459 = tpu.memref_slice %arg14[%dma_wait3A_457, %dma_wait3A_458] : memref<128x128xf32, #tpu.memory_space<vmem>> -> memref<16x128xf32, #tpu.memory_space<vmem>>
      %dma_wait3A_460 = arith.constant 0 : i32
      %dma_wait3A_461 = arith.constant 0 : i32
      %dma_wait3A_462 = tpu.memref_slice %arg6[%dma_wait3A_460, %dma_wait3A_461] : memref<16400x128xf32, #tpu.memory_space<hbm>> -> memref<16400x128xf32, #tpu.memory_space<hbm>>
      tpu.wait_indirect_dma semaphore(%arg19 : memref<!tpu.dma_semaphore, #tpu.memory_space<semaphore_mem>>) src(%dma_wait3A_459 : memref<16x128xf32, #tpu.memory_space<vmem>>) dst(%dma_wait3A_462 : memref<16400x128xf32, #tpu.memory_space<hbm>>)
      %dma_wait3A_463 = arith.constant 112 : i32
      %dma_wait3A_464 = arith.constant 0 : i32
      %dma_wait3A_465 = tpu.memref_slice %arg14[%dma_wait3A_463, %dma_wait3A_464] : memref<128x128xf32, #tpu.memory_space<vmem>> -> memref<16x128xf32, #tpu.memory_space<vmem>>
      %dma_wait3A_466 = arith.constant 0 : i32
      %dma_wait3A_467 = arith.constant 0 : i32
      %dma_wait3A_468 = tpu.memref_slice %arg6[%dma_wait3A_466, %dma_wait3A_467] : memref<16400x128xf32, #tpu.memory_space<hbm>> -> memref<16400x128xf32, #tpu.memory_space<hbm>>
      tpu.wait_indirect_dma semaphore(%arg19 : memref<!tpu.dma_semaphore, #tpu.memory_space<semaphore_mem>>) src(%dma_wait3A_465 : memref<16x128xf32, #tpu.memory_space<vmem>>) dst(%dma_wait3A_468 : memref<16400x128xf32, #tpu.memory_space<hbm>>)
      scf.yield %scan3A_409 : vector<16xf32>
    }
    %while3A_192 = arith.constant 1 : i32
    %while3A_193 = scf.for %while3A_205 = %while3A_189 to %while3A_185 step %while3A_192 iter_args(%while3A_206 = %while3A_191) -> (vector<16xf32>)  : i32 {
      %mul3A_207 = arith.constant 128 : i32
      %mul3A_208 = arith.muli %while3A_205, %mul3A_207 : i32
      %dma_start3A = tpu.memref_slice %arg9[%mul3A_208] : memref<16640xi32, #tpu.memory_space<vmem>> -> memref<128xi32, #tpu.memory_space<vmem>>
      %dma_start3A_209 = arith.constant 0 : i32
      %dma_start3A_210 = arith.constant 0 : i32
      %dma_start3A_211 = tpu.memref_slice %arg2[%dma_start3A_209, %dma_start3A_210] : memref<16384x128xf32, #tpu.memory_space<hbm>> -> memref<16384x128xf32, #tpu.memory_space<hbm>>
      tpu.enqueue_indirect_dma source(%dma_start3A_211 : memref<16384x128xf32, #tpu.memory_space<hbm>>) target(%arg13 : memref<128x128xf32, #tpu.memory_space<vmem>>) offsets(%dma_start3A : memref<128xi32, #tpu.memory_space<vmem>>) semaphore(%arg17 : memref<!tpu.dma_semaphore, #tpu.memory_space<semaphore_mem>>)
      %dma_start3A_212 = tpu.memref_slice %arg10[%mul3A_208] : memref<16640xi32, #tpu.memory_space<vmem>> -> memref<128xi32, #tpu.memory_space<vmem>>
      %dma_start3A_213 = arith.constant 0 : i32
      %dma_start3A_214 = arith.constant 0 : i32
      %dma_start3A_215 = tpu.memref_slice %arg4[%dma_start3A_213, %dma_start3A_214] : memref<1000001x128xf32, #tpu.memory_space<hbm>> -> memref<1000001x128xf32, #tpu.memory_space<hbm>>
      tpu.enqueue_indirect_dma source(%dma_start3A_215 : memref<1000001x128xf32, #tpu.memory_space<hbm>>) target(%arg12 : memref<128x128xf32, #tpu.memory_space<vmem>>) offsets(%dma_start3A_212 : memref<128xi32, #tpu.memory_space<vmem>>) semaphore(%arg18 : memref<!tpu.dma_semaphore, #tpu.memory_space<semaphore_mem>>)
      %dma_wait3A = tpu.memref_slice %arg9[%mul3A_208] : memref<16640xi32, #tpu.memory_space<vmem>> -> memref<128xi32, #tpu.memory_space<vmem>>
      %dma_wait3A_216 = arith.constant 0 : i32
      %dma_wait3A_217 = arith.constant 0 : i32
      %dma_wait3A_218 = tpu.memref_slice %arg2[%dma_wait3A_216, %dma_wait3A_217] : memref<16384x128xf32, #tpu.memory_space<hbm>> -> memref<16384x128xf32, #tpu.memory_space<hbm>>
      tpu.wait_indirect_dma semaphore(%arg17 : memref<!tpu.dma_semaphore, #tpu.memory_space<semaphore_mem>>) src(%dma_wait3A_218 : memref<16384x128xf32, #tpu.memory_space<hbm>>) dst(%arg13 : memref<128x128xf32, #tpu.memory_space<vmem>>)
      %dma_wait3A_219 = tpu.memref_slice %arg10[%mul3A_208] : memref<16640xi32, #tpu.memory_space<vmem>> -> memref<128xi32, #tpu.memory_space<vmem>>
      %dma_wait3A_220 = arith.constant 0 : i32
      %dma_wait3A_221 = arith.constant 0 : i32
      %dma_wait3A_222 = tpu.memref_slice %arg4[%dma_wait3A_220, %dma_wait3A_221] : memref<1000001x128xf32, #tpu.memory_space<hbm>> -> memref<1000001x128xf32, #tpu.memory_space<hbm>>
      tpu.wait_indirect_dma semaphore(%arg18 : memref<!tpu.dma_semaphore, #tpu.memory_space<semaphore_mem>>) src(%dma_wait3A_222 : memref<1000001x128xf32, #tpu.memory_space<hbm>>) dst(%arg12 : memref<128x128xf32, #tpu.memory_space<vmem>>)
      %add3A_223 = arith.constant 0 : i32
      %add3A_224 = arith.addi %mul3A_208, %add3A_223 : i32
      %add3A_225 = vector.broadcast %add3A_224 : i32 to vector<16xi32>
      %add3A_226 = arith.addi %add3A_225, %iota3A : vector<16xi32>
      %lt3A = vector.broadcast %scan3A_5 : i32 to vector<16xi32>
      %lt3A_227 = arith.cmpi slt, %add3A_226, %lt3A : vector<16xi32>
      %add3A_228 = arith.constant 0 : i32
      %add3A_229 = vector.broadcast %add3A_228 : i32 to vector<16xi32>
      %add3A_230 = arith.addi %add3A_229, %iota3A : vector<16xi32>
      %scan3A_231 = arith.constant 0 : i32
      %scan3A_232 = arith.constant 32 : i32
      %scan3A_233 = arith.addi %scan3A_231, %scan3A_232 : i32
      %scan3A_234 = arith.constant 1 : i32
      %scan3A_235 = scf.for %scan3A_469 = %scan3A_231 to %scan3A_233 step %scan3A_234 iter_args(%scan3A_470 = %while3A_206) -> (vector<16xf32>)  : i32 {
        %mul3A_471 = arith.constant 0 : i32
        %mul3A_472 = vector.broadcast %mul3A_471 : i32 to vector<16xi32>
        %mul3A_473 = arith.muli %iota3A, %mul3A_472 : vector<16xi32>
        %mul3A_474 = arith.constant 4 : i32
        %mul3A_475 = arith.muli %scan3A_469, %mul3A_474 : i32
        %add3A_476 = arith.constant 0 : i32
        %add3A_477 = arith.addi %mul3A_475, %add3A_476 : i32
        %add3A_478 = vector.broadcast %add3A_477 : i32 to vector<16xi32>
        %add3A_479 = arith.addi %mul3A_473, %add3A_478 : vector<16xi32>
        %gather3A = tpu.vector_load_idx %arg12[%add3A_230, %add3A_479] : memref<128x128xf32, #tpu.memory_space<vmem>>[vector<16xi32>, vector<16xi32>], vector<16xf32>,
        %gather3A_480 = tpu.vector_load_idx %arg13[%add3A_230, %add3A_479] : memref<128x128xf32, #tpu.memory_space<vmem>>[vector<16xi32>, vector<16xi32>], vector<16xf32>,
        %sub3A_481 = arith.subf %gather3A, %gather3A_480 : vector<16xf32>
        %jit3A_482 = arith.constant 0.000000e+00 : f32
        %broadcast_in_dim3A_483 = vector.broadcast %jit3A_482 : f32 to vector<16xf32>
        %select_n3A_484 = arith.select %lt3A_227, %sub3A_481, %broadcast_in_dim3A_483 : vector<16xi1>, vector<16xf32>
        %mul3A_485 = arith.constant -5.000000e-01 : f32
        %mul3A_486 = vector.broadcast %mul3A_485 : f32 to vector<16xf32>
        %mul3A_487 = arith.mulf %mul3A_486, %select_n3A_484 : vector<16xf32>
        tpu.vector_store_idx %arg14[%add3A_230, %add3A_479], %mul3A_487 : memref<128x128xf32, #tpu.memory_space<vmem>>[vector<16xi32>, vector<16xi32>], vector<16xf32>,
        %mul3A_488 = arith.mulf %select_n3A_484, %select_n3A_484 : vector<16xf32>
        %add3A_489 = arith.addf %scan3A_470, %mul3A_488 : vector<16xf32>
        %mul3A_490 = arith.constant 0 : i32
        %mul3A_491 = vector.broadcast %mul3A_490 : i32 to vector<16xi32>
        %mul3A_492 = arith.muli %iota3A, %mul3A_491 : vector<16xi32>
        %mul3A_493 = arith.constant 4 : i32
        %mul3A_494 = arith.muli %scan3A_469, %mul3A_493 : i32
        %add3A_495 = arith.constant 1 : i32
        %add3A_496 = arith.addi %mul3A_494, %add3A_495 : i32
        %add3A_497 = vector.broadcast %add3A_496 : i32 to vector<16xi32>
        %add3A_498 = arith.addi %mul3A_492, %add3A_497 : vector<16xi32>
        %gather3A_499 = tpu.vector_load_idx %arg12[%add3A_230, %add3A_498] : memref<128x128xf32, #tpu.memory_space<vmem>>[vector<16xi32>, vector<16xi32>], vector<16xf32>,
        %gather3A_500 = tpu.vector_load_idx %arg13[%add3A_230, %add3A_498] : memref<128x128xf32, #tpu.memory_space<vmem>>[vector<16xi32>, vector<16xi32>], vector<16xf32>,
        %sub3A_501 = arith.subf %gather3A_499, %gather3A_500 : vector<16xf32>
        %jit3A_502 = arith.constant 0.000000e+00 : f32
        %broadcast_in_dim3A_503 = vector.broadcast %jit3A_502 : f32 to vector<16xf32>
        %select_n3A_504 = arith.select %lt3A_227, %sub3A_501, %broadcast_in_dim3A_503 : vector<16xi1>, vector<16xf32>
        %mul3A_505 = arith.constant -5.000000e-01 : f32
        %mul3A_506 = vector.broadcast %mul3A_505 : f32 to vector<16xf32>
        %mul3A_507 = arith.mulf %mul3A_506, %select_n3A_504 : vector<16xf32>
        tpu.vector_store_idx %arg14[%add3A_230, %add3A_498], %mul3A_507 : memref<128x128xf32, #tpu.memory_space<vmem>>[vector<16xi32>, vector<16xi32>], vector<16xf32>,
        %mul3A_508 = arith.mulf %select_n3A_504, %select_n3A_504 : vector<16xf32>
        %add3A_509 = arith.addf %add3A_489, %mul3A_508 : vector<16xf32>
        %mul3A_510 = arith.constant 0 : i32
        %mul3A_511 = vector.broadcast %mul3A_510 : i32 to vector<16xi32>
        %mul3A_512 = arith.muli %iota3A, %mul3A_511 : vector<16xi32>
        %mul3A_513 = arith.constant 4 : i32
        %mul3A_514 = arith.muli %scan3A_469, %mul3A_513 : i32
        %add3A_515 = arith.constant 2 : i32
        %add3A_516 = arith.addi %mul3A_514, %add3A_515 : i32
        %add3A_517 = vector.broadcast %add3A_516 : i32 to vector<16xi32>
        %add3A_518 = arith.addi %mul3A_512, %add3A_517 : vector<16xi32>
        %gather3A_519 = tpu.vector_load_idx %arg12[%add3A_230, %add3A_518] : memref<128x128xf32, #tpu.memory_space<vmem>>[vector<16xi32>, vector<16xi32>], vector<16xf32>,
        %gather3A_520 = tpu.vector_load_idx %arg13[%add3A_230, %add3A_518] : memref<128x128xf32, #tpu.memory_space<vmem>>[vector<16xi32>, vector<16xi32>], vector<16xf32>,
        %sub3A_521 = arith.subf %gather3A_519, %gather3A_520 : vector<16xf32>
        %jit3A_522 = arith.constant 0.000000e+00 : f32
        %broadcast_in_dim3A_523 = vector.broadcast %jit3A_522 : f32 to vector<16xf32>
        %select_n3A_524 = arith.select %lt3A_227, %sub3A_521, %broadcast_in_dim3A_523 : vector<16xi1>, vector<16xf32>
        %mul3A_525 = arith.constant -5.000000e-01 : f32
        %mul3A_526 = vector.broadcast %mul3A_525 : f32 to vector<16xf32>
        %mul3A_527 = arith.mulf %mul3A_526, %select_n3A_524 : vector<16xf32>
        tpu.vector_store_idx %arg14[%add3A_230, %add3A_518], %mul3A_527 : memref<128x128xf32, #tpu.memory_space<vmem>>[vector<16xi32>, vector<16xi32>], vector<16xf32>,
        %mul3A_528 = arith.mulf %select_n3A_524, %select_n3A_524 : vector<16xf32>
        %add3A_529 = arith.addf %add3A_509, %mul3A_528 : vector<16xf32>
        %mul3A_530 = arith.constant 0 : i32
        %mul3A_531 = vector.broadcast %mul3A_530 : i32 to vector<16xi32>
        %mul3A_532 = arith.muli %iota3A, %mul3A_531 : vector<16xi32>
        %mul3A_533 = arith.constant 4 : i32
        %mul3A_534 = arith.muli %scan3A_469, %mul3A_533 : i32
        %add3A_535 = arith.constant 3 : i32
        %add3A_536 = arith.addi %mul3A_534, %add3A_535 : i32
        %add3A_537 = vector.broadcast %add3A_536 : i32 to vector<16xi32>
        %add3A_538 = arith.addi %mul3A_532, %add3A_537 : vector<16xi32>
        %gather3A_539 = tpu.vector_load_idx %arg12[%add3A_230, %add3A_538] : memref<128x128xf32, #tpu.memory_space<vmem>>[vector<16xi32>, vector<16xi32>], vector<16xf32>,
        %gather3A_540 = tpu.vector_load_idx %arg13[%add3A_230, %add3A_538] : memref<128x128xf32, #tpu.memory_space<vmem>>[vector<16xi32>, vector<16xi32>], vector<16xf32>,
        %sub3A_541 = arith.subf %gather3A_539, %gather3A_540 : vector<16xf32>
        %jit3A_542 = arith.constant 0.000000e+00 : f32
        %broadcast_in_dim3A_543 = vector.broadcast %jit3A_542 : f32 to vector<16xf32>
        %select_n3A_544 = arith.select %lt3A_227, %sub3A_541, %broadcast_in_dim3A_543 : vector<16xi1>, vector<16xf32>
        %mul3A_545 = arith.constant -5.000000e-01 : f32
        %mul3A_546 = vector.broadcast %mul3A_545 : f32 to vector<16xf32>
        %mul3A_547 = arith.mulf %mul3A_546, %select_n3A_544 : vector<16xf32>
        tpu.vector_store_idx %arg14[%add3A_230, %add3A_538], %mul3A_547 : memref<128x128xf32, #tpu.memory_space<vmem>>[vector<16xi32>, vector<16xi32>], vector<16xf32>,
        %mul3A_548 = arith.mulf %select_n3A_544, %select_n3A_544 : vector<16xf32>
        %add3A_549 = arith.addf %add3A_529, %mul3A_548 : vector<16xf32>
        scf.yield %add3A_549 : vector<16xf32>
      }
      %scan3A_236 = arith.constant 32 : i32
      %add3A_237 = arith.constant 0 : i32
      %add3A_238 = arith.addi %mul3A_208, %add3A_237 : i32
      %get3A = arith.index_cast %add3A_238 : i32 to index
      %get3A_239 = tpu.vector_load %arg11[%get3A] {strides = array<i32>} : memref<16640xi32, #tpu.memory_space<vmem>>, vector<16xi32>,
      %dma_start3A_240 = arith.constant 0 : i32
      %dma_start3A_241 = arith.constant 0 : i32
      %dma_start3A_242 = tpu.memref_slice %arg14[%dma_start3A_240, %dma_start3A_241] : memref<128x128xf32, #tpu.memory_space<vmem>> -> memref<16x128xf32, #tpu.memory_space<vmem>>
      %dma_start3A_243 = arith.constant 0 : i32
      %dma_start3A_244 = arith.constant 0 : i32
      %dma_start3A_245 = tpu.memref_slice %arg6[%dma_start3A_243, %dma_start3A_244] : memref<16400x128xf32, #tpu.memory_space<hbm>> -> memref<16400x128xf32, #tpu.memory_space<hbm>>
      tpu.enqueue_indirect_dma source(%dma_start3A_242 : memref<16x128xf32, #tpu.memory_space<vmem>>) target(%dma_start3A_245 : memref<16400x128xf32, #tpu.memory_space<hbm>>) offsets(%get3A_239 : vector<16xi32>) semaphore(%arg19 : memref<!tpu.dma_semaphore, #tpu.memory_space<semaphore_mem>>)
      %add3A_246 = arith.constant 16 : i32
      %add3A_247 = arith.addi %mul3A_208, %add3A_246 : i32
      %add3A_248 = vector.broadcast %add3A_247 : i32 to vector<16xi32>
      %add3A_249 = arith.addi %add3A_248, %iota3A : vector<16xi32>
      %lt3A_250 = vector.broadcast %scan3A_5 : i32 to vector<16xi32>
      %lt3A_251 = arith.cmpi slt, %add3A_249, %lt3A_250 : vector<16xi32>
      %add3A_252 = arith.constant 16 : i32
      %add3A_253 = vector.broadcast %add3A_252 : i32 to vector<16xi32>
      %add3A_254 = arith.addi %add3A_253, %iota3A : vector<16xi32>
      %scan3A_255 = arith.constant 0 : i32
      %scan3A_256 = arith.constant 32 : i32
      %scan3A_257 = arith.addi %scan3A_255, %scan3A_256 : i32
      %scan3A_258 = arith.constant 1 : i32
      %scan3A_259 = scf.for %scan3A_469 = %scan3A_255 to %scan3A_257 step %scan3A_258 iter_args(%scan3A_470 = %scan3A_235) -> (vector<16xf32>)  : i32 {
        %mul3A_471 = arith.constant 0 : i32
        %mul3A_472 = vector.broadcast %mul3A_471 : i32 to vector<16xi32>
        %mul3A_473 = arith.muli %iota3A, %mul3A_472 : vector<16xi32>
        %mul3A_474 = arith.constant 4 : i32
        %mul3A_475 = arith.muli %scan3A_469, %mul3A_474 : i32
        %add3A_476 = arith.constant 0 : i32
        %add3A_477 = arith.addi %mul3A_475, %add3A_476 : i32
        %add3A_478 = vector.broadcast %add3A_477 : i32 to vector<16xi32>
        %add3A_479 = arith.addi %mul3A_473, %add3A_478 : vector<16xi32>
        %gather3A = tpu.vector_load_idx %arg12[%add3A_254, %add3A_479] : memref<128x128xf32, #tpu.memory_space<vmem>>[vector<16xi32>, vector<16xi32>], vector<16xf32>,
        %gather3A_480 = tpu.vector_load_idx %arg13[%add3A_254, %add3A_479] : memref<128x128xf32, #tpu.memory_space<vmem>>[vector<16xi32>, vector<16xi32>], vector<16xf32>,
        %sub3A_481 = arith.subf %gather3A, %gather3A_480 : vector<16xf32>
        %jit3A_482 = arith.constant 0.000000e+00 : f32
        %broadcast_in_dim3A_483 = vector.broadcast %jit3A_482 : f32 to vector<16xf32>
        %select_n3A_484 = arith.select %lt3A_251, %sub3A_481, %broadcast_in_dim3A_483 : vector<16xi1>, vector<16xf32>
        %mul3A_485 = arith.constant -5.000000e-01 : f32
        %mul3A_486 = vector.broadcast %mul3A_485 : f32 to vector<16xf32>
        %mul3A_487 = arith.mulf %mul3A_486, %select_n3A_484 : vector<16xf32>
        tpu.vector_store_idx %arg14[%add3A_254, %add3A_479], %mul3A_487 : memref<128x128xf32, #tpu.memory_space<vmem>>[vector<16xi32>, vector<16xi32>], vector<16xf32>,
        %mul3A_488 = arith.mulf %select_n3A_484, %select_n3A_484 : vector<16xf32>
        %add3A_489 = arith.addf %scan3A_470, %mul3A_488 : vector<16xf32>
        %mul3A_490 = arith.constant 0 : i32
        %mul3A_491 = vector.broadcast %mul3A_490 : i32 to vector<16xi32>
        %mul3A_492 = arith.muli %iota3A, %mul3A_491 : vector<16xi32>
        %mul3A_493 = arith.constant 4 : i32
        %mul3A_494 = arith.muli %scan3A_469, %mul3A_493 : i32
        %add3A_495 = arith.constant 1 : i32
        %add3A_496 = arith.addi %mul3A_494, %add3A_495 : i32
        %add3A_497 = vector.broadcast %add3A_496 : i32 to vector<16xi32>
        %add3A_498 = arith.addi %mul3A_492, %add3A_497 : vector<16xi32>
        %gather3A_499 = tpu.vector_load_idx %arg12[%add3A_254, %add3A_498] : memref<128x128xf32, #tpu.memory_space<vmem>>[vector<16xi32>, vector<16xi32>], vector<16xf32>,
        %gather3A_500 = tpu.vector_load_idx %arg13[%add3A_254, %add3A_498] : memref<128x128xf32, #tpu.memory_space<vmem>>[vector<16xi32>, vector<16xi32>], vector<16xf32>,
        %sub3A_501 = arith.subf %gather3A_499, %gather3A_500 : vector<16xf32>
        %jit3A_502 = arith.constant 0.000000e+00 : f32
        %broadcast_in_dim3A_503 = vector.broadcast %jit3A_502 : f32 to vector<16xf32>
        %select_n3A_504 = arith.select %lt3A_251, %sub3A_501, %broadcast_in_dim3A_503 : vector<16xi1>, vector<16xf32>
        %mul3A_505 = arith.constant -5.000000e-01 : f32
        %mul3A_506 = vector.broadcast %mul3A_505 : f32 to vector<16xf32>
        %mul3A_507 = arith.mulf %mul3A_506, %select_n3A_504 : vector<16xf32>
        tpu.vector_store_idx %arg14[%add3A_254, %add3A_498], %mul3A_507 : memref<128x128xf32, #tpu.memory_space<vmem>>[vector<16xi32>, vector<16xi32>], vector<16xf32>,
        %mul3A_508 = arith.mulf %select_n3A_504, %select_n3A_504 : vector<16xf32>
        %add3A_509 = arith.addf %add3A_489, %mul3A_508 : vector<16xf32>
        %mul3A_510 = arith.constant 0 : i32
        %mul3A_511 = vector.broadcast %mul3A_510 : i32 to vector<16xi32>
        %mul3A_512 = arith.muli %iota3A, %mul3A_511 : vector<16xi32>
        %mul3A_513 = arith.constant 4 : i32
        %mul3A_514 = arith.muli %scan3A_469, %mul3A_513 : i32
        %add3A_515 = arith.constant 2 : i32
        %add3A_516 = arith.addi %mul3A_514, %add3A_515 : i32
        %add3A_517 = vector.broadcast %add3A_516 : i32 to vector<16xi32>
        %add3A_518 = arith.addi %mul3A_512, %add3A_517 : vector<16xi32>
        %gather3A_519 = tpu.vector_load_idx %arg12[%add3A_254, %add3A_518] : memref<128x128xf32, #tpu.memory_space<vmem>>[vector<16xi32>, vector<16xi32>], vector<16xf32>,
        %gather3A_520 = tpu.vector_load_idx %arg13[%add3A_254, %add3A_518] : memref<128x128xf32, #tpu.memory_space<vmem>>[vector<16xi32>, vector<16xi32>], vector<16xf32>,
        %sub3A_521 = arith.subf %gather3A_519, %gather3A_520 : vector<16xf32>
        %jit3A_522 = arith.constant 0.000000e+00 : f32
        %broadcast_in_dim3A_523 = vector.broadcast %jit3A_522 : f32 to vector<16xf32>
        %select_n3A_524 = arith.select %lt3A_251, %sub3A_521, %broadcast_in_dim3A_523 : vector<16xi1>, vector<16xf32>
        %mul3A_525 = arith.constant -5.000000e-01 : f32
        %mul3A_526 = vector.broadcast %mul3A_525 : f32 to vector<16xf32>
        %mul3A_527 = arith.mulf %mul3A_526, %select_n3A_524 : vector<16xf32>
        tpu.vector_store_idx %arg14[%add3A_254, %add3A_518], %mul3A_527 : memref<128x128xf32, #tpu.memory_space<vmem>>[vector<16xi32>, vector<16xi32>], vector<16xf32>,
        %mul3A_528 = arith.mulf %select_n3A_524, %select_n3A_524 : vector<16xf32>
        %add3A_529 = arith.addf %add3A_509, %mul3A_528 : vector<16xf32>
        %mul3A_530 = arith.constant 0 : i32
        %mul3A_531 = vector.broadcast %mul3A_530 : i32 to vector<16xi32>
        %mul3A_532 = arith.muli %iota3A, %mul3A_531 : vector<16xi32>
        %mul3A_533 = arith.constant 4 : i32
        %mul3A_534 = arith.muli %scan3A_469, %mul3A_533 : i32
        %add3A_535 = arith.constant 3 : i32
        %add3A_536 = arith.addi %mul3A_534, %add3A_535 : i32
        %add3A_537 = vector.broadcast %add3A_536 : i32 to vector<16xi32>
        %add3A_538 = arith.addi %mul3A_532, %add3A_537 : vector<16xi32>
        %gather3A_539 = tpu.vector_load_idx %arg12[%add3A_254, %add3A_538] : memref<128x128xf32, #tpu.memory_space<vmem>>[vector<16xi32>, vector<16xi32>], vector<16xf32>,
        %gather3A_540 = tpu.vector_load_idx %arg13[%add3A_254, %add3A_538] : memref<128x128xf32, #tpu.memory_space<vmem>>[vector<16xi32>, vector<16xi32>], vector<16xf32>,
        %sub3A_541 = arith.subf %gather3A_539, %gather3A_540 : vector<16xf32>
        %jit3A_542 = arith.constant 0.000000e+00 : f32
        %broadcast_in_dim3A_543 = vector.broadcast %jit3A_542 : f32 to vector<16xf32>
        %select_n3A_544 = arith.select %lt3A_251, %sub3A_541, %broadcast_in_dim3A_543 : vector<16xi1>, vector<16xf32>
        %mul3A_545 = arith.constant -5.000000e-01 : f32
        %mul3A_546 = vector.broadcast %mul3A_545 : f32 to vector<16xf32>
        %mul3A_547 = arith.mulf %mul3A_546, %select_n3A_544 : vector<16xf32>
        tpu.vector_store_idx %arg14[%add3A_254, %add3A_538], %mul3A_547 : memref<128x128xf32, #tpu.memory_space<vmem>>[vector<16xi32>, vector<16xi32>], vector<16xf32>,
        %mul3A_548 = arith.mulf %select_n3A_544, %select_n3A_544 : vector<16xf32>
        %add3A_549 = arith.addf %add3A_529, %mul3A_548 : vector<16xf32>
        scf.yield %add3A_549 : vector<16xf32>
      }
      %scan3A_260 = arith.constant 32 : i32
      %add3A_261 = arith.constant 16 : i32
      %add3A_262 = arith.addi %mul3A_208, %add3A_261 : i32
      %get3A_263 = arith.index_cast %add3A_262 : i32 to index
      %get3A_264 = tpu.vector_load %arg11[%get3A_263] {strides = array<i32>} : memref<16640xi32, #tpu.memory_space<vmem>>, vector<16xi32>,
      %dma_start3A_265 = arith.constant 16 : i32
      %dma_start3A_266 = arith.constant 0 : i32
      %dma_start3A_267 = tpu.memref_slice %arg14[%dma_start3A_265, %dma_start3A_266] : memref<128x128xf32, #tpu.memory_space<vmem>> -> memref<16x128xf32, #tpu.memory_space<vmem>>
      %dma_start3A_268 = arith.constant 0 : i32
      %dma_start3A_269 = arith.constant 0 : i32
      %dma_start3A_270 = tpu.memref_slice %arg6[%dma_start3A_268, %dma_start3A_269] : memref<16400x128xf32, #tpu.memory_space<hbm>> -> memref<16400x128xf32, #tpu.memory_space<hbm>>
      tpu.enqueue_indirect_dma source(%dma_start3A_267 : memref<16x128xf32, #tpu.memory_space<vmem>>) target(%dma_start3A_270 : memref<16400x128xf32, #tpu.memory_space<hbm>>) offsets(%get3A_264 : vector<16xi32>) semaphore(%arg19 : memref<!tpu.dma_semaphore, #tpu.memory_space<semaphore_mem>>)
      %add3A_271 = arith.constant 32 : i32
      %add3A_272 = arith.addi %mul3A_208, %add3A_271 : i32
      %add3A_273 = vector.broadcast %add3A_272 : i32 to vector<16xi32>
      %add3A_274 = arith.addi %add3A_273, %iota3A : vector<16xi32>
      %lt3A_275 = vector.broadcast %scan3A_5 : i32 to vector<16xi32>
      %lt3A_276 = arith.cmpi slt, %add3A_274, %lt3A_275 : vector<16xi32>
      %add3A_277 = arith.constant 32 : i32
      %add3A_278 = vector.broadcast %add3A_277 : i32 to vector<16xi32>
      %add3A_279 = arith.addi %add3A_278, %iota3A : vector<16xi32>
      %scan3A_280 = arith.constant 0 : i32
      %scan3A_281 = arith.constant 32 : i32
      %scan3A_282 = arith.addi %scan3A_280, %scan3A_281 : i32
      %scan3A_283 = arith.constant 1 : i32
      %scan3A_284 = scf.for %scan3A_469 = %scan3A_280 to %scan3A_282 step %scan3A_283 iter_args(%scan3A_470 = %scan3A_259) -> (vector<16xf32>)  : i32 {
        %mul3A_471 = arith.constant 0 : i32
        %mul3A_472 = vector.broadcast %mul3A_471 : i32 to vector<16xi32>
        %mul3A_473 = arith.muli %iota3A, %mul3A_472 : vector<16xi32>
        %mul3A_474 = arith.constant 4 : i32
        %mul3A_475 = arith.muli %scan3A_469, %mul3A_474 : i32
        %add3A_476 = arith.constant 0 : i32
        %add3A_477 = arith.addi %mul3A_475, %add3A_476 : i32
        %add3A_478 = vector.broadcast %add3A_477 : i32 to vector<16xi32>
        %add3A_479 = arith.addi %mul3A_473, %add3A_478 : vector<16xi32>
        %gather3A = tpu.vector_load_idx %arg12[%add3A_279, %add3A_479] : memref<128x128xf32, #tpu.memory_space<vmem>>[vector<16xi32>, vector<16xi32>], vector<16xf32>,
        %gather3A_480 = tpu.vector_load_idx %arg13[%add3A_279, %add3A_479] : memref<128x128xf32, #tpu.memory_space<vmem>>[vector<16xi32>, vector<16xi32>], vector<16xf32>,
        %sub3A_481 = arith.subf %gather3A, %gather3A_480 : vector<16xf32>
        %jit3A_482 = arith.constant 0.000000e+00 : f32
        %broadcast_in_dim3A_483 = vector.broadcast %jit3A_482 : f32 to vector<16xf32>
        %select_n3A_484 = arith.select %lt3A_276, %sub3A_481, %broadcast_in_dim3A_483 : vector<16xi1>, vector<16xf32>
        %mul3A_485 = arith.constant -5.000000e-01 : f32
        %mul3A_486 = vector.broadcast %mul3A_485 : f32 to vector<16xf32>
        %mul3A_487 = arith.mulf %mul3A_486, %select_n3A_484 : vector<16xf32>
        tpu.vector_store_idx %arg14[%add3A_279, %add3A_479], %mul3A_487 : memref<128x128xf32, #tpu.memory_space<vmem>>[vector<16xi32>, vector<16xi32>], vector<16xf32>,
        %mul3A_488 = arith.mulf %select_n3A_484, %select_n3A_484 : vector<16xf32>
        %add3A_489 = arith.addf %scan3A_470, %mul3A_488 : vector<16xf32>
        %mul3A_490 = arith.constant 0 : i32
        %mul3A_491 = vector.broadcast %mul3A_490 : i32 to vector<16xi32>
        %mul3A_492 = arith.muli %iota3A, %mul3A_491 : vector<16xi32>
        %mul3A_493 = arith.constant 4 : i32
        %mul3A_494 = arith.muli %scan3A_469, %mul3A_493 : i32
        %add3A_495 = arith.constant 1 : i32
        %add3A_496 = arith.addi %mul3A_494, %add3A_495 : i32
        %add3A_497 = vector.broadcast %add3A_496 : i32 to vector<16xi32>
        %add3A_498 = arith.addi %mul3A_492, %add3A_497 : vector<16xi32>
        %gather3A_499 = tpu.vector_load_idx %arg12[%add3A_279, %add3A_498] : memref<128x128xf32, #tpu.memory_space<vmem>>[vector<16xi32>, vector<16xi32>], vector<16xf32>,
        %gather3A_500 = tpu.vector_load_idx %arg13[%add3A_279, %add3A_498] : memref<128x128xf32, #tpu.memory_space<vmem>>[vector<16xi32>, vector<16xi32>], vector<16xf32>,
        %sub3A_501 = arith.subf %gather3A_499, %gather3A_500 : vector<16xf32>
        %jit3A_502 = arith.constant 0.000000e+00 : f32
        %broadcast_in_dim3A_503 = vector.broadcast %jit3A_502 : f32 to vector<16xf32>
        %select_n3A_504 = arith.select %lt3A_276, %sub3A_501, %broadcast_in_dim3A_503 : vector<16xi1>, vector<16xf32>
        %mul3A_505 = arith.constant -5.000000e-01 : f32
        %mul3A_506 = vector.broadcast %mul3A_505 : f32 to vector<16xf32>
        %mul3A_507 = arith.mulf %mul3A_506, %select_n3A_504 : vector<16xf32>
        tpu.vector_store_idx %arg14[%add3A_279, %add3A_498], %mul3A_507 : memref<128x128xf32, #tpu.memory_space<vmem>>[vector<16xi32>, vector<16xi32>], vector<16xf32>,
        %mul3A_508 = arith.mulf %select_n3A_504, %select_n3A_504 : vector<16xf32>
        %add3A_509 = arith.addf %add3A_489, %mul3A_508 : vector<16xf32>
        %mul3A_510 = arith.constant 0 : i32
        %mul3A_511 = vector.broadcast %mul3A_510 : i32 to vector<16xi32>
        %mul3A_512 = arith.muli %iota3A, %mul3A_511 : vector<16xi32>
        %mul3A_513 = arith.constant 4 : i32
        %mul3A_514 = arith.muli %scan3A_469, %mul3A_513 : i32
        %add3A_515 = arith.constant 2 : i32
        %add3A_516 = arith.addi %mul3A_514, %add3A_515 : i32
        %add3A_517 = vector.broadcast %add3A_516 : i32 to vector<16xi32>
        %add3A_518 = arith.addi %mul3A_512, %add3A_517 : vector<16xi32>
        %gather3A_519 = tpu.vector_load_idx %arg12[%add3A_279, %add3A_518] : memref<128x128xf32, #tpu.memory_space<vmem>>[vector<16xi32>, vector<16xi32>], vector<16xf32>,
        %gather3A_520 = tpu.vector_load_idx %arg13[%add3A_279, %add3A_518] : memref<128x128xf32, #tpu.memory_space<vmem>>[vector<16xi32>, vector<16xi32>], vector<16xf32>,
        %sub3A_521 = arith.subf %gather3A_519, %gather3A_520 : vector<16xf32>
        %jit3A_522 = arith.constant 0.000000e+00 : f32
        %broadcast_in_dim3A_523 = vector.broadcast %jit3A_522 : f32 to vector<16xf32>
        %select_n3A_524 = arith.select %lt3A_276, %sub3A_521, %broadcast_in_dim3A_523 : vector<16xi1>, vector<16xf32>
        %mul3A_525 = arith.constant -5.000000e-01 : f32
        %mul3A_526 = vector.broadcast %mul3A_525 : f32 to vector<16xf32>
        %mul3A_527 = arith.mulf %mul3A_526, %select_n3A_524 : vector<16xf32>
        tpu.vector_store_idx %arg14[%add3A_279, %add3A_518], %mul3A_527 : memref<128x128xf32, #tpu.memory_space<vmem>>[vector<16xi32>, vector<16xi32>], vector<16xf32>,
        %mul3A_528 = arith.mulf %select_n3A_524, %select_n3A_524 : vector<16xf32>
        %add3A_529 = arith.addf %add3A_509, %mul3A_528 : vector<16xf32>
        %mul3A_530 = arith.constant 0 : i32
        %mul3A_531 = vector.broadcast %mul3A_530 : i32 to vector<16xi32>
        %mul3A_532 = arith.muli %iota3A, %mul3A_531 : vector<16xi32>
        %mul3A_533 = arith.constant 4 : i32
        %mul3A_534 = arith.muli %scan3A_469, %mul3A_533 : i32
        %add3A_535 = arith.constant 3 : i32
        %add3A_536 = arith.addi %mul3A_534, %add3A_535 : i32
        %add3A_537 = vector.broadcast %add3A_536 : i32 to vector<16xi32>
        %add3A_538 = arith.addi %mul3A_532, %add3A_537 : vector<16xi32>
        %gather3A_539 = tpu.vector_load_idx %arg12[%add3A_279, %add3A_538] : memref<128x128xf32, #tpu.memory_space<vmem>>[vector<16xi32>, vector<16xi32>], vector<16xf32>,
        %gather3A_540 = tpu.vector_load_idx %arg13[%add3A_279, %add3A_538] : memref<128x128xf32, #tpu.memory_space<vmem>>[vector<16xi32>, vector<16xi32>], vector<16xf32>,
        %sub3A_541 = arith.subf %gather3A_539, %gather3A_540 : vector<16xf32>
        %jit3A_542 = arith.constant 0.000000e+00 : f32
        %broadcast_in_dim3A_543 = vector.broadcast %jit3A_542 : f32 to vector<16xf32>
        %select_n3A_544 = arith.select %lt3A_276, %sub3A_541, %broadcast_in_dim3A_543 : vector<16xi1>, vector<16xf32>
        %mul3A_545 = arith.constant -5.000000e-01 : f32
        %mul3A_546 = vector.broadcast %mul3A_545 : f32 to vector<16xf32>
        %mul3A_547 = arith.mulf %mul3A_546, %select_n3A_544 : vector<16xf32>
        tpu.vector_store_idx %arg14[%add3A_279, %add3A_538], %mul3A_547 : memref<128x128xf32, #tpu.memory_space<vmem>>[vector<16xi32>, vector<16xi32>], vector<16xf32>,
        %mul3A_548 = arith.mulf %select_n3A_544, %select_n3A_544 : vector<16xf32>
        %add3A_549 = arith.addf %add3A_529, %mul3A_548 : vector<16xf32>
        scf.yield %add3A_549 : vector<16xf32>
      }
      %scan3A_285 = arith.constant 32 : i32
      %add3A_286 = arith.constant 32 : i32
      %add3A_287 = arith.addi %mul3A_208, %add3A_286 : i32
      %get3A_288 = arith.index_cast %add3A_287 : i32 to index
      %get3A_289 = tpu.vector_load %arg11[%get3A_288] {strides = array<i32>} : memref<16640xi32, #tpu.memory_space<vmem>>, vector<16xi32>,
      %dma_start3A_290 = arith.constant 32 : i32
      %dma_start3A_291 = arith.constant 0 : i32
      %dma_start3A_292 = tpu.memref_slice %arg14[%dma_start3A_290, %dma_start3A_291] : memref<128x128xf32, #tpu.memory_space<vmem>> -> memref<16x128xf32, #tpu.memory_space<vmem>>
      %dma_start3A_293 = arith.constant 0 : i32
      %dma_start3A_294 = arith.constant 0 : i32
      %dma_start3A_295 = tpu.memref_slice %arg6[%dma_start3A_293, %dma_start3A_294] : memref<16400x128xf32, #tpu.memory_space<hbm>> -> memref<16400x128xf32, #tpu.memory_space<hbm>>
      tpu.enqueue_indirect_dma source(%dma_start3A_292 : memref<16x128xf32, #tpu.memory_space<vmem>>) target(%dma_start3A_295 : memref<16400x128xf32, #tpu.memory_space<hbm>>) offsets(%get3A_289 : vector<16xi32>) semaphore(%arg19 : memref<!tpu.dma_semaphore, #tpu.memory_space<semaphore_mem>>)
      %add3A_296 = arith.constant 48 : i32
      %add3A_297 = arith.addi %mul3A_208, %add3A_296 : i32
      %add3A_298 = vector.broadcast %add3A_297 : i32 to vector<16xi32>
      %add3A_299 = arith.addi %add3A_298, %iota3A : vector<16xi32>
      %lt3A_300 = vector.broadcast %scan3A_5 : i32 to vector<16xi32>
      %lt3A_301 = arith.cmpi slt, %add3A_299, %lt3A_300 : vector<16xi32>
      %add3A_302 = arith.constant 48 : i32
      %add3A_303 = vector.broadcast %add3A_302 : i32 to vector<16xi32>
      %add3A_304 = arith.addi %add3A_303, %iota3A : vector<16xi32>
      %scan3A_305 = arith.constant 0 : i32
      %scan3A_306 = arith.constant 32 : i32
      %scan3A_307 = arith.addi %scan3A_305, %scan3A_306 : i32
      %scan3A_308 = arith.constant 1 : i32
      %scan3A_309 = scf.for %scan3A_469 = %scan3A_305 to %scan3A_307 step %scan3A_308 iter_args(%scan3A_470 = %scan3A_284) -> (vector<16xf32>)  : i32 {
        %mul3A_471 = arith.constant 0 : i32
        %mul3A_472 = vector.broadcast %mul3A_471 : i32 to vector<16xi32>
        %mul3A_473 = arith.muli %iota3A, %mul3A_472 : vector<16xi32>
        %mul3A_474 = arith.constant 4 : i32
        %mul3A_475 = arith.muli %scan3A_469, %mul3A_474 : i32
        %add3A_476 = arith.constant 0 : i32
        %add3A_477 = arith.addi %mul3A_475, %add3A_476 : i32
        %add3A_478 = vector.broadcast %add3A_477 : i32 to vector<16xi32>
        %add3A_479 = arith.addi %mul3A_473, %add3A_478 : vector<16xi32>
        %gather3A = tpu.vector_load_idx %arg12[%add3A_304, %add3A_479] : memref<128x128xf32, #tpu.memory_space<vmem>>[vector<16xi32>, vector<16xi32>], vector<16xf32>,
        %gather3A_480 = tpu.vector_load_idx %arg13[%add3A_304, %add3A_479] : memref<128x128xf32, #tpu.memory_space<vmem>>[vector<16xi32>, vector<16xi32>], vector<16xf32>,
        %sub3A_481 = arith.subf %gather3A, %gather3A_480 : vector<16xf32>
        %jit3A_482 = arith.constant 0.000000e+00 : f32
        %broadcast_in_dim3A_483 = vector.broadcast %jit3A_482 : f32 to vector<16xf32>
        %select_n3A_484 = arith.select %lt3A_301, %sub3A_481, %broadcast_in_dim3A_483 : vector<16xi1>, vector<16xf32>
        %mul3A_485 = arith.constant -5.000000e-01 : f32
        %mul3A_486 = vector.broadcast %mul3A_485 : f32 to vector<16xf32>
        %mul3A_487 = arith.mulf %mul3A_486, %select_n3A_484 : vector<16xf32>
        tpu.vector_store_idx %arg14[%add3A_304, %add3A_479], %mul3A_487 : memref<128x128xf32, #tpu.memory_space<vmem>>[vector<16xi32>, vector<16xi32>], vector<16xf32>,
        %mul3A_488 = arith.mulf %select_n3A_484, %select_n3A_484 : vector<16xf32>
        %add3A_489 = arith.addf %scan3A_470, %mul3A_488 : vector<16xf32>
        %mul3A_490 = arith.constant 0 : i32
        %mul3A_491 = vector.broadcast %mul3A_490 : i32 to vector<16xi32>
        %mul3A_492 = arith.muli %iota3A, %mul3A_491 : vector<16xi32>
        %mul3A_493 = arith.constant 4 : i32
        %mul3A_494 = arith.muli %scan3A_469, %mul3A_493 : i32
        %add3A_495 = arith.constant 1 : i32
        %add3A_496 = arith.addi %mul3A_494, %add3A_495 : i32
        %add3A_497 = vector.broadcast %add3A_496 : i32 to vector<16xi32>
        %add3A_498 = arith.addi %mul3A_492, %add3A_497 : vector<16xi32>
        %gather3A_499 = tpu.vector_load_idx %arg12[%add3A_304, %add3A_498] : memref<128x128xf32, #tpu.memory_space<vmem>>[vector<16xi32>, vector<16xi32>], vector<16xf32>,
        %gather3A_500 = tpu.vector_load_idx %arg13[%add3A_304, %add3A_498] : memref<128x128xf32, #tpu.memory_space<vmem>>[vector<16xi32>, vector<16xi32>], vector<16xf32>,
        %sub3A_501 = arith.subf %gather3A_499, %gather3A_500 : vector<16xf32>
        %jit3A_502 = arith.constant 0.000000e+00 : f32
        %broadcast_in_dim3A_503 = vector.broadcast %jit3A_502 : f32 to vector<16xf32>
        %select_n3A_504 = arith.select %lt3A_301, %sub3A_501, %broadcast_in_dim3A_503 : vector<16xi1>, vector<16xf32>
        %mul3A_505 = arith.constant -5.000000e-01 : f32
        %mul3A_506 = vector.broadcast %mul3A_505 : f32 to vector<16xf32>
        %mul3A_507 = arith.mulf %mul3A_506, %select_n3A_504 : vector<16xf32>
        tpu.vector_store_idx %arg14[%add3A_304, %add3A_498], %mul3A_507 : memref<128x128xf32, #tpu.memory_space<vmem>>[vector<16xi32>, vector<16xi32>], vector<16xf32>,
        %mul3A_508 = arith.mulf %select_n3A_504, %select_n3A_504 : vector<16xf32>
        %add3A_509 = arith.addf %add3A_489, %mul3A_508 : vector<16xf32>
        %mul3A_510 = arith.constant 0 : i32
        %mul3A_511 = vector.broadcast %mul3A_510 : i32 to vector<16xi32>
        %mul3A_512 = arith.muli %iota3A, %mul3A_511 : vector<16xi32>
        %mul3A_513 = arith.constant 4 : i32
        %mul3A_514 = arith.muli %scan3A_469, %mul3A_513 : i32
        %add3A_515 = arith.constant 2 : i32
        %add3A_516 = arith.addi %mul3A_514, %add3A_515 : i32
        %add3A_517 = vector.broadcast %add3A_516 : i32 to vector<16xi32>
        %add3A_518 = arith.addi %mul3A_512, %add3A_517 : vector<16xi32>
        %gather3A_519 = tpu.vector_load_idx %arg12[%add3A_304, %add3A_518] : memref<128x128xf32, #tpu.memory_space<vmem>>[vector<16xi32>, vector<16xi32>], vector<16xf32>,
        %gather3A_520 = tpu.vector_load_idx %arg13[%add3A_304, %add3A_518] : memref<128x128xf32, #tpu.memory_space<vmem>>[vector<16xi32>, vector<16xi32>], vector<16xf32>,
        %sub3A_521 = arith.subf %gather3A_519, %gather3A_520 : vector<16xf32>
        %jit3A_522 = arith.constant 0.000000e+00 : f32
        %broadcast_in_dim3A_523 = vector.broadcast %jit3A_522 : f32 to vector<16xf32>
        %select_n3A_524 = arith.select %lt3A_301, %sub3A_521, %broadcast_in_dim3A_523 : vector<16xi1>, vector<16xf32>
        %mul3A_525 = arith.constant -5.000000e-01 : f32
        %mul3A_526 = vector.broadcast %mul3A_525 : f32 to vector<16xf32>
        %mul3A_527 = arith.mulf %mul3A_526, %select_n3A_524 : vector<16xf32>
        tpu.vector_store_idx %arg14[%add3A_304, %add3A_518], %mul3A_527 : memref<128x128xf32, #tpu.memory_space<vmem>>[vector<16xi32>, vector<16xi32>], vector<16xf32>,
        %mul3A_528 = arith.mulf %select_n3A_524, %select_n3A_524 : vector<16xf32>
        %add3A_529 = arith.addf %add3A_509, %mul3A_528 : vector<16xf32>
        %mul3A_530 = arith.constant 0 : i32
        %mul3A_531 = vector.broadcast %mul3A_530 : i32 to vector<16xi32>
        %mul3A_532 = arith.muli %iota3A, %mul3A_531 : vector<16xi32>
        %mul3A_533 = arith.constant 4 : i32
        %mul3A_534 = arith.muli %scan3A_469, %mul3A_533 : i32
        %add3A_535 = arith.constant 3 : i32
        %add3A_536 = arith.addi %mul3A_534, %add3A_535 : i32
        %add3A_537 = vector.broadcast %add3A_536 : i32 to vector<16xi32>
        %add3A_538 = arith.addi %mul3A_532, %add3A_537 : vector<16xi32>
        %gather3A_539 = tpu.vector_load_idx %arg12[%add3A_304, %add3A_538] : memref<128x128xf32, #tpu.memory_space<vmem>>[vector<16xi32>, vector<16xi32>], vector<16xf32>,
        %gather3A_540 = tpu.vector_load_idx %arg13[%add3A_304, %add3A_538] : memref<128x128xf32, #tpu.memory_space<vmem>>[vector<16xi32>, vector<16xi32>], vector<16xf32>,
        %sub3A_541 = arith.subf %gather3A_539, %gather3A_540 : vector<16xf32>
        %jit3A_542 = arith.constant 0.000000e+00 : f32
        %broadcast_in_dim3A_543 = vector.broadcast %jit3A_542 : f32 to vector<16xf32>
        %select_n3A_544 = arith.select %lt3A_301, %sub3A_541, %broadcast_in_dim3A_543 : vector<16xi1>, vector<16xf32>
        %mul3A_545 = arith.constant -5.000000e-01 : f32
        %mul3A_546 = vector.broadcast %mul3A_545 : f32 to vector<16xf32>
        %mul3A_547 = arith.mulf %mul3A_546, %select_n3A_544 : vector<16xf32>
        tpu.vector_store_idx %arg14[%add3A_304, %add3A_538], %mul3A_547 : memref<128x128xf32, #tpu.memory_space<vmem>>[vector<16xi32>, vector<16xi32>], vector<16xf32>,
        %mul3A_548 = arith.mulf %select_n3A_544, %select_n3A_544 : vector<16xf32>
        %add3A_549 = arith.addf %add3A_529, %mul3A_548 : vector<16xf32>
        scf.yield %add3A_549 : vector<16xf32>
      }
      %scan3A_310 = arith.constant 32 : i32
      %add3A_311 = arith.constant 48 : i32
      %add3A_312 = arith.addi %mul3A_208, %add3A_311 : i32
      %get3A_313 = arith.index_cast %add3A_312 : i32 to index
      %get3A_314 = tpu.vector_load %arg11[%get3A_313] {strides = array<i32>} : memref<16640xi32, #tpu.memory_space<vmem>>, vector<16xi32>,
      %dma_start3A_315 = arith.constant 48 : i32
      %dma_start3A_316 = arith.constant 0 : i32
      %dma_start3A_317 = tpu.memref_slice %arg14[%dma_start3A_315, %dma_start3A_316] : memref<128x128xf32, #tpu.memory_space<vmem>> -> memref<16x128xf32, #tpu.memory_space<vmem>>
      %dma_start3A_318 = arith.constant 0 : i32
      %dma_start3A_319 = arith.constant 0 : i32
      %dma_start3A_320 = tpu.memref_slice %arg6[%dma_start3A_318, %dma_start3A_319] : memref<16400x128xf32, #tpu.memory_space<hbm>> -> memref<16400x128xf32, #tpu.memory_space<hbm>>
      tpu.enqueue_indirect_dma source(%dma_start3A_317 : memref<16x128xf32, #tpu.memory_space<vmem>>) target(%dma_start3A_320 : memref<16400x128xf32, #tpu.memory_space<hbm>>) offsets(%get3A_314 : vector<16xi32>) semaphore(%arg19 : memref<!tpu.dma_semaphore, #tpu.memory_space<semaphore_mem>>)
      %add3A_321 = arith.constant 64 : i32
      %add3A_322 = arith.addi %mul3A_208, %add3A_321 : i32
      %add3A_323 = vector.broadcast %add3A_322 : i32 to vector<16xi32>
      %add3A_324 = arith.addi %add3A_323, %iota3A : vector<16xi32>
      %lt3A_325 = vector.broadcast %scan3A_5 : i32 to vector<16xi32>
      %lt3A_326 = arith.cmpi slt, %add3A_324, %lt3A_325 : vector<16xi32>
      %add3A_327 = arith.constant 64 : i32
      %add3A_328 = vector.broadcast %add3A_327 : i32 to vector<16xi32>
      %add3A_329 = arith.addi %add3A_328, %iota3A : vector<16xi32>
      %scan3A_330 = arith.constant 0 : i32
      %scan3A_331 = arith.constant 32 : i32
      %scan3A_332 = arith.addi %scan3A_330, %scan3A_331 : i32
      %scan3A_333 = arith.constant 1 : i32
      %scan3A_334 = scf.for %scan3A_469 = %scan3A_330 to %scan3A_332 step %scan3A_333 iter_args(%scan3A_470 = %scan3A_309) -> (vector<16xf32>)  : i32 {
        %mul3A_471 = arith.constant 0 : i32
        %mul3A_472 = vector.broadcast %mul3A_471 : i32 to vector<16xi32>
        %mul3A_473 = arith.muli %iota3A, %mul3A_472 : vector<16xi32>
        %mul3A_474 = arith.constant 4 : i32
        %mul3A_475 = arith.muli %scan3A_469, %mul3A_474 : i32
        %add3A_476 = arith.constant 0 : i32
        %add3A_477 = arith.addi %mul3A_475, %add3A_476 : i32
        %add3A_478 = vector.broadcast %add3A_477 : i32 to vector<16xi32>
        %add3A_479 = arith.addi %mul3A_473, %add3A_478 : vector<16xi32>
        %gather3A = tpu.vector_load_idx %arg12[%add3A_329, %add3A_479] : memref<128x128xf32, #tpu.memory_space<vmem>>[vector<16xi32>, vector<16xi32>], vector<16xf32>,
        %gather3A_480 = tpu.vector_load_idx %arg13[%add3A_329, %add3A_479] : memref<128x128xf32, #tpu.memory_space<vmem>>[vector<16xi32>, vector<16xi32>], vector<16xf32>,
        %sub3A_481 = arith.subf %gather3A, %gather3A_480 : vector<16xf32>
        %jit3A_482 = arith.constant 0.000000e+00 : f32
        %broadcast_in_dim3A_483 = vector.broadcast %jit3A_482 : f32 to vector<16xf32>
        %select_n3A_484 = arith.select %lt3A_326, %sub3A_481, %broadcast_in_dim3A_483 : vector<16xi1>, vector<16xf32>
        %mul3A_485 = arith.constant -5.000000e-01 : f32
        %mul3A_486 = vector.broadcast %mul3A_485 : f32 to vector<16xf32>
        %mul3A_487 = arith.mulf %mul3A_486, %select_n3A_484 : vector<16xf32>
        tpu.vector_store_idx %arg14[%add3A_329, %add3A_479], %mul3A_487 : memref<128x128xf32, #tpu.memory_space<vmem>>[vector<16xi32>, vector<16xi32>], vector<16xf32>,
        %mul3A_488 = arith.mulf %select_n3A_484, %select_n3A_484 : vector<16xf32>
        %add3A_489 = arith.addf %scan3A_470, %mul3A_488 : vector<16xf32>
        %mul3A_490 = arith.constant 0 : i32
        %mul3A_491 = vector.broadcast %mul3A_490 : i32 to vector<16xi32>
        %mul3A_492 = arith.muli %iota3A, %mul3A_491 : vector<16xi32>
        %mul3A_493 = arith.constant 4 : i32
        %mul3A_494 = arith.muli %scan3A_469, %mul3A_493 : i32
        %add3A_495 = arith.constant 1 : i32
        %add3A_496 = arith.addi %mul3A_494, %add3A_495 : i32
        %add3A_497 = vector.broadcast %add3A_496 : i32 to vector<16xi32>
        %add3A_498 = arith.addi %mul3A_492, %add3A_497 : vector<16xi32>
        %gather3A_499 = tpu.vector_load_idx %arg12[%add3A_329, %add3A_498] : memref<128x128xf32, #tpu.memory_space<vmem>>[vector<16xi32>, vector<16xi32>], vector<16xf32>,
        %gather3A_500 = tpu.vector_load_idx %arg13[%add3A_329, %add3A_498] : memref<128x128xf32, #tpu.memory_space<vmem>>[vector<16xi32>, vector<16xi32>], vector<16xf32>,
        %sub3A_501 = arith.subf %gather3A_499, %gather3A_500 : vector<16xf32>
        %jit3A_502 = arith.constant 0.000000e+00 : f32
        %broadcast_in_dim3A_503 = vector.broadcast %jit3A_502 : f32 to vector<16xf32>
        %select_n3A_504 = arith.select %lt3A_326, %sub3A_501, %broadcast_in_dim3A_503 : vector<16xi1>, vector<16xf32>
        %mul3A_505 = arith.constant -5.000000e-01 : f32
        %mul3A_506 = vector.broadcast %mul3A_505 : f32 to vector<16xf32>
        %mul3A_507 = arith.mulf %mul3A_506, %select_n3A_504 : vector<16xf32>
        tpu.vector_store_idx %arg14[%add3A_329, %add3A_498], %mul3A_507 : memref<128x128xf32, #tpu.memory_space<vmem>>[vector<16xi32>, vector<16xi32>], vector<16xf32>,
        %mul3A_508 = arith.mulf %select_n3A_504, %select_n3A_504 : vector<16xf32>
        %add3A_509 = arith.addf %add3A_489, %mul3A_508 : vector<16xf32>
        %mul3A_510 = arith.constant 0 : i32
        %mul3A_511 = vector.broadcast %mul3A_510 : i32 to vector<16xi32>
        %mul3A_512 = arith.muli %iota3A, %mul3A_511 : vector<16xi32>
        %mul3A_513 = arith.constant 4 : i32
        %mul3A_514 = arith.muli %scan3A_469, %mul3A_513 : i32
        %add3A_515 = arith.constant 2 : i32
        %add3A_516 = arith.addi %mul3A_514, %add3A_515 : i32
        %add3A_517 = vector.broadcast %add3A_516 : i32 to vector<16xi32>
        %add3A_518 = arith.addi %mul3A_512, %add3A_517 : vector<16xi32>
        %gather3A_519 = tpu.vector_load_idx %arg12[%add3A_329, %add3A_518] : memref<128x128xf32, #tpu.memory_space<vmem>>[vector<16xi32>, vector<16xi32>], vector<16xf32>,
        %gather3A_520 = tpu.vector_load_idx %arg13[%add3A_329, %add3A_518] : memref<128x128xf32, #tpu.memory_space<vmem>>[vector<16xi32>, vector<16xi32>], vector<16xf32>,
        %sub3A_521 = arith.subf %gather3A_519, %gather3A_520 : vector<16xf32>
        %jit3A_522 = arith.constant 0.000000e+00 : f32
        %broadcast_in_dim3A_523 = vector.broadcast %jit3A_522 : f32 to vector<16xf32>
        %select_n3A_524 = arith.select %lt3A_326, %sub3A_521, %broadcast_in_dim3A_523 : vector<16xi1>, vector<16xf32>
        %mul3A_525 = arith.constant -5.000000e-01 : f32
        %mul3A_526 = vector.broadcast %mul3A_525 : f32 to vector<16xf32>
        %mul3A_527 = arith.mulf %mul3A_526, %select_n3A_524 : vector<16xf32>
        tpu.vector_store_idx %arg14[%add3A_329, %add3A_518], %mul3A_527 : memref<128x128xf32, #tpu.memory_space<vmem>>[vector<16xi32>, vector<16xi32>], vector<16xf32>,
        %mul3A_528 = arith.mulf %select_n3A_524, %select_n3A_524 : vector<16xf32>
        %add3A_529 = arith.addf %add3A_509, %mul3A_528 : vector<16xf32>
        %mul3A_530 = arith.constant 0 : i32
        %mul3A_531 = vector.broadcast %mul3A_530 : i32 to vector<16xi32>
        %mul3A_532 = arith.muli %iota3A, %mul3A_531 : vector<16xi32>
        %mul3A_533 = arith.constant 4 : i32
        %mul3A_534 = arith.muli %scan3A_469, %mul3A_533 : i32
        %add3A_535 = arith.constant 3 : i32
        %add3A_536 = arith.addi %mul3A_534, %add3A_535 : i32
        %add3A_537 = vector.broadcast %add3A_536 : i32 to vector<16xi32>
        %add3A_538 = arith.addi %mul3A_532, %add3A_537 : vector<16xi32>
        %gather3A_539 = tpu.vector_load_idx %arg12[%add3A_329, %add3A_538] : memref<128x128xf32, #tpu.memory_space<vmem>>[vector<16xi32>, vector<16xi32>], vector<16xf32>,
        %gather3A_540 = tpu.vector_load_idx %arg13[%add3A_329, %add3A_538] : memref<128x128xf32, #tpu.memory_space<vmem>>[vector<16xi32>, vector<16xi32>], vector<16xf32>,
        %sub3A_541 = arith.subf %gather3A_539, %gather3A_540 : vector<16xf32>
        %jit3A_542 = arith.constant 0.000000e+00 : f32
        %broadcast_in_dim3A_543 = vector.broadcast %jit3A_542 : f32 to vector<16xf32>
        %select_n3A_544 = arith.select %lt3A_326, %sub3A_541, %broadcast_in_dim3A_543 : vector<16xi1>, vector<16xf32>
        %mul3A_545 = arith.constant -5.000000e-01 : f32
        %mul3A_546 = vector.broadcast %mul3A_545 : f32 to vector<16xf32>
        %mul3A_547 = arith.mulf %mul3A_546, %select_n3A_544 : vector<16xf32>
        tpu.vector_store_idx %arg14[%add3A_329, %add3A_538], %mul3A_547 : memref<128x128xf32, #tpu.memory_space<vmem>>[vector<16xi32>, vector<16xi32>], vector<16xf32>,
        %mul3A_548 = arith.mulf %select_n3A_544, %select_n3A_544 : vector<16xf32>
        %add3A_549 = arith.addf %add3A_529, %mul3A_548 : vector<16xf32>
        scf.yield %add3A_549 : vector<16xf32>
      }
      %scan3A_335 = arith.constant 32 : i32
      %add3A_336 = arith.constant 64 : i32
      %add3A_337 = arith.addi %mul3A_208, %add3A_336 : i32
      %get3A_338 = arith.index_cast %add3A_337 : i32 to index
      %get3A_339 = tpu.vector_load %arg11[%get3A_338] {strides = array<i32>} : memref<16640xi32, #tpu.memory_space<vmem>>, vector<16xi32>,
      %dma_start3A_340 = arith.constant 64 : i32
      %dma_start3A_341 = arith.constant 0 : i32
      %dma_start3A_342 = tpu.memref_slice %arg14[%dma_start3A_340, %dma_start3A_341] : memref<128x128xf32, #tpu.memory_space<vmem>> -> memref<16x128xf32, #tpu.memory_space<vmem>>
      %dma_start3A_343 = arith.constant 0 : i32
      %dma_start3A_344 = arith.constant 0 : i32
      %dma_start3A_345 = tpu.memref_slice %arg6[%dma_start3A_343, %dma_start3A_344] : memref<16400x128xf32, #tpu.memory_space<hbm>> -> memref<16400x128xf32, #tpu.memory_space<hbm>>
      tpu.enqueue_indirect_dma source(%dma_start3A_342 : memref<16x128xf32, #tpu.memory_space<vmem>>) target(%dma_start3A_345 : memref<16400x128xf32, #tpu.memory_space<hbm>>) offsets(%get3A_339 : vector<16xi32>) semaphore(%arg19 : memref<!tpu.dma_semaphore, #tpu.memory_space<semaphore_mem>>)
      %add3A_346 = arith.constant 80 : i32
      %add3A_347 = arith.addi %mul3A_208, %add3A_346 : i32
      %add3A_348 = vector.broadcast %add3A_347 : i32 to vector<16xi32>
      %add3A_349 = arith.addi %add3A_348, %iota3A : vector<16xi32>
      %lt3A_350 = vector.broadcast %scan3A_5 : i32 to vector<16xi32>
      %lt3A_351 = arith.cmpi slt, %add3A_349, %lt3A_350 : vector<16xi32>
      %add3A_352 = arith.constant 80 : i32
      %add3A_353 = vector.broadcast %add3A_352 : i32 to vector<16xi32>
      %add3A_354 = arith.addi %add3A_353, %iota3A : vector<16xi32>
      %scan3A_355 = arith.constant 0 : i32
      %scan3A_356 = arith.constant 32 : i32
      %scan3A_357 = arith.addi %scan3A_355, %scan3A_356 : i32
      %scan3A_358 = arith.constant 1 : i32
      %scan3A_359 = scf.for %scan3A_469 = %scan3A_355 to %scan3A_357 step %scan3A_358 iter_args(%scan3A_470 = %scan3A_334) -> (vector<16xf32>)  : i32 {
        %mul3A_471 = arith.constant 0 : i32
        %mul3A_472 = vector.broadcast %mul3A_471 : i32 to vector<16xi32>
        %mul3A_473 = arith.muli %iota3A, %mul3A_472 : vector<16xi32>
        %mul3A_474 = arith.constant 4 : i32
        %mul3A_475 = arith.muli %scan3A_469, %mul3A_474 : i32
        %add3A_476 = arith.constant 0 : i32
        %add3A_477 = arith.addi %mul3A_475, %add3A_476 : i32
        %add3A_478 = vector.broadcast %add3A_477 : i32 to vector<16xi32>
        %add3A_479 = arith.addi %mul3A_473, %add3A_478 : vector<16xi32>
        %gather3A = tpu.vector_load_idx %arg12[%add3A_354, %add3A_479] : memref<128x128xf32, #tpu.memory_space<vmem>>[vector<16xi32>, vector<16xi32>], vector<16xf32>,
        %gather3A_480 = tpu.vector_load_idx %arg13[%add3A_354, %add3A_479] : memref<128x128xf32, #tpu.memory_space<vmem>>[vector<16xi32>, vector<16xi32>], vector<16xf32>,
        %sub3A_481 = arith.subf %gather3A, %gather3A_480 : vector<16xf32>
        %jit3A_482 = arith.constant 0.000000e+00 : f32
        %broadcast_in_dim3A_483 = vector.broadcast %jit3A_482 : f32 to vector<16xf32>
        %select_n3A_484 = arith.select %lt3A_351, %sub3A_481, %broadcast_in_dim3A_483 : vector<16xi1>, vector<16xf32>
        %mul3A_485 = arith.constant -5.000000e-01 : f32
        %mul3A_486 = vector.broadcast %mul3A_485 : f32 to vector<16xf32>
        %mul3A_487 = arith.mulf %mul3A_486, %select_n3A_484 : vector<16xf32>
        tpu.vector_store_idx %arg14[%add3A_354, %add3A_479], %mul3A_487 : memref<128x128xf32, #tpu.memory_space<vmem>>[vector<16xi32>, vector<16xi32>], vector<16xf32>,
        %mul3A_488 = arith.mulf %select_n3A_484, %select_n3A_484 : vector<16xf32>
        %add3A_489 = arith.addf %scan3A_470, %mul3A_488 : vector<16xf32>
        %mul3A_490 = arith.constant 0 : i32
        %mul3A_491 = vector.broadcast %mul3A_490 : i32 to vector<16xi32>
        %mul3A_492 = arith.muli %iota3A, %mul3A_491 : vector<16xi32>
        %mul3A_493 = arith.constant 4 : i32
        %mul3A_494 = arith.muli %scan3A_469, %mul3A_493 : i32
        %add3A_495 = arith.constant 1 : i32
        %add3A_496 = arith.addi %mul3A_494, %add3A_495 : i32
        %add3A_497 = vector.broadcast %add3A_496 : i32 to vector<16xi32>
        %add3A_498 = arith.addi %mul3A_492, %add3A_497 : vector<16xi32>
        %gather3A_499 = tpu.vector_load_idx %arg12[%add3A_354, %add3A_498] : memref<128x128xf32, #tpu.memory_space<vmem>>[vector<16xi32>, vector<16xi32>], vector<16xf32>,
        %gather3A_500 = tpu.vector_load_idx %arg13[%add3A_354, %add3A_498] : memref<128x128xf32, #tpu.memory_space<vmem>>[vector<16xi32>, vector<16xi32>], vector<16xf32>,
        %sub3A_501 = arith.subf %gather3A_499, %gather3A_500 : vector<16xf32>
        %jit3A_502 = arith.constant 0.000000e+00 : f32
        %broadcast_in_dim3A_503 = vector.broadcast %jit3A_502 : f32 to vector<16xf32>
        %select_n3A_504 = arith.select %lt3A_351, %sub3A_501, %broadcast_in_dim3A_503 : vector<16xi1>, vector<16xf32>
        %mul3A_505 = arith.constant -5.000000e-01 : f32
        %mul3A_506 = vector.broadcast %mul3A_505 : f32 to vector<16xf32>
        %mul3A_507 = arith.mulf %mul3A_506, %select_n3A_504 : vector<16xf32>
        tpu.vector_store_idx %arg14[%add3A_354, %add3A_498], %mul3A_507 : memref<128x128xf32, #tpu.memory_space<vmem>>[vector<16xi32>, vector<16xi32>], vector<16xf32>,
        %mul3A_508 = arith.mulf %select_n3A_504, %select_n3A_504 : vector<16xf32>
        %add3A_509 = arith.addf %add3A_489, %mul3A_508 : vector<16xf32>
        %mul3A_510 = arith.constant 0 : i32
        %mul3A_511 = vector.broadcast %mul3A_510 : i32 to vector<16xi32>
        %mul3A_512 = arith.muli %iota3A, %mul3A_511 : vector<16xi32>
        %mul3A_513 = arith.constant 4 : i32
        %mul3A_514 = arith.muli %scan3A_469, %mul3A_513 : i32
        %add3A_515 = arith.constant 2 : i32
        %add3A_516 = arith.addi %mul3A_514, %add3A_515 : i32
        %add3A_517 = vector.broadcast %add3A_516 : i32 to vector<16xi32>
        %add3A_518 = arith.addi %mul3A_512, %add3A_517 : vector<16xi32>
        %gather3A_519 = tpu.vector_load_idx %arg12[%add3A_354, %add3A_518] : memref<128x128xf32, #tpu.memory_space<vmem>>[vector<16xi32>, vector<16xi32>], vector<16xf32>,
        %gather3A_520 = tpu.vector_load_idx %arg13[%add3A_354, %add3A_518] : memref<128x128xf32, #tpu.memory_space<vmem>>[vector<16xi32>, vector<16xi32>], vector<16xf32>,
        %sub3A_521 = arith.subf %gather3A_519, %gather3A_520 : vector<16xf32>
        %jit3A_522 = arith.constant 0.000000e+00 : f32
        %broadcast_in_dim3A_523 = vector.broadcast %jit3A_522 : f32 to vector<16xf32>
        %select_n3A_524 = arith.select %lt3A_351, %sub3A_521, %broadcast_in_dim3A_523 : vector<16xi1>, vector<16xf32>
        %mul3A_525 = arith.constant -5.000000e-01 : f32
        %mul3A_526 = vector.broadcast %mul3A_525 : f32 to vector<16xf32>
        %mul3A_527 = arith.mulf %mul3A_526, %select_n3A_524 : vector<16xf32>
        tpu.vector_store_idx %arg14[%add3A_354, %add3A_518], %mul3A_527 : memref<128x128xf32, #tpu.memory_space<vmem>>[vector<16xi32>, vector<16xi32>], vector<16xf32>,
        %mul3A_528 = arith.mulf %select_n3A_524, %select_n3A_524 : vector<16xf32>
        %add3A_529 = arith.addf %add3A_509, %mul3A_528 : vector<16xf32>
        %mul3A_530 = arith.constant 0 : i32
        %mul3A_531 = vector.broadcast %mul3A_530 : i32 to vector<16xi32>
        %mul3A_532 = arith.muli %iota3A, %mul3A_531 : vector<16xi32>
        %mul3A_533 = arith.constant 4 : i32
        %mul3A_534 = arith.muli %scan3A_469, %mul3A_533 : i32
        %add3A_535 = arith.constant 3 : i32
        %add3A_536 = arith.addi %mul3A_534, %add3A_535 : i32
        %add3A_537 = vector.broadcast %add3A_536 : i32 to vector<16xi32>
        %add3A_538 = arith.addi %mul3A_532, %add3A_537 : vector<16xi32>
        %gather3A_539 = tpu.vector_load_idx %arg12[%add3A_354, %add3A_538] : memref<128x128xf32, #tpu.memory_space<vmem>>[vector<16xi32>, vector<16xi32>], vector<16xf32>,
        %gather3A_540 = tpu.vector_load_idx %arg13[%add3A_354, %add3A_538] : memref<128x128xf32, #tpu.memory_space<vmem>>[vector<16xi32>, vector<16xi32>], vector<16xf32>,
        %sub3A_541 = arith.subf %gather3A_539, %gather3A_540 : vector<16xf32>
        %jit3A_542 = arith.constant 0.000000e+00 : f32
        %broadcast_in_dim3A_543 = vector.broadcast %jit3A_542 : f32 to vector<16xf32>
        %select_n3A_544 = arith.select %lt3A_351, %sub3A_541, %broadcast_in_dim3A_543 : vector<16xi1>, vector<16xf32>
        %mul3A_545 = arith.constant -5.000000e-01 : f32
        %mul3A_546 = vector.broadcast %mul3A_545 : f32 to vector<16xf32>
        %mul3A_547 = arith.mulf %mul3A_546, %select_n3A_544 : vector<16xf32>
        tpu.vector_store_idx %arg14[%add3A_354, %add3A_538], %mul3A_547 : memref<128x128xf32, #tpu.memory_space<vmem>>[vector<16xi32>, vector<16xi32>], vector<16xf32>,
        %mul3A_548 = arith.mulf %select_n3A_544, %select_n3A_544 : vector<16xf32>
        %add3A_549 = arith.addf %add3A_529, %mul3A_548 : vector<16xf32>
        scf.yield %add3A_549 : vector<16xf32>
      }
      %scan3A_360 = arith.constant 32 : i32
      %add3A_361 = arith.constant 80 : i32
      %add3A_362 = arith.addi %mul3A_208, %add3A_361 : i32
      %get3A_363 = arith.index_cast %add3A_362 : i32 to index
      %get3A_364 = tpu.vector_load %arg11[%get3A_363] {strides = array<i32>} : memref<16640xi32, #tpu.memory_space<vmem>>, vector<16xi32>,
      %dma_start3A_365 = arith.constant 80 : i32
      %dma_start3A_366 = arith.constant 0 : i32
      %dma_start3A_367 = tpu.memref_slice %arg14[%dma_start3A_365, %dma_start3A_366] : memref<128x128xf32, #tpu.memory_space<vmem>> -> memref<16x128xf32, #tpu.memory_space<vmem>>
      %dma_start3A_368 = arith.constant 0 : i32
      %dma_start3A_369 = arith.constant 0 : i32
      %dma_start3A_370 = tpu.memref_slice %arg6[%dma_start3A_368, %dma_start3A_369] : memref<16400x128xf32, #tpu.memory_space<hbm>> -> memref<16400x128xf32, #tpu.memory_space<hbm>>
      tpu.enqueue_indirect_dma source(%dma_start3A_367 : memref<16x128xf32, #tpu.memory_space<vmem>>) target(%dma_start3A_370 : memref<16400x128xf32, #tpu.memory_space<hbm>>) offsets(%get3A_364 : vector<16xi32>) semaphore(%arg19 : memref<!tpu.dma_semaphore, #tpu.memory_space<semaphore_mem>>)
      %add3A_371 = arith.constant 96 : i32
      %add3A_372 = arith.addi %mul3A_208, %add3A_371 : i32
      %add3A_373 = vector.broadcast %add3A_372 : i32 to vector<16xi32>
      %add3A_374 = arith.addi %add3A_373, %iota3A : vector<16xi32>
      %lt3A_375 = vector.broadcast %scan3A_5 : i32 to vector<16xi32>
      %lt3A_376 = arith.cmpi slt, %add3A_374, %lt3A_375 : vector<16xi32>
      %add3A_377 = arith.constant 96 : i32
      %add3A_378 = vector.broadcast %add3A_377 : i32 to vector<16xi32>
      %add3A_379 = arith.addi %add3A_378, %iota3A : vector<16xi32>
      %scan3A_380 = arith.constant 0 : i32
      %scan3A_381 = arith.constant 32 : i32
      %scan3A_382 = arith.addi %scan3A_380, %scan3A_381 : i32
      %scan3A_383 = arith.constant 1 : i32
      %scan3A_384 = scf.for %scan3A_469 = %scan3A_380 to %scan3A_382 step %scan3A_383 iter_args(%scan3A_470 = %scan3A_359) -> (vector<16xf32>)  : i32 {
        %mul3A_471 = arith.constant 0 : i32
        %mul3A_472 = vector.broadcast %mul3A_471 : i32 to vector<16xi32>
        %mul3A_473 = arith.muli %iota3A, %mul3A_472 : vector<16xi32>
        %mul3A_474 = arith.constant 4 : i32
        %mul3A_475 = arith.muli %scan3A_469, %mul3A_474 : i32
        %add3A_476 = arith.constant 0 : i32
        %add3A_477 = arith.addi %mul3A_475, %add3A_476 : i32
        %add3A_478 = vector.broadcast %add3A_477 : i32 to vector<16xi32>
        %add3A_479 = arith.addi %mul3A_473, %add3A_478 : vector<16xi32>
        %gather3A = tpu.vector_load_idx %arg12[%add3A_379, %add3A_479] : memref<128x128xf32, #tpu.memory_space<vmem>>[vector<16xi32>, vector<16xi32>], vector<16xf32>,
        %gather3A_480 = tpu.vector_load_idx %arg13[%add3A_379, %add3A_479] : memref<128x128xf32, #tpu.memory_space<vmem>>[vector<16xi32>, vector<16xi32>], vector<16xf32>,
        %sub3A_481 = arith.subf %gather3A, %gather3A_480 : vector<16xf32>
        %jit3A_482 = arith.constant 0.000000e+00 : f32
        %broadcast_in_dim3A_483 = vector.broadcast %jit3A_482 : f32 to vector<16xf32>
        %select_n3A_484 = arith.select %lt3A_376, %sub3A_481, %broadcast_in_dim3A_483 : vector<16xi1>, vector<16xf32>
        %mul3A_485 = arith.constant -5.000000e-01 : f32
        %mul3A_486 = vector.broadcast %mul3A_485 : f32 to vector<16xf32>
        %mul3A_487 = arith.mulf %mul3A_486, %select_n3A_484 : vector<16xf32>
        tpu.vector_store_idx %arg14[%add3A_379, %add3A_479], %mul3A_487 : memref<128x128xf32, #tpu.memory_space<vmem>>[vector<16xi32>, vector<16xi32>], vector<16xf32>,
        %mul3A_488 = arith.mulf %select_n3A_484, %select_n3A_484 : vector<16xf32>
        %add3A_489 = arith.addf %scan3A_470, %mul3A_488 : vector<16xf32>
        %mul3A_490 = arith.constant 0 : i32
        %mul3A_491 = vector.broadcast %mul3A_490 : i32 to vector<16xi32>
        %mul3A_492 = arith.muli %iota3A, %mul3A_491 : vector<16xi32>
        %mul3A_493 = arith.constant 4 : i32
        %mul3A_494 = arith.muli %scan3A_469, %mul3A_493 : i32
        %add3A_495 = arith.constant 1 : i32
        %add3A_496 = arith.addi %mul3A_494, %add3A_495 : i32
        %add3A_497 = vector.broadcast %add3A_496 : i32 to vector<16xi32>
        %add3A_498 = arith.addi %mul3A_492, %add3A_497 : vector<16xi32>
        %gather3A_499 = tpu.vector_load_idx %arg12[%add3A_379, %add3A_498] : memref<128x128xf32, #tpu.memory_space<vmem>>[vector<16xi32>, vector<16xi32>], vector<16xf32>,
        %gather3A_500 = tpu.vector_load_idx %arg13[%add3A_379, %add3A_498] : memref<128x128xf32, #tpu.memory_space<vmem>>[vector<16xi32>, vector<16xi32>], vector<16xf32>,
        %sub3A_501 = arith.subf %gather3A_499, %gather3A_500 : vector<16xf32>
        %jit3A_502 = arith.constant 0.000000e+00 : f32
        %broadcast_in_dim3A_503 = vector.broadcast %jit3A_502 : f32 to vector<16xf32>
        %select_n3A_504 = arith.select %lt3A_376, %sub3A_501, %broadcast_in_dim3A_503 : vector<16xi1>, vector<16xf32>
        %mul3A_505 = arith.constant -5.000000e-01 : f32
        %mul3A_506 = vector.broadcast %mul3A_505 : f32 to vector<16xf32>
        %mul3A_507 = arith.mulf %mul3A_506, %select_n3A_504 : vector<16xf32>
        tpu.vector_store_idx %arg14[%add3A_379, %add3A_498], %mul3A_507 : memref<128x128xf32, #tpu.memory_space<vmem>>[vector<16xi32>, vector<16xi32>], vector<16xf32>,
        %mul3A_508 = arith.mulf %select_n3A_504, %select_n3A_504 : vector<16xf32>
        %add3A_509 = arith.addf %add3A_489, %mul3A_508 : vector<16xf32>
        %mul3A_510 = arith.constant 0 : i32
        %mul3A_511 = vector.broadcast %mul3A_510 : i32 to vector<16xi32>
        %mul3A_512 = arith.muli %iota3A, %mul3A_511 : vector<16xi32>
        %mul3A_513 = arith.constant 4 : i32
        %mul3A_514 = arith.muli %scan3A_469, %mul3A_513 : i32
        %add3A_515 = arith.constant 2 : i32
        %add3A_516 = arith.addi %mul3A_514, %add3A_515 : i32
        %add3A_517 = vector.broadcast %add3A_516 : i32 to vector<16xi32>
        %add3A_518 = arith.addi %mul3A_512, %add3A_517 : vector<16xi32>
        %gather3A_519 = tpu.vector_load_idx %arg12[%add3A_379, %add3A_518] : memref<128x128xf32, #tpu.memory_space<vmem>>[vector<16xi32>, vector<16xi32>], vector<16xf32>,
        %gather3A_520 = tpu.vector_load_idx %arg13[%add3A_379, %add3A_518] : memref<128x128xf32, #tpu.memory_space<vmem>>[vector<16xi32>, vector<16xi32>], vector<16xf32>,
        %sub3A_521 = arith.subf %gather3A_519, %gather3A_520 : vector<16xf32>
        %jit3A_522 = arith.constant 0.000000e+00 : f32
        %broadcast_in_dim3A_523 = vector.broadcast %jit3A_522 : f32 to vector<16xf32>
        %select_n3A_524 = arith.select %lt3A_376, %sub3A_521, %broadcast_in_dim3A_523 : vector<16xi1>, vector<16xf32>
        %mul3A_525 = arith.constant -5.000000e-01 : f32
        %mul3A_526 = vector.broadcast %mul3A_525 : f32 to vector<16xf32>
        %mul3A_527 = arith.mulf %mul3A_526, %select_n3A_524 : vector<16xf32>
        tpu.vector_store_idx %arg14[%add3A_379, %add3A_518], %mul3A_527 : memref<128x128xf32, #tpu.memory_space<vmem>>[vector<16xi32>, vector<16xi32>], vector<16xf32>,
        %mul3A_528 = arith.mulf %select_n3A_524, %select_n3A_524 : vector<16xf32>
        %add3A_529 = arith.addf %add3A_509, %mul3A_528 : vector<16xf32>
        %mul3A_530 = arith.constant 0 : i32
        %mul3A_531 = vector.broadcast %mul3A_530 : i32 to vector<16xi32>
        %mul3A_532 = arith.muli %iota3A, %mul3A_531 : vector<16xi32>
        %mul3A_533 = arith.constant 4 : i32
        %mul3A_534 = arith.muli %scan3A_469, %mul3A_533 : i32
        %add3A_535 = arith.constant 3 : i32
        %add3A_536 = arith.addi %mul3A_534, %add3A_535 : i32
        %add3A_537 = vector.broadcast %add3A_536 : i32 to vector<16xi32>
        %add3A_538 = arith.addi %mul3A_532, %add3A_537 : vector<16xi32>
        %gather3A_539 = tpu.vector_load_idx %arg12[%add3A_379, %add3A_538] : memref<128x128xf32, #tpu.memory_space<vmem>>[vector<16xi32>, vector<16xi32>], vector<16xf32>,
        %gather3A_540 = tpu.vector_load_idx %arg13[%add3A_379, %add3A_538] : memref<128x128xf32, #tpu.memory_space<vmem>>[vector<16xi32>, vector<16xi32>], vector<16xf32>,
        %sub3A_541 = arith.subf %gather3A_539, %gather3A_540 : vector<16xf32>
        %jit3A_542 = arith.constant 0.000000e+00 : f32
        %broadcast_in_dim3A_543 = vector.broadcast %jit3A_542 : f32 to vector<16xf32>
        %select_n3A_544 = arith.select %lt3A_376, %sub3A_541, %broadcast_in_dim3A_543 : vector<16xi1>, vector<16xf32>
        %mul3A_545 = arith.constant -5.000000e-01 : f32
        %mul3A_546 = vector.broadcast %mul3A_545 : f32 to vector<16xf32>
        %mul3A_547 = arith.mulf %mul3A_546, %select_n3A_544 : vector<16xf32>
        tpu.vector_store_idx %arg14[%add3A_379, %add3A_538], %mul3A_547 : memref<128x128xf32, #tpu.memory_space<vmem>>[vector<16xi32>, vector<16xi32>], vector<16xf32>,
        %mul3A_548 = arith.mulf %select_n3A_544, %select_n3A_544 : vector<16xf32>
        %add3A_549 = arith.addf %add3A_529, %mul3A_548 : vector<16xf32>
        scf.yield %add3A_549 : vector<16xf32>
      }
      %scan3A_385 = arith.constant 32 : i32
      %add3A_386 = arith.constant 96 : i32
      %add3A_387 = arith.addi %mul3A_208, %add3A_386 : i32
      %get3A_388 = arith.index_cast %add3A_387 : i32 to index
      %get3A_389 = tpu.vector_load %arg11[%get3A_388] {strides = array<i32>} : memref<16640xi32, #tpu.memory_space<vmem>>, vector<16xi32>,
      %dma_start3A_390 = arith.constant 96 : i32
      %dma_start3A_391 = arith.constant 0 : i32
      %dma_start3A_392 = tpu.memref_slice %arg14[%dma_start3A_390, %dma_start3A_391] : memref<128x128xf32, #tpu.memory_space<vmem>> -> memref<16x128xf32, #tpu.memory_space<vmem>>
      %dma_start3A_393 = arith.constant 0 : i32
      %dma_start3A_394 = arith.constant 0 : i32
      %dma_start3A_395 = tpu.memref_slice %arg6[%dma_start3A_393, %dma_start3A_394] : memref<16400x128xf32, #tpu.memory_space<hbm>> -> memref<16400x128xf32, #tpu.memory_space<hbm>>
      tpu.enqueue_indirect_dma source(%dma_start3A_392 : memref<16x128xf32, #tpu.memory_space<vmem>>) target(%dma_start3A_395 : memref<16400x128xf32, #tpu.memory_space<hbm>>) offsets(%get3A_389 : vector<16xi32>) semaphore(%arg19 : memref<!tpu.dma_semaphore, #tpu.memory_space<semaphore_mem>>)
      %add3A_396 = arith.constant 112 : i32
      %add3A_397 = arith.addi %mul3A_208, %add3A_396 : i32
      %add3A_398 = vector.broadcast %add3A_397 : i32 to vector<16xi32>
      %add3A_399 = arith.addi %add3A_398, %iota3A : vector<16xi32>
      %lt3A_400 = vector.broadcast %scan3A_5 : i32 to vector<16xi32>
      %lt3A_401 = arith.cmpi slt, %add3A_399, %lt3A_400 : vector<16xi32>
      %add3A_402 = arith.constant 112 : i32
      %add3A_403 = vector.broadcast %add3A_402 : i32 to vector<16xi32>
      %add3A_404 = arith.addi %add3A_403, %iota3A : vector<16xi32>
      %scan3A_405 = arith.constant 0 : i32
      %scan3A_406 = arith.constant 32 : i32
      %scan3A_407 = arith.addi %scan3A_405, %scan3A_406 : i32
      %scan3A_408 = arith.constant 1 : i32
      %scan3A_409 = scf.for %scan3A_469 = %scan3A_405 to %scan3A_407 step %scan3A_408 iter_args(%scan3A_470 = %scan3A_384) -> (vector<16xf32>)  : i32 {
        %mul3A_471 = arith.constant 0 : i32
        %mul3A_472 = vector.broadcast %mul3A_471 : i32 to vector<16xi32>
        %mul3A_473 = arith.muli %iota3A, %mul3A_472 : vector<16xi32>
        %mul3A_474 = arith.constant 4 : i32
        %mul3A_475 = arith.muli %scan3A_469, %mul3A_474 : i32
        %add3A_476 = arith.constant 0 : i32
        %add3A_477 = arith.addi %mul3A_475, %add3A_476 : i32
        %add3A_478 = vector.broadcast %add3A_477 : i32 to vector<16xi32>
        %add3A_479 = arith.addi %mul3A_473, %add3A_478 : vector<16xi32>
        %gather3A = tpu.vector_load_idx %arg12[%add3A_404, %add3A_479] : memref<128x128xf32, #tpu.memory_space<vmem>>[vector<16xi32>, vector<16xi32>], vector<16xf32>,
        %gather3A_480 = tpu.vector_load_idx %arg13[%add3A_404, %add3A_479] : memref<128x128xf32, #tpu.memory_space<vmem>>[vector<16xi32>, vector<16xi32>], vector<16xf32>,
        %sub3A_481 = arith.subf %gather3A, %gather3A_480 : vector<16xf32>
        %jit3A_482 = arith.constant 0.000000e+00 : f32
        %broadcast_in_dim3A_483 = vector.broadcast %jit3A_482 : f32 to vector<16xf32>
        %select_n3A_484 = arith.select %lt3A_401, %sub3A_481, %broadcast_in_dim3A_483 : vector<16xi1>, vector<16xf32>
        %mul3A_485 = arith.constant -5.000000e-01 : f32
        %mul3A_486 = vector.broadcast %mul3A_485 : f32 to vector<16xf32>
        %mul3A_487 = arith.mulf %mul3A_486, %select_n3A_484 : vector<16xf32>
        tpu.vector_store_idx %arg14[%add3A_404, %add3A_479], %mul3A_487 : memref<128x128xf32, #tpu.memory_space<vmem>>[vector<16xi32>, vector<16xi32>], vector<16xf32>,
        %mul3A_488 = arith.mulf %select_n3A_484, %select_n3A_484 : vector<16xf32>
        %add3A_489 = arith.addf %scan3A_470, %mul3A_488 : vector<16xf32>
        %mul3A_490 = arith.constant 0 : i32
        %mul3A_491 = vector.broadcast %mul3A_490 : i32 to vector<16xi32>
        %mul3A_492 = arith.muli %iota3A, %mul3A_491 : vector<16xi32>
        %mul3A_493 = arith.constant 4 : i32
        %mul3A_494 = arith.muli %scan3A_469, %mul3A_493 : i32
        %add3A_495 = arith.constant 1 : i32
        %add3A_496 = arith.addi %mul3A_494, %add3A_495 : i32
        %add3A_497 = vector.broadcast %add3A_496 : i32 to vector<16xi32>
        %add3A_498 = arith.addi %mul3A_492, %add3A_497 : vector<16xi32>
        %gather3A_499 = tpu.vector_load_idx %arg12[%add3A_404, %add3A_498] : memref<128x128xf32, #tpu.memory_space<vmem>>[vector<16xi32>, vector<16xi32>], vector<16xf32>,
        %gather3A_500 = tpu.vector_load_idx %arg13[%add3A_404, %add3A_498] : memref<128x128xf32, #tpu.memory_space<vmem>>[vector<16xi32>, vector<16xi32>], vector<16xf32>,
        %sub3A_501 = arith.subf %gather3A_499, %gather3A_500 : vector<16xf32>
        %jit3A_502 = arith.constant 0.000000e+00 : f32
        %broadcast_in_dim3A_503 = vector.broadcast %jit3A_502 : f32 to vector<16xf32>
        %select_n3A_504 = arith.select %lt3A_401, %sub3A_501, %broadcast_in_dim3A_503 : vector<16xi1>, vector<16xf32>
        %mul3A_505 = arith.constant -5.000000e-01 : f32
        %mul3A_506 = vector.broadcast %mul3A_505 : f32 to vector<16xf32>
        %mul3A_507 = arith.mulf %mul3A_506, %select_n3A_504 : vector<16xf32>
        tpu.vector_store_idx %arg14[%add3A_404, %add3A_498], %mul3A_507 : memref<128x128xf32, #tpu.memory_space<vmem>>[vector<16xi32>, vector<16xi32>], vector<16xf32>,
        %mul3A_508 = arith.mulf %select_n3A_504, %select_n3A_504 : vector<16xf32>
        %add3A_509 = arith.addf %add3A_489, %mul3A_508 : vector<16xf32>
        %mul3A_510 = arith.constant 0 : i32
        %mul3A_511 = vector.broadcast %mul3A_510 : i32 to vector<16xi32>
        %mul3A_512 = arith.muli %iota3A, %mul3A_511 : vector<16xi32>
        %mul3A_513 = arith.constant 4 : i32
        %mul3A_514 = arith.muli %scan3A_469, %mul3A_513 : i32
        %add3A_515 = arith.constant 2 : i32
        %add3A_516 = arith.addi %mul3A_514, %add3A_515 : i32
        %add3A_517 = vector.broadcast %add3A_516 : i32 to vector<16xi32>
        %add3A_518 = arith.addi %mul3A_512, %add3A_517 : vector<16xi32>
        %gather3A_519 = tpu.vector_load_idx %arg12[%add3A_404, %add3A_518] : memref<128x128xf32, #tpu.memory_space<vmem>>[vector<16xi32>, vector<16xi32>], vector<16xf32>,
        %gather3A_520 = tpu.vector_load_idx %arg13[%add3A_404, %add3A_518] : memref<128x128xf32, #tpu.memory_space<vmem>>[vector<16xi32>, vector<16xi32>], vector<16xf32>,
        %sub3A_521 = arith.subf %gather3A_519, %gather3A_520 : vector<16xf32>
        %jit3A_522 = arith.constant 0.000000e+00 : f32
        %broadcast_in_dim3A_523 = vector.broadcast %jit3A_522 : f32 to vector<16xf32>
        %select_n3A_524 = arith.select %lt3A_401, %sub3A_521, %broadcast_in_dim3A_523 : vector<16xi1>, vector<16xf32>
        %mul3A_525 = arith.constant -5.000000e-01 : f32
        %mul3A_526 = vector.broadcast %mul3A_525 : f32 to vector<16xf32>
        %mul3A_527 = arith.mulf %mul3A_526, %select_n3A_524 : vector<16xf32>
        tpu.vector_store_idx %arg14[%add3A_404, %add3A_518], %mul3A_527 : memref<128x128xf32, #tpu.memory_space<vmem>>[vector<16xi32>, vector<16xi32>], vector<16xf32>,
        %mul3A_528 = arith.mulf %select_n3A_524, %select_n3A_524 : vector<16xf32>
        %add3A_529 = arith.addf %add3A_509, %mul3A_528 : vector<16xf32>
        %mul3A_530 = arith.constant 0 : i32
        %mul3A_531 = vector.broadcast %mul3A_530 : i32 to vector<16xi32>
        %mul3A_532 = arith.muli %iota3A, %mul3A_531 : vector<16xi32>
        %mul3A_533 = arith.constant 4 : i32
        %mul3A_534 = arith.muli %scan3A_469, %mul3A_533 : i32
        %add3A_535 = arith.constant 3 : i32
        %add3A_536 = arith.addi %mul3A_534, %add3A_535 : i32
        %add3A_537 = vector.broadcast %add3A_536 : i32 to vector<16xi32>
        %add3A_538 = arith.addi %mul3A_532, %add3A_537 : vector<16xi32>
        %gather3A_539 = tpu.vector_load_idx %arg12[%add3A_404, %add3A_538] : memref<128x128xf32, #tpu.memory_space<vmem>>[vector<16xi32>, vector<16xi32>], vector<16xf32>,
        %gather3A_540 = tpu.vector_load_idx %arg13[%add3A_404, %add3A_538] : memref<128x128xf32, #tpu.memory_space<vmem>>[vector<16xi32>, vector<16xi32>], vector<16xf32>,
        %sub3A_541 = arith.subf %gather3A_539, %gather3A_540 : vector<16xf32>
        %jit3A_542 = arith.constant 0.000000e+00 : f32
        %broadcast_in_dim3A_543 = vector.broadcast %jit3A_542 : f32 to vector<16xf32>
        %select_n3A_544 = arith.select %lt3A_401, %sub3A_541, %broadcast_in_dim3A_543 : vector<16xi1>, vector<16xf32>
        %mul3A_545 = arith.constant -5.000000e-01 : f32
        %mul3A_546 = vector.broadcast %mul3A_545 : f32 to vector<16xf32>
        %mul3A_547 = arith.mulf %mul3A_546, %select_n3A_544 : vector<16xf32>
        tpu.vector_store_idx %arg14[%add3A_404, %add3A_538], %mul3A_547 : memref<128x128xf32, #tpu.memory_space<vmem>>[vector<16xi32>, vector<16xi32>], vector<16xf32>,
        %mul3A_548 = arith.mulf %select_n3A_544, %select_n3A_544 : vector<16xf32>
        %add3A_549 = arith.addf %add3A_529, %mul3A_548 : vector<16xf32>
        scf.yield %add3A_549 : vector<16xf32>
      }
      %scan3A_410 = arith.constant 32 : i32
      %add3A_411 = arith.constant 112 : i32
      %add3A_412 = arith.addi %mul3A_208, %add3A_411 : i32
      %get3A_413 = arith.index_cast %add3A_412 : i32 to index
      %get3A_414 = tpu.vector_load %arg11[%get3A_413] {strides = array<i32>} : memref<16640xi32, #tpu.memory_space<vmem>>, vector<16xi32>,
      %dma_start3A_415 = arith.constant 112 : i32
      %dma_start3A_416 = arith.constant 0 : i32
      %dma_start3A_417 = tpu.memref_slice %arg14[%dma_start3A_415, %dma_start3A_416] : memref<128x128xf32, #tpu.memory_space<vmem>> -> memref<16x128xf32, #tpu.memory_space<vmem>>
      %dma_start3A_418 = arith.constant 0 : i32
      %dma_start3A_419 = arith.constant 0 : i32
      %dma_start3A_420 = tpu.memref_slice %arg6[%dma_start3A_418, %dma_start3A_419] : memref<16400x128xf32, #tpu.memory_space<hbm>> -> memref<16400x128xf32, #tpu.memory_space<hbm>>
      tpu.enqueue_indirect_dma source(%dma_start3A_417 : memref<16x128xf32, #tpu.memory_space<vmem>>) target(%dma_start3A_420 : memref<16400x128xf32, #tpu.memory_space<hbm>>) offsets(%get3A_414 : vector<16xi32>) semaphore(%arg19 : memref<!tpu.dma_semaphore, #tpu.memory_space<semaphore_mem>>)
      %dma_wait3A_421 = arith.constant 0 : i32
      %dma_wait3A_422 = arith.constant 0 : i32
      %dma_wait3A_423 = tpu.memref_slice %arg14[%dma_wait3A_421, %dma_wait3A_422] : memref<128x128xf32, #tpu.memory_space<vmem>> -> memref<16x128xf32, #tpu.memory_space<vmem>>
      %dma_wait3A_424 = arith.constant 0 : i32
      %dma_wait3A_425 = arith.constant 0 : i32
      %dma_wait3A_426 = tpu.memref_slice %arg6[%dma_wait3A_424, %dma_wait3A_425] : memref<16400x128xf32, #tpu.memory_space<hbm>> -> memref<16400x128xf32, #tpu.memory_space<hbm>>
      tpu.wait_indirect_dma semaphore(%arg19 : memref<!tpu.dma_semaphore, #tpu.memory_space<semaphore_mem>>) src(%dma_wait3A_423 : memref<16x128xf32, #tpu.memory_space<vmem>>) dst(%dma_wait3A_426 : memref<16400x128xf32, #tpu.memory_space<hbm>>)
      %dma_wait3A_427 = arith.constant 16 : i32
      %dma_wait3A_428 = arith.constant 0 : i32
      %dma_wait3A_429 = tpu.memref_slice %arg14[%dma_wait3A_427, %dma_wait3A_428] : memref<128x128xf32, #tpu.memory_space<vmem>> -> memref<16x128xf32, #tpu.memory_space<vmem>>
      %dma_wait3A_430 = arith.constant 0 : i32
      %dma_wait3A_431 = arith.constant 0 : i32
      %dma_wait3A_432 = tpu.memref_slice %arg6[%dma_wait3A_430, %dma_wait3A_431] : memref<16400x128xf32, #tpu.memory_space<hbm>> -> memref<16400x128xf32, #tpu.memory_space<hbm>>
      tpu.wait_indirect_dma semaphore(%arg19 : memref<!tpu.dma_semaphore, #tpu.memory_space<semaphore_mem>>) src(%dma_wait3A_429 : memref<16x128xf32, #tpu.memory_space<vmem>>) dst(%dma_wait3A_432 : memref<16400x128xf32, #tpu.memory_space<hbm>>)
      %dma_wait3A_433 = arith.constant 32 : i32
      %dma_wait3A_434 = arith.constant 0 : i32
      %dma_wait3A_435 = tpu.memref_slice %arg14[%dma_wait3A_433, %dma_wait3A_434] : memref<128x128xf32, #tpu.memory_space<vmem>> -> memref<16x128xf32, #tpu.memory_space<vmem>>
      %dma_wait3A_436 = arith.constant 0 : i32
      %dma_wait3A_437 = arith.constant 0 : i32
      %dma_wait3A_438 = tpu.memref_slice %arg6[%dma_wait3A_436, %dma_wait3A_437] : memref<16400x128xf32, #tpu.memory_space<hbm>> -> memref<16400x128xf32, #tpu.memory_space<hbm>>
      tpu.wait_indirect_dma semaphore(%arg19 : memref<!tpu.dma_semaphore, #tpu.memory_space<semaphore_mem>>) src(%dma_wait3A_435 : memref<16x128xf32, #tpu.memory_space<vmem>>) dst(%dma_wait3A_438 : memref<16400x128xf32, #tpu.memory_space<hbm>>)
      %dma_wait3A_439 = arith.constant 48 : i32
      %dma_wait3A_440 = arith.constant 0 : i32
      %dma_wait3A_441 = tpu.memref_slice %arg14[%dma_wait3A_439, %dma_wait3A_440] : memref<128x128xf32, #tpu.memory_space<vmem>> -> memref<16x128xf32, #tpu.memory_space<vmem>>
      %dma_wait3A_442 = arith.constant 0 : i32
      %dma_wait3A_443 = arith.constant 0 : i32
      %dma_wait3A_444 = tpu.memref_slice %arg6[%dma_wait3A_442, %dma_wait3A_443] : memref<16400x128xf32, #tpu.memory_space<hbm>> -> memref<16400x128xf32, #tpu.memory_space<hbm>>
      tpu.wait_indirect_dma semaphore(%arg19 : memref<!tpu.dma_semaphore, #tpu.memory_space<semaphore_mem>>) src(%dma_wait3A_441 : memref<16x128xf32, #tpu.memory_space<vmem>>) dst(%dma_wait3A_444 : memref<16400x128xf32, #tpu.memory_space<hbm>>)
      %dma_wait3A_445 = arith.constant 64 : i32
      %dma_wait3A_446 = arith.constant 0 : i32
      %dma_wait3A_447 = tpu.memref_slice %arg14[%dma_wait3A_445, %dma_wait3A_446] : memref<128x128xf32, #tpu.memory_space<vmem>> -> memref<16x128xf32, #tpu.memory_space<vmem>>
      %dma_wait3A_448 = arith.constant 0 : i32
      %dma_wait3A_449 = arith.constant 0 : i32
      %dma_wait3A_450 = tpu.memref_slice %arg6[%dma_wait3A_448, %dma_wait3A_449] : memref<16400x128xf32, #tpu.memory_space<hbm>> -> memref<16400x128xf32, #tpu.memory_space<hbm>>
      tpu.wait_indirect_dma semaphore(%arg19 : memref<!tpu.dma_semaphore, #tpu.memory_space<semaphore_mem>>) src(%dma_wait3A_447 : memref<16x128xf32, #tpu.memory_space<vmem>>) dst(%dma_wait3A_450 : memref<16400x128xf32, #tpu.memory_space<hbm>>)
      %dma_wait3A_451 = arith.constant 80 : i32
      %dma_wait3A_452 = arith.constant 0 : i32
      %dma_wait3A_453 = tpu.memref_slice %arg14[%dma_wait3A_451, %dma_wait3A_452] : memref<128x128xf32, #tpu.memory_space<vmem>> -> memref<16x128xf32, #tpu.memory_space<vmem>>
      %dma_wait3A_454 = arith.constant 0 : i32
      %dma_wait3A_455 = arith.constant 0 : i32
      %dma_wait3A_456 = tpu.memref_slice %arg6[%dma_wait3A_454, %dma_wait3A_455] : memref<16400x128xf32, #tpu.memory_space<hbm>> -> memref<16400x128xf32, #tpu.memory_space<hbm>>
      tpu.wait_indirect_dma semaphore(%arg19 : memref<!tpu.dma_semaphore, #tpu.memory_space<semaphore_mem>>) src(%dma_wait3A_453 : memref<16x128xf32, #tpu.memory_space<vmem>>) dst(%dma_wait3A_456 : memref<16400x128xf32, #tpu.memory_space<hbm>>)
      %dma_wait3A_457 = arith.constant 96 : i32
      %dma_wait3A_458 = arith.constant 0 : i32
      %dma_wait3A_459 = tpu.memref_slice %arg14[%dma_wait3A_457, %dma_wait3A_458] : memref<128x128xf32, #tpu.memory_space<vmem>> -> memref<16x128xf32, #tpu.memory_space<vmem>>
      %dma_wait3A_460 = arith.constant 0 : i32
      %dma_wait3A_461 = arith.constant 0 : i32
      %dma_wait3A_462 = tpu.memref_slice %arg6[%dma_wait3A_460, %dma_wait3A_461] : memref<16400x128xf32, #tpu.memory_space<hbm>> -> memref<16400x128xf32, #tpu.memory_space<hbm>>
      tpu.wait_indirect_dma semaphore(%arg19 : memref<!tpu.dma_semaphore, #tpu.memory_space<semaphore_mem>>) src(%dma_wait3A_459 : memref<16x128xf32, #tpu.memory_space<vmem>>) dst(%dma_wait3A_462 : memref<16400x128xf32, #tpu.memory_space<hbm>>)
      %dma_wait3A_463 = arith.constant 112 : i32
      %dma_wait3A_464 = arith.constant 0 : i32
      %dma_wait3A_465 = tpu.memref_slice %arg14[%dma_wait3A_463, %dma_wait3A_464] : memref<128x128xf32, #tpu.memory_space<vmem>> -> memref<16x128xf32, #tpu.memory_space<vmem>>
      %dma_wait3A_466 = arith.constant 0 : i32
      %dma_wait3A_467 = arith.constant 0 : i32
      %dma_wait3A_468 = tpu.memref_slice %arg6[%dma_wait3A_466, %dma_wait3A_467] : memref<16400x128xf32, #tpu.memory_space<hbm>> -> memref<16400x128xf32, #tpu.memory_space<hbm>>
      tpu.wait_indirect_dma semaphore(%arg19 : memref<!tpu.dma_semaphore, #tpu.memory_space<semaphore_mem>>) src(%dma_wait3A_465 : memref<16x128xf32, #tpu.memory_space<vmem>>) dst(%dma_wait3A_468 : memref<16400x128xf32, #tpu.memory_space<hbm>>)
      scf.yield %scan3A_409 : vector<16xf32>
    }
    %swap3A = arith.constant 0 : index
    %swap3A_194 = tpu.vector_load %arg16[%swap3A] {strides = array<i32>} : memref<16xf32, #tpu.memory_space<vmem>>, vector<16xf32>,
    tpu.vector_store %arg16[%swap3A], %while3A_193 {strides = array<i32>} : memref<16xf32, #tpu.memory_space<vmem>>, vector<16xf32>,
    "tpu.region"() ({
      %run_scoped3A = tpu.sem_alloc : memref<!tpu.dma_semaphore, #tpu.memory_space<semaphore_mem>>
      %dma_start3A = arith.constant 0 : i32
      %dma_start3A_205 = tpu.memref_slice %arg5[%add3A, %dma_start3A] : memref<32x16xf32, #tpu.memory_space<hbm>> -> memref<1x16xf32, #tpu.memory_space<hbm>>
      %dma_start3A_206 = tpu.memref_squeeze %dma_start3A_205 : memref<1x16xf32, #tpu.memory_space<hbm>> -> memref<16xf32, #tpu.memory_space<hbm>>
      %dma_start3A_207 = arith.constant 0 : i32
      %dma_start3A_208 = tpu.memref_slice %arg5[%add3A, %dma_start3A_207] : memref<32x16xf32, #tpu.memory_space<hbm>> -> memref<1x16xf32, #tpu.memory_space<hbm>>
      %dma_start3A_209 = tpu.memref_squeeze %dma_start3A_208 : memref<1x16xf32, #tpu.memory_space<hbm>> -> memref<16xf32, #tpu.memory_space<hbm>>
      tpu.enqueue_dma source(%arg16 : memref<16xf32, #tpu.memory_space<vmem>>) target(%dma_start3A_209 : memref<16xf32, #tpu.memory_space<hbm>>) target_semaphore(%run_scoped3A : memref<!tpu.dma_semaphore, #tpu.memory_space<semaphore_mem>>)
      %dma_wait3A = arith.constant 0 : i32
      %dma_wait3A_210 = tpu.memref_slice %arg5[%add3A, %dma_wait3A] : memref<32x16xf32, #tpu.memory_space<hbm>> -> memref<1x16xf32, #tpu.memory_space<hbm>>
      %dma_wait3A_211 = tpu.memref_squeeze %dma_wait3A_210 : memref<1x16xf32, #tpu.memory_space<hbm>> -> memref<16xf32, #tpu.memory_space<hbm>>
      %dma_wait3A_212 = arith.constant 0 : i32
      %dma_wait3A_213 = tpu.memref_slice %arg5[%add3A, %dma_wait3A_212] : memref<32x16xf32, #tpu.memory_space<hbm>> -> memref<1x16xf32, #tpu.memory_space<hbm>>
      %dma_wait3A_214 = tpu.memref_squeeze %dma_wait3A_213 : memref<1x16xf32, #tpu.memory_space<hbm>> -> memref<16xf32, #tpu.memory_space<hbm>>
      tpu.wait_dma2 semaphore(%run_scoped3A : memref<!tpu.dma_semaphore, #tpu.memory_space<semaphore_mem>>) src(%arg16 : memref<16xf32, #tpu.memory_space<vmem>>) dst(%dma_wait3A_214 : memref<16xf32, #tpu.memory_space<hbm>>)
      tpu.yield
    }) : () -> ()
    %while3A_195 = arith.constant 0 : i32
    %while3A_196 = arith.constant 0 : i32
    %while3A_197 = arith.subi %select_n3A, %while3A_196 : i32
    %while3A_198 = arith.addi %while3A_196, %while3A_197 : i32
    %while3A_199 = arith.constant 1 : i32
    %while3A_200 = arith.divsi %while3A_197, %while3A_199 : i32
    %while3A_201 = arith.muli %while3A_200, %while3A_199 : i32
    %while3A_202 = arith.addi %while3A_196, %while3A_201 : i32
    %while3A_203 = arith.constant 1 : i32
    scf.for %while3A_205 = %while3A_196 to %while3A_202 step %while3A_203  : i32 {
      %mul3A_206 = arith.constant 16 : i32
      %mul3A_207 = arith.muli %while3A_205, %mul3A_206 : i32
      %add3A_208 = vector.broadcast %mul3A_207 : i32 to vector<16xi32>
      %add3A_209 = arith.addi %add3A_208, %iota3A : vector<16xi32>
      %lt3A = vector.broadcast %scan3A_5 : i32 to vector<16xi32>
      %lt3A_210 = arith.cmpi slt, %add3A_209, %lt3A : vector<16xi32>
      %get3A = arith.index_cast %mul3A_207 : i32 to index
      %get3A_211 = tpu.vector_load %arg10[%get3A] {strides = array<i32>} : memref<16640xi32, #tpu.memory_space<vmem>>, vector<16xi32>,
      %get3A_212 = arith.index_cast %mul3A_207 : i32 to index
      %get3A_213 = tpu.vector_load %arg11[%get3A_212] {strides = array<i32>} : memref<16640xi32, #tpu.memory_space<vmem>>, vector<16xi32>,
      %add3A_214 = arith.constant 1000000 : i32
      %add3A_215 = vector.broadcast %add3A_214 : i32 to vector<16xi32>
      %add3A_216 = arith.addi %add3A_215, %iota3A : vector<16xi32>
      %select_n3A_217 = arith.select %lt3A_210, %get3A_211, %add3A_216 : vector<16xi1>, vector<16xi32>
      %broadcast_in_dim3A_218 = arith.constant 0 : i32
      %broadcast_in_dim3A_219 = vector.broadcast %broadcast_in_dim3A_218 : i32 to vector<16xi32>
      %eq3A = arith.constant 0 : i32
      %eq3A_220 = vector.broadcast %eq3A : i32 to vector<16xi32>
      %eq3A_221 = arith.cmpi eq, %iota3A, %eq3A_220 : vector<16xi32>
      %jit3A_222 = arith.constant 0 : i32
      %broadcast_in_dim3A_223 = vector.broadcast %jit3A_222 : i32 to vector<16xi32>
      %select_n3A_224 = arith.select %eq3A_221, %select_n3A_217, %broadcast_in_dim3A_223 : vector<16xi1>, vector<16xi32>
      %reduce_sum3A = arith.constant true
      %reduce_sum3A_225 = vector.broadcast %reduce_sum3A : i1 to vector<16xi1>
      %reduce_sum3A_226 = tpu.scan <sum>, %select_n3A_224 masked %reduce_sum3A_225 : vector<16xi32>, vector<16xi1> -> vector<16xi32>
      %reduce_sum3A_227 = vector.extract %reduce_sum3A_226[15] : i32 from vector<16xi32>
      %gt3A = arith.constant 0 : i32
      %gt3A_228 = vector.broadcast %gt3A : i32 to vector<16xi32>
      %gt3A_229 = arith.cmpi sgt, %iota3A, %gt3A_228 : vector<16xi32>
      %eq3A_230 = vector.broadcast %reduce_sum3A_227 : i32 to vector<16xi32>
      %eq3A_231 = arith.cmpi eq, %select_n3A_217, %eq3A_230 : vector<16xi32>
      %and3A_232 = arith.andi %gt3A_229, %eq3A_231 : vector<16xi1>
      %jit3A_233 = arith.constant 1 : i32
      %jit3A_234 = arith.constant 0 : i32
      %broadcast_in_dim3A_235 = vector.broadcast %jit3A_233 : i32 to vector<16xi32>
      %broadcast_in_dim3A_236 = vector.broadcast %jit3A_234 : i32 to vector<16xi32>
      %select_n3A_237 = arith.select %and3A_232, %broadcast_in_dim3A_235, %broadcast_in_dim3A_236 : vector<16xi1>, vector<16xi32>
      %add3A_238 = arith.addi %broadcast_in_dim3A_219, %select_n3A_237 : vector<16xi32>
      %eq3A_239 = arith.constant 1 : i32
      %eq3A_240 = vector.broadcast %eq3A_239 : i32 to vector<16xi32>
      %eq3A_241 = arith.cmpi eq, %iota3A, %eq3A_240 : vector<16xi32>
      %jit3A_242 = arith.constant 0 : i32
      %broadcast_in_dim3A_243 = vector.broadcast %jit3A_242 : i32 to vector<16xi32>
      %select_n3A_244 = arith.select %eq3A_241, %select_n3A_217, %broadcast_in_dim3A_243 : vector<16xi1>, vector<16xi32>
      %reduce_sum3A_245 = arith.constant true
      %reduce_sum3A_246 = vector.broadcast %reduce_sum3A_245 : i1 to vector<16xi1>
      %reduce_sum3A_247 = tpu.scan <sum>, %select_n3A_244 masked %reduce_sum3A_246 : vector<16xi32>, vector<16xi1> -> vector<16xi32>
      %reduce_sum3A_248 = vector.extract %reduce_sum3A_247[15] : i32 from vector<16xi32>
      %gt3A_249 = arith.constant 1 : i32
      %gt3A_250 = vector.broadcast %gt3A_249 : i32 to vector<16xi32>
      %gt3A_251 = arith.cmpi sgt, %iota3A, %gt3A_250 : vector<16xi32>
      %eq3A_252 = vector.broadcast %reduce_sum3A_248 : i32 to vector<16xi32>
      %eq3A_253 = arith.cmpi eq, %select_n3A_217, %eq3A_252 : vector<16xi32>
      %and3A_254 = arith.andi %gt3A_251, %eq3A_253 : vector<16xi1>
      %jit3A_255 = arith.constant 1 : i32
      %jit3A_256 = arith.constant 0 : i32
      %broadcast_in_dim3A_257 = vector.broadcast %jit3A_255 : i32 to vector<16xi32>
      %broadcast_in_dim3A_258 = vector.broadcast %jit3A_256 : i32 to vector<16xi32>
      %select_n3A_259 = arith.select %and3A_254, %broadcast_in_dim3A_257, %broadcast_in_dim3A_258 : vector<16xi1>, vector<16xi32>
      %add3A_260 = arith.addi %add3A_238, %select_n3A_259 : vector<16xi32>
      %eq3A_261 = arith.constant 2 : i32
      %eq3A_262 = vector.broadcast %eq3A_261 : i32 to vector<16xi32>
      %eq3A_263 = arith.cmpi eq, %iota3A, %eq3A_262 : vector<16xi32>
      %jit3A_264 = arith.constant 0 : i32
      %broadcast_in_dim3A_265 = vector.broadcast %jit3A_264 : i32 to vector<16xi32>
      %select_n3A_266 = arith.select %eq3A_263, %select_n3A_217, %broadcast_in_dim3A_265 : vector<16xi1>, vector<16xi32>
      %reduce_sum3A_267 = arith.constant true
      %reduce_sum3A_268 = vector.broadcast %reduce_sum3A_267 : i1 to vector<16xi1>
      %reduce_sum3A_269 = tpu.scan <sum>, %select_n3A_266 masked %reduce_sum3A_268 : vector<16xi32>, vector<16xi1> -> vector<16xi32>
      %reduce_sum3A_270 = vector.extract %reduce_sum3A_269[15] : i32 from vector<16xi32>
      %gt3A_271 = arith.constant 2 : i32
      %gt3A_272 = vector.broadcast %gt3A_271 : i32 to vector<16xi32>
      %gt3A_273 = arith.cmpi sgt, %iota3A, %gt3A_272 : vector<16xi32>
      %eq3A_274 = vector.broadcast %reduce_sum3A_270 : i32 to vector<16xi32>
      %eq3A_275 = arith.cmpi eq, %select_n3A_217, %eq3A_274 : vector<16xi32>
      %and3A_276 = arith.andi %gt3A_273, %eq3A_275 : vector<16xi1>
      %jit3A_277 = arith.constant 1 : i32
      %jit3A_278 = arith.constant 0 : i32
      %broadcast_in_dim3A_279 = vector.broadcast %jit3A_277 : i32 to vector<16xi32>
      %broadcast_in_dim3A_280 = vector.broadcast %jit3A_278 : i32 to vector<16xi32>
      %select_n3A_281 = arith.select %and3A_276, %broadcast_in_dim3A_279, %broadcast_in_dim3A_280 : vector<16xi1>, vector<16xi32>
      %add3A_282 = arith.addi %add3A_260, %select_n3A_281 : vector<16xi32>
      %eq3A_283 = arith.constant 3 : i32
      %eq3A_284 = vector.broadcast %eq3A_283 : i32 to vector<16xi32>
      %eq3A_285 = arith.cmpi eq, %iota3A, %eq3A_284 : vector<16xi32>
      %jit3A_286 = arith.constant 0 : i32
      %broadcast_in_dim3A_287 = vector.broadcast %jit3A_286 : i32 to vector<16xi32>
      %select_n3A_288 = arith.select %eq3A_285, %select_n3A_217, %broadcast_in_dim3A_287 : vector<16xi1>, vector<16xi32>
      %reduce_sum3A_289 = arith.constant true
      %reduce_sum3A_290 = vector.broadcast %reduce_sum3A_289 : i1 to vector<16xi1>
      %reduce_sum3A_291 = tpu.scan <sum>, %select_n3A_288 masked %reduce_sum3A_290 : vector<16xi32>, vector<16xi1> -> vector<16xi32>
      %reduce_sum3A_292 = vector.extract %reduce_sum3A_291[15] : i32 from vector<16xi32>
      %gt3A_293 = arith.constant 3 : i32
      %gt3A_294 = vector.broadcast %gt3A_293 : i32 to vector<16xi32>
      %gt3A_295 = arith.cmpi sgt, %iota3A, %gt3A_294 : vector<16xi32>
      %eq3A_296 = vector.broadcast %reduce_sum3A_292 : i32 to vector<16xi32>
      %eq3A_297 = arith.cmpi eq, %select_n3A_217, %eq3A_296 : vector<16xi32>
      %and3A_298 = arith.andi %gt3A_295, %eq3A_297 : vector<16xi1>
      %jit3A_299 = arith.constant 1 : i32
      %jit3A_300 = arith.constant 0 : i32
      %broadcast_in_dim3A_301 = vector.broadcast %jit3A_299 : i32 to vector<16xi32>
      %broadcast_in_dim3A_302 = vector.broadcast %jit3A_300 : i32 to vector<16xi32>
      %select_n3A_303 = arith.select %and3A_298, %broadcast_in_dim3A_301, %broadcast_in_dim3A_302 : vector<16xi1>, vector<16xi32>
      %add3A_304 = arith.addi %add3A_282, %select_n3A_303 : vector<16xi32>
      %eq3A_305 = arith.constant 4 : i32
      %eq3A_306 = vector.broadcast %eq3A_305 : i32 to vector<16xi32>
      %eq3A_307 = arith.cmpi eq, %iota3A, %eq3A_306 : vector<16xi32>
      %jit3A_308 = arith.constant 0 : i32
      %broadcast_in_dim3A_309 = vector.broadcast %jit3A_308 : i32 to vector<16xi32>
      %select_n3A_310 = arith.select %eq3A_307, %select_n3A_217, %broadcast_in_dim3A_309 : vector<16xi1>, vector<16xi32>
      %reduce_sum3A_311 = arith.constant true
      %reduce_sum3A_312 = vector.broadcast %reduce_sum3A_311 : i1 to vector<16xi1>
      %reduce_sum3A_313 = tpu.scan <sum>, %select_n3A_310 masked %reduce_sum3A_312 : vector<16xi32>, vector<16xi1> -> vector<16xi32>
      %reduce_sum3A_314 = vector.extract %reduce_sum3A_313[15] : i32 from vector<16xi32>
      %gt3A_315 = arith.constant 4 : i32
      %gt3A_316 = vector.broadcast %gt3A_315 : i32 to vector<16xi32>
      %gt3A_317 = arith.cmpi sgt, %iota3A, %gt3A_316 : vector<16xi32>
      %eq3A_318 = vector.broadcast %reduce_sum3A_314 : i32 to vector<16xi32>
      %eq3A_319 = arith.cmpi eq, %select_n3A_217, %eq3A_318 : vector<16xi32>
      %and3A_320 = arith.andi %gt3A_317, %eq3A_319 : vector<16xi1>
      %jit3A_321 = arith.constant 1 : i32
      %jit3A_322 = arith.constant 0 : i32
      %broadcast_in_dim3A_323 = vector.broadcast %jit3A_321 : i32 to vector<16xi32>
      %broadcast_in_dim3A_324 = vector.broadcast %jit3A_322 : i32 to vector<16xi32>
      %select_n3A_325 = arith.select %and3A_320, %broadcast_in_dim3A_323, %broadcast_in_dim3A_324 : vector<16xi1>, vector<16xi32>
      %add3A_326 = arith.addi %add3A_304, %select_n3A_325 : vector<16xi32>
      %eq3A_327 = arith.constant 5 : i32
      %eq3A_328 = vector.broadcast %eq3A_327 : i32 to vector<16xi32>
      %eq3A_329 = arith.cmpi eq, %iota3A, %eq3A_328 : vector<16xi32>
      %jit3A_330 = arith.constant 0 : i32
      %broadcast_in_dim3A_331 = vector.broadcast %jit3A_330 : i32 to vector<16xi32>
      %select_n3A_332 = arith.select %eq3A_329, %select_n3A_217, %broadcast_in_dim3A_331 : vector<16xi1>, vector<16xi32>
      %reduce_sum3A_333 = arith.constant true
      %reduce_sum3A_334 = vector.broadcast %reduce_sum3A_333 : i1 to vector<16xi1>
      %reduce_sum3A_335 = tpu.scan <sum>, %select_n3A_332 masked %reduce_sum3A_334 : vector<16xi32>, vector<16xi1> -> vector<16xi32>
      %reduce_sum3A_336 = vector.extract %reduce_sum3A_335[15] : i32 from vector<16xi32>
      %gt3A_337 = arith.constant 5 : i32
      %gt3A_338 = vector.broadcast %gt3A_337 : i32 to vector<16xi32>
      %gt3A_339 = arith.cmpi sgt, %iota3A, %gt3A_338 : vector<16xi32>
      %eq3A_340 = vector.broadcast %reduce_sum3A_336 : i32 to vector<16xi32>
      %eq3A_341 = arith.cmpi eq, %select_n3A_217, %eq3A_340 : vector<16xi32>
      %and3A_342 = arith.andi %gt3A_339, %eq3A_341 : vector<16xi1>
      %jit3A_343 = arith.constant 1 : i32
      %jit3A_344 = arith.constant 0 : i32
      %broadcast_in_dim3A_345 = vector.broadcast %jit3A_343 : i32 to vector<16xi32>
      %broadcast_in_dim3A_346 = vector.broadcast %jit3A_344 : i32 to vector<16xi32>
      %select_n3A_347 = arith.select %and3A_342, %broadcast_in_dim3A_345, %broadcast_in_dim3A_346 : vector<16xi1>, vector<16xi32>
      %add3A_348 = arith.addi %add3A_326, %select_n3A_347 : vector<16xi32>
      %eq3A_349 = arith.constant 6 : i32
      %eq3A_350 = vector.broadcast %eq3A_349 : i32 to vector<16xi32>
      %eq3A_351 = arith.cmpi eq, %iota3A, %eq3A_350 : vector<16xi32>
      %jit3A_352 = arith.constant 0 : i32
      %broadcast_in_dim3A_353 = vector.broadcast %jit3A_352 : i32 to vector<16xi32>
      %select_n3A_354 = arith.select %eq3A_351, %select_n3A_217, %broadcast_in_dim3A_353 : vector<16xi1>, vector<16xi32>
      %reduce_sum3A_355 = arith.constant true
      %reduce_sum3A_356 = vector.broadcast %reduce_sum3A_355 : i1 to vector<16xi1>
      %reduce_sum3A_357 = tpu.scan <sum>, %select_n3A_354 masked %reduce_sum3A_356 : vector<16xi32>, vector<16xi1> -> vector<16xi32>
      %reduce_sum3A_358 = vector.extract %reduce_sum3A_357[15] : i32 from vector<16xi32>
      %gt3A_359 = arith.constant 6 : i32
      %gt3A_360 = vector.broadcast %gt3A_359 : i32 to vector<16xi32>
      %gt3A_361 = arith.cmpi sgt, %iota3A, %gt3A_360 : vector<16xi32>
      %eq3A_362 = vector.broadcast %reduce_sum3A_358 : i32 to vector<16xi32>
      %eq3A_363 = arith.cmpi eq, %select_n3A_217, %eq3A_362 : vector<16xi32>
      %and3A_364 = arith.andi %gt3A_361, %eq3A_363 : vector<16xi1>
      %jit3A_365 = arith.constant 1 : i32
      %jit3A_366 = arith.constant 0 : i32
      %broadcast_in_dim3A_367 = vector.broadcast %jit3A_365 : i32 to vector<16xi32>
      %broadcast_in_dim3A_368 = vector.broadcast %jit3A_366 : i32 to vector<16xi32>
      %select_n3A_369 = arith.select %and3A_364, %broadcast_in_dim3A_367, %broadcast_in_dim3A_368 : vector<16xi1>, vector<16xi32>
      %add3A_370 = arith.addi %add3A_348, %select_n3A_369 : vector<16xi32>
      %eq3A_371 = arith.constant 7 : i32
      %eq3A_372 = vector.broadcast %eq3A_371 : i32 to vector<16xi32>
      %eq3A_373 = arith.cmpi eq, %iota3A, %eq3A_372 : vector<16xi32>
      %jit3A_374 = arith.constant 0 : i32
      %broadcast_in_dim3A_375 = vector.broadcast %jit3A_374 : i32 to vector<16xi32>
      %select_n3A_376 = arith.select %eq3A_373, %select_n3A_217, %broadcast_in_dim3A_375 : vector<16xi1>, vector<16xi32>
      %reduce_sum3A_377 = arith.constant true
      %reduce_sum3A_378 = vector.broadcast %reduce_sum3A_377 : i1 to vector<16xi1>
      %reduce_sum3A_379 = tpu.scan <sum>, %select_n3A_376 masked %reduce_sum3A_378 : vector<16xi32>, vector<16xi1> -> vector<16xi32>
      %reduce_sum3A_380 = vector.extract %reduce_sum3A_379[15] : i32 from vector<16xi32>
      %gt3A_381 = arith.constant 7 : i32
      %gt3A_382 = vector.broadcast %gt3A_381 : i32 to vector<16xi32>
      %gt3A_383 = arith.cmpi sgt, %iota3A, %gt3A_382 : vector<16xi32>
      %eq3A_384 = vector.broadcast %reduce_sum3A_380 : i32 to vector<16xi32>
      %eq3A_385 = arith.cmpi eq, %select_n3A_217, %eq3A_384 : vector<16xi32>
      %and3A_386 = arith.andi %gt3A_383, %eq3A_385 : vector<16xi1>
      %jit3A_387 = arith.constant 1 : i32
      %jit3A_388 = arith.constant 0 : i32
      %broadcast_in_dim3A_389 = vector.broadcast %jit3A_387 : i32 to vector<16xi32>
      %broadcast_in_dim3A_390 = vector.broadcast %jit3A_388 : i32 to vector<16xi32>
      %select_n3A_391 = arith.select %and3A_386, %broadcast_in_dim3A_389, %broadcast_in_dim3A_390 : vector<16xi1>, vector<16xi32>
      %add3A_392 = arith.addi %add3A_370, %select_n3A_391 : vector<16xi32>
      %eq3A_393 = arith.constant 8 : i32
      %eq3A_394 = vector.broadcast %eq3A_393 : i32 to vector<16xi32>
      %eq3A_395 = arith.cmpi eq, %iota3A, %eq3A_394 : vector<16xi32>
      %jit3A_396 = arith.constant 0 : i32
      %broadcast_in_dim3A_397 = vector.broadcast %jit3A_396 : i32 to vector<16xi32>
      %select_n3A_398 = arith.select %eq3A_395, %select_n3A_217, %broadcast_in_dim3A_397 : vector<16xi1>, vector<16xi32>
      %reduce_sum3A_399 = arith.constant true
      %reduce_sum3A_400 = vector.broadcast %reduce_sum3A_399 : i1 to vector<16xi1>
      %reduce_sum3A_401 = tpu.scan <sum>, %select_n3A_398 masked %reduce_sum3A_400 : vector<16xi32>, vector<16xi1> -> vector<16xi32>
      %reduce_sum3A_402 = vector.extract %reduce_sum3A_401[15] : i32 from vector<16xi32>
      %gt3A_403 = arith.constant 8 : i32
      %gt3A_404 = vector.broadcast %gt3A_403 : i32 to vector<16xi32>
      %gt3A_405 = arith.cmpi sgt, %iota3A, %gt3A_404 : vector<16xi32>
      %eq3A_406 = vector.broadcast %reduce_sum3A_402 : i32 to vector<16xi32>
      %eq3A_407 = arith.cmpi eq, %select_n3A_217, %eq3A_406 : vector<16xi32>
      %and3A_408 = arith.andi %gt3A_405, %eq3A_407 : vector<16xi1>
      %jit3A_409 = arith.constant 1 : i32
      %jit3A_410 = arith.constant 0 : i32
      %broadcast_in_dim3A_411 = vector.broadcast %jit3A_409 : i32 to vector<16xi32>
      %broadcast_in_dim3A_412 = vector.broadcast %jit3A_410 : i32 to vector<16xi32>
      %select_n3A_413 = arith.select %and3A_408, %broadcast_in_dim3A_411, %broadcast_in_dim3A_412 : vector<16xi1>, vector<16xi32>
      %add3A_414 = arith.addi %add3A_392, %select_n3A_413 : vector<16xi32>
      %eq3A_415 = arith.constant 9 : i32
      %eq3A_416 = vector.broadcast %eq3A_415 : i32 to vector<16xi32>
      %eq3A_417 = arith.cmpi eq, %iota3A, %eq3A_416 : vector<16xi32>
      %jit3A_418 = arith.constant 0 : i32
      %broadcast_in_dim3A_419 = vector.broadcast %jit3A_418 : i32 to vector<16xi32>
      %select_n3A_420 = arith.select %eq3A_417, %select_n3A_217, %broadcast_in_dim3A_419 : vector<16xi1>, vector<16xi32>
      %reduce_sum3A_421 = arith.constant true
      %reduce_sum3A_422 = vector.broadcast %reduce_sum3A_421 : i1 to vector<16xi1>
      %reduce_sum3A_423 = tpu.scan <sum>, %select_n3A_420 masked %reduce_sum3A_422 : vector<16xi32>, vector<16xi1> -> vector<16xi32>
      %reduce_sum3A_424 = vector.extract %reduce_sum3A_423[15] : i32 from vector<16xi32>
      %gt3A_425 = arith.constant 9 : i32
      %gt3A_426 = vector.broadcast %gt3A_425 : i32 to vector<16xi32>
      %gt3A_427 = arith.cmpi sgt, %iota3A, %gt3A_426 : vector<16xi32>
      %eq3A_428 = vector.broadcast %reduce_sum3A_424 : i32 to vector<16xi32>
      %eq3A_429 = arith.cmpi eq, %select_n3A_217, %eq3A_428 : vector<16xi32>
      %and3A_430 = arith.andi %gt3A_427, %eq3A_429 : vector<16xi1>
      %jit3A_431 = arith.constant 1 : i32
      %jit3A_432 = arith.constant 0 : i32
      %broadcast_in_dim3A_433 = vector.broadcast %jit3A_431 : i32 to vector<16xi32>
      %broadcast_in_dim3A_434 = vector.broadcast %jit3A_432 : i32 to vector<16xi32>
      %select_n3A_435 = arith.select %and3A_430, %broadcast_in_dim3A_433, %broadcast_in_dim3A_434 : vector<16xi1>, vector<16xi32>
      %add3A_436 = arith.addi %add3A_414, %select_n3A_435 : vector<16xi32>
      %eq3A_437 = arith.constant 10 : i32
      %eq3A_438 = vector.broadcast %eq3A_437 : i32 to vector<16xi32>
      %eq3A_439 = arith.cmpi eq, %iota3A, %eq3A_438 : vector<16xi32>
      %jit3A_440 = arith.constant 0 : i32
      %broadcast_in_dim3A_441 = vector.broadcast %jit3A_440 : i32 to vector<16xi32>
      %select_n3A_442 = arith.select %eq3A_439, %select_n3A_217, %broadcast_in_dim3A_441 : vector<16xi1>, vector<16xi32>
      %reduce_sum3A_443 = arith.constant true
      %reduce_sum3A_444 = vector.broadcast %reduce_sum3A_443 : i1 to vector<16xi1>
      %reduce_sum3A_445 = tpu.scan <sum>, %select_n3A_442 masked %reduce_sum3A_444 : vector<16xi32>, vector<16xi1> -> vector<16xi32>
      %reduce_sum3A_446 = vector.extract %reduce_sum3A_445[15] : i32 from vector<16xi32>
      %gt3A_447 = arith.constant 10 : i32
      %gt3A_448 = vector.broadcast %gt3A_447 : i32 to vector<16xi32>
      %gt3A_449 = arith.cmpi sgt, %iota3A, %gt3A_448 : vector<16xi32>
      %eq3A_450 = vector.broadcast %reduce_sum3A_446 : i32 to vector<16xi32>
      %eq3A_451 = arith.cmpi eq, %select_n3A_217, %eq3A_450 : vector<16xi32>
      %and3A_452 = arith.andi %gt3A_449, %eq3A_451 : vector<16xi1>
      %jit3A_453 = arith.constant 1 : i32
      %jit3A_454 = arith.constant 0 : i32
      %broadcast_in_dim3A_455 = vector.broadcast %jit3A_453 : i32 to vector<16xi32>
      %broadcast_in_dim3A_456 = vector.broadcast %jit3A_454 : i32 to vector<16xi32>
      %select_n3A_457 = arith.select %and3A_452, %broadcast_in_dim3A_455, %broadcast_in_dim3A_456 : vector<16xi1>, vector<16xi32>
      %add3A_458 = arith.addi %add3A_436, %select_n3A_457 : vector<16xi32>
      %eq3A_459 = arith.constant 11 : i32
      %eq3A_460 = vector.broadcast %eq3A_459 : i32 to vector<16xi32>
      %eq3A_461 = arith.cmpi eq, %iota3A, %eq3A_460 : vector<16xi32>
      %jit3A_462 = arith.constant 0 : i32
      %broadcast_in_dim3A_463 = vector.broadcast %jit3A_462 : i32 to vector<16xi32>
      %select_n3A_464 = arith.select %eq3A_461, %select_n3A_217, %broadcast_in_dim3A_463 : vector<16xi1>, vector<16xi32>
      %reduce_sum3A_465 = arith.constant true
      %reduce_sum3A_466 = vector.broadcast %reduce_sum3A_465 : i1 to vector<16xi1>
      %reduce_sum3A_467 = tpu.scan <sum>, %select_n3A_464 masked %reduce_sum3A_466 : vector<16xi32>, vector<16xi1> -> vector<16xi32>
      %reduce_sum3A_468 = vector.extract %reduce_sum3A_467[15] : i32 from vector<16xi32>
      %gt3A_469 = arith.constant 11 : i32
      %gt3A_470 = vector.broadcast %gt3A_469 : i32 to vector<16xi32>
      %gt3A_471 = arith.cmpi sgt, %iota3A, %gt3A_470 : vector<16xi32>
      %eq3A_472 = vector.broadcast %reduce_sum3A_468 : i32 to vector<16xi32>
      %eq3A_473 = arith.cmpi eq, %select_n3A_217, %eq3A_472 : vector<16xi32>
      %and3A_474 = arith.andi %gt3A_471, %eq3A_473 : vector<16xi1>
      %jit3A_475 = arith.constant 1 : i32
      %jit3A_476 = arith.constant 0 : i32
      %broadcast_in_dim3A_477 = vector.broadcast %jit3A_475 : i32 to vector<16xi32>
      %broadcast_in_dim3A_478 = vector.broadcast %jit3A_476 : i32 to vector<16xi32>
      %select_n3A_479 = arith.select %and3A_474, %broadcast_in_dim3A_477, %broadcast_in_dim3A_478 : vector<16xi1>, vector<16xi32>
      %add3A_480 = arith.addi %add3A_458, %select_n3A_479 : vector<16xi32>
      %eq3A_481 = arith.constant 12 : i32
      %eq3A_482 = vector.broadcast %eq3A_481 : i32 to vector<16xi32>
      %eq3A_483 = arith.cmpi eq, %iota3A, %eq3A_482 : vector<16xi32>
      %jit3A_484 = arith.constant 0 : i32
      %broadcast_in_dim3A_485 = vector.broadcast %jit3A_484 : i32 to vector<16xi32>
      %select_n3A_486 = arith.select %eq3A_483, %select_n3A_217, %broadcast_in_dim3A_485 : vector<16xi1>, vector<16xi32>
      %reduce_sum3A_487 = arith.constant true
      %reduce_sum3A_488 = vector.broadcast %reduce_sum3A_487 : i1 to vector<16xi1>
      %reduce_sum3A_489 = tpu.scan <sum>, %select_n3A_486 masked %reduce_sum3A_488 : vector<16xi32>, vector<16xi1> -> vector<16xi32>
      %reduce_sum3A_490 = vector.extract %reduce_sum3A_489[15] : i32 from vector<16xi32>
      %gt3A_491 = arith.constant 12 : i32
      %gt3A_492 = vector.broadcast %gt3A_491 : i32 to vector<16xi32>
      %gt3A_493 = arith.cmpi sgt, %iota3A, %gt3A_492 : vector<16xi32>
      %eq3A_494 = vector.broadcast %reduce_sum3A_490 : i32 to vector<16xi32>
      %eq3A_495 = arith.cmpi eq, %select_n3A_217, %eq3A_494 : vector<16xi32>
      %and3A_496 = arith.andi %gt3A_493, %eq3A_495 : vector<16xi1>
      %jit3A_497 = arith.constant 1 : i32
      %jit3A_498 = arith.constant 0 : i32
      %broadcast_in_dim3A_499 = vector.broadcast %jit3A_497 : i32 to vector<16xi32>
      %broadcast_in_dim3A_500 = vector.broadcast %jit3A_498 : i32 to vector<16xi32>
      %select_n3A_501 = arith.select %and3A_496, %broadcast_in_dim3A_499, %broadcast_in_dim3A_500 : vector<16xi1>, vector<16xi32>
      %add3A_502 = arith.addi %add3A_480, %select_n3A_501 : vector<16xi32>
      %eq3A_503 = arith.constant 13 : i32
      %eq3A_504 = vector.broadcast %eq3A_503 : i32 to vector<16xi32>
      %eq3A_505 = arith.cmpi eq, %iota3A, %eq3A_504 : vector<16xi32>
      %jit3A_506 = arith.constant 0 : i32
      %broadcast_in_dim3A_507 = vector.broadcast %jit3A_506 : i32 to vector<16xi32>
      %select_n3A_508 = arith.select %eq3A_505, %select_n3A_217, %broadcast_in_dim3A_507 : vector<16xi1>, vector<16xi32>
      %reduce_sum3A_509 = arith.constant true
      %reduce_sum3A_510 = vector.broadcast %reduce_sum3A_509 : i1 to vector<16xi1>
      %reduce_sum3A_511 = tpu.scan <sum>, %select_n3A_508 masked %reduce_sum3A_510 : vector<16xi32>, vector<16xi1> -> vector<16xi32>
      %reduce_sum3A_512 = vector.extract %reduce_sum3A_511[15] : i32 from vector<16xi32>
      %gt3A_513 = arith.constant 13 : i32
      %gt3A_514 = vector.broadcast %gt3A_513 : i32 to vector<16xi32>
      %gt3A_515 = arith.cmpi sgt, %iota3A, %gt3A_514 : vector<16xi32>
      %eq3A_516 = vector.broadcast %reduce_sum3A_512 : i32 to vector<16xi32>
      %eq3A_517 = arith.cmpi eq, %select_n3A_217, %eq3A_516 : vector<16xi32>
      %and3A_518 = arith.andi %gt3A_515, %eq3A_517 : vector<16xi1>
      %jit3A_519 = arith.constant 1 : i32
      %jit3A_520 = arith.constant 0 : i32
      %broadcast_in_dim3A_521 = vector.broadcast %jit3A_519 : i32 to vector<16xi32>
      %broadcast_in_dim3A_522 = vector.broadcast %jit3A_520 : i32 to vector<16xi32>
      %select_n3A_523 = arith.select %and3A_518, %broadcast_in_dim3A_521, %broadcast_in_dim3A_522 : vector<16xi1>, vector<16xi32>
      %add3A_524 = arith.addi %add3A_502, %select_n3A_523 : vector<16xi32>
      %eq3A_525 = arith.constant 14 : i32
      %eq3A_526 = vector.broadcast %eq3A_525 : i32 to vector<16xi32>
      %eq3A_527 = arith.cmpi eq, %iota3A, %eq3A_526 : vector<16xi32>
      %jit3A_528 = arith.constant 0 : i32
      %broadcast_in_dim3A_529 = vector.broadcast %jit3A_528 : i32 to vector<16xi32>
      %select_n3A_530 = arith.select %eq3A_527, %select_n3A_217, %broadcast_in_dim3A_529 : vector<16xi1>, vector<16xi32>
      %reduce_sum3A_531 = arith.constant true
      %reduce_sum3A_532 = vector.broadcast %reduce_sum3A_531 : i1 to vector<16xi1>
      %reduce_sum3A_533 = tpu.scan <sum>, %select_n3A_530 masked %reduce_sum3A_532 : vector<16xi32>, vector<16xi1> -> vector<16xi32>
      %reduce_sum3A_534 = vector.extract %reduce_sum3A_533[15] : i32 from vector<16xi32>
      %gt3A_535 = arith.constant 14 : i32
      %gt3A_536 = vector.broadcast %gt3A_535 : i32 to vector<16xi32>
      %gt3A_537 = arith.cmpi sgt, %iota3A, %gt3A_536 : vector<16xi32>
      %eq3A_538 = vector.broadcast %reduce_sum3A_534 : i32 to vector<16xi32>
      %eq3A_539 = arith.cmpi eq, %select_n3A_217, %eq3A_538 : vector<16xi32>
      %and3A_540 = arith.andi %gt3A_537, %eq3A_539 : vector<16xi1>
      %jit3A_541 = arith.constant 1 : i32
      %jit3A_542 = arith.constant 0 : i32
      %broadcast_in_dim3A_543 = vector.broadcast %jit3A_541 : i32 to vector<16xi32>
      %broadcast_in_dim3A_544 = vector.broadcast %jit3A_542 : i32 to vector<16xi32>
      %select_n3A_545 = arith.select %and3A_540, %broadcast_in_dim3A_543, %broadcast_in_dim3A_544 : vector<16xi1>, vector<16xi32>
      %add3A_546 = arith.addi %add3A_524, %select_n3A_545 : vector<16xi32>
      %reduce_max3A = arith.constant true
      %reduce_max3A_547 = vector.broadcast %reduce_max3A : i1 to vector<16xi1>
      %reduce_max3A_548 = arith.constant -2147483648 : i32
      %reduce_max3A_549 = vector.broadcast %reduce_max3A_548 : i32 to vector<16xi32>
      %reduce_max3A_550 = arith.xori %add3A_546, %reduce_max3A_549 : vector<16xi32>
      %reduce_max3A_551 = tpu.scan <max>, %reduce_max3A_550 masked %reduce_max3A_547 : vector<16xi32>, vector<16xi1> -> vector<16xi32>
      %reduce_max3A_552 = arith.xori %reduce_max3A_551, %reduce_max3A_549 : vector<16xi32>
      %reduce_max3A_553 = vector.extract %reduce_max3A_552[15] : i32 from vector<16xi32>
      %dma_start3A = arith.constant 0 : i32
      %dma_start3A_554 = arith.constant 0 : i32
      %dma_start3A_555 = tpu.memref_slice %arg14[%dma_start3A, %dma_start3A_554] : memref<128x128xf32, #tpu.memory_space<vmem>> -> memref<16x128xf32, #tpu.memory_space<vmem>>
      %dma_start3A_556 = arith.constant 0 : i32
      %dma_start3A_557 = arith.constant 0 : i32
      %dma_start3A_558 = tpu.memref_slice %arg6[%dma_start3A_556, %dma_start3A_557] : memref<16400x128xf32, #tpu.memory_space<hbm>> -> memref<16400x128xf32, #tpu.memory_space<hbm>>
      tpu.enqueue_indirect_dma source(%dma_start3A_558 : memref<16400x128xf32, #tpu.memory_space<hbm>>) target(%dma_start3A_555 : memref<16x128xf32, #tpu.memory_space<vmem>>) offsets(%get3A_213 : vector<16xi32>) semaphore(%arg17 : memref<!tpu.dma_semaphore, #tpu.memory_space<semaphore_mem>>)
      %dma_wait3A = arith.constant 0 : i32
      %dma_wait3A_559 = arith.constant 0 : i32
      %dma_wait3A_560 = tpu.memref_slice %arg14[%dma_wait3A, %dma_wait3A_559] : memref<128x128xf32, #tpu.memory_space<vmem>> -> memref<16x128xf32, #tpu.memory_space<vmem>>
      %dma_wait3A_561 = arith.constant 0 : i32
      %dma_wait3A_562 = arith.constant 0 : i32
      %dma_wait3A_563 = tpu.memref_slice %arg6[%dma_wait3A_561, %dma_wait3A_562] : memref<16400x128xf32, #tpu.memory_space<hbm>> -> memref<16400x128xf32, #tpu.memory_space<hbm>>
      tpu.wait_indirect_dma semaphore(%arg17 : memref<!tpu.dma_semaphore, #tpu.memory_space<semaphore_mem>>) src(%dma_wait3A_563 : memref<16400x128xf32, #tpu.memory_space<hbm>>) dst(%dma_wait3A_560 : memref<16x128xf32, #tpu.memory_space<vmem>>)
      %while3A_564 = arith.constant 0 : i32
      %while3A_565 = scf.while (%while3A_566 = %while3A_564) : (i32) -> i32 {
        %le3A = arith.cmpi sle, %while3A_566, %reduce_max3A_553 : i32
        scf.condition(%le3A) %while3A_566 : i32
      } do {
      ^bb0(%while3A_566: i32):
        %eq3A_567 = vector.broadcast %while3A_566 : i32 to vector<16xi32>
        %eq3A_568 = arith.cmpi eq, %add3A_546, %eq3A_567 : vector<16xi32>
        %and3A_569 = arith.andi %eq3A_568, %lt3A_210 : vector<16xi1>
        %jit3A_570 = arith.constant 1000000 : i32
        %broadcast_in_dim3A_571 = vector.broadcast %jit3A_570 : i32 to vector<16xi32>
        %select_n3A_572 = arith.select %and3A_569, %get3A_211, %broadcast_in_dim3A_571 : vector<16xi1>, vector<16xi32>
        %dma_start3A_573 = arith.constant 0 : i32
        %dma_start3A_574 = arith.constant 0 : i32
        %dma_start3A_575 = tpu.memref_slice %arg4[%dma_start3A_573, %dma_start3A_574] : memref<1000001x128xf32, #tpu.memory_space<hbm>> -> memref<1000001x128xf32, #tpu.memory_space<hbm>>
        tpu.enqueue_indirect_dma source(%dma_start3A_575 : memref<1000001x128xf32, #tpu.memory_space<hbm>>) target(%arg15 : memref<16x128xf32, #tpu.memory_space<vmem>>) offsets(%select_n3A_572 : vector<16xi32>) semaphore(%arg18 : memref<!tpu.dma_semaphore, #tpu.memory_space<semaphore_mem>>)
        %dma_wait3A_576 = arith.constant 0 : i32
        %dma_wait3A_577 = arith.constant 0 : i32
        %dma_wait3A_578 = tpu.memref_slice %arg4[%dma_wait3A_576, %dma_wait3A_577] : memref<1000001x128xf32, #tpu.memory_space<hbm>> -> memref<1000001x128xf32, #tpu.memory_space<hbm>>
        tpu.wait_indirect_dma semaphore(%arg18 : memref<!tpu.dma_semaphore, #tpu.memory_space<semaphore_mem>>) src(%dma_wait3A_578 : memref<1000001x128xf32, #tpu.memory_space<hbm>>) dst(%arg15 : memref<16x128xf32, #tpu.memory_space<vmem>>)
        %scan3A_579 = arith.constant 0 : i32
        %scan3A_580 = arith.constant 0 : i32
        %scan3A_581 = arith.constant 32 : i32
        %scan3A_582 = arith.addi %scan3A_580, %scan3A_581 : i32
        %scan3A_583 = arith.constant 1 : i32
        scf.for %scan3A_593 = %scan3A_580 to %scan3A_582 step %scan3A_583  : i32 {
          %mul3A_594 = arith.constant 0 : i32
          %mul3A_595 = vector.broadcast %mul3A_594 : i32 to vector<16xi32>
          %mul3A_596 = arith.muli %iota3A, %mul3A_595 : vector<16xi32>
          %mul3A_597 = arith.constant 4 : i32
          %mul3A_598 = arith.muli %scan3A_593, %mul3A_597 : i32
          %add3A_599 = arith.constant 0 : i32
          %add3A_600 = arith.addi %mul3A_598, %add3A_599 : i32
          %add3A_601 = vector.broadcast %add3A_600 : i32 to vector<16xi32>
          %add3A_602 = arith.addi %mul3A_596, %add3A_601 : vector<16xi32>
          %gather3A = tpu.vector_load_idx %arg15[%iota3A, %add3A_602] : memref<16x128xf32, #tpu.memory_space<vmem>>[vector<16xi32>, vector<16xi32>], vector<16xf32>,
          %gather3A_603 = tpu.vector_load_idx %arg14[%iota3A, %add3A_602] : memref<128x128xf32, #tpu.memory_space<vmem>>[vector<16xi32>, vector<16xi32>], vector<16xf32>,
          %jit3A_604 = arith.constant 0.000000e+00 : f32
          %broadcast_in_dim3A_605 = vector.broadcast %jit3A_604 : f32 to vector<16xf32>
          %select_n3A_606 = arith.select %and3A_569, %gather3A_603, %broadcast_in_dim3A_605 : vector<16xi1>, vector<16xf32>
          %add3A_607 = arith.addf %gather3A, %select_n3A_606 : vector<16xf32>
          tpu.vector_store_idx %arg15[%iota3A, %add3A_602], %add3A_607 : memref<16x128xf32, #tpu.memory_space<vmem>>[vector<16xi32>, vector<16xi32>], vector<16xf32>,
          %mul3A_608 = arith.constant 0 : i32
          %mul3A_609 = vector.broadcast %mul3A_608 : i32 to vector<16xi32>
          %mul3A_610 = arith.muli %iota3A, %mul3A_609 : vector<16xi32>
          %mul3A_611 = arith.constant 4 : i32
          %mul3A_612 = arith.muli %scan3A_593, %mul3A_611 : i32
          %add3A_613 = arith.constant 1 : i32
          %add3A_614 = arith.addi %mul3A_612, %add3A_613 : i32
          %add3A_615 = vector.broadcast %add3A_614 : i32 to vector<16xi32>
          %add3A_616 = arith.addi %mul3A_610, %add3A_615 : vector<16xi32>
          %gather3A_617 = tpu.vector_load_idx %arg15[%iota3A, %add3A_616] : memref<16x128xf32, #tpu.memory_space<vmem>>[vector<16xi32>, vector<16xi32>], vector<16xf32>,
          %gather3A_618 = tpu.vector_load_idx %arg14[%iota3A, %add3A_616] : memref<128x128xf32, #tpu.memory_space<vmem>>[vector<16xi32>, vector<16xi32>], vector<16xf32>,
          %jit3A_619 = arith.constant 0.000000e+00 : f32
          %broadcast_in_dim3A_620 = vector.broadcast %jit3A_619 : f32 to vector<16xf32>
          %select_n3A_621 = arith.select %and3A_569, %gather3A_618, %broadcast_in_dim3A_620 : vector<16xi1>, vector<16xf32>
          %add3A_622 = arith.addf %gather3A_617, %select_n3A_621 : vector<16xf32>
          tpu.vector_store_idx %arg15[%iota3A, %add3A_616], %add3A_622 : memref<16x128xf32, #tpu.memory_space<vmem>>[vector<16xi32>, vector<16xi32>], vector<16xf32>,
          %mul3A_623 = arith.constant 0 : i32
          %mul3A_624 = vector.broadcast %mul3A_623 : i32 to vector<16xi32>
          %mul3A_625 = arith.muli %iota3A, %mul3A_624 : vector<16xi32>
          %mul3A_626 = arith.constant 4 : i32
          %mul3A_627 = arith.muli %scan3A_593, %mul3A_626 : i32
          %add3A_628 = arith.constant 2 : i32
          %add3A_629 = arith.addi %mul3A_627, %add3A_628 : i32
          %add3A_630 = vector.broadcast %add3A_629 : i32 to vector<16xi32>
          %add3A_631 = arith.addi %mul3A_625, %add3A_630 : vector<16xi32>
          %gather3A_632 = tpu.vector_load_idx %arg15[%iota3A, %add3A_631] : memref<16x128xf32, #tpu.memory_space<vmem>>[vector<16xi32>, vector<16xi32>], vector<16xf32>,
          %gather3A_633 = tpu.vector_load_idx %arg14[%iota3A, %add3A_631] : memref<128x128xf32, #tpu.memory_space<vmem>>[vector<16xi32>, vector<16xi32>], vector<16xf32>,
          %jit3A_634 = arith.constant 0.000000e+00 : f32
          %broadcast_in_dim3A_635 = vector.broadcast %jit3A_634 : f32 to vector<16xf32>
          %select_n3A_636 = arith.select %and3A_569, %gather3A_633, %broadcast_in_dim3A_635 : vector<16xi1>, vector<16xf32>
          %add3A_637 = arith.addf %gather3A_632, %select_n3A_636 : vector<16xf32>
          tpu.vector_store_idx %arg15[%iota3A, %add3A_631], %add3A_637 : memref<16x128xf32, #tpu.memory_space<vmem>>[vector<16xi32>, vector<16xi32>], vector<16xf32>,
          %mul3A_638 = arith.constant 0 : i32
          %mul3A_639 = vector.broadcast %mul3A_638 : i32 to vector<16xi32>
          %mul3A_640 = arith.muli %iota3A, %mul3A_639 : vector<16xi32>
          %mul3A_641 = arith.constant 4 : i32
          %mul3A_642 = arith.muli %scan3A_593, %mul3A_641 : i32
          %add3A_643 = arith.constant 3 : i32
          %add3A_644 = arith.addi %mul3A_642, %add3A_643 : i32
          %add3A_645 = vector.broadcast %add3A_644 : i32 to vector<16xi32>
          %add3A_646 = arith.addi %mul3A_640, %add3A_645 : vector<16xi32>
          %gather3A_647 = tpu.vector_load_idx %arg15[%iota3A, %add3A_646] : memref<16x128xf32, #tpu.memory_space<vmem>>[vector<16xi32>, vector<16xi32>], vector<16xf32>,
          %gather3A_648 = tpu.vector_load_idx %arg14[%iota3A, %add3A_646] : memref<128x128xf32, #tpu.memory_space<vmem>>[vector<16xi32>, vector<16xi32>], vector<16xf32>,
          %jit3A_649 = arith.constant 0.000000e+00 : f32
          %broadcast_in_dim3A_650 = vector.broadcast %jit3A_649 : f32 to vector<16xf32>
          %select_n3A_651 = arith.select %and3A_569, %gather3A_648, %broadcast_in_dim3A_650 : vector<16xi1>, vector<16xf32>
          %add3A_652 = arith.addf %gather3A_647, %select_n3A_651 : vector<16xf32>
          tpu.vector_store_idx %arg15[%iota3A, %add3A_646], %add3A_652 : memref<16x128xf32, #tpu.memory_space<vmem>>[vector<16xi32>, vector<16xi32>], vector<16xf32>,
        }
        %scan3A_584 = arith.constant 32 : i32
        %dma_start3A_585 = arith.constant 0 : i32
        %dma_start3A_586 = arith.constant 0 : i32
        %dma_start3A_587 = tpu.memref_slice %arg4[%dma_start3A_585, %dma_start3A_586] : memref<1000001x128xf32, #tpu.memory_space<hbm>> -> memref<1000001x128xf32, #tpu.memory_space<hbm>>
        tpu.enqueue_indirect_dma source(%arg15 : memref<16x128xf32, #tpu.memory_space<vmem>>) target(%dma_start3A_587 : memref<1000001x128xf32, #tpu.memory_space<hbm>>) offsets(%select_n3A_572 : vector<16xi32>) semaphore(%arg18 : memref<!tpu.dma_semaphore, #tpu.memory_space<semaphore_mem>>)
        %dma_wait3A_588 = arith.constant 0 : i32
        %dma_wait3A_589 = arith.constant 0 : i32
        %dma_wait3A_590 = tpu.memref_slice %arg4[%dma_wait3A_588, %dma_wait3A_589] : memref<1000001x128xf32, #tpu.memory_space<hbm>> -> memref<1000001x128xf32, #tpu.memory_space<hbm>>
        tpu.wait_indirect_dma semaphore(%arg18 : memref<!tpu.dma_semaphore, #tpu.memory_space<semaphore_mem>>) src(%arg15 : memref<16x128xf32, #tpu.memory_space<vmem>>) dst(%dma_wait3A_590 : memref<1000001x128xf32, #tpu.memory_space<hbm>>)
        %add3A_591 = arith.constant 1 : i32
        %add3A_592 = arith.addi %while3A_566, %add3A_591 : i32
        scf.yield %add3A_592 : i32
      }
    }
    %while3A_204 = arith.constant 1 : i32
    scf.for %while3A_205 = %while3A_202 to %while3A_198 step %while3A_204  : i32 {
      %mul3A_206 = arith.constant 16 : i32
      %mul3A_207 = arith.muli %while3A_205, %mul3A_206 : i32
      %add3A_208 = vector.broadcast %mul3A_207 : i32 to vector<16xi32>
      %add3A_209 = arith.addi %add3A_208, %iota3A : vector<16xi32>
      %lt3A = vector.broadcast %scan3A_5 : i32 to vector<16xi32>
      %lt3A_210 = arith.cmpi slt, %add3A_209, %lt3A : vector<16xi32>
      %get3A = arith.index_cast %mul3A_207 : i32 to index
      %get3A_211 = tpu.vector_load %arg10[%get3A] {strides = array<i32>} : memref<16640xi32, #tpu.memory_space<vmem>>, vector<16xi32>,
      %get3A_212 = arith.index_cast %mul3A_207 : i32 to index
      %get3A_213 = tpu.vector_load %arg11[%get3A_212] {strides = array<i32>} : memref<16640xi32, #tpu.memory_space<vmem>>, vector<16xi32>,
      %add3A_214 = arith.constant 1000000 : i32
      %add3A_215 = vector.broadcast %add3A_214 : i32 to vector<16xi32>
      %add3A_216 = arith.addi %add3A_215, %iota3A : vector<16xi32>
      %select_n3A_217 = arith.select %lt3A_210, %get3A_211, %add3A_216 : vector<16xi1>, vector<16xi32>
      %broadcast_in_dim3A_218 = arith.constant 0 : i32
      %broadcast_in_dim3A_219 = vector.broadcast %broadcast_in_dim3A_218 : i32 to vector<16xi32>
      %eq3A = arith.constant 0 : i32
      %eq3A_220 = vector.broadcast %eq3A : i32 to vector<16xi32>
      %eq3A_221 = arith.cmpi eq, %iota3A, %eq3A_220 : vector<16xi32>
      %jit3A_222 = arith.constant 0 : i32
      %broadcast_in_dim3A_223 = vector.broadcast %jit3A_222 : i32 to vector<16xi32>
      %select_n3A_224 = arith.select %eq3A_221, %select_n3A_217, %broadcast_in_dim3A_223 : vector<16xi1>, vector<16xi32>
      %reduce_sum3A = arith.constant true
      %reduce_sum3A_225 = vector.broadcast %reduce_sum3A : i1 to vector<16xi1>
      %reduce_sum3A_226 = tpu.scan <sum>, %select_n3A_224 masked %reduce_sum3A_225 : vector<16xi32>, vector<16xi1> -> vector<16xi32>
      %reduce_sum3A_227 = vector.extract %reduce_sum3A_226[15] : i32 from vector<16xi32>
      %gt3A = arith.constant 0 : i32
      %gt3A_228 = vector.broadcast %gt3A : i32 to vector<16xi32>
      %gt3A_229 = arith.cmpi sgt, %iota3A, %gt3A_228 : vector<16xi32>
      %eq3A_230 = vector.broadcast %reduce_sum3A_227 : i32 to vector<16xi32>
      %eq3A_231 = arith.cmpi eq, %select_n3A_217, %eq3A_230 : vector<16xi32>
      %and3A_232 = arith.andi %gt3A_229, %eq3A_231 : vector<16xi1>
      %jit3A_233 = arith.constant 1 : i32
      %jit3A_234 = arith.constant 0 : i32
      %broadcast_in_dim3A_235 = vector.broadcast %jit3A_233 : i32 to vector<16xi32>
      %broadcast_in_dim3A_236 = vector.broadcast %jit3A_234 : i32 to vector<16xi32>
      %select_n3A_237 = arith.select %and3A_232, %broadcast_in_dim3A_235, %broadcast_in_dim3A_236 : vector<16xi1>, vector<16xi32>
      %add3A_238 = arith.addi %broadcast_in_dim3A_219, %select_n3A_237 : vector<16xi32>
      %eq3A_239 = arith.constant 1 : i32
      %eq3A_240 = vector.broadcast %eq3A_239 : i32 to vector<16xi32>
      %eq3A_241 = arith.cmpi eq, %iota3A, %eq3A_240 : vector<16xi32>
      %jit3A_242 = arith.constant 0 : i32
      %broadcast_in_dim3A_243 = vector.broadcast %jit3A_242 : i32 to vector<16xi32>
      %select_n3A_244 = arith.select %eq3A_241, %select_n3A_217, %broadcast_in_dim3A_243 : vector<16xi1>, vector<16xi32>
      %reduce_sum3A_245 = arith.constant true
      %reduce_sum3A_246 = vector.broadcast %reduce_sum3A_245 : i1 to vector<16xi1>
      %reduce_sum3A_247 = tpu.scan <sum>, %select_n3A_244 masked %reduce_sum3A_246 : vector<16xi32>, vector<16xi1> -> vector<16xi32>
      %reduce_sum3A_248 = vector.extract %reduce_sum3A_247[15] : i32 from vector<16xi32>
      %gt3A_249 = arith.constant 1 : i32
      %gt3A_250 = vector.broadcast %gt3A_249 : i32 to vector<16xi32>
      %gt3A_251 = arith.cmpi sgt, %iota3A, %gt3A_250 : vector<16xi32>
      %eq3A_252 = vector.broadcast %reduce_sum3A_248 : i32 to vector<16xi32>
      %eq3A_253 = arith.cmpi eq, %select_n3A_217, %eq3A_252 : vector<16xi32>
      %and3A_254 = arith.andi %gt3A_251, %eq3A_253 : vector<16xi1>
      %jit3A_255 = arith.constant 1 : i32
      %jit3A_256 = arith.constant 0 : i32
      %broadcast_in_dim3A_257 = vector.broadcast %jit3A_255 : i32 to vector<16xi32>
      %broadcast_in_dim3A_258 = vector.broadcast %jit3A_256 : i32 to vector<16xi32>
      %select_n3A_259 = arith.select %and3A_254, %broadcast_in_dim3A_257, %broadcast_in_dim3A_258 : vector<16xi1>, vector<16xi32>
      %add3A_260 = arith.addi %add3A_238, %select_n3A_259 : vector<16xi32>
      %eq3A_261 = arith.constant 2 : i32
      %eq3A_262 = vector.broadcast %eq3A_261 : i32 to vector<16xi32>
      %eq3A_263 = arith.cmpi eq, %iota3A, %eq3A_262 : vector<16xi32>
      %jit3A_264 = arith.constant 0 : i32
      %broadcast_in_dim3A_265 = vector.broadcast %jit3A_264 : i32 to vector<16xi32>
      %select_n3A_266 = arith.select %eq3A_263, %select_n3A_217, %broadcast_in_dim3A_265 : vector<16xi1>, vector<16xi32>
      %reduce_sum3A_267 = arith.constant true
      %reduce_sum3A_268 = vector.broadcast %reduce_sum3A_267 : i1 to vector<16xi1>
      %reduce_sum3A_269 = tpu.scan <sum>, %select_n3A_266 masked %reduce_sum3A_268 : vector<16xi32>, vector<16xi1> -> vector<16xi32>
      %reduce_sum3A_270 = vector.extract %reduce_sum3A_269[15] : i32 from vector<16xi32>
      %gt3A_271 = arith.constant 2 : i32
      %gt3A_272 = vector.broadcast %gt3A_271 : i32 to vector<16xi32>
      %gt3A_273 = arith.cmpi sgt, %iota3A, %gt3A_272 : vector<16xi32>
      %eq3A_274 = vector.broadcast %reduce_sum3A_270 : i32 to vector<16xi32>
      %eq3A_275 = arith.cmpi eq, %select_n3A_217, %eq3A_274 : vector<16xi32>
      %and3A_276 = arith.andi %gt3A_273, %eq3A_275 : vector<16xi1>
      %jit3A_277 = arith.constant 1 : i32
      %jit3A_278 = arith.constant 0 : i32
      %broadcast_in_dim3A_279 = vector.broadcast %jit3A_277 : i32 to vector<16xi32>
      %broadcast_in_dim3A_280 = vector.broadcast %jit3A_278 : i32 to vector<16xi32>
      %select_n3A_281 = arith.select %and3A_276, %broadcast_in_dim3A_279, %broadcast_in_dim3A_280 : vector<16xi1>, vector<16xi32>
      %add3A_282 = arith.addi %add3A_260, %select_n3A_281 : vector<16xi32>
      %eq3A_283 = arith.constant 3 : i32
      %eq3A_284 = vector.broadcast %eq3A_283 : i32 to vector<16xi32>
      %eq3A_285 = arith.cmpi eq, %iota3A, %eq3A_284 : vector<16xi32>
      %jit3A_286 = arith.constant 0 : i32
      %broadcast_in_dim3A_287 = vector.broadcast %jit3A_286 : i32 to vector<16xi32>
      %select_n3A_288 = arith.select %eq3A_285, %select_n3A_217, %broadcast_in_dim3A_287 : vector<16xi1>, vector<16xi32>
      %reduce_sum3A_289 = arith.constant true
      %reduce_sum3A_290 = vector.broadcast %reduce_sum3A_289 : i1 to vector<16xi1>
      %reduce_sum3A_291 = tpu.scan <sum>, %select_n3A_288 masked %reduce_sum3A_290 : vector<16xi32>, vector<16xi1> -> vector<16xi32>
      %reduce_sum3A_292 = vector.extract %reduce_sum3A_291[15] : i32 from vector<16xi32>
      %gt3A_293 = arith.constant 3 : i32
      %gt3A_294 = vector.broadcast %gt3A_293 : i32 to vector<16xi32>
      %gt3A_295 = arith.cmpi sgt, %iota3A, %gt3A_294 : vector<16xi32>
      %eq3A_296 = vector.broadcast %reduce_sum3A_292 : i32 to vector<16xi32>
      %eq3A_297 = arith.cmpi eq, %select_n3A_217, %eq3A_296 : vector<16xi32>
      %and3A_298 = arith.andi %gt3A_295, %eq3A_297 : vector<16xi1>
      %jit3A_299 = arith.constant 1 : i32
      %jit3A_300 = arith.constant 0 : i32
      %broadcast_in_dim3A_301 = vector.broadcast %jit3A_299 : i32 to vector<16xi32>
      %broadcast_in_dim3A_302 = vector.broadcast %jit3A_300 : i32 to vector<16xi32>
      %select_n3A_303 = arith.select %and3A_298, %broadcast_in_dim3A_301, %broadcast_in_dim3A_302 : vector<16xi1>, vector<16xi32>
      %add3A_304 = arith.addi %add3A_282, %select_n3A_303 : vector<16xi32>
      %eq3A_305 = arith.constant 4 : i32
      %eq3A_306 = vector.broadcast %eq3A_305 : i32 to vector<16xi32>
      %eq3A_307 = arith.cmpi eq, %iota3A, %eq3A_306 : vector<16xi32>
      %jit3A_308 = arith.constant 0 : i32
      %broadcast_in_dim3A_309 = vector.broadcast %jit3A_308 : i32 to vector<16xi32>
      %select_n3A_310 = arith.select %eq3A_307, %select_n3A_217, %broadcast_in_dim3A_309 : vector<16xi1>, vector<16xi32>
      %reduce_sum3A_311 = arith.constant true
      %reduce_sum3A_312 = vector.broadcast %reduce_sum3A_311 : i1 to vector<16xi1>
      %reduce_sum3A_313 = tpu.scan <sum>, %select_n3A_310 masked %reduce_sum3A_312 : vector<16xi32>, vector<16xi1> -> vector<16xi32>
      %reduce_sum3A_314 = vector.extract %reduce_sum3A_313[15] : i32 from vector<16xi32>
      %gt3A_315 = arith.constant 4 : i32
      %gt3A_316 = vector.broadcast %gt3A_315 : i32 to vector<16xi32>
      %gt3A_317 = arith.cmpi sgt, %iota3A, %gt3A_316 : vector<16xi32>
      %eq3A_318 = vector.broadcast %reduce_sum3A_314 : i32 to vector<16xi32>
      %eq3A_319 = arith.cmpi eq, %select_n3A_217, %eq3A_318 : vector<16xi32>
      %and3A_320 = arith.andi %gt3A_317, %eq3A_319 : vector<16xi1>
      %jit3A_321 = arith.constant 1 : i32
      %jit3A_322 = arith.constant 0 : i32
      %broadcast_in_dim3A_323 = vector.broadcast %jit3A_321 : i32 to vector<16xi32>
      %broadcast_in_dim3A_324 = vector.broadcast %jit3A_322 : i32 to vector<16xi32>
      %select_n3A_325 = arith.select %and3A_320, %broadcast_in_dim3A_323, %broadcast_in_dim3A_324 : vector<16xi1>, vector<16xi32>
      %add3A_326 = arith.addi %add3A_304, %select_n3A_325 : vector<16xi32>
      %eq3A_327 = arith.constant 5 : i32
      %eq3A_328 = vector.broadcast %eq3A_327 : i32 to vector<16xi32>
      %eq3A_329 = arith.cmpi eq, %iota3A, %eq3A_328 : vector<16xi32>
      %jit3A_330 = arith.constant 0 : i32
      %broadcast_in_dim3A_331 = vector.broadcast %jit3A_330 : i32 to vector<16xi32>
      %select_n3A_332 = arith.select %eq3A_329, %select_n3A_217, %broadcast_in_dim3A_331 : vector<16xi1>, vector<16xi32>
      %reduce_sum3A_333 = arith.constant true
      %reduce_sum3A_334 = vector.broadcast %reduce_sum3A_333 : i1 to vector<16xi1>
      %reduce_sum3A_335 = tpu.scan <sum>, %select_n3A_332 masked %reduce_sum3A_334 : vector<16xi32>, vector<16xi1> -> vector<16xi32>
      %reduce_sum3A_336 = vector.extract %reduce_sum3A_335[15] : i32 from vector<16xi32>
      %gt3A_337 = arith.constant 5 : i32
      %gt3A_338 = vector.broadcast %gt3A_337 : i32 to vector<16xi32>
      %gt3A_339 = arith.cmpi sgt, %iota3A, %gt3A_338 : vector<16xi32>
      %eq3A_340 = vector.broadcast %reduce_sum3A_336 : i32 to vector<16xi32>
      %eq3A_341 = arith.cmpi eq, %select_n3A_217, %eq3A_340 : vector<16xi32>
      %and3A_342 = arith.andi %gt3A_339, %eq3A_341 : vector<16xi1>
      %jit3A_343 = arith.constant 1 : i32
      %jit3A_344 = arith.constant 0 : i32
      %broadcast_in_dim3A_345 = vector.broadcast %jit3A_343 : i32 to vector<16xi32>
      %broadcast_in_dim3A_346 = vector.broadcast %jit3A_344 : i32 to vector<16xi32>
      %select_n3A_347 = arith.select %and3A_342, %broadcast_in_dim3A_345, %broadcast_in_dim3A_346 : vector<16xi1>, vector<16xi32>
      %add3A_348 = arith.addi %add3A_326, %select_n3A_347 : vector<16xi32>
      %eq3A_349 = arith.constant 6 : i32
      %eq3A_350 = vector.broadcast %eq3A_349 : i32 to vector<16xi32>
      %eq3A_351 = arith.cmpi eq, %iota3A, %eq3A_350 : vector<16xi32>
      %jit3A_352 = arith.constant 0 : i32
      %broadcast_in_dim3A_353 = vector.broadcast %jit3A_352 : i32 to vector<16xi32>
      %select_n3A_354 = arith.select %eq3A_351, %select_n3A_217, %broadcast_in_dim3A_353 : vector<16xi1>, vector<16xi32>
      %reduce_sum3A_355 = arith.constant true
      %reduce_sum3A_356 = vector.broadcast %reduce_sum3A_355 : i1 to vector<16xi1>
      %reduce_sum3A_357 = tpu.scan <sum>, %select_n3A_354 masked %reduce_sum3A_356 : vector<16xi32>, vector<16xi1> -> vector<16xi32>
      %reduce_sum3A_358 = vector.extract %reduce_sum3A_357[15] : i32 from vector<16xi32>
      %gt3A_359 = arith.constant 6 : i32
      %gt3A_360 = vector.broadcast %gt3A_359 : i32 to vector<16xi32>
      %gt3A_361 = arith.cmpi sgt, %iota3A, %gt3A_360 : vector<16xi32>
      %eq3A_362 = vector.broadcast %reduce_sum3A_358 : i32 to vector<16xi32>
      %eq3A_363 = arith.cmpi eq, %select_n3A_217, %eq3A_362 : vector<16xi32>
      %and3A_364 = arith.andi %gt3A_361, %eq3A_363 : vector<16xi1>
      %jit3A_365 = arith.constant 1 : i32
      %jit3A_366 = arith.constant 0 : i32
      %broadcast_in_dim3A_367 = vector.broadcast %jit3A_365 : i32 to vector<16xi32>
      %broadcast_in_dim3A_368 = vector.broadcast %jit3A_366 : i32 to vector<16xi32>
      %select_n3A_369 = arith.select %and3A_364, %broadcast_in_dim3A_367, %broadcast_in_dim3A_368 : vector<16xi1>, vector<16xi32>
      %add3A_370 = arith.addi %add3A_348, %select_n3A_369 : vector<16xi32>
      %eq3A_371 = arith.constant 7 : i32
      %eq3A_372 = vector.broadcast %eq3A_371 : i32 to vector<16xi32>
      %eq3A_373 = arith.cmpi eq, %iota3A, %eq3A_372 : vector<16xi32>
      %jit3A_374 = arith.constant 0 : i32
      %broadcast_in_dim3A_375 = vector.broadcast %jit3A_374 : i32 to vector<16xi32>
      %select_n3A_376 = arith.select %eq3A_373, %select_n3A_217, %broadcast_in_dim3A_375 : vector<16xi1>, vector<16xi32>
      %reduce_sum3A_377 = arith.constant true
      %reduce_sum3A_378 = vector.broadcast %reduce_sum3A_377 : i1 to vector<16xi1>
      %reduce_sum3A_379 = tpu.scan <sum>, %select_n3A_376 masked %reduce_sum3A_378 : vector<16xi32>, vector<16xi1> -> vector<16xi32>
      %reduce_sum3A_380 = vector.extract %reduce_sum3A_379[15] : i32 from vector<16xi32>
      %gt3A_381 = arith.constant 7 : i32
      %gt3A_382 = vector.broadcast %gt3A_381 : i32 to vector<16xi32>
      %gt3A_383 = arith.cmpi sgt, %iota3A, %gt3A_382 : vector<16xi32>
      %eq3A_384 = vector.broadcast %reduce_sum3A_380 : i32 to vector<16xi32>
      %eq3A_385 = arith.cmpi eq, %select_n3A_217, %eq3A_384 : vector<16xi32>
      %and3A_386 = arith.andi %gt3A_383, %eq3A_385 : vector<16xi1>
      %jit3A_387 = arith.constant 1 : i32
      %jit3A_388 = arith.constant 0 : i32
      %broadcast_in_dim3A_389 = vector.broadcast %jit3A_387 : i32 to vector<16xi32>
      %broadcast_in_dim3A_390 = vector.broadcast %jit3A_388 : i32 to vector<16xi32>
      %select_n3A_391 = arith.select %and3A_386, %broadcast_in_dim3A_389, %broadcast_in_dim3A_390 : vector<16xi1>, vector<16xi32>
      %add3A_392 = arith.addi %add3A_370, %select_n3A_391 : vector<16xi32>
      %eq3A_393 = arith.constant 8 : i32
      %eq3A_394 = vector.broadcast %eq3A_393 : i32 to vector<16xi32>
      %eq3A_395 = arith.cmpi eq, %iota3A, %eq3A_394 : vector<16xi32>
      %jit3A_396 = arith.constant 0 : i32
      %broadcast_in_dim3A_397 = vector.broadcast %jit3A_396 : i32 to vector<16xi32>
      %select_n3A_398 = arith.select %eq3A_395, %select_n3A_217, %broadcast_in_dim3A_397 : vector<16xi1>, vector<16xi32>
      %reduce_sum3A_399 = arith.constant true
      %reduce_sum3A_400 = vector.broadcast %reduce_sum3A_399 : i1 to vector<16xi1>
      %reduce_sum3A_401 = tpu.scan <sum>, %select_n3A_398 masked %reduce_sum3A_400 : vector<16xi32>, vector<16xi1> -> vector<16xi32>
      %reduce_sum3A_402 = vector.extract %reduce_sum3A_401[15] : i32 from vector<16xi32>
      %gt3A_403 = arith.constant 8 : i32
      %gt3A_404 = vector.broadcast %gt3A_403 : i32 to vector<16xi32>
      %gt3A_405 = arith.cmpi sgt, %iota3A, %gt3A_404 : vector<16xi32>
      %eq3A_406 = vector.broadcast %reduce_sum3A_402 : i32 to vector<16xi32>
      %eq3A_407 = arith.cmpi eq, %select_n3A_217, %eq3A_406 : vector<16xi32>
      %and3A_408 = arith.andi %gt3A_405, %eq3A_407 : vector<16xi1>
      %jit3A_409 = arith.constant 1 : i32
      %jit3A_410 = arith.constant 0 : i32
      %broadcast_in_dim3A_411 = vector.broadcast %jit3A_409 : i32 to vector<16xi32>
      %broadcast_in_dim3A_412 = vector.broadcast %jit3A_410 : i32 to vector<16xi32>
      %select_n3A_413 = arith.select %and3A_408, %broadcast_in_dim3A_411, %broadcast_in_dim3A_412 : vector<16xi1>, vector<16xi32>
      %add3A_414 = arith.addi %add3A_392, %select_n3A_413 : vector<16xi32>
      %eq3A_415 = arith.constant 9 : i32
      %eq3A_416 = vector.broadcast %eq3A_415 : i32 to vector<16xi32>
      %eq3A_417 = arith.cmpi eq, %iota3A, %eq3A_416 : vector<16xi32>
      %jit3A_418 = arith.constant 0 : i32
      %broadcast_in_dim3A_419 = vector.broadcast %jit3A_418 : i32 to vector<16xi32>
      %select_n3A_420 = arith.select %eq3A_417, %select_n3A_217, %broadcast_in_dim3A_419 : vector<16xi1>, vector<16xi32>
      %reduce_sum3A_421 = arith.constant true
      %reduce_sum3A_422 = vector.broadcast %reduce_sum3A_421 : i1 to vector<16xi1>
      %reduce_sum3A_423 = tpu.scan <sum>, %select_n3A_420 masked %reduce_sum3A_422 : vector<16xi32>, vector<16xi1> -> vector<16xi32>
      %reduce_sum3A_424 = vector.extract %reduce_sum3A_423[15] : i32 from vector<16xi32>
      %gt3A_425 = arith.constant 9 : i32
      %gt3A_426 = vector.broadcast %gt3A_425 : i32 to vector<16xi32>
      %gt3A_427 = arith.cmpi sgt, %iota3A, %gt3A_426 : vector<16xi32>
      %eq3A_428 = vector.broadcast %reduce_sum3A_424 : i32 to vector<16xi32>
      %eq3A_429 = arith.cmpi eq, %select_n3A_217, %eq3A_428 : vector<16xi32>
      %and3A_430 = arith.andi %gt3A_427, %eq3A_429 : vector<16xi1>
      %jit3A_431 = arith.constant 1 : i32
      %jit3A_432 = arith.constant 0 : i32
      %broadcast_in_dim3A_433 = vector.broadcast %jit3A_431 : i32 to vector<16xi32>
      %broadcast_in_dim3A_434 = vector.broadcast %jit3A_432 : i32 to vector<16xi32>
      %select_n3A_435 = arith.select %and3A_430, %broadcast_in_dim3A_433, %broadcast_in_dim3A_434 : vector<16xi1>, vector<16xi32>
      %add3A_436 = arith.addi %add3A_414, %select_n3A_435 : vector<16xi32>
      %eq3A_437 = arith.constant 10 : i32
      %eq3A_438 = vector.broadcast %eq3A_437 : i32 to vector<16xi32>
      %eq3A_439 = arith.cmpi eq, %iota3A, %eq3A_438 : vector<16xi32>
      %jit3A_440 = arith.constant 0 : i32
      %broadcast_in_dim3A_441 = vector.broadcast %jit3A_440 : i32 to vector<16xi32>
      %select_n3A_442 = arith.select %eq3A_439, %select_n3A_217, %broadcast_in_dim3A_441 : vector<16xi1>, vector<16xi32>
      %reduce_sum3A_443 = arith.constant true
      %reduce_sum3A_444 = vector.broadcast %reduce_sum3A_443 : i1 to vector<16xi1>
      %reduce_sum3A_445 = tpu.scan <sum>, %select_n3A_442 masked %reduce_sum3A_444 : vector<16xi32>, vector<16xi1> -> vector<16xi32>
      %reduce_sum3A_446 = vector.extract %reduce_sum3A_445[15] : i32 from vector<16xi32>
      %gt3A_447 = arith.constant 10 : i32
      %gt3A_448 = vector.broadcast %gt3A_447 : i32 to vector<16xi32>
      %gt3A_449 = arith.cmpi sgt, %iota3A, %gt3A_448 : vector<16xi32>
      %eq3A_450 = vector.broadcast %reduce_sum3A_446 : i32 to vector<16xi32>
      %eq3A_451 = arith.cmpi eq, %select_n3A_217, %eq3A_450 : vector<16xi32>
      %and3A_452 = arith.andi %gt3A_449, %eq3A_451 : vector<16xi1>
      %jit3A_453 = arith.constant 1 : i32
      %jit3A_454 = arith.constant 0 : i32
      %broadcast_in_dim3A_455 = vector.broadcast %jit3A_453 : i32 to vector<16xi32>
      %broadcast_in_dim3A_456 = vector.broadcast %jit3A_454 : i32 to vector<16xi32>
      %select_n3A_457 = arith.select %and3A_452, %broadcast_in_dim3A_455, %broadcast_in_dim3A_456 : vector<16xi1>, vector<16xi32>
      %add3A_458 = arith.addi %add3A_436, %select_n3A_457 : vector<16xi32>
      %eq3A_459 = arith.constant 11 : i32
      %eq3A_460 = vector.broadcast %eq3A_459 : i32 to vector<16xi32>
      %eq3A_461 = arith.cmpi eq, %iota3A, %eq3A_460 : vector<16xi32>
      %jit3A_462 = arith.constant 0 : i32
      %broadcast_in_dim3A_463 = vector.broadcast %jit3A_462 : i32 to vector<16xi32>
      %select_n3A_464 = arith.select %eq3A_461, %select_n3A_217, %broadcast_in_dim3A_463 : vector<16xi1>, vector<16xi32>
      %reduce_sum3A_465 = arith.constant true
      %reduce_sum3A_466 = vector.broadcast %reduce_sum3A_465 : i1 to vector<16xi1>
      %reduce_sum3A_467 = tpu.scan <sum>, %select_n3A_464 masked %reduce_sum3A_466 : vector<16xi32>, vector<16xi1> -> vector<16xi32>
      %reduce_sum3A_468 = vector.extract %reduce_sum3A_467[15] : i32 from vector<16xi32>
      %gt3A_469 = arith.constant 11 : i32
      %gt3A_470 = vector.broadcast %gt3A_469 : i32 to vector<16xi32>
      %gt3A_471 = arith.cmpi sgt, %iota3A, %gt3A_470 : vector<16xi32>
      %eq3A_472 = vector.broadcast %reduce_sum3A_468 : i32 to vector<16xi32>
      %eq3A_473 = arith.cmpi eq, %select_n3A_217, %eq3A_472 : vector<16xi32>
      %and3A_474 = arith.andi %gt3A_471, %eq3A_473 : vector<16xi1>
      %jit3A_475 = arith.constant 1 : i32
      %jit3A_476 = arith.constant 0 : i32
      %broadcast_in_dim3A_477 = vector.broadcast %jit3A_475 : i32 to vector<16xi32>
      %broadcast_in_dim3A_478 = vector.broadcast %jit3A_476 : i32 to vector<16xi32>
      %select_n3A_479 = arith.select %and3A_474, %broadcast_in_dim3A_477, %broadcast_in_dim3A_478 : vector<16xi1>, vector<16xi32>
      %add3A_480 = arith.addi %add3A_458, %select_n3A_479 : vector<16xi32>
      %eq3A_481 = arith.constant 12 : i32
      %eq3A_482 = vector.broadcast %eq3A_481 : i32 to vector<16xi32>
      %eq3A_483 = arith.cmpi eq, %iota3A, %eq3A_482 : vector<16xi32>
      %jit3A_484 = arith.constant 0 : i32
      %broadcast_in_dim3A_485 = vector.broadcast %jit3A_484 : i32 to vector<16xi32>
      %select_n3A_486 = arith.select %eq3A_483, %select_n3A_217, %broadcast_in_dim3A_485 : vector<16xi1>, vector<16xi32>
      %reduce_sum3A_487 = arith.constant true
      %reduce_sum3A_488 = vector.broadcast %reduce_sum3A_487 : i1 to vector<16xi1>
      %reduce_sum3A_489 = tpu.scan <sum>, %select_n3A_486 masked %reduce_sum3A_488 : vector<16xi32>, vector<16xi1> -> vector<16xi32>
      %reduce_sum3A_490 = vector.extract %reduce_sum3A_489[15] : i32 from vector<16xi32>
      %gt3A_491 = arith.constant 12 : i32
      %gt3A_492 = vector.broadcast %gt3A_491 : i32 to vector<16xi32>
      %gt3A_493 = arith.cmpi sgt, %iota3A, %gt3A_492 : vector<16xi32>
      %eq3A_494 = vector.broadcast %reduce_sum3A_490 : i32 to vector<16xi32>
      %eq3A_495 = arith.cmpi eq, %select_n3A_217, %eq3A_494 : vector<16xi32>
      %and3A_496 = arith.andi %gt3A_493, %eq3A_495 : vector<16xi1>
      %jit3A_497 = arith.constant 1 : i32
      %jit3A_498 = arith.constant 0 : i32
      %broadcast_in_dim3A_499 = vector.broadcast %jit3A_497 : i32 to vector<16xi32>
      %broadcast_in_dim3A_500 = vector.broadcast %jit3A_498 : i32 to vector<16xi32>
      %select_n3A_501 = arith.select %and3A_496, %broadcast_in_dim3A_499, %broadcast_in_dim3A_500 : vector<16xi1>, vector<16xi32>
      %add3A_502 = arith.addi %add3A_480, %select_n3A_501 : vector<16xi32>
      %eq3A_503 = arith.constant 13 : i32
      %eq3A_504 = vector.broadcast %eq3A_503 : i32 to vector<16xi32>
      %eq3A_505 = arith.cmpi eq, %iota3A, %eq3A_504 : vector<16xi32>
      %jit3A_506 = arith.constant 0 : i32
      %broadcast_in_dim3A_507 = vector.broadcast %jit3A_506 : i32 to vector<16xi32>
      %select_n3A_508 = arith.select %eq3A_505, %select_n3A_217, %broadcast_in_dim3A_507 : vector<16xi1>, vector<16xi32>
      %reduce_sum3A_509 = arith.constant true
      %reduce_sum3A_510 = vector.broadcast %reduce_sum3A_509 : i1 to vector<16xi1>
      %reduce_sum3A_511 = tpu.scan <sum>, %select_n3A_508 masked %reduce_sum3A_510 : vector<16xi32>, vector<16xi1> -> vector<16xi32>
      %reduce_sum3A_512 = vector.extract %reduce_sum3A_511[15] : i32 from vector<16xi32>
      %gt3A_513 = arith.constant 13 : i32
      %gt3A_514 = vector.broadcast %gt3A_513 : i32 to vector<16xi32>
      %gt3A_515 = arith.cmpi sgt, %iota3A, %gt3A_514 : vector<16xi32>
      %eq3A_516 = vector.broadcast %reduce_sum3A_512 : i32 to vector<16xi32>
      %eq3A_517 = arith.cmpi eq, %select_n3A_217, %eq3A_516 : vector<16xi32>
      %and3A_518 = arith.andi %gt3A_515, %eq3A_517 : vector<16xi1>
      %jit3A_519 = arith.constant 1 : i32
      %jit3A_520 = arith.constant 0 : i32
      %broadcast_in_dim3A_521 = vector.broadcast %jit3A_519 : i32 to vector<16xi32>
      %broadcast_in_dim3A_522 = vector.broadcast %jit3A_520 : i32 to vector<16xi32>
      %select_n3A_523 = arith.select %and3A_518, %broadcast_in_dim3A_521, %broadcast_in_dim3A_522 : vector<16xi1>, vector<16xi32>
      %add3A_524 = arith.addi %add3A_502, %select_n3A_523 : vector<16xi32>
      %eq3A_525 = arith.constant 14 : i32
      %eq3A_526 = vector.broadcast %eq3A_525 : i32 to vector<16xi32>
      %eq3A_527 = arith.cmpi eq, %iota3A, %eq3A_526 : vector<16xi32>
      %jit3A_528 = arith.constant 0 : i32
      %broadcast_in_dim3A_529 = vector.broadcast %jit3A_528 : i32 to vector<16xi32>
      %select_n3A_530 = arith.select %eq3A_527, %select_n3A_217, %broadcast_in_dim3A_529 : vector<16xi1>, vector<16xi32>
      %reduce_sum3A_531 = arith.constant true
      %reduce_sum3A_532 = vector.broadcast %reduce_sum3A_531 : i1 to vector<16xi1>
      %reduce_sum3A_533 = tpu.scan <sum>, %select_n3A_530 masked %reduce_sum3A_532 : vector<16xi32>, vector<16xi1> -> vector<16xi32>
      %reduce_sum3A_534 = vector.extract %reduce_sum3A_533[15] : i32 from vector<16xi32>
      %gt3A_535 = arith.constant 14 : i32
      %gt3A_536 = vector.broadcast %gt3A_535 : i32 to vector<16xi32>
      %gt3A_537 = arith.cmpi sgt, %iota3A, %gt3A_536 : vector<16xi32>
      %eq3A_538 = vector.broadcast %reduce_sum3A_534 : i32 to vector<16xi32>
      %eq3A_539 = arith.cmpi eq, %select_n3A_217, %eq3A_538 : vector<16xi32>
      %and3A_540 = arith.andi %gt3A_537, %eq3A_539 : vector<16xi1>
      %jit3A_541 = arith.constant 1 : i32
      %jit3A_542 = arith.constant 0 : i32
      %broadcast_in_dim3A_543 = vector.broadcast %jit3A_541 : i32 to vector<16xi32>
      %broadcast_in_dim3A_544 = vector.broadcast %jit3A_542 : i32 to vector<16xi32>
      %select_n3A_545 = arith.select %and3A_540, %broadcast_in_dim3A_543, %broadcast_in_dim3A_544 : vector<16xi1>, vector<16xi32>
      %add3A_546 = arith.addi %add3A_524, %select_n3A_545 : vector<16xi32>
      %reduce_max3A = arith.constant true
      %reduce_max3A_547 = vector.broadcast %reduce_max3A : i1 to vector<16xi1>
      %reduce_max3A_548 = arith.constant -2147483648 : i32
      %reduce_max3A_549 = vector.broadcast %reduce_max3A_548 : i32 to vector<16xi32>
      %reduce_max3A_550 = arith.xori %add3A_546, %reduce_max3A_549 : vector<16xi32>
      %reduce_max3A_551 = tpu.scan <max>, %reduce_max3A_550 masked %reduce_max3A_547 : vector<16xi32>, vector<16xi1> -> vector<16xi32>
      %reduce_max3A_552 = arith.xori %reduce_max3A_551, %reduce_max3A_549 : vector<16xi32>
      %reduce_max3A_553 = vector.extract %reduce_max3A_552[15] : i32 from vector<16xi32>
      %dma_start3A = arith.constant 0 : i32
      %dma_start3A_554 = arith.constant 0 : i32
      %dma_start3A_555 = tpu.memref_slice %arg14[%dma_start3A, %dma_start3A_554] : memref<128x128xf32, #tpu.memory_space<vmem>> -> memref<16x128xf32, #tpu.memory_space<vmem>>
      %dma_start3A_556 = arith.constant 0 : i32
      %dma_start3A_557 = arith.constant 0 : i32
      %dma_start3A_558 = tpu.memref_slice %arg6[%dma_start3A_556, %dma_start3A_557] : memref<16400x128xf32, #tpu.memory_space<hbm>> -> memref<16400x128xf32, #tpu.memory_space<hbm>>
      tpu.enqueue_indirect_dma source(%dma_start3A_558 : memref<16400x128xf32, #tpu.memory_space<hbm>>) target(%dma_start3A_555 : memref<16x128xf32, #tpu.memory_space<vmem>>) offsets(%get3A_213 : vector<16xi32>) semaphore(%arg17 : memref<!tpu.dma_semaphore, #tpu.memory_space<semaphore_mem>>)
      %dma_wait3A = arith.constant 0 : i32
      %dma_wait3A_559 = arith.constant 0 : i32
      %dma_wait3A_560 = tpu.memref_slice %arg14[%dma_wait3A, %dma_wait3A_559] : memref<128x128xf32, #tpu.memory_space<vmem>> -> memref<16x128xf32, #tpu.memory_space<vmem>>
      %dma_wait3A_561 = arith.constant 0 : i32
      %dma_wait3A_562 = arith.constant 0 : i32
      %dma_wait3A_563 = tpu.memref_slice %arg6[%dma_wait3A_561, %dma_wait3A_562] : memref<16400x128xf32, #tpu.memory_space<hbm>> -> memref<16400x128xf32, #tpu.memory_space<hbm>>
      tpu.wait_indirect_dma semaphore(%arg17 : memref<!tpu.dma_semaphore, #tpu.memory_space<semaphore_mem>>) src(%dma_wait3A_563 : memref<16400x128xf32, #tpu.memory_space<hbm>>) dst(%dma_wait3A_560 : memref<16x128xf32, #tpu.memory_space<vmem>>)
      %while3A_564 = arith.constant 0 : i32
      %while3A_565 = scf.while (%while3A_566 = %while3A_564) : (i32) -> i32 {
        %le3A = arith.cmpi sle, %while3A_566, %reduce_max3A_553 : i32
        scf.condition(%le3A) %while3A_566 : i32
      } do {
      ^bb0(%while3A_566: i32):
        %eq3A_567 = vector.broadcast %while3A_566 : i32 to vector<16xi32>
        %eq3A_568 = arith.cmpi eq, %add3A_546, %eq3A_567 : vector<16xi32>
        %and3A_569 = arith.andi %eq3A_568, %lt3A_210 : vector<16xi1>
        %jit3A_570 = arith.constant 1000000 : i32
        %broadcast_in_dim3A_571 = vector.broadcast %jit3A_570 : i32 to vector<16xi32>
        %select_n3A_572 = arith.select %and3A_569, %get3A_211, %broadcast_in_dim3A_571 : vector<16xi1>, vector<16xi32>
        %dma_start3A_573 = arith.constant 0 : i32
        %dma_start3A_574 = arith.constant 0 : i32
        %dma_start3A_575 = tpu.memref_slice %arg4[%dma_start3A_573, %dma_start3A_574] : memref<1000001x128xf32, #tpu.memory_space<hbm>> -> memref<1000001x128xf32, #tpu.memory_space<hbm>>
        tpu.enqueue_indirect_dma source(%dma_start3A_575 : memref<1000001x128xf32, #tpu.memory_space<hbm>>) target(%arg15 : memref<16x128xf32, #tpu.memory_space<vmem>>) offsets(%select_n3A_572 : vector<16xi32>) semaphore(%arg18 : memref<!tpu.dma_semaphore, #tpu.memory_space<semaphore_mem>>)
        %dma_wait3A_576 = arith.constant 0 : i32
        %dma_wait3A_577 = arith.constant 0 : i32
        %dma_wait3A_578 = tpu.memref_slice %arg4[%dma_wait3A_576, %dma_wait3A_577] : memref<1000001x128xf32, #tpu.memory_space<hbm>> -> memref<1000001x128xf32, #tpu.memory_space<hbm>>
        tpu.wait_indirect_dma semaphore(%arg18 : memref<!tpu.dma_semaphore, #tpu.memory_space<semaphore_mem>>) src(%dma_wait3A_578 : memref<1000001x128xf32, #tpu.memory_space<hbm>>) dst(%arg15 : memref<16x128xf32, #tpu.memory_space<vmem>>)
        %scan3A_579 = arith.constant 0 : i32
        %scan3A_580 = arith.constant 0 : i32
        %scan3A_581 = arith.constant 32 : i32
        %scan3A_582 = arith.addi %scan3A_580, %scan3A_581 : i32
        %scan3A_583 = arith.constant 1 : i32
        scf.for %scan3A_593 = %scan3A_580 to %scan3A_582 step %scan3A_583  : i32 {
          %mul3A_594 = arith.constant 0 : i32
          %mul3A_595 = vector.broadcast %mul3A_594 : i32 to vector<16xi32>
          %mul3A_596 = arith.muli %iota3A, %mul3A_595 : vector<16xi32>
          %mul3A_597 = arith.constant 4 : i32
          %mul3A_598 = arith.muli %scan3A_593, %mul3A_597 : i32
          %add3A_599 = arith.constant 0 : i32
          %add3A_600 = arith.addi %mul3A_598, %add3A_599 : i32
          %add3A_601 = vector.broadcast %add3A_600 : i32 to vector<16xi32>
          %add3A_602 = arith.addi %mul3A_596, %add3A_601 : vector<16xi32>
          %gather3A = tpu.vector_load_idx %arg15[%iota3A, %add3A_602] : memref<16x128xf32, #tpu.memory_space<vmem>>[vector<16xi32>, vector<16xi32>], vector<16xf32>,
          %gather3A_603 = tpu.vector_load_idx %arg14[%iota3A, %add3A_602] : memref<128x128xf32, #tpu.memory_space<vmem>>[vector<16xi32>, vector<16xi32>], vector<16xf32>,
          %jit3A_604 = arith.constant 0.000000e+00 : f32
          %broadcast_in_dim3A_605 = vector.broadcast %jit3A_604 : f32 to vector<16xf32>
          %select_n3A_606 = arith.select %and3A_569, %gather3A_603, %broadcast_in_dim3A_605 : vector<16xi1>, vector<16xf32>
          %add3A_607 = arith.addf %gather3A, %select_n3A_606 : vector<16xf32>
          tpu.vector_store_idx %arg15[%iota3A, %add3A_602], %add3A_607 : memref<16x128xf32, #tpu.memory_space<vmem>>[vector<16xi32>, vector<16xi32>], vector<16xf32>,
          %mul3A_608 = arith.constant 0 : i32
          %mul3A_609 = vector.broadcast %mul3A_608 : i32 to vector<16xi32>
          %mul3A_610 = arith.muli %iota3A, %mul3A_609 : vector<16xi32>
          %mul3A_611 = arith.constant 4 : i32
          %mul3A_612 = arith.muli %scan3A_593, %mul3A_611 : i32
          %add3A_613 = arith.constant 1 : i32
          %add3A_614 = arith.addi %mul3A_612, %add3A_613 : i32
          %add3A_615 = vector.broadcast %add3A_614 : i32 to vector<16xi32>
          %add3A_616 = arith.addi %mul3A_610, %add3A_615 : vector<16xi32>
          %gather3A_617 = tpu.vector_load_idx %arg15[%iota3A, %add3A_616] : memref<16x128xf32, #tpu.memory_space<vmem>>[vector<16xi32>, vector<16xi32>], vector<16xf32>,
          %gather3A_618 = tpu.vector_load_idx %arg14[%iota3A, %add3A_616] : memref<128x128xf32, #tpu.memory_space<vmem>>[vector<16xi32>, vector<16xi32>], vector<16xf32>,
          %jit3A_619 = arith.constant 0.000000e+00 : f32
          %broadcast_in_dim3A_620 = vector.broadcast %jit3A_619 : f32 to vector<16xf32>
          %select_n3A_621 = arith.select %and3A_569, %gather3A_618, %broadcast_in_dim3A_620 : vector<16xi1>, vector<16xf32>
          %add3A_622 = arith.addf %gather3A_617, %select_n3A_621 : vector<16xf32>
          tpu.vector_store_idx %arg15[%iota3A, %add3A_616], %add3A_622 : memref<16x128xf32, #tpu.memory_space<vmem>>[vector<16xi32>, vector<16xi32>], vector<16xf32>,
          %mul3A_623 = arith.constant 0 : i32
          %mul3A_624 = vector.broadcast %mul3A_623 : i32 to vector<16xi32>
          %mul3A_625 = arith.muli %iota3A, %mul3A_624 : vector<16xi32>
          %mul3A_626 = arith.constant 4 : i32
          %mul3A_627 = arith.muli %scan3A_593, %mul3A_626 : i32
          %add3A_628 = arith.constant 2 : i32
          %add3A_629 = arith.addi %mul3A_627, %add3A_628 : i32
          %add3A_630 = vector.broadcast %add3A_629 : i32 to vector<16xi32>
          %add3A_631 = arith.addi %mul3A_625, %add3A_630 : vector<16xi32>
          %gather3A_632 = tpu.vector_load_idx %arg15[%iota3A, %add3A_631] : memref<16x128xf32, #tpu.memory_space<vmem>>[vector<16xi32>, vector<16xi32>], vector<16xf32>,
          %gather3A_633 = tpu.vector_load_idx %arg14[%iota3A, %add3A_631] : memref<128x128xf32, #tpu.memory_space<vmem>>[vector<16xi32>, vector<16xi32>], vector<16xf32>,
          %jit3A_634 = arith.constant 0.000000e+00 : f32
          %broadcast_in_dim3A_635 = vector.broadcast %jit3A_634 : f32 to vector<16xf32>
          %select_n3A_636 = arith.select %and3A_569, %gather3A_633, %broadcast_in_dim3A_635 : vector<16xi1>, vector<16xf32>
          %add3A_637 = arith.addf %gather3A_632, %select_n3A_636 : vector<16xf32>
          tpu.vector_store_idx %arg15[%iota3A, %add3A_631], %add3A_637 : memref<16x128xf32, #tpu.memory_space<vmem>>[vector<16xi32>, vector<16xi32>], vector<16xf32>,
          %mul3A_638 = arith.constant 0 : i32
          %mul3A_639 = vector.broadcast %mul3A_638 : i32 to vector<16xi32>
          %mul3A_640 = arith.muli %iota3A, %mul3A_639 : vector<16xi32>
          %mul3A_641 = arith.constant 4 : i32
          %mul3A_642 = arith.muli %scan3A_593, %mul3A_641 : i32
          %add3A_643 = arith.constant 3 : i32
          %add3A_644 = arith.addi %mul3A_642, %add3A_643 : i32
          %add3A_645 = vector.broadcast %add3A_644 : i32 to vector<16xi32>
          %add3A_646 = arith.addi %mul3A_640, %add3A_645 : vector<16xi32>
          %gather3A_647 = tpu.vector_load_idx %arg15[%iota3A, %add3A_646] : memref<16x128xf32, #tpu.memory_space<vmem>>[vector<16xi32>, vector<16xi32>], vector<16xf32>,
          %gather3A_648 = tpu.vector_load_idx %arg14[%iota3A, %add3A_646] : memref<128x128xf32, #tpu.memory_space<vmem>>[vector<16xi32>, vector<16xi32>], vector<16xf32>,
          %jit3A_649 = arith.constant 0.000000e+00 : f32
          %broadcast_in_dim3A_650 = vector.broadcast %jit3A_649 : f32 to vector<16xf32>
          %select_n3A_651 = arith.select %and3A_569, %gather3A_648, %broadcast_in_dim3A_650 : vector<16xi1>, vector<16xf32>
          %add3A_652 = arith.addf %gather3A_647, %select_n3A_651 : vector<16xf32>
          tpu.vector_store_idx %arg15[%iota3A, %add3A_646], %add3A_652 : memref<16x128xf32, #tpu.memory_space<vmem>>[vector<16xi32>, vector<16xi32>], vector<16xf32>,
        }
        %scan3A_584 = arith.constant 32 : i32
        %dma_start3A_585 = arith.constant 0 : i32
        %dma_start3A_586 = arith.constant 0 : i32
        %dma_start3A_587 = tpu.memref_slice %arg4[%dma_start3A_585, %dma_start3A_586] : memref<1000001x128xf32, #tpu.memory_space<hbm>> -> memref<1000001x128xf32, #tpu.memory_space<hbm>>
        tpu.enqueue_indirect_dma source(%arg15 : memref<16x128xf32, #tpu.memory_space<vmem>>) target(%dma_start3A_587 : memref<1000001x128xf32, #tpu.memory_space<hbm>>) offsets(%select_n3A_572 : vector<16xi32>) semaphore(%arg18 : memref<!tpu.dma_semaphore, #tpu.memory_space<semaphore_mem>>)
        %dma_wait3A_588 = arith.constant 0 : i32
        %dma_wait3A_589 = arith.constant 0 : i32
        %dma_wait3A_590 = tpu.memref_slice %arg4[%dma_wait3A_588, %dma_wait3A_589] : memref<1000001x128xf32, #tpu.memory_space<hbm>> -> memref<1000001x128xf32, #tpu.memory_space<hbm>>
        tpu.wait_indirect_dma semaphore(%arg18 : memref<!tpu.dma_semaphore, #tpu.memory_space<semaphore_mem>>) src(%arg15 : memref<16x128xf32, #tpu.memory_space<vmem>>) dst(%dma_wait3A_590 : memref<1000001x128xf32, #tpu.memory_space<hbm>>)
        %add3A_591 = arith.constant 1 : i32
        %add3A_592 = arith.addi %while3A_566, %add3A_591 : i32
        scf.yield %add3A_592 : i32
      }
    }
    return
  }
}

</mosaic_0001>

<sc_bundles>
// kernel: kernel.3.cloned.1.call-start
scs
__scs_entry_jumppad:
0x0: {  	(pc) =	sbr.rel $0x88, $3  }
0x1: {  	(tag) =	ssettag $0x0;
	lr =	simm.s32 $0x1  }
0x2: {  	[smem:$0x3F9D] =	sst lr;
	_ =	strace $0xD0000000  }
0x3: {  	_ = 	snop  }
0x4: {  	_ = 	snop  }
0x5: {  	_ = 	snop  }
0x6: {  	_ = 	snop  }
0x7: {  	_ = 	snop  }
__scs_overlays_trampoline_lowered:
0x8: {  	[smem:$0x3FAC] =	sst s0  }
0x9: {  	[smem:$0x3FAD] =	sst s1  }
0xa: {  	[smem:$0x3FAE] =	sst s2  }
0xb: {  	[smem:$0x3FAF] =	sst s3  }
0xc: {  	[smem:$0x3FB0] =	sst s4  }
0xd: {  	[smem:$0x3FB1] =	sst s5  }
0xe: {  	[smem:$0x3FB2] =	sst s6  }
0xf: {  	[smem:$0x3FB3] =	sst s7  }
0x10: {  	[smem:$0x3FB4] =	sst s8  }
0x11: {  	[smem:$0x3FB5] =	sst s9;
	s0 =	simm.s32 @!p0 $0x0  }
0x12: {  	s1 =	sld [smem:$0x3F9B];
	s0 =	simm.s32 @p0 $0x1  }
0x13: {  	[smem:$0x3FB6] =	sst s0;
	s0 =	simm.s32 @!p1 $0x0  }
0x14: {  	s2 =	sld [smem:$0x3F9A];
	s0 =	simm.s32 @p1 $0x1  }
0x15: {  	[smem:$0x3FB7] =	sst s0;
	s0 =	simm.s32 @!p2 $0x0  }
0x16: {  	s3 =	sld [smem:$0x3FDB];
	s0 =	simm.s32 @p2 $0x1  }
0x17: {  	s4 =	simm.s32 $0x1BF5;
	[smem:$0x3FB9] =	sst s0  }
0x18: {  	s0 =	sld [smem:$0x3F9C];
	_ =	swait.ge [sflag:s4], $0x0  }
0x19: {  	s7 =	sld [smem:$0x3F9D]  }
0x1a: {  	s8 =	sadd.s32 $0xFFFFE003, lr  }
0x1b: {  	s9 =	sadd.s32 $0xFFFFFEF7, lr;
	s5 =	simm.s32 $0xFFFFFFFF;
	p2 =	slt.u32 s8, $0xFFFFF086  }
0x1c: {  	p1 =	slt.u32 s9, $0xF7A;
	s5 =	simm.s32 @!p2 $0x0  }
0x1d: {  	s5 =	simm.s32 @p1 $0x1;
	p0 =	seq.s32 s7, s2  }
0x1e: {  	s7 =	smul.u32 @!p0 $0xF7A, s2;
	p2 =	seq.s32 @!p0 s5, $0x0  }
0x1f: {  	s9 =	smul.u32 $0xF7A, s1;
	s8 =	simm.s32 @!p0 $0x1BF5;
	p2 =	por !p2, p0  }
0x20: {  	[sflag:s8] =	ssyncset.s32 @!p0 $0xFFFFF086;
	s6 =	sadd.s32 @!p0 s3, s7;
	s7 =	simm.s32 @!p0 $0x108  }
0x21: {  	s3 =	sadd.s32 s3, s9;
	s6 =	sadd.s32 @!p0 $0x88, s6;
	s7 =	simm.s32 @p2 $0x1082  }
0x22: {  	[simem:s7], [sflag:s8] =	dma.local @!p0 [hbm:s6], $0xF7A  }
0x23: {  	s9 =	sor.u32 $0xD0000000, s2;
	s6 =	simm.s32 $0x108;
	_ =	swait.ge @!p0 [sflag:s8], $0x0  }
0x24: {  	s3 =	sadd.s32 $0x88, s3;
	s6 =	simm.s32 @!p1 $0x1082;
	[sflag:s4] =	ssyncset.s32 $0xFFFFF086  }
0x25: {  	[simem:s6], [sflag:s4] =	dma.local [hbm:s3], $0xF7A  }
0x26: {  	[smem:$0x3F9D] =	sst s1;
	(tag) =	ssettag s2;
	_ =	strace s9  }
0x27: {  	s1 =	sld [smem:$0x3FAD]  }
0x28: {  	s2 =	sld [smem:$0x3FAE]  }
0x29: {  	s4 =	sld [smem:$0x3FB0]  }
0x2a: {  	p0 =	seq.s32 s5, $0x0;
	s5 =	sld [smem:$0x3FB1]  }
0x2b: {  	s6 =	sld [smem:$0x3FB2]  }
0x2c: {  	s7 =	sld [smem:$0x3FB3]  }
0x2d: {  	s3 =	simm.s32 $0x108;
	s8 =	sld [smem:$0x3FB4]  }
0x2e: {  	s3 =	simm.s32 @!p0 $0x1082;
	s9 =	sld [smem:$0x3FB5]  }
0x2f: {  	lr =	sadd.s32 s0, s3;
	s0 =	sld [smem:$0x3FAC]  }
0x30: {  	s3 =	sld [smem:$0x3FAF]  }
0x31: {  	[smem:$0x3FB8] =	sst s10  }
0x32: {  	s10 =	sld [smem:$0x3FB6];
	_ =	sdelay $0x3  }
0x33: {  	p0 =	seq.s32 s10, $0x1;
	s10 =	sld [smem:$0x3FB8];
	_ =	sdelay $0x3  }
0x34: {  	[smem:$0x3FB8] =	sst s10  }
0x35: {  	s10 =	sld [smem:$0x3FB7];
	_ =	sdelay $0x3  }
0x36: {  	p1 =	seq.s32 s10, $0x1;
	s10 =	sld [smem:$0x3FB8];
	_ =	sdelay $0x3  }
0x37: {  	[smem:$0x3FB8] =	sst s10  }
0x38: {  	s10 =	sld [smem:$0x3FB9]  }
0x39: {  	_ = 	snop;
	(pc) =	sbr.ind lr, $3  }
0x3a: {  	_ = 	snop  }
0x3b: {  	_ = 	snop  }
0x3c: {  	p2 =	seq.s32 s10, $0x1;
	s10 =	sld [smem:$0x3FB8]  }
0x3d: {  	_ =	shalt  }
0x3e: {  	_ =	shalt  }
0x3f: {  	_ =	shalt  }
0x40: {  	_ =	shalt  }
0x41: {  	_ =	shalt  }
0x42: {  	_ =	shalt  }
0x43: {  	_ =	shalt  }
0x44: {  	_ =	shalt  }
0x45: {  	_ =	shalt  }
0x46: {  	_ =	shalt  }
0x47: {  	_ =	shalt  }
0x48: {  	_ =	shalt  }
0x49: {  	_ =	shalt  }
0x4a: {  	_ =	shalt  }
0x4b: {  	_ =	shalt  }
0x4c: {  	_ =	shalt  }
0x4d: {  	_ =	shalt  }
0x4e: {  	_ =	shalt  }
0x4f: {  	_ =	shalt  }
0x50: {  	_ =	shalt  }
0x51: {  	_ =	shalt  }
0x52: {  	_ =	shalt  }
0x53: {  	_ =	shalt  }
0x54: {  	_ =	shalt  }
0x55: {  	_ =	shalt  }
0x56: {  	_ =	shalt  }
0x57: {  	_ =	shalt  }
0x58: {  	_ =	shalt  }
0x59: {  	_ =	shalt  }
0x5a: {  	_ =	shalt  }
0x5b: {  	_ =	shalt  }
0x5c: {  	_ =	shalt  }
0x5d: {  	_ =	shalt  }
0x5e: {  	_ =	shalt  }
0x5f: {  	_ =	shalt  }
0x60: {  	_ =	shalt  }
0x61: {  	_ =	shalt  }
0x62: {  	_ =	shalt  }
0x63: {  	_ =	shalt  }
0x64: {  	_ =	shalt  }
0x65: {  	_ =	shalt  }
0x66: {  	_ =	shalt  }
0x67: {  	_ =	shalt  }
0x68: {  	_ =	shalt  }
0x69: {  	_ =	shalt  }
0x6a: {  	_ =	shalt  }
0x6b: {  	_ =	shalt  }
0x6c: {  	_ =	shalt  }
0x6d: {  	_ =	shalt  }
0x6e: {  	_ =	shalt  }
0x6f: {  	_ =	shalt  }
0x70: {  	_ =	shalt  }
0x71: {  	_ =	shalt  }
0x72: {  	_ =	shalt  }
0x73: {  	_ =	shalt  }
0x74: {  	_ =	shalt  }
0x75: {  	_ =	shalt  }
0x76: {  	_ =	shalt  }
0x77: {  	_ =	shalt  }
0x78: {  	_ =	shalt  }
0x79: {  	_ =	shalt  }
0x7a: {  	_ =	shalt  }
0x7b: {  	_ =	shalt  }
0x7c: {  	_ =	shalt  }
0x7d: {  	_ =	shalt  }
0x7e: {  	_ =	shalt  }
0x7f: {  	_ =	shalt  }
0x80: {  	_ =	shalt  }
0x81: {  	_ =	shalt  }
0x82: {  	_ =	shalt  }
0x83: {  	_ =	shalt  }
0x84: {  	_ =	shalt  }
0x85: {  	_ =	shalt  }
0x86: {  	_ =	shalt  }
0x87: {  	_ =	shalt  }
.Lfunc_end0:
.L_simem_size_0:
called_computation_lowered:
.L_overlay_start_0:
0x88: {  	s2 =	sld [smem:$0x3FD9]  }
0x89: {  	s3 =	sld [smem:$0x3FFE];
	_ =	sdelay $0x1  }
0x8a: {  	s1 =	srdreg.scid  }
0x8b: {  	s0 =	sand.u32 $0x1, s1  }
0x8c: {  	s14 =	sshll.u32 s0, $0xA;
	s2 =	sadd.s32 s3, s2  }
0x8d: {  	s2 =	sadd.s32 s2, s14  }
0x8e: {  	[smem:$0x3FC4] =	sst s2  }
0x8f: {  	_ = 	snop  }
0x90: {  	s2 =	sld [smem:$0x3FD0];
	_ =	sdelay $0x1  }
0x91: {  	s15 =	sld [smem:$0x3FC9]  }
0x92: {  	s5 =	simm.s32 $0xA;
	s6 =	simm.s32 $0x10;
	s4 =	sld [smem:$0x3FC8]  }
0x93: {  	[smem:s6], [sflag:s5] =	dma.local [hbm:s2], $0x1  }
0x94: {  	_ =	swait.eq [sflag:s5], $0x1  }
0x95: {  	[sflag:s5] =	ssyncset.done $0x0  }
0x96: {  	s16 =	sld [smem:$0x10];
	[sflag:s5] =	ssyncadd.s32 $0xFFFFFFFF  }
0x97: {  	s17 =	sld [smem:$0x12];
	(tm) =	ssettm $0x1  }
0x98: {  	s18 =	sld [smem:$0x3FFB];
	_ =	sdelay $0x3  }
0x99: {  	_ =	strace s18  }
0x9a: {  	s6 =	sld [smem:$0x3FFC];
	_ =	sdelay $0x3  }
0x9b: {  	_ =	strace s6  }
0x9c: {  	s6 =	sld [smem:$0x3FFD];
	_ =	sdelay $0x3  }
0x9d: {  	_ =	strace s6  }
0x9e: {  	_ =	strace $0x8FFFFFFF  }
0x9f: {  	s19 =	sld [smem:$0x3FDB];
	_ =	sdelay $0x1  }
0xa0: {  	s7 =	simm.s32 $_scs_section_size  }
0xa1: {  	s8 =	simm.s32 $_size__tile_overlayer_lowered;
	s9 =	simm.s32 $_tile_overlayer_lowered  }
0xa2: {  	s22 =	simm.s32 $0x1BFF;
	s21 =	sshll.u32 s9, $0x1;
	s6 =	sadd.s32 s7, s19  }
0xa3: {  	s10 =	simm.s32 $0x0;
	s20 =	sshll.u32 s8, $0x1;
	s8 =	sadd.s32 s21, s6  }
0xa4: {  	[timem:s10], [sflag:s22] =	dma.local [hbm:s8], s20  }
0xa5: {  	_ =	swait.ge [sflag:s22], s20  }
0xa6: {  	s7 =	ssub.s32 $0x0, s20;
	[sflag:s22] =	ssyncset.done $0x0  }
0xa7: {  	[sflag:s22] =	ssyncadd.s32 s7;
	_ =	sdelay $0x1  }
0xa8: {  	s23 =	simm.s32 $0x1B8B  }
0xa9: {  	_ =	swait.ge [sflag:s23], $0x1  }
0xaa: {  	[sflag:s23] =	ssyncset.done $0x0  }
0xab: {  	s25 =	simm.s32 $0x1B8E;
	s24 =	sld [smem:$0x3FFE];
	[sflag:s23] =	ssyncadd.s32 $0xFFFFFFFF  }
0xac: {  	s26 =	simm.s32 $execute0_lowered;
	[smem:$0x3FD2] =	sst s25  }
0xad: {  	s8 =	sshll.u32 s26, $0x1;
	_ =	strace $0x80000046;
	[dreg:$0x1] =	wrdreg $0xFFFFFFFF  }
0xae: {  	s28 =	simm.s32 $_size_execute0_lowered;
	s6 =	sadd.s32 s6, s8;
	[dreg:$0x0] =	wrdreg $0x0  }
0xaf: {  	s8 =	sshll.u32 s28, $0x1;
	[dreg:$0x2] =	wrdreg s6  }
0xb0: {  	[dreg:$0x3] =	wrdreg s8  }
0xb1: {  	[dreg:$0x4] =	wrdreg $0xC0  }
0xb2: {  	_ =	task [dreg:s10], $0x5FFFF  }
0xb3: {  	[dreg:$0x1] =	wrdreg $0xFFFFFFFF  }
0xb4: {  	[dreg:$0x0] =	wrdreg $0x60  }
0xb5: {  	[dreg:$0x2] =	wrdreg s15  }
0xb6: {  	[dreg:$0x3] =	wrdreg s4  }
0xb7: {  	[dreg:$0x4] =	wrdreg s17  }
0xb8: {  	[dreg:$0x5] =	wrdreg s16  }
0xb9: {  	[dreg:$0x6] =	wrdreg s24  }
0xba: {  	[dreg:$0x7] =	wrdreg $0x9  }
0xbb: {  	_ =	task.clear_ibuf [dreg:s10], $0x8FFFF;
	_ =	strace $0x90000046  }
0xbc: {  	s29 =	simm.s32 $0x9;
	_ =	strace $0x80000048  }
0xbd: {  	_ =	swait.ge [sflag:s29], $0x1  }
0xbe: {  	[sflag:s29] =	ssyncadd.s32 $0xFFFFFFFF  }
0xbf: {  	_ =	strace $0x90000048  }
0xc0: {  	_ =	sfence  }
0xc1: {  	s30 =	sld [smem:$0x0];
	_ =	sdelay $0x2  }
0xc2: {  	s31 =	sshll.u32 s1, $0xD;
	s1 =	sshrl.u32 s1, $0x2  }
0xc3: {  	s3 =	sand.u32 $0x4000, s31;
	s1 =	sadd.s32 s1, s30  }
0xc4: {  	s0 =	sor.u32 s3, s0;
	s1 =	sshll.u32 s1, $0x11  }
0xc5: {  	s0 =	sor.u32 s1, s0  }
0xc6: {  	s0 =	sadd.s32 $0x8F2B, s0  }
0xc7: {  	[sflag:s0] =	ssyncadd.remote.s32 $0x1  }
0xc8: {  	_ =	sfence.sel $0xFFFF  }
0xc9: {  	[dreg:$0x0] =	wrdreg $0xFFFFFFFF;
	(pc) =	sbr.abs _section_cstart, $3  }
0xca: {  	[dreg:$0x1] =	wrdreg $0xFFFFFFFF  }
0xcb: {  	_ =	task.clear_ibuf [dreg:s10], $0x2FFFF;
	_ =	strace $0x9FFFFFFF  }
0xcc: {  	(tm) =	ssettm $0x7FFFFFFF  }
0xcd: {  	_ =	shalt  }
tec
execute0_lowered:
.L_overlay_start_1:
0x0: {  	(tag) =	ssettag $0x1  }
0x1: {  	s3 =	rddreg [dreg:$0x2]  }
0x2: {  	s0 =	srdreg.scid;
	s4 =	rddreg [dreg:$0x3]  }
0x3: {  	s1 =	stileid.u32;
	s6 =	rddreg [dreg:$0x4]  }
0x4: {  	s5 =	simm.s32 $0x0;
	s31 =	simm.s32 $0x4;
	s10 =	simm.s32 $0x4000  }
0x5: {  	s11 =	simm.s32 $0x8100;
	s12 =	simm.s32 $0xC200;
	s13 =	simm.s32 $0x1  }
0x6: {  	s14 =	simm.s32 $0x80;
	s15 =	simm.s32 $0x14300;
	s16 =	simm.s32 $0x10300  }
0x7: {  	s17 =	simm.s32 $0x2;
	s18 =	simm.s32 $0x18300;
	s19 =	simm.s32 $0x18B00  }
0x8: {  	v0 =	vlaneseq.u32;
	s20 =	simm.s32 $0x19300;
	s21 =	simm.s32 $0x19B00;
	s22 =	simm.s32 $0x1A300  }
0x9: {  	v2 =	vimm.s32 $0x0;
	v4 =	vimm.s32 $0xF4240;
	vm0 =	vmmov $0xffff;
	s23 =	simm.s32 $0x1AB00;
	s24 =	simm.s32 $0x1B300;
	s25 =	simm.s32 $0x1BB00  }
0xa: {  	vm4 =	vcmask $0x3F28;
	vm5 =	vcmask $0x272C;
	vm6 =	vcmask $0x3F2C;
	s26 =	simm.s32 $0x3;
	s0 =	sand.u32 $0x1, s0;
	s2 =	sshll.u32 s1, $0x1  }
.Ltmp0:
0xb: {  	vm7 =	vcmask $0x2B30;
	vm8 =	vcmask $0x3F30;
	vm9 =	vcmask $0x2F34;
	s2 =	sor.u32 s0, s2;
	s0 =	ssub.s32 $0x2, s0;
	(pc) =	sbr.rel .LBB2_1-.Ltmp0, $4  }
0xc: {  	vm10 =	vcmask $0x3F34;
	s29 =	simm.s32 $0x1C300;
	v3 =	vmul.u32 $0x80, v0;
	v1 =	vmov s2;
	s7 =	sshrl.u32 s0, $0x1;
	s2 =	sshll.u32 s2, $0x4  }
0xd: {  	vm11 =	vcmask $0x3338;
	vm12 =	vcmask $0x3F38;
	vm13 =	vcmask $0x373C;
	[smem:$0x7FF] =	sst s5;
	s0 =	ssub.s32 s0, s7;
	s30 =	sadd.s32 s4, s2  }
0xe: {  	vm14 =	vcmask $0x3F3C;
	v5 =	vor.u32 $0x4000, v0;
	_ =	strace $0x80000047;
	v6 =	vor.u32 $0x800, v3;
	[dreg:$0x6] =	wrdreg s30;
	s0 =	smax.u32 s0, $0x1  }
0xf: {  	s6 =	sadd.s32 $0x600, s6;
	s1 =	simm.s32 $0x0;
	v7 =	vor.u32 $0x1000, v3;
	v8 =	vor.u32 $0x1800, v3;
	v9 =	vor.u32 $0x2000, v3;
	[dreg:$0x7] =	wrdreg s0  }
.LBB2_28:
0x10: {  	s1 =	rddreg [dreg:$0x8]  }
0x11: {  	s0 =	rddreg [dreg:$0x7];
	s1 =	sadd.s32 $0x1, s1  }
0x12: {  	p0 =	sne.s32 s1, s0  }
.Ltmp1:
0x13: {  	_ = 	snop;
	(pc) =	sbr.rel @!p0 .LBB2_29-.Ltmp1, $1  }
0x14: {  	_ =	sdelay $0x3  }
.LBB2_1:
0x15: {  	s0 =	rddreg [dreg:$0x1]  }
0x16: {  	[tilespmem:s5], [sflag:$0x4] =	stream.linear.gather [hbm4b:s0+s5], $0x4000, $0x38;
	[tilespmem:$0x1CB80] =	vst v63  }
0x17: {  	_ =	swait.ge [sflag:s31], $0x4000  }
0x18: {  	[sflag:s31] =	ssyncset.done $0x0  }
0x19: {  	[sflag:s31] =	ssyncadd.s32 $0xFFFFC000  }
0x1a: {  	v10 =	vld [tilespmem:s5+$0x0];
	_ =	sdelay $0x4  }
0x1b: {  	v11 =	vand.u32 $0x1F, v10;
	v12 =	vadd.s32 $0xFFFFFFFF, v10  }
0x1c: {  	vm1 =	veq.s32 v11, v1;
	vm15 =	vlt.u32 v12, $0xF423F  }
0x1d: {  	vm1 =	vmand vm1, vm15  }
0x1e: {  	v11 =	vsel vm1, $0x1, v2  }
0x1f: {  	(xrf0) =	vadd.scan.msk.s32 $0xffff, v11;
	_ =	sdelay $0x3  }
0x20: {  	v11 =	vmov s5  }
0x21: {  	v11 =	vadd.s32 $0xFFFFFFFF, v11  }
0x22: {  	v11 =	vbroadcast v11, $0x0;
	v62, _, _ =	vpop (xrf0)  }
0x23: {  	v13 =	vxor.u32 $0x80000000, v62  }
0x24: {  	v11 =	vadd.s32 v62, v11;
	(xrf0) =	vmax.scan.msk.u32 $0xffff, v13;
	_ =	sdelay $0x3  }
0x25: {  	v63 =	vor.u32 s5, v0  }
0x26: {  	[tilespmem:v11+s10+$0x0] =	vst.idx.msk vm1, v63  }
0x27: {  	[tilespmem:v11+s11+$0x0] =	vst.idx.msk vm1, v10;
	v10, _, _ =	vpop (xrf0)  }
0x28: {  	(v2sf) =	vpush v10, $0xF;
	_ =	sdelay $0x1  }
0x29: {  	s0 =	simm.s32 $0x10;
	[tilespmem:v11+s12+$0x0] =	vst.idx.msk vm1, v63  }
0x2a: {  	s4 =	simm.s32 $0x20;
	s2 =	simm.s32 $0x0;
	s7 =	simm.s32 $0x10;
	v10 =	vld [tilespmem:s0+$0x0]  }
.LBB2_2:
0x2b: {  	p0 =	sne.s32 s4, $0x3FF0;
	_ =	sdelay $0x3  }
0x2c: {  	v11 =	vand.u32 $0x1F, v10;
	v12 =	vadd.s32 $0xFFFFFFFF, v10  }
0x2d: {  	vm1 =	veq.s32 v11, v1;
	vm15 =	vlt.u32 v12, $0xF423F  }
0x2e: {  	vm1 =	vmand vm1, vm15  }
0x2f: {  	v11 =	vsel vm1, $0x1, v2  }
0x30: {  	(xrf0) =	vadd.scan.msk.s32 $0xffff, v11;
	_ =	sdelay $0x2  }
0x31: {  	s8 =	spop (v2sf)  }
0x32: {  	s2 =	sadd.s32 s8, s2  }
0x33: {  	s2 =	sadd.s32 $0x80000000, s2  }
0x34: {  	v11 =	vmov s2;
	v12, _, _ =	vpop (xrf0)  }
0x35: {  	v11 =	vadd.s32 $0xFFFFFFFF, v11;
	v13 =	vxor.u32 $0x80000000, v12  }
0x36: {  	v11 =	vbroadcast v11, $0x0;
	(xrf0) =	vmax.scan.msk.u32 $0xffff, v13;
	_ =	sdelay $0x1  }
0x37: {  	v11 =	vadd.s32 v12, v11;
	_ =	sdelay $0x3  }
.Ltmp2:
0x38: {  	v12 =	vor.u32 s0, v0;
	s0 =	smov.u32 s4;
	v13, _, _ =	vpop (xrf0);
	(pc) =	sbr.rel @p0 .LBB2_2-.Ltmp2, $4  }
0x39: {  	[tilespmem:v11+s10+$0x0] =	vst.idx.msk vm1, v12;
	(v2sf) =	vpush v13, $0xF  }
0x3a: {  	[tilespmem:v11+s11+$0x0] =	vst.idx.msk vm1, v10  }
0x3b: {  	s7 =	sadd.s32 $0x10, s7;
	[tilespmem:v11+s12+$0x0] =	vst.idx.msk vm1, v12  }
0x3c: {  	s4 =	sadd.s32 $0x10, s4;
	v10 =	vld [tilespmem:s7+$0x0]  }
0x3d: {  	_ =	sdelay $0x3  }
0x3e: {  	v11 =	vand.u32 $0x1F, v10;
	v12 =	vadd.s32 $0xFFFFFFFF, v10  }
0x3f: {  	vm1 =	veq.s32 v11, v1;
	vm15 =	vlt.u32 v12, $0xF423F  }
0x40: {  	vm1 =	vmand vm1, vm15  }
0x41: {  	v11 =	vsel vm1, $0x1, v2  }
0x42: {  	(xrf0) =	vadd.scan.msk.s32 $0xffff, v11;
	_ =	sdelay $0x5  }
0x43: {  	v11, _, _ =	vpop (xrf0)  }
0x44: {  	v58 =	vxor.u32 $0x80000000, v11  }
0x45: {  	(xrf0) =	vmax.scan.msk.u32 $0xffff, v58;
	_ =	sdelay $0x5  }
0x46: {  	v12, _, _ =	vpop (xrf0)  }
0x47: {  	(v2sf) =	vpush v12, $0xF;
	_ =	sdelay $0x7  }
0x48: {  	s4 =	spop (v2sf)  }
0x49: {  	s2 =	sadd.s32 s4, s2  }
0x4a: {  	s2 =	sadd.s32 $0x80000000, s2  }
0x4b: {  	v59 =	vmov s2  }
0x4c: {  	v12 =	vadd.s32 $0xFFFFFFFF, v59  }
0x4d: {  	v12 =	vbroadcast v12, $0x0;
	_ =	sdelay $0x1  }
0x4e: {  	v11 =	vadd.s32 v11, v12;
	s9 =	spop (v2sf)  }
0x4f: {  	s2 =	sadd.s32 s9, s2  }
0x50: {  	s31 =	sadd.s32 $0x80000000, s2  }
0x51: {  	v60 =	vadd.s32 s31, v0  }
0x52: {  	v13 =	vor.u32 s0, v0  }
0x53: {  	[tilespmem:v11+s10+$0x0] =	vst.idx.msk vm1, v13;
	s28 =	sadd.s32 $0x10, s31  }
0x54: {  	[tilespmem:v11+s11+$0x0] =	vst.idx.msk vm1, v10;
	v10 =	vadd.s32 s28, v0  }
0x55: {  	[tilespmem:v11+s12+$0x0] =	vst.idx.msk vm1, v13  }
0x56: {  	s30 =	sadd.s32 $0x20, s31;
	[tilespmem:v60+s10+$0x0] =	vst.idx.msk $0xffff, v2  }
0x57: {  	v11 =	vadd.s32 s30, v0;
	[tilespmem:v60+s11+$0x0] =	vst.idx.msk $0xffff, v4  }
0x58: {  	[tilespmem:v60+s12+$0x0] =	vst.idx.msk $0xffff, v5  }
0x59: {  	[dreg:$0x8] =	wrdreg s1;
	s1 =	sadd.s32 $0x30, s31;
	[tilespmem:v10+s10+$0x0] =	vst.idx.msk $0xffff, v2  }
0x5a: {  	v61 =	vadd.s32 s1, v0;
	[tilespmem:v10+s11+$0x0] =	vst.idx.msk $0xffff, v4  }
0x5b: {  	[tilespmem:v10+s12+$0x0] =	vst.idx.msk $0xffff, v5  }
0x5c: {  	s2 =	sadd.s32 $0x40, s31;
	[tilespmem:v11+s10+$0x0] =	vst.idx.msk $0xffff, v2  }
0x5d: {  	v10 =	vadd.s32 s2, v0;
	[tilespmem:v11+s11+$0x0] =	vst.idx.msk $0xffff, v4  }
0x5e: {  	[tilespmem:v11+s12+$0x0] =	vst.idx.msk $0xffff, v5  }
0x5f: {  	s4 =	sadd.s32 $0x50, s31;
	[tilespmem:v61+s10+$0x0] =	vst.idx.msk $0xffff, v2  }
0x60: {  	v11 =	vadd.s32 s4, v0;
	[tilespmem:v61+s11+$0x0] =	vst.idx.msk $0xffff, v4  }
0x61: {  	s2 =	sadd.s32 $0x7F, s31;
	[tilespmem:v61+s12+$0x0] =	vst.idx.msk $0xffff, v5  }
0x62: {  	s7 =	sadd.s32 $0x60, s31;
	s9 =	sand.u32 $0x7F, s2;
	[tilespmem:v10+s10+$0x0] =	vst.idx.msk $0xffff, v2  }
0x63: {  	v62 =	vadd.s32 s7, v0;
	s28 =	sshra.s32 s2, $0x1F;
	p0 =	slt.s32 s2, $0x1;
	p1 =	sne.s32 s9, $0x0;
	[tilespmem:v10+s11+$0x0] =	vst.idx.msk $0xffff, v4  }
0x64: {  	s8 =	sadd.s32 $0x70, s31;
	s30 =	sshrl.u32 s28, $0x19;
	p0 =	por !p0, !p1;
	[tilespmem:v10+s12+$0x0] =	vst.idx.msk $0xffff, v5  }
0x65: {  	s0 =	sadd.s32 s30, s2;
	s2 =	simm.s32 $0x1;
	p0 =	por !p0, !p0;
	[tilespmem:v11+s10+$0x0] =	vst.idx.msk $0xffff, v2  }
0x66: {  	v63 =	vadd.s32 s8, v0;
	s0 =	sshra.s32 s0, $0x7;
	s2 =	simm.s32 @!p0 $0x0;
	[tilespmem:v11+s11+$0x0] =	vst.idx.msk $0xffff, v4  }
0x67: {  	s4 =	ssub.s32 s0, s2;
	[tilespmem:v11+s12+$0x0] =	vst.idx.msk $0xffff, v5  }
0x68: {  	p0 =	slt.s32 s4, $0x1;
	[tilespmem:v62+s10+$0x0] =	vst.idx.msk $0xffff, v2  }
.Ltmp3:
0x69: {  	[tilespmem:v62+s11+$0x0] =	vst.idx.msk $0xffff, v4;
	(pc) =	sbr.rel @p0 .LBB2_21-.Ltmp3, $4  }
0x6a: {  	[tilespmem:v62+s12+$0x0] =	vst.idx.msk $0xffff, v5  }
0x6b: {  	[tilespmem:v63+s10+$0x0] =	vst.idx.msk $0xffff, v2  }
0x6c: {  	[tilespmem:v63+s11+$0x0] =	vst.idx.msk $0xffff, v4  }
0x6d: {  	s0 =	simm.s32 $0x0;
	s2 =	simm.s32 $0x0;
	v10 =	vmov s31;
	v11 =	vimm.f32 $0.0e+00;
	[tilespmem:v63+s12+$0x0] =	vst.idx.msk $0xffff, v5  }
.LBB2_4:
0x6e: {  	s28 =	sshll.u32 s2, $0x7  }
0x6f: {  	s1 =	rddreg [dreg:$0x0];
	s7 =	sadd.s32 $0x4000, s28  }
0x70: {  	v12 =	vmov s0;
	[tilespmem:s15], [sflag:$0x1] =	stream.indirect.gather [hbm4b:s1+s14], $0x80, s7, s14, $0xb8;
	[tilespmem:$0x1CB80] =	vst v63  }
0x71: {  	v12 =	vand.u32 $0x7C, v12;
	s1 =	sadd.s32 $0x8100, s28  }
0x72: {  	v12 =	vbroadcast v12, $0x0;
	[tilespmem:s16], [sflag:$0x2] =	stream.indirect.gather [hbm4b:s3+s14], $0x80, s1, s14, $0xb8;
	[tilespmem:$0x1CB80] =	vst v63  }
0x73: {  	_ =	swait.ge [sflag:s13], $0x4000  }
0x74: {  	v12 =	vor.u32 v3, v12;
	[sflag:s13] =	ssyncset.done $0x0  }
0x75: {  	[sflag:s13] =	ssyncadd.s32 $0xFFFFC000  }
0x76: {  	_ =	swait.ge [sflag:s17], $0x4000  }
0x77: {  	[sflag:s17] =	ssyncset.done $0x0  }
0x78: {  	[sflag:s17] =	ssyncadd.s32 $0xFFFFC000  }
0x79: {  	v13 =	vld.idx.msk [tilespmem:v12+s16+$0x0], $0xffff  }
0x7a: {  	v14 =	vld.idx.msk [tilespmem:v12+s15+$0x0], $0xffff  }
0x7b: {  	s8 =	simm.s32 $0x1  }
0x7c: {  	v15 =	vmov s8  }
0x7d: {  	v15 =	vand.u32 $0x7D, v15  }
0x7e: {  	v15 =	vbroadcast v15, $0x0  }
0x7f: {  	v16 =	vor.u32 s28, v0;
	v13 =	vsub.f32 v13, v14  }
0x80: {  	vm15 =	vlt.s32 v16, v10;
	v14 =	vor.u32 v3, v15  }
0x81: {  	v13 =	vnsel vm15, $0x0, v13  }
0x82: {  	v15 =	vmul.f32 $-5.000000000e-01, v13;
	_ =	sdelay $0x1  }
0x83: {  	[tilespmem:v12+s18+$0x0] =	vst.idx.msk $0xffff, v15  }
0x84: {  	v12 =	vld.idx.msk [tilespmem:v14+s16+$0x0], $0xffff  }
0x85: {  	v15 =	vld.idx.msk [tilespmem:v14+s15+$0x0], $0xffff  }
0x86: {  	s9 =	simm.s32 $0x2  }
0x87: {  	v61 =	vmov s9  }
0x88: {  	v16 =	vand.u32 $0x7E, v61  }
0x89: {  	v16 =	vbroadcast v16, $0x0  }
0x8a: {  	v12 =	vsub.f32 v12, v15  }
0x8b: {  	v15 =	vor.u32 v3, v16  }
0x8c: {  	v62 =	vnsel vm15, $0x0, v12  }
0x8d: {  	v12 =	vmul.f32 $-5.000000000e-01, v62;
	_ =	sdelay $0x1  }
0x8e: {  	[tilespmem:v14+s18+$0x0] =	vst.idx.msk $0xffff, v12  }
0x8f: {  	v12 =	vld.idx.msk [tilespmem:v15+s16+$0x0], $0xffff  }
0x90: {  	v14 =	vld.idx.msk [tilespmem:v15+s15+$0x0], $0xffff  }
0x91: {  	s30 =	simm.s32 $0x3  }
0x92: {  	v17 =	vmov s30  }
0x93: {  	v17 =	vand.u32 $0x7F, v17  }
0x94: {  	v17 =	vbroadcast v17, $0x0  }
0x95: {  	v14 =	vsub.f32 v12, v14  }
0x96: {  	v12 =	vor.u32 v3, v17  }
0x97: {  	v14 =	vnsel vm15, $0x0, v14  }
0x98: {  	v63 =	vmul.f32 $-5.000000000e-01, v14;
	_ =	sdelay $0x1  }
0x99: {  	[tilespmem:v15+s18+$0x0] =	vst.idx.msk $0xffff, v63  }
0x9a: {  	v13 =	vmul.f32 v13, v13;
	v15 =	vld.idx.msk [tilespmem:v12+s16+$0x0], $0xffff  }
0x9b: {  	v17 =	vld.idx.msk [tilespmem:v12+s15+$0x0], $0xffff  }
0x9c: {  	s7 =	simm.s32 $0x4;
	v11 =	vadd.f32 v13, v11;
	v16 =	vmul.f32 v62, v62  }
0x9d: {  	v13 =	vmov s7  }
0x9e: {  	v13 =	vand.u32 $0x7C, v13;
	v11 =	vadd.f32 v16, v11;
	v14 =	vmul.f32 v14, v14  }
0x9f: {  	v13 =	vbroadcast v13, $0x0  }
0xa0: {  	s8 =	simm.s32 $0x8;
	v11 =	vadd.f32 v14, v11;
	v14 =	vsub.f32 v15, v17  }
.LBB2_5:
0xa1: {  	p0 =	sne.s32 s8, $0x7C;
	v13 =	vor.u32 v3, v13;
	s9 =	smov.u32 s8;
	s8 =	sadd.s32 $0x4, s8  }
0xa2: {  	v14 =	vnsel vm15, $0x0, v14  }
0xa3: {  	v15 =	vmul.f32 $-5.000000000e-01, v14;
	v14 =	vmul.f32 v14, v14;
	_ =	sdelay $0x1  }
0xa4: {  	[tilespmem:v12+s18+$0x0] =	vst.idx.msk $0xffff, v15;
	v11 =	vadd.f32 v14, v11  }
0xa5: {  	v12 =	vld.idx.msk [tilespmem:v13+s16+$0x0], $0xffff  }
0xa6: {  	v14 =	vld.idx.msk [tilespmem:v13+s15+$0x0], $0xffff;
	_ =	sdelay $0x1  }
0xa7: {  	s30 =	sadd.s32 $0x1, s7  }
0xa8: {  	v15 =	vmov s30  }
0xa9: {  	v15 =	vand.u32 $0x7D, v15  }
0xaa: {  	v15 =	vbroadcast v15, $0x0  }
0xab: {  	v12 =	vsub.f32 v12, v14  }
0xac: {  	v14 =	vor.u32 v3, v15  }
0xad: {  	v12 =	vnsel vm15, $0x0, v12  }
0xae: {  	v15 =	vmul.f32 $-5.000000000e-01, v12;
	v16 =	vmul.f32 v12, v12;
	_ =	sdelay $0x1  }
0xaf: {  	[tilespmem:v13+s18+$0x0] =	vst.idx.msk $0xffff, v15  }
0xb0: {  	v12 =	vld.idx.msk [tilespmem:v14+s16+$0x0], $0xffff  }
0xb1: {  	v13 =	vld.idx.msk [tilespmem:v14+s15+$0x0], $0xffff;
	_ =	sdelay $0x1  }
0xb2: {  	s30 =	sadd.s32 $0x2, s7  }
0xb3: {  	v15 =	vmov s30  }
0xb4: {  	v15 =	vand.u32 $0x7E, v15  }
0xb5: {  	v15 =	vbroadcast v15, $0x0  }
0xb6: {  	v12 =	vsub.f32 v12, v13  }
0xb7: {  	v13 =	vor.u32 v3, v15  }
0xb8: {  	v12 =	vnsel vm15, $0x0, v12  }
0xb9: {  	v15 =	vmul.f32 $-5.000000000e-01, v12;
	v17 =	vmul.f32 v12, v12;
	_ =	sdelay $0x1  }
0xba: {  	[tilespmem:v14+s18+$0x0] =	vst.idx.msk $0xffff, v15  }
0xbb: {  	v12 =	vld.idx.msk [tilespmem:v13+s16+$0x0], $0xffff  }
0xbc: {  	v14 =	vld.idx.msk [tilespmem:v13+s15+$0x0], $0xffff;
	_ =	sdelay $0x1  }
0xbd: {  	s30 =	sadd.s32 $0x3, s7;
	s7 =	smov.u32 s9  }
0xbe: {  	v15 =	vmov s30  }
0xbf: {  	v15 =	vand.u32 $0x7F, v15  }
0xc0: {  	v15 =	vbroadcast v15, $0x0  }
0xc1: {  	v14 =	vsub.f32 v12, v14  }
0xc2: {  	v12 =	vor.u32 v3, v15  }
0xc3: {  	v14 =	vnsel vm15, $0x0, v14  }
0xc4: {  	v15 =	vmul.f32 $-5.000000000e-01, v14;
	v14 =	vmul.f32 v14, v14;
	_ =	sdelay $0x1  }
0xc5: {  	[tilespmem:v13+s18+$0x0] =	vst.idx.msk $0xffff, v15  }
0xc6: {  	v15 =	vld.idx.msk [tilespmem:v12+s16+$0x0], $0xffff  }
0xc7: {  	v18 =	vld.idx.msk [tilespmem:v12+s15+$0x0], $0xffff  }
0xc8: {  	v11 =	vadd.f32 v16, v11  }
.Ltmp4:
0xc9: {  	(pc) =	sbr.rel @p0 .LBB2_5-.Ltmp4, $4  }
0xca: {  	v11 =	vadd.f32 v17, v11;
	v13 =	vmov s7  }
0xcb: {  	v13 =	vand.u32 $0x7C, v13  }
0xcc: {  	v11 =	vadd.f32 v14, v11;
	v13 =	vbroadcast v13, $0x0  }
0xcd: {  	v14 =	vsub.f32 v15, v18  }
0xce: {  	v13 =	vor.u32 v3, v13  }
0xcf: {  	v14 =	vnsel vm15, $0x0, v14  }
0xd0: {  	v15 =	vmul.f32 $-5.000000000e-01, v14;
	_ =	sdelay $0x1  }
0xd1: {  	[tilespmem:v12+s18+$0x0] =	vst.idx.msk $0xffff, v15  }
0xd2: {  	v12 =	vld.idx.msk [tilespmem:v13+s16+$0x0], $0xffff  }
0xd3: {  	v15 =	vld.idx.msk [tilespmem:v13+s15+$0x0], $0xffff  }
0xd4: {  	s8 =	sadd.s32 $0x1, s7  }
0xd5: {  	v16 =	vmov s8  }
0xd6: {  	v16 =	vand.u32 $0x7D, v16  }
0xd7: {  	v16 =	vbroadcast v16, $0x0  }
0xd8: {  	v12 =	vsub.f32 v12, v15  }
0xd9: {  	v15 =	vor.u32 v3, v16  }
0xda: {  	v12 =	vnsel vm15, $0x0, v12  }
0xdb: {  	v50 =	vmul.f32 $-5.000000000e-01, v12;
	_ =	sdelay $0x1  }
0xdc: {  	[tilespmem:v13+s18+$0x0] =	vst.idx.msk $0xffff, v50  }
0xdd: {  	v13 =	vld.idx.msk [tilespmem:v15+s16+$0x0], $0xffff  }
0xde: {  	v16 =	vld.idx.msk [tilespmem:v15+s15+$0x0], $0xffff  }
0xdf: {  	s1 =	sadd.s32 $0x2, s7  }
0xe0: {  	v17 =	vmov s1  }
0xe1: {  	v17 =	vand.u32 $0x7E, v17  }
0xe2: {  	v17 =	vbroadcast v17, $0x0  }
0xe3: {  	v13 =	vsub.f32 v13, v16  }
0xe4: {  	v51 =	vor.u32 v3, v17  }
0xe5: {  	v13 =	vnsel vm15, $0x0, v13  }
0xe6: {  	v52 =	vmul.f32 $-5.000000000e-01, v13;
	_ =	sdelay $0x1  }
0xe7: {  	[tilespmem:v15+s18+$0x0] =	vst.idx.msk $0xffff, v52  }
0xe8: {  	v15 =	vld.idx.msk [tilespmem:v51+s16+$0x0], $0xffff  }
0xe9: {  	v17 =	vld.idx.msk [tilespmem:v51+s15+$0x0], $0xffff  }
0xea: {  	s9 =	sadd.s32 $0x3, s7  }
0xeb: {  	v18 =	vmov s9  }
0xec: {  	v18 =	vand.u32 $0x7F, v18  }
0xed: {  	v18 =	vbroadcast v18, $0x0  }
0xee: {  	v15 =	vsub.f32 v15, v17  }
0xef: {  	v53 =	vor.u32 v3, v18  }
0xf0: {  	v15 =	vnsel vm15, $0x0, v15  }
0xf1: {  	v54 =	vmul.f32 $-5.000000000e-01, v15;
	_ =	sdelay $0x1  }
0xf2: {  	[tilespmem:v51+s18+$0x0] =	vst.idx.msk $0xffff, v54  }
0xf3: {  	v16 =	vld.idx.msk [tilespmem:v53+s16+$0x0], $0xffff  }
0xf4: {  	v18 =	vld.idx.msk [tilespmem:v53+s15+$0x0], $0xffff;
	_ =	sdelay $0x4  }
0xf5: {  	v16 =	vsub.f32 v16, v18;
	_ =	sdelay $0x1  }
0xf6: {  	v16 =	vnsel vm15, $0x0, v16  }
0xf7: {  	v55 =	vmul.f32 $-5.000000000e-01, v16;
	_ =	sdelay $0x1  }
0xf8: {  	s30 =	simm.s32 $0x0;
	[tilespmem:v53+s18+$0x0] =	vst.idx.msk $0xffff, v55  }
0xf9: {  	v56 =	vmov s30;
	v17 =	vld [tilespmem:s28+$0xC200]  }
0xfa: {  	v18 =	vand.u32 $0x7C, v56  }
0xfb: {  	v18 =	vbroadcast v18, $0x0;
	_ =	sdelay $0x1  }
0xfc: {  	v18 =	vor.u32 v6, v18;
	_ =	sdelay $0x3  }
0xfd: {  	[hbm4b:s6+s30] =	stream.indirect_vreg.scatter [tilespmem:s18], [sflag:$0x3], $0x80, v17, vm0, $0xb8;
	[tilespmem:$0x1CB80] =	vst v63  }
0xfe: {  	v17 =	vld.idx.msk [tilespmem:v18+s16+$0x0], $0xffff  }
0xff: {  	v19 =	vld.idx.msk [tilespmem:v18+s15+$0x0], $0xffff  }
0x100: {  	s1 =	simm.s32 $0x1  }
0x101: {  	v20 =	vmov s1  }
0x102: {  	v20 =	vand.u32 $0x7D, v20  }
0x103: {  	s8 =	sor.u32 $0x10, s28;
	v20 =	vbroadcast v20, $0x0  }
0x104: {  	v21 =	vor.u32 s8, v0;
	v17 =	vsub.f32 v17, v19  }
0x105: {  	v57 =	vor.u32 v6, v20;
	vm15 =	vlt.s32 v21, v10  }
0x106: {  	v17 =	vnsel vm15, $0x0, v17  }
0x107: {  	v58 =	vmul.f32 $-5.000000000e-01, v17;
	_ =	sdelay $0x1  }
0x108: {  	[tilespmem:v18+s18+$0x0] =	vst.idx.msk $0xffff, v58  }
0x109: {  	v18 =	vld.idx.msk [tilespmem:v57+s16+$0x0], $0xffff  }
0x10a: {  	v20 =	vld.idx.msk [tilespmem:v57+s15+$0x0], $0xffff  }
0x10b: {  	s9 =	simm.s32 $0x2  }
0x10c: {  	v59 =	vmov s9  }
0x10d: {  	v21 =	vand.u32 $0x7E, v59  }
0x10e: {  	v21 =	vbroadcast v21, $0x0  }
0x10f: {  	v18 =	vsub.f32 v18, v20  }
0x110: {  	v60 =	vor.u32 v6, v21  }
0x111: {  	v18 =	vnsel vm15, $0x0, v18  }
0x112: {  	v61 =	vmul.f32 $-5.000000000e-01, v18;
	_ =	sdelay $0x1  }
0x113: {  	[tilespmem:v57+s18+$0x0] =	vst.idx.msk $0xffff, v61  }
0x114: {  	v19 =	vld.idx.msk [tilespmem:v60+s16+$0x0], $0xffff  }
0x115: {  	v21 =	vld.idx.msk [tilespmem:v60+s15+$0x0], $0xffff  }
0x116: {  	v14 =	vmul.f32 v14, v14;
	s30 =	simm.s32 $0x3  }
0x117: {  	v22 =	vmov s30  }
0x118: {  	v11 =	vadd.f32 v14, v11;
	v12 =	vmul.f32 v12, v12;
	v14 =	vand.u32 $0x7F, v22  }
0x119: {  	v14 =	vbroadcast v14, $0x0  }
0x11a: {  	v11 =	vadd.f32 v12, v11;
	v13 =	vmul.f32 v13, v13;
	v19 =	vsub.f32 v19, v21  }
0x11b: {  	v12 =	vor.u32 v6, v14  }
0x11c: {  	v11 =	vadd.f32 v13, v11;
	v14 =	vmul.f32 v15, v15;
	v13 =	vnsel vm15, $0x0, v19  }
0x11d: {  	v15 =	vmul.f32 $-5.000000000e-01, v13  }
0x11e: {  	v11 =	vadd.f32 v14, v11;
	v14 =	vmul.f32 v16, v16  }
0x11f: {  	[tilespmem:v60+s18+$0x0] =	vst.idx.msk $0xffff, v15  }
0x120: {  	v11 =	vadd.f32 v14, v11;
	v14 =	vmul.f32 v17, v17;
	v15 =	vld.idx.msk [tilespmem:v12+s16+$0x0], $0xffff  }
0x121: {  	v62 =	vld.idx.msk [tilespmem:v12+s15+$0x0], $0xffff  }
0x122: {  	s7 =	simm.s32 $0x4;
	v11 =	vadd.f32 v14, v11;
	v63 =	vmul.f32 v18, v18  }
0x123: {  	v14 =	vmul.f32 v13, v13;
	v13 =	vmov s7  }
0x124: {  	v11 =	vadd.f32 v63, v11;
	v13 =	vand.u32 $0x7C, v13  }
0x125: {  	v13 =	vbroadcast v13, $0x0  }
0x126: {  	s8 =	simm.s32 $0x8;
	v11 =	vadd.f32 v14, v11;
	v14 =	vsub.f32 v15, v62  }
.LBB2_7:
0x127: {  	p0 =	sne.s32 s8, $0x7C;
	v13 =	vor.u32 v6, v13;
	s9 =	smov.u32 s8;
	s8 =	sadd.s32 $0x4, s8  }
0x128: {  	v14 =	vnsel vm15, $0x0, v14  }
0x129: {  	v15 =	vmul.f32 $-5.000000000e-01, v14;
	v14 =	vmul.f32 v14, v14;
	_ =	sdelay $0x1  }
0x12a: {  	[tilespmem:v12+s18+$0x0] =	vst.idx.msk $0xffff, v15;
	v11 =	vadd.f32 v14, v11  }
0x12b: {  	v12 =	vld.idx.msk [tilespmem:v13+s16+$0x0], $0xffff  }
0x12c: {  	v14 =	vld.idx.msk [tilespmem:v13+s15+$0x0], $0xffff;
	_ =	sdelay $0x1  }
0x12d: {  	s30 =	sadd.s32 $0x1, s7  }
0x12e: {  	v15 =	vmov s30  }
0x12f: {  	v15 =	vand.u32 $0x7D, v15  }
0x130: {  	v15 =	vbroadcast v15, $0x0  }
0x131: {  	v12 =	vsub.f32 v12, v14  }
0x132: {  	v14 =	vor.u32 v6, v15  }
0x133: {  	v12 =	vnsel vm15, $0x0, v12  }
0x134: {  	v15 =	vmul.f32 $-5.000000000e-01, v12;
	v16 =	vmul.f32 v12, v12;
	_ =	sdelay $0x1  }
0x135: {  	[tilespmem:v13+s18+$0x0] =	vst.idx.msk $0xffff, v15  }
0x136: {  	v12 =	vld.idx.msk [tilespmem:v14+s16+$0x0], $0xffff  }
0x137: {  	v13 =	vld.idx.msk [tilespmem:v14+s15+$0x0], $0xffff;
	_ =	sdelay $0x1  }
0x138: {  	s30 =	sadd.s32 $0x2, s7  }
0x139: {  	v15 =	vmov s30  }
0x13a: {  	v15 =	vand.u32 $0x7E, v15  }
0x13b: {  	v15 =	vbroadcast v15, $0x0  }
0x13c: {  	v12 =	vsub.f32 v12, v13  }
0x13d: {  	v13 =	vor.u32 v6, v15  }
0x13e: {  	v12 =	vnsel vm15, $0x0, v12  }
0x13f: {  	v15 =	vmul.f32 $-5.000000000e-01, v12;
	v17 =	vmul.f32 v12, v12;
	_ =	sdelay $0x1  }
0x140: {  	[tilespmem:v14+s18+$0x0] =	vst.idx.msk $0xffff, v15  }
0x141: {  	v12 =	vld.idx.msk [tilespmem:v13+s16+$0x0], $0xffff  }
0x142: {  	v14 =	vld.idx.msk [tilespmem:v13+s15+$0x0], $0xffff;
	_ =	sdelay $0x1  }
0x143: {  	s30 =	sadd.s32 $0x3, s7;
	s7 =	smov.u32 s9  }
0x144: {  	v15 =	vmov s30  }
0x145: {  	v15 =	vand.u32 $0x7F, v15  }
0x146: {  	v15 =	vbroadcast v15, $0x0  }
0x147: {  	v14 =	vsub.f32 v12, v14  }
0x148: {  	v12 =	vor.u32 v6, v15  }
0x149: {  	v14 =	vnsel vm15, $0x0, v14  }
0x14a: {  	v15 =	vmul.f32 $-5.000000000e-01, v14;
	v14 =	vmul.f32 v14, v14;
	_ =	sdelay $0x1  }
0x14b: {  	[tilespmem:v13+s18+$0x0] =	vst.idx.msk $0xffff, v15  }
0x14c: {  	v15 =	vld.idx.msk [tilespmem:v12+s16+$0x0], $0xffff  }
0x14d: {  	v18 =	vld.idx.msk [tilespmem:v12+s15+$0x0], $0xffff  }
0x14e: {  	v11 =	vadd.f32 v16, v11  }
.Ltmp5:
0x14f: {  	(pc) =	sbr.rel @p0 .LBB2_7-.Ltmp5, $4  }
0x150: {  	v11 =	vadd.f32 v17, v11;
	v13 =	vmov s7  }
0x151: {  	v13 =	vand.u32 $0x7C, v13  }
0x152: {  	v11 =	vadd.f32 v14, v11;
	v13 =	vbroadcast v13, $0x0  }
0x153: {  	v14 =	vsub.f32 v15, v18  }
0x154: {  	v13 =	vor.u32 v6, v13  }
0x155: {  	v14 =	vnsel vm15, $0x0, v14  }
0x156: {  	v15 =	vmul.f32 $-5.000000000e-01, v14;
	_ =	sdelay $0x1  }
0x157: {  	[tilespmem:v12+s18+$0x0] =	vst.idx.msk $0xffff, v15  }
0x158: {  	v12 =	vld.idx.msk [tilespmem:v13+s16+$0x0], $0xffff  }
0x159: {  	v15 =	vld.idx.msk [tilespmem:v13+s15+$0x0], $0xffff  }
0x15a: {  	s8 =	sadd.s32 $0x1, s7  }
0x15b: {  	v16 =	vmov s8  }
0x15c: {  	v16 =	vand.u32 $0x7D, v16  }
0x15d: {  	v16 =	vbroadcast v16, $0x0  }
0x15e: {  	v12 =	vsub.f32 v12, v15  }
0x15f: {  	v15 =	vor.u32 v6, v16  }
0x160: {  	v12 =	vnsel vm15, $0x0, v12  }
0x161: {  	v50 =	vmul.f32 $-5.000000000e-01, v12;
	_ =	sdelay $0x1  }
0x162: {  	[tilespmem:v13+s18+$0x0] =	vst.idx.msk $0xffff, v50  }
0x163: {  	v13 =	vld.idx.msk [tilespmem:v15+s16+$0x0], $0xffff  }
0x164: {  	v16 =	vld.idx.msk [tilespmem:v15+s15+$0x0], $0xffff  }
0x165: {  	s30 =	sadd.s32 $0x2, s7  }
0x166: {  	v17 =	vmov s30  }
0x167: {  	v17 =	vand.u32 $0x7E, v17  }
0x168: {  	v17 =	vbroadcast v17, $0x0  }
0x169: {  	v13 =	vsub.f32 v13, v16  }
0x16a: {  	v51 =	vor.u32 v6, v17  }
0x16b: {  	v13 =	vnsel vm15, $0x0, v13  }
0x16c: {  	v52 =	vmul.f32 $-5.000000000e-01, v13;
	_ =	sdelay $0x1  }
0x16d: {  	[tilespmem:v15+s18+$0x0] =	vst.idx.msk $0xffff, v52  }
0x16e: {  	v15 =	vld.idx.msk [tilespmem:v51+s16+$0x0], $0xffff  }
0x16f: {  	v17 =	vld.idx.msk [tilespmem:v51+s15+$0x0], $0xffff  }
0x170: {  	s1 =	sadd.s32 $0x3, s7  }
0x171: {  	v18 =	vmov s1  }
0x172: {  	v18 =	vand.u32 $0x7F, v18  }
0x173: {  	v18 =	vbroadcast v18, $0x0  }
0x174: {  	v15 =	vsub.f32 v15, v17  }
0x175: {  	v53 =	vor.u32 v6, v18  }
0x176: {  	v15 =	vnsel vm15, $0x0, v15  }
0x177: {  	v54 =	vmul.f32 $-5.000000000e-01, v15;
	_ =	sdelay $0x1  }
0x178: {  	[tilespmem:v51+s18+$0x0] =	vst.idx.msk $0xffff, v54  }
0x179: {  	v16 =	vld.idx.msk [tilespmem:v53+s16+$0x0], $0xffff  }
0x17a: {  	v18 =	vld.idx.msk [tilespmem:v53+s15+$0x0], $0xffff;
	_ =	sdelay $0x4  }
0x17b: {  	v16 =	vsub.f32 v16, v18;
	_ =	sdelay $0x1  }
0x17c: {  	v16 =	vnsel vm15, $0x0, v16  }
0x17d: {  	v55 =	vmul.f32 $-5.000000000e-01, v16  }
0x17e: {  	s8 =	sshll.u32 s2, $0x9  }
0x17f: {  	s9 =	simm.s32 $0x0;
	s7 =	sshra.s32 s8, $0x2;
	[tilespmem:v53+s18+$0x0] =	vst.idx.msk $0xffff, v55  }
0x180: {  	v56 =	vmov s9;
	v17 =	vld [tilespmem:s7+$0xC210]  }
0x181: {  	v18 =	vand.u32 $0x7C, v56  }
0x182: {  	v18 =	vbroadcast v18, $0x0;
	_ =	sdelay $0x1  }
0x183: {  	v18 =	vor.u32 v7, v18;
	_ =	sdelay $0x3  }
0x184: {  	[hbm4b:s6+s9] =	stream.indirect_vreg.scatter [tilespmem:s19], [sflag:$0x3], $0x80, v17, vm0, $0xb8;
	[tilespmem:$0x1CB80] =	vst v63  }
0x185: {  	v17 =	vld.idx.msk [tilespmem:v18+s16+$0x0], $0xffff  }
0x186: {  	v19 =	vld.idx.msk [tilespmem:v18+s15+$0x0], $0xffff  }
0x187: {  	s30 =	simm.s32 $0x1  }
0x188: {  	v20 =	vmov s30  }
0x189: {  	v20 =	vand.u32 $0x7D, v20  }
0x18a: {  	s1 =	sor.u32 $0x20, s28;
	v20 =	vbroadcast v20, $0x0  }
0x18b: {  	v21 =	vor.u32 s1, v0;
	v17 =	vsub.f32 v17, v19  }
0x18c: {  	v57 =	vor.u32 v7, v20;
	vm15 =	vlt.s32 v21, v10  }
0x18d: {  	v17 =	vnsel vm15, $0x0, v17  }
0x18e: {  	v58 =	vmul.f32 $-5.000000000e-01, v17;
	_ =	sdelay $0x1  }
0x18f: {  	[tilespmem:v18+s18+$0x0] =	vst.idx.msk $0xffff, v58  }
0x190: {  	v18 =	vld.idx.msk [tilespmem:v57+s16+$0x0], $0xffff  }
0x191: {  	v20 =	vld.idx.msk [tilespmem:v57+s15+$0x0], $0xffff  }
0x192: {  	s9 =	simm.s32 $0x2  }
0x193: {  	v59 =	vmov s9  }
0x194: {  	v21 =	vand.u32 $0x7E, v59  }
0x195: {  	v21 =	vbroadcast v21, $0x0  }
0x196: {  	v18 =	vsub.f32 v18, v20  }
0x197: {  	v60 =	vor.u32 v7, v21  }
0x198: {  	v18 =	vnsel vm15, $0x0, v18  }
0x199: {  	v61 =	vmul.f32 $-5.000000000e-01, v18;
	_ =	sdelay $0x1  }
0x19a: {  	[tilespmem:v57+s18+$0x0] =	vst.idx.msk $0xffff, v61  }
0x19b: {  	v19 =	vld.idx.msk [tilespmem:v60+s16+$0x0], $0xffff  }
0x19c: {  	v21 =	vld.idx.msk [tilespmem:v60+s15+$0x0], $0xffff  }
0x19d: {  	v14 =	vmul.f32 v14, v14;
	s30 =	simm.s32 $0x3  }
0x19e: {  	v22 =	vmov s30  }
0x19f: {  	v11 =	vadd.f32 v14, v11;
	v14 =	vand.u32 $0x7F, v22;
	v12 =	vmul.f32 v12, v12  }
0x1a0: {  	v14 =	vbroadcast v14, $0x0  }
0x1a1: {  	v11 =	vadd.f32 v12, v11;
	v13 =	vmul.f32 v13, v13;
	v19 =	vsub.f32 v19, v21  }
0x1a2: {  	v12 =	vor.u32 v7, v14  }
0x1a3: {  	v11 =	vadd.f32 v13, v11;
	v14 =	vmul.f32 v15, v15;
	v13 =	vnsel vm15, $0x0, v19  }
0x1a4: {  	v15 =	vmul.f32 $-5.000000000e-01, v13  }
0x1a5: {  	v11 =	vadd.f32 v14, v11;
	v14 =	vmul.f32 v16, v16  }
0x1a6: {  	[tilespmem:v60+s18+$0x0] =	vst.idx.msk $0xffff, v15  }
0x1a7: {  	v11 =	vadd.f32 v14, v11;
	v14 =	vmul.f32 v17, v17;
	v15 =	vld.idx.msk [tilespmem:v12+s16+$0x0], $0xffff  }
0x1a8: {  	v62 =	vld.idx.msk [tilespmem:v12+s15+$0x0], $0xffff  }
0x1a9: {  	s8 =	simm.s32 $0x4;
	v11 =	vadd.f32 v14, v11;
	v63 =	vmul.f32 v18, v18  }
0x1aa: {  	v14 =	vmul.f32 v13, v13;
	v13 =	vmov s8  }
0x1ab: {  	v11 =	vadd.f32 v63, v11;
	v13 =	vand.u32 $0x7C, v13  }
0x1ac: {  	v13 =	vbroadcast v13, $0x0  }
0x1ad: {  	s9 =	simm.s32 $0x8;
	v11 =	vadd.f32 v14, v11;
	v14 =	vsub.f32 v15, v62  }
.LBB2_9:
0x1ae: {  	p0 =	sne.s32 s9, $0x7C;
	v13 =	vor.u32 v7, v13;
	s30 =	smov.u32 s9;
	s9 =	sadd.s32 $0x4, s9  }
0x1af: {  	v14 =	vnsel vm15, $0x0, v14  }
0x1b0: {  	v15 =	vmul.f32 $-5.000000000e-01, v14;
	v14 =	vmul.f32 v14, v14;
	_ =	sdelay $0x1  }
0x1b1: {  	[tilespmem:v12+s18+$0x0] =	vst.idx.msk $0xffff, v15;
	v11 =	vadd.f32 v14, v11  }
0x1b2: {  	v12 =	vld.idx.msk [tilespmem:v13+s16+$0x0], $0xffff  }
0x1b3: {  	v14 =	vld.idx.msk [tilespmem:v13+s15+$0x0], $0xffff;
	_ =	sdelay $0x1  }
0x1b4: {  	s1 =	sadd.s32 $0x1, s8  }
0x1b5: {  	v15 =	vmov s1  }
0x1b6: {  	v15 =	vand.u32 $0x7D, v15  }
0x1b7: {  	v15 =	vbroadcast v15, $0x0  }
0x1b8: {  	v12 =	vsub.f32 v12, v14  }
0x1b9: {  	v14 =	vor.u32 v7, v15  }
0x1ba: {  	v12 =	vnsel vm15, $0x0, v12  }
0x1bb: {  	v15 =	vmul.f32 $-5.000000000e-01, v12;
	v16 =	vmul.f32 v12, v12;
	_ =	sdelay $0x1  }
0x1bc: {  	[tilespmem:v13+s18+$0x0] =	vst.idx.msk $0xffff, v15  }
0x1bd: {  	v12 =	vld.idx.msk [tilespmem:v14+s16+$0x0], $0xffff  }
0x1be: {  	v13 =	vld.idx.msk [tilespmem:v14+s15+$0x0], $0xffff;
	_ =	sdelay $0x1  }
0x1bf: {  	s1 =	sadd.s32 $0x2, s8  }
0x1c0: {  	v15 =	vmov s1  }
0x1c1: {  	v15 =	vand.u32 $0x7E, v15  }
0x1c2: {  	v15 =	vbroadcast v15, $0x0  }
0x1c3: {  	v12 =	vsub.f32 v12, v13  }
0x1c4: {  	v13 =	vor.u32 v7, v15  }
0x1c5: {  	v12 =	vnsel vm15, $0x0, v12  }
0x1c6: {  	v15 =	vmul.f32 $-5.000000000e-01, v12;
	v17 =	vmul.f32 v12, v12;
	_ =	sdelay $0x1  }
0x1c7: {  	[tilespmem:v14+s18+$0x0] =	vst.idx.msk $0xffff, v15  }
0x1c8: {  	v12 =	vld.idx.msk [tilespmem:v13+s16+$0x0], $0xffff  }
0x1c9: {  	v14 =	vld.idx.msk [tilespmem:v13+s15+$0x0], $0xffff;
	_ =	sdelay $0x1  }
0x1ca: {  	s1 =	sadd.s32 $0x3, s8;
	s8 =	smov.u32 s30  }
0x1cb: {  	v15 =	vmov s1  }
0x1cc: {  	v15 =	vand.u32 $0x7F, v15  }
0x1cd: {  	v15 =	vbroadcast v15, $0x0  }
0x1ce: {  	v14 =	vsub.f32 v12, v14  }
0x1cf: {  	v12 =	vor.u32 v7, v15  }
0x1d0: {  	v14 =	vnsel vm15, $0x0, v14  }
0x1d1: {  	v15 =	vmul.f32 $-5.000000000e-01, v14;
	v14 =	vmul.f32 v14, v14;
	_ =	sdelay $0x1  }
0x1d2: {  	[tilespmem:v13+s18+$0x0] =	vst.idx.msk $0xffff, v15  }
0x1d3: {  	v15 =	vld.idx.msk [tilespmem:v12+s16+$0x0], $0xffff  }
0x1d4: {  	v18 =	vld.idx.msk [tilespmem:v12+s15+$0x0], $0xffff  }
0x1d5: {  	v11 =	vadd.f32 v16, v11  }
.Ltmp6:
0x1d6: {  	(pc) =	sbr.rel @p0 .LBB2_9-.Ltmp6, $4  }
0x1d7: {  	v11 =	vadd.f32 v17, v11;
	v13 =	vmov s8  }
0x1d8: {  	v13 =	vand.u32 $0x7C, v13  }
0x1d9: {  	v11 =	vadd.f32 v14, v11;
	v13 =	vbroadcast v13, $0x0  }
0x1da: {  	v14 =	vsub.f32 v15, v18  }
0x1db: {  	v13 =	vor.u32 v7, v13  }
0x1dc: {  	v14 =	vnsel vm15, $0x0, v14  }
0x1dd: {  	v15 =	vmul.f32 $-5.000000000e-01, v14;
	_ =	sdelay $0x1  }
0x1de: {  	[tilespmem:v12+s18+$0x0] =	vst.idx.msk $0xffff, v15  }
0x1df: {  	v12 =	vld.idx.msk [tilespmem:v13+s16+$0x0], $0xffff  }
0x1e0: {  	v15 =	vld.idx.msk [tilespmem:v13+s15+$0x0], $0xffff  }
0x1e1: {  	s1 =	sadd.s32 $0x1, s8  }
0x1e2: {  	v16 =	vmov s1  }
0x1e3: {  	v16 =	vand.u32 $0x7D, v16  }
0x1e4: {  	v16 =	vbroadcast v16, $0x0  }
0x1e5: {  	v12 =	vsub.f32 v12, v15  }
0x1e6: {  	v15 =	vor.u32 v7, v16  }
0x1e7: {  	v12 =	vnsel vm15, $0x0, v12  }
0x1e8: {  	v50 =	vmul.f32 $-5.000000000e-01, v12;
	_ =	sdelay $0x1  }
0x1e9: {  	[tilespmem:v13+s18+$0x0] =	vst.idx.msk $0xffff, v50  }
0x1ea: {  	v13 =	vld.idx.msk [tilespmem:v15+s16+$0x0], $0xffff  }
0x1eb: {  	v16 =	vld.idx.msk [tilespmem:v15+s15+$0x0], $0xffff  }
0x1ec: {  	s30 =	sadd.s32 $0x2, s8  }
0x1ed: {  	v17 =	vmov s30  }
0x1ee: {  	v17 =	vand.u32 $0x7E, v17  }
0x1ef: {  	v17 =	vbroadcast v17, $0x0  }
0x1f0: {  	v13 =	vsub.f32 v13, v16  }
0x1f1: {  	v51 =	vor.u32 v7, v17  }
0x1f2: {  	v13 =	vnsel vm15, $0x0, v13  }
0x1f3: {  	v52 =	vmul.f32 $-5.000000000e-01, v13;
	_ =	sdelay $0x1  }
0x1f4: {  	[tilespmem:v15+s18+$0x0] =	vst.idx.msk $0xffff, v52  }
0x1f5: {  	v15 =	vld.idx.msk [tilespmem:v51+s16+$0x0], $0xffff  }
0x1f6: {  	v17 =	vld.idx.msk [tilespmem:v51+s15+$0x0], $0xffff  }
0x1f7: {  	s8 =	sadd.s32 $0x3, s8  }
0x1f8: {  	v18 =	vmov s8  }
0x1f9: {  	v18 =	vand.u32 $0x7F, v18  }
0x1fa: {  	v18 =	vbroadcast v18, $0x0  }
0x1fb: {  	v15 =	vsub.f32 v15, v17  }
0x1fc: {  	v53 =	vor.u32 v7, v18  }
0x1fd: {  	v15 =	vnsel vm15, $0x0, v15  }
0x1fe: {  	v54 =	vmul.f32 $-5.000000000e-01, v15;
	_ =	sdelay $0x1  }
0x1ff: {  	[tilespmem:v51+s18+$0x0] =	vst.idx.msk $0xffff, v54  }
0x200: {  	v16 =	vld.idx.msk [tilespmem:v53+s16+$0x0], $0xffff  }
0x201: {  	v18 =	vld.idx.msk [tilespmem:v53+s15+$0x0], $0xffff;
	_ =	sdelay $0x4  }
0x202: {  	v16 =	vsub.f32 v16, v18;
	_ =	sdelay $0x1  }
0x203: {  	v16 =	vnsel vm15, $0x0, v16  }
0x204: {  	v55 =	vmul.f32 $-5.000000000e-01, v16;
	_ =	sdelay $0x1  }
0x205: {  	s9 =	simm.s32 $0x0;
	[tilespmem:v53+s18+$0x0] =	vst.idx.msk $0xffff, v55  }
0x206: {  	v56 =	vmov s9;
	v17 =	vld [tilespmem:s7+$0xC220]  }
0x207: {  	v18 =	vand.u32 $0x7C, v56  }
0x208: {  	v18 =	vbroadcast v18, $0x0;
	_ =	sdelay $0x1  }
0x209: {  	v18 =	vor.u32 v8, v18;
	_ =	sdelay $0x3  }
0x20a: {  	[hbm4b:s6+s9] =	stream.indirect_vreg.scatter [tilespmem:s20], [sflag:$0x3], $0x80, v17, vm0, $0xb8;
	[tilespmem:$0x1CB80] =	vst v63  }
0x20b: {  	v17 =	vld.idx.msk [tilespmem:v18+s16+$0x0], $0xffff  }
0x20c: {  	v19 =	vld.idx.msk [tilespmem:v18+s15+$0x0], $0xffff  }
0x20d: {  	s30 =	simm.s32 $0x1  }
0x20e: {  	v20 =	vmov s30  }
0x20f: {  	v20 =	vand.u32 $0x7D, v20  }
0x210: {  	s8 =	sor.u32 $0x30, s28;
	v20 =	vbroadcast v20, $0x0  }
0x211: {  	v21 =	vor.u32 s8, v0;
	v17 =	vsub.f32 v17, v19  }
0x212: {  	v57 =	vor.u32 v8, v20;
	vm15 =	vlt.s32 v21, v10  }
0x213: {  	v17 =	vnsel vm15, $0x0, v17  }
0x214: {  	v58 =	vmul.f32 $-5.000000000e-01, v17;
	_ =	sdelay $0x1  }
0x215: {  	[tilespmem:v18+s18+$0x0] =	vst.idx.msk $0xffff, v58  }
0x216: {  	v18 =	vld.idx.msk [tilespmem:v57+s16+$0x0], $0xffff  }
0x217: {  	v20 =	vld.idx.msk [tilespmem:v57+s15+$0x0], $0xffff  }
0x218: {  	s9 =	simm.s32 $0x2  }
0x219: {  	v59 =	vmov s9  }
0x21a: {  	v21 =	vand.u32 $0x7E, v59  }
0x21b: {  	v21 =	vbroadcast v21, $0x0  }
0x21c: {  	v18 =	vsub.f32 v18, v20  }
0x21d: {  	v60 =	vor.u32 v8, v21  }
0x21e: {  	v18 =	vnsel vm15, $0x0, v18  }
0x21f: {  	v61 =	vmul.f32 $-5.000000000e-01, v18;
	_ =	sdelay $0x1  }
0x220: {  	[tilespmem:v57+s18+$0x0] =	vst.idx.msk $0xffff, v61  }
0x221: {  	v19 =	vld.idx.msk [tilespmem:v60+s16+$0x0], $0xffff  }
0x222: {  	v21 =	vld.idx.msk [tilespmem:v60+s15+$0x0], $0xffff  }
0x223: {  	v14 =	vmul.f32 v14, v14;
	s30 =	simm.s32 $0x3  }
0x224: {  	v22 =	vmov s30  }
0x225: {  	v11 =	vadd.f32 v14, v11;
	v14 =	vand.u32 $0x7F, v22;
	v12 =	vmul.f32 v12, v12  }
0x226: {  	v14 =	vbroadcast v14, $0x0  }
0x227: {  	v11 =	vadd.f32 v12, v11;
	v13 =	vmul.f32 v13, v13;
	v19 =	vsub.f32 v19, v21  }
0x228: {  	v12 =	vor.u32 v8, v14  }
0x229: {  	v11 =	vadd.f32 v13, v11;
	v14 =	vmul.f32 v15, v15;
	v13 =	vnsel vm15, $0x0, v19  }
0x22a: {  	v15 =	vmul.f32 $-5.000000000e-01, v13  }
0x22b: {  	v11 =	vadd.f32 v14, v11;
	v14 =	vmul.f32 v16, v16  }
0x22c: {  	[tilespmem:v60+s18+$0x0] =	vst.idx.msk $0xffff, v15  }
0x22d: {  	v11 =	vadd.f32 v14, v11;
	v14 =	vmul.f32 v17, v17;
	v15 =	vld.idx.msk [tilespmem:v12+s16+$0x0], $0xffff  }
0x22e: {  	v62 =	vld.idx.msk [tilespmem:v12+s15+$0x0], $0xffff  }
0x22f: {  	s8 =	simm.s32 $0x4;
	v11 =	vadd.f32 v14, v11;
	v63 =	vmul.f32 v18, v18  }
0x230: {  	v14 =	vmul.f32 v13, v13;
	v13 =	vmov s8  }
0x231: {  	v11 =	vadd.f32 v63, v11;
	v13 =	vand.u32 $0x7C, v13  }
0x232: {  	v13 =	vbroadcast v13, $0x0  }
0x233: {  	s9 =	simm.s32 $0x8;
	v11 =	vadd.f32 v14, v11;
	v14 =	vsub.f32 v15, v62  }
.LBB2_11:
0x234: {  	p0 =	sne.s32 s9, $0x7C;
	v13 =	vor.u32 v8, v13;
	s30 =	smov.u32 s9;
	s9 =	sadd.s32 $0x4, s9  }
0x235: {  	v14 =	vnsel vm15, $0x0, v14  }
0x236: {  	v15 =	vmul.f32 $-5.000000000e-01, v14;
	v14 =	vmul.f32 v14, v14;
	_ =	sdelay $0x1  }
0x237: {  	[tilespmem:v12+s18+$0x0] =	vst.idx.msk $0xffff, v15;
	v11 =	vadd.f32 v14, v11  }
0x238: {  	v12 =	vld.idx.msk [tilespmem:v13+s16+$0x0], $0xffff  }
0x239: {  	v14 =	vld.idx.msk [tilespmem:v13+s15+$0x0], $0xffff;
	_ =	sdelay $0x1  }
0x23a: {  	s1 =	sadd.s32 $0x1, s8  }
0x23b: {  	v15 =	vmov s1  }
0x23c: {  	v15 =	vand.u32 $0x7D, v15  }
0x23d: {  	v15 =	vbroadcast v15, $0x0  }
0x23e: {  	v12 =	vsub.f32 v12, v14  }
0x23f: {  	v14 =	vor.u32 v8, v15  }
0x240: {  	v12 =	vnsel vm15, $0x0, v12  }
0x241: {  	v15 =	vmul.f32 $-5.000000000e-01, v12;
	v16 =	vmul.f32 v12, v12;
	_ =	sdelay $0x1  }
0x242: {  	[tilespmem:v13+s18+$0x0] =	vst.idx.msk $0xffff, v15  }
0x243: {  	v12 =	vld.idx.msk [tilespmem:v14+s16+$0x0], $0xffff  }
0x244: {  	v13 =	vld.idx.msk [tilespmem:v14+s15+$0x0], $0xffff;
	_ =	sdelay $0x1  }
0x245: {  	s1 =	sadd.s32 $0x2, s8  }
0x246: {  	v15 =	vmov s1  }
0x247: {  	v15 =	vand.u32 $0x7E, v15  }
0x248: {  	v15 =	vbroadcast v15, $0x0  }
0x249: {  	v12 =	vsub.f32 v12, v13  }
0x24a: {  	v13 =	vor.u32 v8, v15  }
0x24b: {  	v12 =	vnsel vm15, $0x0, v12  }
0x24c: {  	v15 =	vmul.f32 $-5.000000000e-01, v12;
	v17 =	vmul.f32 v12, v12;
	_ =	sdelay $0x1  }
0x24d: {  	[tilespmem:v14+s18+$0x0] =	vst.idx.msk $0xffff, v15  }
0x24e: {  	v12 =	vld.idx.msk [tilespmem:v13+s16+$0x0], $0xffff  }
0x24f: {  	v14 =	vld.idx.msk [tilespmem:v13+s15+$0x0], $0xffff;
	_ =	sdelay $0x1  }
0x250: {  	s1 =	sadd.s32 $0x3, s8;
	s8 =	smov.u32 s30  }
0x251: {  	v15 =	vmov s1  }
0x252: {  	v15 =	vand.u32 $0x7F, v15  }
0x253: {  	v15 =	vbroadcast v15, $0x0  }
0x254: {  	v14 =	vsub.f32 v12, v14  }
0x255: {  	v12 =	vor.u32 v8, v15  }
0x256: {  	v14 =	vnsel vm15, $0x0, v14  }
0x257: {  	v15 =	vmul.f32 $-5.000000000e-01, v14;
	v14 =	vmul.f32 v14, v14;
	_ =	sdelay $0x1  }
0x258: {  	[tilespmem:v13+s18+$0x0] =	vst.idx.msk $0xffff, v15  }
0x259: {  	v15 =	vld.idx.msk [tilespmem:v12+s16+$0x0], $0xffff  }
0x25a: {  	v18 =	vld.idx.msk [tilespmem:v12+s15+$0x0], $0xffff  }
0x25b: {  	v11 =	vadd.f32 v16, v11  }
.Ltmp7:
0x25c: {  	(pc) =	sbr.rel @p0 .LBB2_11-.Ltmp7, $4  }
0x25d: {  	v11 =	vadd.f32 v17, v11;
	v13 =	vmov s8  }
0x25e: {  	v13 =	vand.u32 $0x7C, v13  }
0x25f: {  	v11 =	vadd.f32 v14, v11;
	v13 =	vbroadcast v13, $0x0  }
0x260: {  	v14 =	vsub.f32 v15, v18  }
0x261: {  	v13 =	vor.u32 v8, v13  }
0x262: {  	v14 =	vnsel vm15, $0x0, v14  }
0x263: {  	v15 =	vmul.f32 $-5.000000000e-01, v14;
	_ =	sdelay $0x1  }
0x264: {  	[tilespmem:v12+s18+$0x0] =	vst.idx.msk $0xffff, v15  }
0x265: {  	v12 =	vld.idx.msk [tilespmem:v13+s16+$0x0], $0xffff  }
0x266: {  	v15 =	vld.idx.msk [tilespmem:v13+s15+$0x0], $0xffff  }
0x267: {  	s1 =	sadd.s32 $0x1, s8  }
0x268: {  	v16 =	vmov s1  }
0x269: {  	v16 =	vand.u32 $0x7D, v16  }
0x26a: {  	v16 =	vbroadcast v16, $0x0  }
0x26b: {  	v12 =	vsub.f32 v12, v15  }
0x26c: {  	v15 =	vor.u32 v8, v16  }
0x26d: {  	v12 =	vnsel vm15, $0x0, v12  }
0x26e: {  	v50 =	vmul.f32 $-5.000000000e-01, v12;
	_ =	sdelay $0x1  }
0x26f: {  	[tilespmem:v13+s18+$0x0] =	vst.idx.msk $0xffff, v50  }
0x270: {  	v13 =	vld.idx.msk [tilespmem:v15+s16+$0x0], $0xffff  }
0x271: {  	v16 =	vld.idx.msk [tilespmem:v15+s15+$0x0], $0xffff  }
0x272: {  	s30 =	sadd.s32 $0x2, s8  }
0x273: {  	v17 =	vmov s30  }
0x274: {  	v17 =	vand.u32 $0x7E, v17  }
0x275: {  	v17 =	vbroadcast v17, $0x0  }
0x276: {  	v13 =	vsub.f32 v13, v16  }
0x277: {  	v51 =	vor.u32 v8, v17  }
0x278: {  	v13 =	vnsel vm15, $0x0, v13  }
0x279: {  	v52 =	vmul.f32 $-5.000000000e-01, v13;
	_ =	sdelay $0x1  }
0x27a: {  	[tilespmem:v15+s18+$0x0] =	vst.idx.msk $0xffff, v52  }
0x27b: {  	v15 =	vld.idx.msk [tilespmem:v51+s16+$0x0], $0xffff  }
0x27c: {  	v17 =	vld.idx.msk [tilespmem:v51+s15+$0x0], $0xffff  }
0x27d: {  	s8 =	sadd.s32 $0x3, s8  }
0x27e: {  	v18 =	vmov s8  }
0x27f: {  	v18 =	vand.u32 $0x7F, v18  }
0x280: {  	v18 =	vbroadcast v18, $0x0  }
0x281: {  	v15 =	vsub.f32 v15, v17  }
0x282: {  	v53 =	vor.u32 v8, v18  }
0x283: {  	v15 =	vnsel vm15, $0x0, v15  }
0x284: {  	v54 =	vmul.f32 $-5.000000000e-01, v15;
	_ =	sdelay $0x1  }
0x285: {  	[tilespmem:v51+s18+$0x0] =	vst.idx.msk $0xffff, v54  }
0x286: {  	v16 =	vld.idx.msk [tilespmem:v53+s16+$0x0], $0xffff  }
0x287: {  	v18 =	vld.idx.msk [tilespmem:v53+s15+$0x0], $0xffff;
	_ =	sdelay $0x4  }
0x288: {  	v16 =	vsub.f32 v16, v18;
	_ =	sdelay $0x1  }
0x289: {  	v16 =	vnsel vm15, $0x0, v16  }
0x28a: {  	v55 =	vmul.f32 $-5.000000000e-01, v16;
	_ =	sdelay $0x1  }
0x28b: {  	s9 =	simm.s32 $0x0;
	[tilespmem:v53+s18+$0x0] =	vst.idx.msk $0xffff, v55  }
0x28c: {  	v56 =	vmov s9;
	v17 =	vld [tilespmem:s7+$0xC230]  }
0x28d: {  	v18 =	vand.u32 $0x7C, v56  }
0x28e: {  	v18 =	vbroadcast v18, $0x0;
	_ =	sdelay $0x1  }
0x28f: {  	v18 =	vor.u32 v9, v18;
	_ =	sdelay $0x3  }
0x290: {  	[hbm4b:s6+s9] =	stream.indirect_vreg.scatter [tilespmem:s21], [sflag:$0x3], $0x80, v17, vm0, $0xb8;
	[tilespmem:$0x1CB80] =	vst v63  }
0x291: {  	v17 =	vld.idx.msk [tilespmem:v18+s16+$0x0], $0xffff  }
0x292: {  	v19 =	vld.idx.msk [tilespmem:v18+s15+$0x0], $0xffff  }
0x293: {  	s30 =	simm.s32 $0x1  }
0x294: {  	v20 =	vmov s30  }
0x295: {  	v20 =	vand.u32 $0x7D, v20  }
0x296: {  	s8 =	sor.u32 $0x40, s28;
	v20 =	vbroadcast v20, $0x0  }
0x297: {  	v21 =	vor.u32 s8, v0;
	v17 =	vsub.f32 v17, v19  }
0x298: {  	v57 =	vor.u32 v9, v20;
	vm15 =	vlt.s32 v21, v10  }
0x299: {  	v17 =	vnsel vm15, $0x0, v17  }
0x29a: {  	v58 =	vmul.f32 $-5.000000000e-01, v17;
	_ =	sdelay $0x1  }
0x29b: {  	[tilespmem:v18+s18+$0x0] =	vst.idx.msk $0xffff, v58  }
0x29c: {  	v18 =	vld.idx.msk [tilespmem:v57+s16+$0x0], $0xffff  }
0x29d: {  	v20 =	vld.idx.msk [tilespmem:v57+s15+$0x0], $0xffff  }
0x29e: {  	s9 =	simm.s32 $0x2  }
0x29f: {  	v59 =	vmov s9  }
0x2a0: {  	v21 =	vand.u32 $0x7E, v59  }
0x2a1: {  	v21 =	vbroadcast v21, $0x0  }
0x2a2: {  	v18 =	vsub.f32 v18, v20  }
0x2a3: {  	v60 =	vor.u32 v9, v21  }
0x2a4: {  	v18 =	vnsel vm15, $0x0, v18  }
0x2a5: {  	v61 =	vmul.f32 $-5.000000000e-01, v18;
	_ =	sdelay $0x1  }
0x2a6: {  	[tilespmem:v57+s18+$0x0] =	vst.idx.msk $0xffff, v61  }
0x2a7: {  	v19 =	vld.idx.msk [tilespmem:v60+s16+$0x0], $0xffff  }
0x2a8: {  	v21 =	vld.idx.msk [tilespmem:v60+s15+$0x0], $0xffff  }
0x2a9: {  	v14 =	vmul.f32 v14, v14;
	s30 =	simm.s32 $0x3  }
0x2aa: {  	v22 =	vmov s30  }
0x2ab: {  	v11 =	vadd.f32 v14, v11;
	v14 =	vand.u32 $0x7F, v22;
	v12 =	vmul.f32 v12, v12  }
0x2ac: {  	v14 =	vbroadcast v14, $0x0  }
0x2ad: {  	v12 =	vadd.f32 v12, v11;
	v13 =	vmul.f32 v13, v13;
	v19 =	vsub.f32 v19, v21  }
0x2ae: {  	v11 =	vor.u32 v9, v14  }
0x2af: {  	v12 =	vadd.f32 v13, v12;
	v14 =	vmul.f32 v15, v15;
	v13 =	vnsel vm15, $0x0, v19  }
0x2b0: {  	v15 =	vmul.f32 $-5.000000000e-01, v13  }
0x2b1: {  	v12 =	vadd.f32 v14, v12;
	v14 =	vmul.f32 v16, v16  }
0x2b2: {  	[tilespmem:v60+s18+$0x0] =	vst.idx.msk $0xffff, v15  }
0x2b3: {  	v12 =	vadd.f32 v14, v12;
	v14 =	vmul.f32 v17, v17;
	v15 =	vld.idx.msk [tilespmem:v11+s16+$0x0], $0xffff  }
0x2b4: {  	v62 =	vld.idx.msk [tilespmem:v11+s15+$0x0], $0xffff  }
0x2b5: {  	s8 =	simm.s32 $0x4;
	v12 =	vadd.f32 v14, v12;
	v63 =	vmul.f32 v18, v18  }
0x2b6: {  	v14 =	vmul.f32 v13, v13;
	v13 =	vmov s8  }
0x2b7: {  	v12 =	vadd.f32 v63, v12;
	v13 =	vand.u32 $0x7C, v13  }
0x2b8: {  	v13 =	vbroadcast v13, $0x0  }
0x2b9: {  	s9 =	simm.s32 $0x8;
	v12 =	vadd.f32 v14, v12;
	v14 =	vsub.f32 v15, v62  }
.LBB2_13:
0x2ba: {  	p0 =	sne.s32 s9, $0x7C;
	v13 =	vor.u32 v9, v13;
	s30 =	smov.u32 s9;
	s9 =	sadd.s32 $0x4, s9  }
0x2bb: {  	v14 =	vnsel vm15, $0x0, v14  }
0x2bc: {  	v15 =	vmul.f32 $-5.000000000e-01, v14;
	v14 =	vmul.f32 v14, v14;
	_ =	sdelay $0x1  }
0x2bd: {  	[tilespmem:v11+s18+$0x0] =	vst.idx.msk $0xffff, v15;
	v12 =	vadd.f32 v14, v12  }
0x2be: {  	v11 =	vld.idx.msk [tilespmem:v13+s16+$0x0], $0xffff  }
0x2bf: {  	v14 =	vld.idx.msk [tilespmem:v13+s15+$0x0], $0xffff;
	_ =	sdelay $0x1  }
0x2c0: {  	s1 =	sadd.s32 $0x1, s8  }
0x2c1: {  	v15 =	vmov s1  }
0x2c2: {  	v15 =	vand.u32 $0x7D, v15  }
0x2c3: {  	v15 =	vbroadcast v15, $0x0  }
0x2c4: {  	v11 =	vsub.f32 v11, v14  }
0x2c5: {  	v14 =	vor.u32 v9, v15  }
0x2c6: {  	v11 =	vnsel vm15, $0x0, v11  }
0x2c7: {  	v15 =	vmul.f32 $-5.000000000e-01, v11;
	v16 =	vmul.f32 v11, v11;
	_ =	sdelay $0x1  }
0x2c8: {  	[tilespmem:v13+s18+$0x0] =	vst.idx.msk $0xffff, v15  }
0x2c9: {  	v11 =	vld.idx.msk [tilespmem:v14+s16+$0x0], $0xffff  }
0x2ca: {  	v13 =	vld.idx.msk [tilespmem:v14+s15+$0x0], $0xffff;
	_ =	sdelay $0x1  }
0x2cb: {  	s1 =	sadd.s32 $0x2, s8  }
0x2cc: {  	v15 =	vmov s1  }
0x2cd: {  	v15 =	vand.u32 $0x7E, v15  }
0x2ce: {  	v15 =	vbroadcast v15, $0x0  }
0x2cf: {  	v11 =	vsub.f32 v11, v13  }
0x2d0: {  	v13 =	vor.u32 v9, v15  }
0x2d1: {  	v11 =	vnsel vm15, $0x0, v11  }
0x2d2: {  	v15 =	vmul.f32 $-5.000000000e-01, v11;
	v17 =	vmul.f32 v11, v11;
	_ =	sdelay $0x1  }
0x2d3: {  	[tilespmem:v14+s18+$0x0] =	vst.idx.msk $0xffff, v15  }
0x2d4: {  	v11 =	vld.idx.msk [tilespmem:v13+s16+$0x0], $0xffff  }
0x2d5: {  	v14 =	vld.idx.msk [tilespmem:v13+s15+$0x0], $0xffff;
	_ =	sdelay $0x1  }
0x2d6: {  	s1 =	sadd.s32 $0x3, s8;
	s8 =	smov.u32 s30  }
0x2d7: {  	v15 =	vmov s1  }
0x2d8: {  	v15 =	vand.u32 $0x7F, v15  }
0x2d9: {  	v15 =	vbroadcast v15, $0x0  }
0x2da: {  	v14 =	vsub.f32 v11, v14  }
0x2db: {  	v11 =	vor.u32 v9, v15  }
0x2dc: {  	v14 =	vnsel vm15, $0x0, v14  }
0x2dd: {  	v15 =	vmul.f32 $-5.000000000e-01, v14;
	v14 =	vmul.f32 v14, v14;
	_ =	sdelay $0x1  }
0x2de: {  	[tilespmem:v13+s18+$0x0] =	vst.idx.msk $0xffff, v15  }
0x2df: {  	v15 =	vld.idx.msk [tilespmem:v11+s16+$0x0], $0xffff  }
0x2e0: {  	v18 =	vld.idx.msk [tilespmem:v11+s15+$0x0], $0xffff  }
0x2e1: {  	v12 =	vadd.f32 v16, v12  }
.Ltmp8:
0x2e2: {  	(pc) =	sbr.rel @p0 .LBB2_13-.Ltmp8, $4  }
0x2e3: {  	v12 =	vadd.f32 v17, v12;
	v13 =	vmov s8  }
0x2e4: {  	v13 =	vand.u32 $0x7C, v13  }
0x2e5: {  	v12 =	vadd.f32 v14, v12;
	v13 =	vbroadcast v13, $0x0  }
0x2e6: {  	v14 =	vsub.f32 v15, v18  }
0x2e7: {  	v13 =	vor.u32 v9, v13  }
0x2e8: {  	v14 =	vnsel vm15, $0x0, v14  }
0x2e9: {  	v15 =	vmul.f32 $-5.000000000e-01, v14;
	_ =	sdelay $0x1  }
0x2ea: {  	[tilespmem:v11+s18+$0x0] =	vst.idx.msk $0xffff, v15  }
0x2eb: {  	v11 =	vld.idx.msk [tilespmem:v13+s16+$0x0], $0xffff  }
0x2ec: {  	v15 =	vld.idx.msk [tilespmem:v13+s15+$0x0], $0xffff  }
0x2ed: {  	s1 =	sadd.s32 $0x1, s8  }
0x2ee: {  	v16 =	vmov s1  }
0x2ef: {  	v16 =	vand.u32 $0x7D, v16  }
0x2f0: {  	v16 =	vbroadcast v16, $0x0  }
0x2f1: {  	v11 =	vsub.f32 v11, v15  }
0x2f2: {  	v15 =	vor.u32 v9, v16  }
0x2f3: {  	v16 =	vnsel vm15, $0x0, v11  }
0x2f4: {  	v11 =	vmul.f32 $-5.000000000e-01, v16;
	_ =	sdelay $0x1  }
0x2f5: {  	[tilespmem:v13+s18+$0x0] =	vst.idx.msk $0xffff, v11  }
0x2f6: {  	v11 =	vld.idx.msk [tilespmem:v15+s16+$0x0], $0xffff  }
0x2f7: {  	v13 =	vld.idx.msk [tilespmem:v15+s15+$0x0], $0xffff  }
0x2f8: {  	s30 =	sadd.s32 $0x2, s8  }
0x2f9: {  	v17 =	vmov s30  }
0x2fa: {  	v17 =	vand.u32 $0x7E, v17  }
0x2fb: {  	v17 =	vbroadcast v17, $0x0  }
0x2fc: {  	v11 =	vsub.f32 v11, v13  }
0x2fd: {  	v13 =	vor.u32 v9, v17  }
0x2fe: {  	v17 =	vnsel vm15, $0x0, v11  }
0x2ff: {  	v11 =	vmul.f32 $-5.000000000e-01, v17;
	_ =	sdelay $0x1  }
0x300: {  	[tilespmem:v15+s18+$0x0] =	vst.idx.msk $0xffff, v11  }
0x301: {  	v11 =	vld.idx.msk [tilespmem:v13+s16+$0x0], $0xffff  }
0x302: {  	v15 =	vld.idx.msk [tilespmem:v13+s15+$0x0], $0xffff  }
0x303: {  	s8 =	sadd.s32 $0x3, s8  }
0x304: {  	v18 =	vmov s8  }
0x305: {  	v18 =	vand.u32 $0x7F, v18  }
0x306: {  	v18 =	vbroadcast v18, $0x0  }
0x307: {  	v11 =	vsub.f32 v11, v15  }
0x308: {  	v15 =	vor.u32 v9, v18  }
0x309: {  	v58 =	vnsel vm15, $0x0, v11  }
0x30a: {  	v11 =	vmul.f32 $-5.000000000e-01, v58;
	_ =	sdelay $0x1  }
0x30b: {  	[tilespmem:v13+s18+$0x0] =	vst.idx.msk $0xffff, v11  }
0x30c: {  	v11 =	vld.idx.msk [tilespmem:v15+s16+$0x0], $0xffff  }
0x30d: {  	v13 =	vld.idx.msk [tilespmem:v15+s15+$0x0], $0xffff;
	_ =	sdelay $0x4  }
0x30e: {  	v11 =	vsub.f32 v11, v13;
	_ =	sdelay $0x1  }
0x30f: {  	v19 =	vnsel vm15, $0x0, v11  }
0x310: {  	v11 =	vmul.f32 $-5.000000000e-01, v19;
	_ =	sdelay $0x1  }
0x311: {  	s9 =	simm.s32 $0x0;
	[tilespmem:v15+s18+$0x0] =	vst.idx.msk $0xffff, v11  }
0x312: {  	v11 =	vmov s9;
	v13 =	vld [tilespmem:s7+$0xC240]  }
0x313: {  	v11 =	vand.u32 $0x7C, v11  }
0x314: {  	v15 =	vbroadcast v11, $0x0  }
0x315: {  	v11 =	vor.u32 $0x2800, v3  }
0x316: {  	v15 =	vor.u32 v11, v15;
	_ =	sdelay $0x3  }
0x317: {  	[hbm4b:s6+s9] =	stream.indirect_vreg.scatter [tilespmem:s22], [sflag:$0x3], $0x80, v13, vm0, $0xb8;
	[tilespmem:$0x1CB80] =	vst v63  }
0x318: {  	v13 =	vld.idx.msk [tilespmem:v15+s16+$0x0], $0xffff  }
0x319: {  	v20 =	vld.idx.msk [tilespmem:v15+s15+$0x0], $0xffff  }
0x31a: {  	s30 =	simm.s32 $0x1  }
0x31b: {  	v21 =	vmov s30  }
0x31c: {  	v21 =	vand.u32 $0x7D, v21  }
0x31d: {  	s8 =	sor.u32 $0x50, s28;
	v21 =	vbroadcast v21, $0x0  }
0x31e: {  	v22 =	vor.u32 s8, v0;
	v13 =	vsub.f32 v13, v20  }
0x31f: {  	vm15 =	vlt.s32 v22, v10;
	v59 =	vor.u32 v11, v21  }
0x320: {  	v60 =	vnsel vm15, $0x0, v13  }
0x321: {  	v13 =	vmul.f32 $-5.000000000e-01, v60;
	_ =	sdelay $0x1  }
0x322: {  	[tilespmem:v15+s18+$0x0] =	vst.idx.msk $0xffff, v13  }
0x323: {  	v13 =	vld.idx.msk [tilespmem:v59+s16+$0x0], $0xffff  }
0x324: {  	v15 =	vld.idx.msk [tilespmem:v59+s15+$0x0], $0xffff  }
0x325: {  	s9 =	simm.s32 $0x2  }
0x326: {  	v61 =	vmov s9  }
0x327: {  	v22 =	vand.u32 $0x7E, v61  }
0x328: {  	v22 =	vbroadcast v22, $0x0  }
0x329: {  	v13 =	vsub.f32 v13, v15  }
0x32a: {  	v15 =	vor.u32 v11, v22  }
0x32b: {  	v62 =	vnsel vm15, $0x0, v13  }
0x32c: {  	v13 =	vmul.f32 $-5.000000000e-01, v62;
	_ =	sdelay $0x1  }
0x32d: {  	[tilespmem:v59+s18+$0x0] =	vst.idx.msk $0xffff, v13  }
0x32e: {  	v13 =	vld.idx.msk [tilespmem:v15+s16+$0x0], $0xffff  }
0x32f: {  	v20 =	vld.idx.msk [tilespmem:v15+s15+$0x0], $0xffff  }
0x330: {  	v14 =	vmul.f32 v14, v14;
	s30 =	simm.s32 $0x3  }
0x331: {  	v23 =	vmov s30  }
0x332: {  	v12 =	vadd.f32 v14, v12;
	v14 =	vmul.f32 v16, v16;
	v16 =	vand.u32 $0x7F, v23  }
0x333: {  	v16 =	vbroadcast v16, $0x0  }
0x334: {  	v12 =	vadd.f32 v14, v12;
	v17 =	vmul.f32 v17, v17;
	v14 =	vsub.f32 v13, v20  }
0x335: {  	v13 =	vor.u32 v11, v16  }
0x336: {  	v12 =	vadd.f32 v17, v12;
	v16 =	vmul.f32 v58, v58;
	v14 =	vnsel vm15, $0x0, v14  }
0x337: {  	v17 =	vmul.f32 $-5.000000000e-01, v14  }
0x338: {  	v12 =	vadd.f32 v16, v12;
	v16 =	vmul.f32 v19, v19  }
0x339: {  	[tilespmem:v15+s18+$0x0] =	vst.idx.msk $0xffff, v17  }
0x33a: {  	v12 =	vadd.f32 v16, v12;
	v15 =	vmul.f32 v60, v60;
	v16 =	vld.idx.msk [tilespmem:v13+s16+$0x0], $0xffff  }
0x33b: {  	v17 =	vld.idx.msk [tilespmem:v13+s15+$0x0], $0xffff  }
0x33c: {  	s8 =	simm.s32 $0x4;
	v63 =	vmul.f32 v62, v62;
	v12 =	vadd.f32 v15, v12  }
0x33d: {  	v15 =	vmul.f32 v14, v14;
	v14 =	vmov s8  }
0x33e: {  	v14 =	vand.u32 $0x7C, v14;
	v12 =	vadd.f32 v63, v12  }
0x33f: {  	v14 =	vbroadcast v14, $0x0  }
0x340: {  	s9 =	simm.s32 $0x8;
	v12 =	vadd.f32 v15, v12;
	v15 =	vsub.f32 v16, v17  }
.LBB2_15:
0x341: {  	p0 =	sne.s32 s9, $0x7C;
	v14 =	vor.u32 v11, v14;
	s30 =	smov.u32 s9;
	s9 =	sadd.s32 $0x4, s9  }
0x342: {  	v15 =	vnsel vm15, $0x0, v15  }
0x343: {  	v16 =	vmul.f32 $-5.000000000e-01, v15;
	v15 =	vmul.f32 v15, v15;
	_ =	sdelay $0x1  }
0x344: {  	[tilespmem:v13+s18+$0x0] =	vst.idx.msk $0xffff, v16;
	v12 =	vadd.f32 v15, v12  }
0x345: {  	v13 =	vld.idx.msk [tilespmem:v14+s16+$0x0], $0xffff  }
0x346: {  	v15 =	vld.idx.msk [tilespmem:v14+s15+$0x0], $0xffff;
	_ =	sdelay $0x1  }
0x347: {  	s1 =	sadd.s32 $0x1, s8  }
0x348: {  	v16 =	vmov s1  }
0x349: {  	v16 =	vand.u32 $0x7D, v16  }
0x34a: {  	v16 =	vbroadcast v16, $0x0  }
0x34b: {  	v13 =	vsub.f32 v13, v15  }
0x34c: {  	v15 =	vor.u32 v11, v16  }
0x34d: {  	v13 =	vnsel vm15, $0x0, v13  }
0x34e: {  	v16 =	vmul.f32 $-5.000000000e-01, v13;
	v17 =	vmul.f32 v13, v13;
	_ =	sdelay $0x1  }
0x34f: {  	[tilespmem:v14+s18+$0x0] =	vst.idx.msk $0xffff, v16  }
0x350: {  	v13 =	vld.idx.msk [tilespmem:v15+s16+$0x0], $0xffff  }
0x351: {  	v14 =	vld.idx.msk [tilespmem:v15+s15+$0x0], $0xffff;
	_ =	sdelay $0x1  }
0x352: {  	s1 =	sadd.s32 $0x2, s8  }
0x353: {  	v16 =	vmov s1  }
0x354: {  	v16 =	vand.u32 $0x7E, v16  }
0x355: {  	v16 =	vbroadcast v16, $0x0  }
0x356: {  	v13 =	vsub.f32 v13, v14  }
0x357: {  	v14 =	vor.u32 v11, v16  }
0x358: {  	v13 =	vnsel vm15, $0x0, v13  }
0x359: {  	v16 =	vmul.f32 $-5.000000000e-01, v13;
	v18 =	vmul.f32 v13, v13;
	_ =	sdelay $0x1  }
0x35a: {  	[tilespmem:v15+s18+$0x0] =	vst.idx.msk $0xffff, v16  }
0x35b: {  	v13 =	vld.idx.msk [tilespmem:v14+s16+$0x0], $0xffff  }
0x35c: {  	v15 =	vld.idx.msk [tilespmem:v14+s15+$0x0], $0xffff;
	_ =	sdelay $0x1  }
0x35d: {  	s1 =	sadd.s32 $0x3, s8;
	s8 =	smov.u32 s30  }
0x35e: {  	v16 =	vmov s1  }
0x35f: {  	v16 =	vand.u32 $0x7F, v16  }
0x360: {  	v16 =	vbroadcast v16, $0x0  }
0x361: {  	v15 =	vsub.f32 v13, v15  }
0x362: {  	v13 =	vor.u32 v11, v16  }
0x363: {  	v15 =	vnsel vm15, $0x0, v15  }
0x364: {  	v16 =	vmul.f32 $-5.000000000e-01, v15;
	v15 =	vmul.f32 v15, v15;
	_ =	sdelay $0x1  }
0x365: {  	[tilespmem:v14+s18+$0x0] =	vst.idx.msk $0xffff, v16  }
0x366: {  	v16 =	vld.idx.msk [tilespmem:v13+s16+$0x0], $0xffff  }
0x367: {  	v19 =	vld.idx.msk [tilespmem:v13+s15+$0x0], $0xffff  }
0x368: {  	v12 =	vadd.f32 v17, v12  }
.Ltmp9:
0x369: {  	(pc) =	sbr.rel @p0 .LBB2_15-.Ltmp9, $4  }
0x36a: {  	v12 =	vadd.f32 v18, v12;
	v14 =	vmov s8  }
0x36b: {  	v14 =	vand.u32 $0x7C, v14  }
0x36c: {  	v12 =	vadd.f32 v15, v12;
	v14 =	vbroadcast v14, $0x0  }
0x36d: {  	v15 =	vsub.f32 v16, v19  }
0x36e: {  	v14 =	vor.u32 v11, v14  }
0x36f: {  	v15 =	vnsel vm15, $0x0, v15  }
0x370: {  	v16 =	vmul.f32 $-5.000000000e-01, v15;
	_ =	sdelay $0x1  }
0x371: {  	[tilespmem:v13+s18+$0x0] =	vst.idx.msk $0xffff, v16  }
0x372: {  	v13 =	vld.idx.msk [tilespmem:v14+s16+$0x0], $0xffff  }
0x373: {  	v16 =	vld.idx.msk [tilespmem:v14+s15+$0x0], $0xffff  }
0x374: {  	s1 =	sadd.s32 $0x1, s8  }
0x375: {  	v17 =	vmov s1  }
0x376: {  	v17 =	vand.u32 $0x7D, v17  }
0x377: {  	v17 =	vbroadcast v17, $0x0  }
0x378: {  	v13 =	vsub.f32 v13, v16  }
0x379: {  	v16 =	vor.u32 v11, v17  }
0x37a: {  	v13 =	vnsel vm15, $0x0, v13  }
0x37b: {  	v17 =	vmul.f32 $-5.000000000e-01, v13;
	_ =	sdelay $0x1  }
0x37c: {  	[tilespmem:v14+s18+$0x0] =	vst.idx.msk $0xffff, v17  }
0x37d: {  	v14 =	vld.idx.msk [tilespmem:v16+s16+$0x0], $0xffff  }
0x37e: {  	v17 =	vld.idx.msk [tilespmem:v16+s15+$0x0], $0xffff  }
0x37f: {  	s30 =	sadd.s32 $0x2, s8  }
0x380: {  	v18 =	vmov s30  }
0x381: {  	v18 =	vand.u32 $0x7E, v18  }
0x382: {  	v18 =	vbroadcast v18, $0x0  }
0x383: {  	v14 =	vsub.f32 v14, v17  }
0x384: {  	v17 =	vor.u32 v11, v18  }
0x385: {  	v14 =	vnsel vm15, $0x0, v14  }
0x386: {  	v54 =	vmul.f32 $-5.000000000e-01, v14;
	_ =	sdelay $0x1  }
0x387: {  	[tilespmem:v16+s18+$0x0] =	vst.idx.msk $0xffff, v54  }
0x388: {  	v16 =	vld.idx.msk [tilespmem:v17+s16+$0x0], $0xffff  }
0x389: {  	v18 =	vld.idx.msk [tilespmem:v17+s15+$0x0], $0xffff  }
0x38a: {  	s8 =	sadd.s32 $0x3, s8  }
0x38b: {  	v19 =	vmov s8  }
0x38c: {  	v19 =	vand.u32 $0x7F, v19  }
0x38d: {  	v19 =	vbroadcast v19, $0x0  }
0x38e: {  	v16 =	vsub.f32 v16, v18  }
0x38f: {  	v11 =	vor.u32 v11, v19  }
0x390: {  	v16 =	vnsel vm15, $0x0, v16  }
0x391: {  	v55 =	vmul.f32 $-5.000000000e-01, v16;
	_ =	sdelay $0x1  }
0x392: {  	[tilespmem:v17+s18+$0x0] =	vst.idx.msk $0xffff, v55  }
0x393: {  	v17 =	vld.idx.msk [tilespmem:v11+s16+$0x0], $0xffff  }
0x394: {  	v18 =	vld.idx.msk [tilespmem:v11+s15+$0x0], $0xffff;
	_ =	sdelay $0x4  }
0x395: {  	v17 =	vsub.f32 v17, v18;
	_ =	sdelay $0x1  }
0x396: {  	v17 =	vnsel vm15, $0x0, v17  }
0x397: {  	v56 =	vmul.f32 $-5.000000000e-01, v17;
	_ =	sdelay $0x1  }
0x398: {  	s9 =	simm.s32 $0x0;
	[tilespmem:v11+s18+$0x0] =	vst.idx.msk $0xffff, v56  }
0x399: {  	v11 =	vmov s9;
	v18 =	vld [tilespmem:s7+$0xC250]  }
0x39a: {  	v11 =	vand.u32 $0x7C, v11  }
0x39b: {  	v57 =	vbroadcast v11, $0x0  }
0x39c: {  	v11 =	vor.u32 $0x3000, v3  }
0x39d: {  	v19 =	vor.u32 v11, v57;
	_ =	sdelay $0x3  }
0x39e: {  	[hbm4b:s6+s9] =	stream.indirect_vreg.scatter [tilespmem:s23], [sflag:$0x3], $0x80, v18, vm0, $0xb8;
	[tilespmem:$0x1CB80] =	vst v63  }
0x39f: {  	v18 =	vld.idx.msk [tilespmem:v19+s16+$0x0], $0xffff  }
0x3a0: {  	v20 =	vld.idx.msk [tilespmem:v19+s15+$0x0], $0xffff  }
0x3a1: {  	s30 =	simm.s32 $0x1  }
0x3a2: {  	v21 =	vmov s30  }
0x3a3: {  	v21 =	vand.u32 $0x7D, v21  }
0x3a4: {  	s8 =	sor.u32 $0x60, s28;
	v21 =	vbroadcast v21, $0x0  }
0x3a5: {  	v22 =	vor.u32 s8, v0;
	v18 =	vsub.f32 v18, v20  }
0x3a6: {  	vm15 =	vlt.s32 v22, v10;
	v58 =	vor.u32 v11, v21  }
0x3a7: {  	v18 =	vnsel vm15, $0x0, v18  }
0x3a8: {  	v59 =	vmul.f32 $-5.000000000e-01, v18;
	_ =	sdelay $0x1  }
0x3a9: {  	[tilespmem:v19+s18+$0x0] =	vst.idx.msk $0xffff, v59  }
0x3aa: {  	v19 =	vld.idx.msk [tilespmem:v58+s16+$0x0], $0xffff  }
0x3ab: {  	v21 =	vld.idx.msk [tilespmem:v58+s15+$0x0], $0xffff  }
0x3ac: {  	s9 =	simm.s32 $0x2  }
0x3ad: {  	v60 =	vmov s9  }
0x3ae: {  	v22 =	vand.u32 $0x7E, v60  }
0x3af: {  	v22 =	vbroadcast v22, $0x0  }
0x3b0: {  	v19 =	vsub.f32 v19, v21  }
0x3b1: {  	v61 =	vor.u32 v11, v22  }
0x3b2: {  	v19 =	vnsel vm15, $0x0, v19  }
0x3b3: {  	v62 =	vmul.f32 $-5.000000000e-01, v19;
	_ =	sdelay $0x1  }
0x3b4: {  	[tilespmem:v58+s18+$0x0] =	vst.idx.msk $0xffff, v62  }
0x3b5: {  	v20 =	vld.idx.msk [tilespmem:v61+s16+$0x0], $0xffff  }
0x3b6: {  	v22 =	vld.idx.msk [tilespmem:v61+s15+$0x0], $0xffff  }
0x3b7: {  	v15 =	vmul.f32 v15, v15;
	s30 =	simm.s32 $0x3  }
0x3b8: {  	v23 =	vmov s30  }
0x3b9: {  	v12 =	vadd.f32 v15, v12;
	v15 =	vand.u32 $0x7F, v23;
	v13 =	vmul.f32 v13, v13  }
0x3ba: {  	v15 =	vbroadcast v15, $0x0  }
0x3bb: {  	v12 =	vadd.f32 v13, v12;
	v14 =	vmul.f32 v14, v14;
	v20 =	vsub.f32 v20, v22  }
0x3bc: {  	v13 =	vor.u32 v11, v15  }
0x3bd: {  	v12 =	vadd.f32 v14, v12;
	v15 =	vmul.f32 v16, v16;
	v14 =	vnsel vm15, $0x0, v20  }
0x3be: {  	v16 =	vmul.f32 $-5.000000000e-01, v14  }
0x3bf: {  	v12 =	vadd.f32 v15, v12;
	v15 =	vmul.f32 v17, v17  }
0x3c0: {  	[tilespmem:v61+s18+$0x0] =	vst.idx.msk $0xffff, v16  }
0x3c1: {  	v12 =	vadd.f32 v15, v12;
	v15 =	vmul.f32 v18, v18;
	v16 =	vld.idx.msk [tilespmem:v13+s16+$0x0], $0xffff  }
0x3c2: {  	v17 =	vld.idx.msk [tilespmem:v13+s15+$0x0], $0xffff  }
0x3c3: {  	s8 =	simm.s32 $0x4;
	v12 =	vadd.f32 v15, v12;
	v63 =	vmul.f32 v19, v19  }
0x3c4: {  	v15 =	vmul.f32 v14, v14;
	v14 =	vmov s8  }
0x3c5: {  	v12 =	vadd.f32 v63, v12;
	v14 =	vand.u32 $0x7C, v14  }
0x3c6: {  	v14 =	vbroadcast v14, $0x0  }
0x3c7: {  	s9 =	simm.s32 $0x8;
	v12 =	vadd.f32 v15, v12;
	v15 =	vsub.f32 v16, v17  }
.LBB2_17:
0x3c8: {  	p0 =	sne.s32 s9, $0x7C;
	v14 =	vor.u32 v11, v14;
	s30 =	smov.u32 s9;
	s9 =	sadd.s32 $0x4, s9  }
0x3c9: {  	v15 =	vnsel vm15, $0x0, v15  }
0x3ca: {  	v16 =	vmul.f32 $-5.000000000e-01, v15;
	v15 =	vmul.f32 v15, v15;
	_ =	sdelay $0x1  }
0x3cb: {  	[tilespmem:v13+s18+$0x0] =	vst.idx.msk $0xffff, v16;
	v12 =	vadd.f32 v15, v12  }
0x3cc: {  	v13 =	vld.idx.msk [tilespmem:v14+s16+$0x0], $0xffff  }
0x3cd: {  	v15 =	vld.idx.msk [tilespmem:v14+s15+$0x0], $0xffff;
	_ =	sdelay $0x1  }
0x3ce: {  	s1 =	sadd.s32 $0x1, s8  }
0x3cf: {  	v16 =	vmov s1  }
0x3d0: {  	v16 =	vand.u32 $0x7D, v16  }
0x3d1: {  	v16 =	vbroadcast v16, $0x0  }
0x3d2: {  	v13 =	vsub.f32 v13, v15  }
0x3d3: {  	v15 =	vor.u32 v11, v16  }
0x3d4: {  	v13 =	vnsel vm15, $0x0, v13  }
0x3d5: {  	v16 =	vmul.f32 $-5.000000000e-01, v13;
	v17 =	vmul.f32 v13, v13;
	_ =	sdelay $0x1  }
0x3d6: {  	[tilespmem:v14+s18+$0x0] =	vst.idx.msk $0xffff, v16  }
0x3d7: {  	v13 =	vld.idx.msk [tilespmem:v15+s16+$0x0], $0xffff  }
0x3d8: {  	v14 =	vld.idx.msk [tilespmem:v15+s15+$0x0], $0xffff;
	_ =	sdelay $0x1  }
0x3d9: {  	s1 =	sadd.s32 $0x2, s8  }
0x3da: {  	v16 =	vmov s1  }
0x3db: {  	v16 =	vand.u32 $0x7E, v16  }
0x3dc: {  	v16 =	vbroadcast v16, $0x0  }
0x3dd: {  	v13 =	vsub.f32 v13, v14  }
0x3de: {  	v14 =	vor.u32 v11, v16  }
0x3df: {  	v13 =	vnsel vm15, $0x0, v13  }
0x3e0: {  	v16 =	vmul.f32 $-5.000000000e-01, v13;
	v18 =	vmul.f32 v13, v13;
	_ =	sdelay $0x1  }
0x3e1: {  	[tilespmem:v15+s18+$0x0] =	vst.idx.msk $0xffff, v16  }
0x3e2: {  	v13 =	vld.idx.msk [tilespmem:v14+s16+$0x0], $0xffff  }
0x3e3: {  	v15 =	vld.idx.msk [tilespmem:v14+s15+$0x0], $0xffff;
	_ =	sdelay $0x1  }
0x3e4: {  	s1 =	sadd.s32 $0x3, s8;
	s8 =	smov.u32 s30  }
0x3e5: {  	v16 =	vmov s1  }
0x3e6: {  	v16 =	vand.u32 $0x7F, v16  }
0x3e7: {  	v16 =	vbroadcast v16, $0x0  }
0x3e8: {  	v15 =	vsub.f32 v13, v15  }
0x3e9: {  	v13 =	vor.u32 v11, v16  }
0x3ea: {  	v15 =	vnsel vm15, $0x0, v15  }
0x3eb: {  	v16 =	vmul.f32 $-5.000000000e-01, v15;
	v15 =	vmul.f32 v15, v15;
	_ =	sdelay $0x1  }
0x3ec: {  	[tilespmem:v14+s18+$0x0] =	vst.idx.msk $0xffff, v16  }
0x3ed: {  	v16 =	vld.idx.msk [tilespmem:v13+s16+$0x0], $0xffff  }
0x3ee: {  	v19 =	vld.idx.msk [tilespmem:v13+s15+$0x0], $0xffff  }
0x3ef: {  	v12 =	vadd.f32 v17, v12  }
.Ltmp10:
0x3f0: {  	(pc) =	sbr.rel @p0 .LBB2_17-.Ltmp10, $4  }
0x3f1: {  	v12 =	vadd.f32 v18, v12;
	v14 =	vmov s8  }
0x3f2: {  	v14 =	vand.u32 $0x7C, v14  }
0x3f3: {  	v12 =	vadd.f32 v15, v12;
	v14 =	vbroadcast v14, $0x0  }
0x3f4: {  	v15 =	vsub.f32 v16, v19  }
0x3f5: {  	v14 =	vor.u32 v11, v14  }
0x3f6: {  	v15 =	vnsel vm15, $0x0, v15  }
0x3f7: {  	v16 =	vmul.f32 $-5.000000000e-01, v15;
	_ =	sdelay $0x1  }
0x3f8: {  	[tilespmem:v13+s18+$0x0] =	vst.idx.msk $0xffff, v16  }
0x3f9: {  	v13 =	vld.idx.msk [tilespmem:v14+s16+$0x0], $0xffff  }
0x3fa: {  	v16 =	vld.idx.msk [tilespmem:v14+s15+$0x0], $0xffff  }
0x3fb: {  	s1 =	sadd.s32 $0x1, s8  }
0x3fc: {  	v17 =	vmov s1  }
0x3fd: {  	v17 =	vand.u32 $0x7D, v17  }
0x3fe: {  	v17 =	vbroadcast v17, $0x0  }
0x3ff: {  	v13 =	vsub.f32 v13, v16  }
0x400: {  	v16 =	vor.u32 v11, v17  }
0x401: {  	v13 =	vnsel vm15, $0x0, v13  }
0x402: {  	v17 =	vmul.f32 $-5.000000000e-01, v13;
	_ =	sdelay $0x1  }
0x403: {  	[tilespmem:v14+s18+$0x0] =	vst.idx.msk $0xffff, v17  }
0x404: {  	v14 =	vld.idx.msk [tilespmem:v16+s16+$0x0], $0xffff  }
0x405: {  	v17 =	vld.idx.msk [tilespmem:v16+s15+$0x0], $0xffff  }
0x406: {  	s30 =	sadd.s32 $0x2, s8  }
0x407: {  	v18 =	vmov s30  }
0x408: {  	v18 =	vand.u32 $0x7E, v18  }
0x409: {  	v18 =	vbroadcast v18, $0x0  }
0x40a: {  	v14 =	vsub.f32 v14, v17  }
0x40b: {  	v17 =	vor.u32 v11, v18  }
0x40c: {  	v14 =	vnsel vm15, $0x0, v14  }
0x40d: {  	v54 =	vmul.f32 $-5.000000000e-01, v14;
	_ =	sdelay $0x1  }
0x40e: {  	[tilespmem:v16+s18+$0x0] =	vst.idx.msk $0xffff, v54  }
0x40f: {  	v16 =	vld.idx.msk [tilespmem:v17+s16+$0x0], $0xffff  }
0x410: {  	v18 =	vld.idx.msk [tilespmem:v17+s15+$0x0], $0xffff  }
0x411: {  	s9 =	sadd.s32 $0x3, s8  }
0x412: {  	v19 =	vmov s9  }
0x413: {  	v19 =	vand.u32 $0x7F, v19  }
0x414: {  	v19 =	vbroadcast v19, $0x0  }
0x415: {  	v16 =	vsub.f32 v16, v18  }
0x416: {  	v11 =	vor.u32 v11, v19  }
0x417: {  	v16 =	vnsel vm15, $0x0, v16  }
0x418: {  	v55 =	vmul.f32 $-5.000000000e-01, v16;
	_ =	sdelay $0x1  }
0x419: {  	[tilespmem:v17+s18+$0x0] =	vst.idx.msk $0xffff, v55  }
0x41a: {  	v17 =	vld.idx.msk [tilespmem:v11+s16+$0x0], $0xffff  }
0x41b: {  	v18 =	vld.idx.msk [tilespmem:v11+s15+$0x0], $0xffff;
	_ =	sdelay $0x4  }
0x41c: {  	v17 =	vsub.f32 v17, v18;
	_ =	sdelay $0x1  }
0x41d: {  	v17 =	vnsel vm15, $0x0, v17  }
0x41e: {  	v56 =	vmul.f32 $-5.000000000e-01, v17;
	_ =	sdelay $0x1  }
0x41f: {  	s30 =	simm.s32 $0x0;
	[tilespmem:v11+s18+$0x0] =	vst.idx.msk $0xffff, v56  }
0x420: {  	v11 =	vmov s30;
	v18 =	vld [tilespmem:s7+$0xC260]  }
0x421: {  	v11 =	vand.u32 $0x7C, v11  }
0x422: {  	v57 =	vbroadcast v11, $0x0  }
0x423: {  	v11 =	vor.u32 $0x3800, v3  }
0x424: {  	v19 =	vor.u32 v11, v57;
	_ =	sdelay $0x3  }
0x425: {  	[hbm4b:s6+s30] =	stream.indirect_vreg.scatter [tilespmem:s24], [sflag:$0x3], $0x80, v18, vm0, $0xb8;
	[tilespmem:$0x1CB80] =	vst v63  }
0x426: {  	v18 =	vld.idx.msk [tilespmem:v19+s16+$0x0], $0xffff  }
0x427: {  	v20 =	vld.idx.msk [tilespmem:v19+s15+$0x0], $0xffff  }
0x428: {  	s8 =	simm.s32 $0x1  }
0x429: {  	v21 =	vmov s8  }
0x42a: {  	v21 =	vand.u32 $0x7D, v21  }
0x42b: {  	s9 =	sor.u32 $0x70, s28;
	v21 =	vbroadcast v21, $0x0  }
0x42c: {  	v22 =	vor.u32 s9, v0;
	v18 =	vsub.f32 v18, v20  }
0x42d: {  	vm15 =	vlt.s32 v22, v10;
	v58 =	vor.u32 v11, v21  }
0x42e: {  	v18 =	vnsel vm15, $0x0, v18  }
0x42f: {  	v59 =	vmul.f32 $-5.000000000e-01, v18;
	_ =	sdelay $0x1  }
0x430: {  	[tilespmem:v19+s18+$0x0] =	vst.idx.msk $0xffff, v59  }
0x431: {  	v19 =	vld.idx.msk [tilespmem:v58+s16+$0x0], $0xffff  }
0x432: {  	v21 =	vld.idx.msk [tilespmem:v58+s15+$0x0], $0xffff  }
0x433: {  	s28 =	simm.s32 $0x2  }
0x434: {  	v60 =	vmov s28  }
0x435: {  	v22 =	vand.u32 $0x7E, v60  }
0x436: {  	v22 =	vbroadcast v22, $0x0  }
0x437: {  	v19 =	vsub.f32 v19, v21  }
0x438: {  	v61 =	vor.u32 v11, v22  }
0x439: {  	v19 =	vnsel vm15, $0x0, v19  }
0x43a: {  	v62 =	vmul.f32 $-5.000000000e-01, v19;
	_ =	sdelay $0x1  }
0x43b: {  	[tilespmem:v58+s18+$0x0] =	vst.idx.msk $0xffff, v62  }
0x43c: {  	v20 =	vld.idx.msk [tilespmem:v61+s16+$0x0], $0xffff  }
0x43d: {  	v22 =	vld.idx.msk [tilespmem:v61+s15+$0x0], $0xffff  }
0x43e: {  	v15 =	vmul.f32 v15, v15;
	s30 =	simm.s32 $0x3  }
0x43f: {  	v23 =	vmov s30  }
0x440: {  	v12 =	vadd.f32 v15, v12;
	v13 =	vmul.f32 v13, v13;
	v15 =	vand.u32 $0x7F, v23  }
0x441: {  	v15 =	vbroadcast v15, $0x0  }
0x442: {  	v12 =	vadd.f32 v13, v12;
	v14 =	vmul.f32 v14, v14;
	v20 =	vsub.f32 v20, v22  }
0x443: {  	v13 =	vor.u32 v11, v15  }
0x444: {  	v12 =	vadd.f32 v14, v12;
	v15 =	vmul.f32 v16, v16;
	v14 =	vnsel vm15, $0x0, v20  }
0x445: {  	v16 =	vmul.f32 $-5.000000000e-01, v14  }
0x446: {  	v12 =	vadd.f32 v15, v12;
	v15 =	vmul.f32 v17, v17  }
0x447: {  	[tilespmem:v61+s18+$0x0] =	vst.idx.msk $0xffff, v16  }
0x448: {  	v12 =	vadd.f32 v15, v12;
	v15 =	vmul.f32 v18, v18;
	v16 =	vld.idx.msk [tilespmem:v13+s16+$0x0], $0xffff  }
0x449: {  	v17 =	vld.idx.msk [tilespmem:v13+s15+$0x0], $0xffff  }
0x44a: {  	s8 =	simm.s32 $0x4;
	v12 =	vadd.f32 v15, v12;
	v63 =	vmul.f32 v19, v19  }
0x44b: {  	v15 =	vmul.f32 v14, v14;
	v14 =	vmov s8  }
0x44c: {  	v12 =	vadd.f32 v63, v12;
	v14 =	vand.u32 $0x7C, v14  }
0x44d: {  	v14 =	vbroadcast v14, $0x0  }
0x44e: {  	s9 =	simm.s32 $0x8;
	v12 =	vadd.f32 v15, v12;
	v15 =	vsub.f32 v16, v17  }
.LBB2_19:
0x44f: {  	p0 =	sne.s32 s9, $0x7C;
	v14 =	vor.u32 v11, v14;
	s28 =	smov.u32 s9;
	s9 =	sadd.s32 $0x4, s9  }
0x450: {  	v15 =	vnsel vm15, $0x0, v15  }
0x451: {  	v16 =	vmul.f32 $-5.000000000e-01, v15;
	v15 =	vmul.f32 v15, v15;
	_ =	sdelay $0x1  }
0x452: {  	[tilespmem:v13+s18+$0x0] =	vst.idx.msk $0xffff, v16;
	v12 =	vadd.f32 v15, v12  }
0x453: {  	v13 =	vld.idx.msk [tilespmem:v14+s16+$0x0], $0xffff  }
0x454: {  	v15 =	vld.idx.msk [tilespmem:v14+s15+$0x0], $0xffff;
	_ =	sdelay $0x1  }
0x455: {  	s1 =	sadd.s32 $0x1, s8  }
0x456: {  	v16 =	vmov s1  }
0x457: {  	v16 =	vand.u32 $0x7D, v16  }
0x458: {  	v16 =	vbroadcast v16, $0x0  }
0x459: {  	v13 =	vsub.f32 v13, v15  }
0x45a: {  	v15 =	vor.u32 v11, v16  }
0x45b: {  	v13 =	vnsel vm15, $0x0, v13  }
0x45c: {  	v16 =	vmul.f32 $-5.000000000e-01, v13;
	v17 =	vmul.f32 v13, v13;
	_ =	sdelay $0x1  }
0x45d: {  	[tilespmem:v14+s18+$0x0] =	vst.idx.msk $0xffff, v16  }
0x45e: {  	v13 =	vld.idx.msk [tilespmem:v15+s16+$0x0], $0xffff  }
0x45f: {  	v14 =	vld.idx.msk [tilespmem:v15+s15+$0x0], $0xffff;
	_ =	sdelay $0x1  }
0x460: {  	s1 =	sadd.s32 $0x2, s8  }
0x461: {  	v16 =	vmov s1  }
0x462: {  	v16 =	vand.u32 $0x7E, v16  }
0x463: {  	v16 =	vbroadcast v16, $0x0  }
0x464: {  	v13 =	vsub.f32 v13, v14  }
0x465: {  	v14 =	vor.u32 v11, v16  }
0x466: {  	v13 =	vnsel vm15, $0x0, v13  }
0x467: {  	v16 =	vmul.f32 $-5.000000000e-01, v13;
	v18 =	vmul.f32 v13, v13;
	_ =	sdelay $0x1  }
0x468: {  	[tilespmem:v15+s18+$0x0] =	vst.idx.msk $0xffff, v16  }
0x469: {  	v13 =	vld.idx.msk [tilespmem:v14+s16+$0x0], $0xffff  }
0x46a: {  	v15 =	vld.idx.msk [tilespmem:v14+s15+$0x0], $0xffff;
	_ =	sdelay $0x1  }
0x46b: {  	s1 =	sadd.s32 $0x3, s8;
	s8 =	smov.u32 s28  }
0x46c: {  	v16 =	vmov s1  }
0x46d: {  	v16 =	vand.u32 $0x7F, v16  }
0x46e: {  	v16 =	vbroadcast v16, $0x0  }
0x46f: {  	v15 =	vsub.f32 v13, v15  }
0x470: {  	v13 =	vor.u32 v11, v16  }
0x471: {  	v15 =	vnsel vm15, $0x0, v15  }
0x472: {  	v16 =	vmul.f32 $-5.000000000e-01, v15;
	v15 =	vmul.f32 v15, v15;
	_ =	sdelay $0x1  }
0x473: {  	[tilespmem:v14+s18+$0x0] =	vst.idx.msk $0xffff, v16  }
0x474: {  	v16 =	vld.idx.msk [tilespmem:v13+s16+$0x0], $0xffff  }
0x475: {  	v19 =	vld.idx.msk [tilespmem:v13+s15+$0x0], $0xffff  }
0x476: {  	v12 =	vadd.f32 v17, v12  }
.Ltmp11:
0x477: {  	(pc) =	sbr.rel @p0 .LBB2_19-.Ltmp11, $4  }
0x478: {  	v12 =	vadd.f32 v18, v12;
	v14 =	vmov s8  }
0x479: {  	v14 =	vand.u32 $0x7C, v14  }
0x47a: {  	v12 =	vadd.f32 v15, v12;
	v14 =	vbroadcast v14, $0x0  }
0x47b: {  	v15 =	vsub.f32 v16, v19  }
0x47c: {  	v14 =	vor.u32 v11, v14  }
0x47d: {  	v15 =	vnsel vm15, $0x0, v15  }
0x47e: {  	v16 =	vmul.f32 $-5.000000000e-01, v15;
	_ =	sdelay $0x1  }
0x47f: {  	[tilespmem:v13+s18+$0x0] =	vst.idx.msk $0xffff, v16  }
0x480: {  	v13 =	vld.idx.msk [tilespmem:v14+s16+$0x0], $0xffff  }
0x481: {  	v16 =	vld.idx.msk [tilespmem:v14+s15+$0x0], $0xffff  }
0x482: {  	s1 =	sadd.s32 $0x1, s8  }
0x483: {  	v17 =	vmov s1  }
0x484: {  	v17 =	vand.u32 $0x7D, v17  }
0x485: {  	v17 =	vbroadcast v17, $0x0  }
0x486: {  	v13 =	vsub.f32 v13, v16  }
0x487: {  	v54 =	vor.u32 v11, v17  }
0x488: {  	v13 =	vnsel vm15, $0x0, v13  }
0x489: {  	v55 =	vmul.f32 $-5.000000000e-01, v13;
	_ =	sdelay $0x1  }
0x48a: {  	[tilespmem:v14+s18+$0x0] =	vst.idx.msk $0xffff, v55  }
0x48b: {  	v14 =	vld.idx.msk [tilespmem:v54+s16+$0x0], $0xffff  }
0x48c: {  	v17 =	vld.idx.msk [tilespmem:v54+s15+$0x0], $0xffff  }
0x48d: {  	s28 =	sadd.s32 $0x2, s8  }
0x48e: {  	v18 =	vmov s28  }
0x48f: {  	v18 =	vand.u32 $0x7E, v18  }
0x490: {  	v18 =	vbroadcast v18, $0x0  }
0x491: {  	v14 =	vsub.f32 v14, v17  }
0x492: {  	v56 =	vor.u32 v11, v18  }
0x493: {  	v14 =	vnsel vm15, $0x0, v14  }
0x494: {  	v57 =	vmul.f32 $-5.000000000e-01, v14;
	_ =	sdelay $0x1  }
0x495: {  	[tilespmem:v54+s18+$0x0] =	vst.idx.msk $0xffff, v57  }
0x496: {  	v16 =	vld.idx.msk [tilespmem:v56+s16+$0x0], $0xffff  }
0x497: {  	v18 =	vld.idx.msk [tilespmem:v56+s15+$0x0], $0xffff  }
0x498: {  	s30 =	sadd.s32 $0x3, s8  }
0x499: {  	v19 =	vmov s30  }
0x49a: {  	v19 =	vand.u32 $0x7F, v19  }
0x49b: {  	v19 =	vbroadcast v19, $0x0  }
0x49c: {  	v16 =	vsub.f32 v16, v18  }
0x49d: {  	v11 =	vor.u32 v11, v19  }
0x49e: {  	v16 =	vnsel vm15, $0x0, v16  }
0x49f: {  	v58 =	vmul.f32 $-5.000000000e-01, v16;
	_ =	sdelay $0x1  }
0x4a0: {  	[tilespmem:v56+s18+$0x0] =	vst.idx.msk $0xffff, v58  }
0x4a1: {  	v17 =	vld.idx.msk [tilespmem:v11+s16+$0x0], $0xffff  }
0x4a2: {  	v18 =	vld.idx.msk [tilespmem:v11+s15+$0x0], $0xffff;
	_ =	sdelay $0x4  }
0x4a3: {  	v17 =	vsub.f32 v17, v18;
	_ =	sdelay $0x1  }
0x4a4: {  	v17 =	vnsel vm15, $0x0, v17  }
0x4a5: {  	v59 =	vmul.f32 $-5.000000000e-01, v17;
	_ =	sdelay $0x1  }
0x4a6: {  	[tilespmem:v11+s18+$0x0] =	vst.idx.msk $0xffff, v59  }
0x4a7: {  	v11 =	vld [tilespmem:s7+$0xC270];
	_ =	sdelay $0x7  }
0x4a8: {  	[hbm4b:s6+s5] =	stream.indirect_vreg.scatter [tilespmem:s25], [sflag:$0x3], $0x80, v11, vm0, $0xb8;
	[tilespmem:$0x1CB80] =	vst v63  }
0x4a9: {  	_ =	swait.ge [sflag:s26], $0x800  }
0x4aa: {  	[sflag:s26] =	ssyncset.done $0x0  }
0x4ab: {  	[sflag:s26] =	ssyncadd.s32 $0xFFFFF800  }
0x4ac: {  	_ =	swait.ge [sflag:s26], $0x800  }
0x4ad: {  	[sflag:s26] =	ssyncset.done $0x0  }
0x4ae: {  	[sflag:s26] =	ssyncadd.s32 $0xFFFFF800  }
0x4af: {  	_ =	swait.ge [sflag:s26], $0x800  }
0x4b0: {  	[sflag:s26] =	ssyncset.done $0x0  }
0x4b1: {  	[sflag:s26] =	ssyncadd.s32 $0xFFFFF800  }
0x4b2: {  	_ =	swait.ge [sflag:s26], $0x800  }
0x4b3: {  	[sflag:s26] =	ssyncset.done $0x0  }
0x4b4: {  	[sflag:s26] =	ssyncadd.s32 $0xFFFFF800  }
0x4b5: {  	_ =	swait.ge [sflag:s26], $0x800  }
0x4b6: {  	v11 =	vmul.f32 v15, v15;
	[sflag:s26] =	ssyncset.done $0x0  }
0x4b7: {  	[sflag:s26] =	ssyncadd.s32 $0xFFFFF800  }
0x4b8: {  	v60 =	vmul.f32 v13, v13;
	v11 =	vadd.f32 v11, v12;
	_ =	swait.ge [sflag:s26], $0x800  }
0x4b9: {  	[sflag:s26] =	ssyncset.done $0x0  }
0x4ba: {  	s2 =	sadd.s32 $0x1, s2;
	v61 =	vmul.f32 v14, v14;
	v11 =	vadd.f32 v60, v11;
	[sflag:s26] =	ssyncadd.s32 $0xFFFFF800  }
0x4bb: {  	p0 =	sne.s32 s2, s4;
	_ =	swait.ge [sflag:s26], $0x800  }
.Ltmp12:
0x4bc: {  	v62 =	vmul.f32 v16, v16;
	v11 =	vadd.f32 v61, v11;
	[sflag:s26] =	ssyncset.done $0x0;
	(pc) =	sbr.rel @p0 .LBB2_4-.Ltmp12, $4  }
0x4bd: {  	[sflag:s26] =	ssyncadd.s32 $0xFFFFF800  }
0x4be: {  	v63 =	vmul.f32 v17, v17;
	v11 =	vadd.f32 v62, v11;
	_ =	swait.ge [sflag:s26], $0x800  }
0x4bf: {  	[sflag:s26] =	ssyncset.done $0x0  }
0x4c0: {  	v11 =	vadd.f32 v63, v11;
	[sflag:s26] =	ssyncadd.s32 $0xFFFFF800  }
.LBB2_21:
0x4c1: {  	s0 =	sadd.s32 $0xF, s31  }
0x4c2: {  	s4 =	rddreg [dreg:$0x6];
	s1 =	sand.u32 $0xF, s0  }
0x4c3: {  	s2 =	sshra.s32 s0, $0x1F;
	p0 =	slt.s32 s0, $0x1;
	p1 =	sne.s32 s1, $0x0  }
0x4c4: {  	s7 =	simm.s32 $0x1CB00;
	s28 =	sshrl.u32 s2, $0x1C;
	p0 =	por !p0, !p1  }
0x4c5: {  	s1 =	simm.s32 $0x1;
	s0 =	sadd.s32 s28, s0;
	p0 =	por !p0, !p0  }
0x4c6: {  	[tilespmem:$0x1CB00] =	vst v11;
	s30 =	sshra.s32 s0, $0x4;
	s0 =	simm.s32 $0x0;
	s1 =	simm.s32 @!p0 $0x0  }
0x4c7: {  	[hbm4b:s4+s0] =	stream.linear.scatter [tilespmem:s7], [sflag:$0x4], $0x80, $0x38;
	[tilespmem:$0x1CB80] =	vst v63  }
0x4c8: {  	s2 =	ssub.s32 s30, s1  }
0x4c9: {  	p0 =	slt.s32 s2, $0x1  }
.Ltmp13:
0x4ca: {  	_ = 	snop;
	(pc) =	sbr.rel @!p0 .LBB2_22-.Ltmp13, $4  }
.Ltmp14:
0x4cb: {  	s31 =	simm.s32 $0x4;
	(pc) =	sbr.rel @p0 .LBB2_28-.Ltmp14, $4  }
0x4cc: {  	_ =	swait.ge [sflag:s31], $0x80  }
0x4cd: {  	[sflag:s31] =	ssyncset.done $0x0  }
0x4ce: {  	s4 =	simm.s32 $0x0;
	[sflag:s31] =	ssyncadd.s32 $0xFFFFFF80  }
0x4cf: {  	_ = 	snop  }
.LBB2_27:
0x4d0: {  	s4 =	sadd.s32 $0x1, s4  }
0x4d1: {  	p0 =	sne.s32 s4, s2  }
.Ltmp15:
0x4d2: {  	_ = 	snop;
	(pc) =	sbr.rel @!p0 .LBB2_28-.Ltmp15, $1  }
0x4d3: {  	_ =	sdelay $0x3  }
.LBB2_22:
0x4d4: {  	s7 =	sshll.u32 s4, $0x4  }
0x4d5: {  	v11 =	vld [tilespmem:s7+$0x8100];
	_ =	sdelay $0x2  }
0x4d6: {  	v12 =	vor.u32 s7, v0  }
0x4d7: {  	vm15 =	vlt.s32 v12, v10;
	v12 =	vor.u32 $0xF4240, v0  }
0x4d8: {  	vm1 =	vmmov $0x1;
	v12 =	vsel vm15, v11, v12  }
0x4d9: {  	v13 =	vnsel vm1, $0x0, v12;
	vm1 =	vcmask $0x308  }
0x4da: {  	(xrf0) =	vadd.scan.msk.s32 $0xffff, v13;
	v13 =	vsel vm1, $0x0, v12  }
0x4db: {  	vm1 =	vcmask $0x70C;
	(xrf0) =	vadd.scan.msk.s32 $0xffff, v13  }
0x4dc: {  	v13 =	vsel vm1, $0x0, v12;
	vm1 =	vcmask $0xB10  }
0x4dd: {  	(xrf0) =	vadd.scan.msk.s32 $0xffff, v13;
	v13 =	vsel vm1, $0x0, v12;
	_ =	sdelay $0x2  }
0x4de: {  	(xrf0) =	vadd.scan.msk.s32 $0xffff, v13;
	v13, _, _ =	vpop (xrf0)  }
0x4df: {  	vm1 =	vcmask $0xF14;
	v14, _, _ =	vpop (xrf0);
	v13 =	vbroadcast v13, $0xF  }
0x4e0: {  	v15 =	vsel vm1, $0x0, v12;
	vm1 =	vcmask $0x1318;
	v14 =	vbroadcast v14, $0xF  }
0x4e1: {  	vm3 =	vcmask $0x171C;
	(xrf0) =	vadd.scan.msk.s32 $0xffff, v15;
	v15 =	vsel vm1, $0x0, v12;
	vm1 =	veq.s32 v12, v13  }
0x4e2: {  	vm2 =	veq.s32 v12, v14;
	v14 =	vsel vm3, $0x0, v12;
	vm3 =	vcmask $0x3F04  }
0x4e3: {  	(xrf0) =	vadd.scan.msk.s32 $0xffff, v15;
	v13, _, _ =	vpop (xrf0);
	vm1 =	vmand vm1, vm3;
	vm3 =	vcmask $0x3F08  }
0x4e4: {  	vm2 =	vmand vm2, vm3;
	v13 =	vbroadcast v13, $0xF;
	v15, _, _ =	vpop (xrf0);
	(xrf0) =	vadd.scan.msk.s32 $0xffff, v14;
	v14 =	vsel vm1, $0x1, v2  }
0x4e5: {  	v16 =	vsel vm2, $0x1, v2;
	v15 =	vbroadcast v15, $0xF;
	vm2 =	vcmask $0x1B20  }
0x4e6: {  	vm1 =	veq.s32 v12, v13;
	v13 =	vsel vm2, $0x0, v12;
	vm2 =	vcmask $0x3F0C  }
0x4e7: {  	vm3 =	vcmask $0x1F24;
	vm1 =	vmand vm1, vm2  }
0x4e8: {  	vm2 =	veq.s32 v12, v15;
	v54 =	vsel vm1, $0x1, v2;
	vm1 =	vcmask $0x3F10  }
0x4e9: {  	v14 =	vadd.s32 v16, v14;
	v15, _, _ =	vpop (xrf0);
	(xrf0) =	vadd.scan.msk.s32 $0xffff, v13;
	v13 =	vsel vm3, $0x0, v12;
	vm1 =	vmand vm2, vm1  }
0x4ea: {  	v17, _, _ =	vpop (xrf0);
	(xrf0) =	vadd.scan.msk.s32 $0xffff, v13;
	v13 =	vadd.s32 v54, v14;
	v14 =	vsel vm1, $0x1, v2  }
0x4eb: {  	v15 =	vbroadcast v15, $0xF  }
0x4ec: {  	vm2 =	vcmask $0x2328;
	v55 =	vbroadcast v17, $0xF;
	v13 =	vadd.s32 v14, v13  }
0x4ed: {  	vm1 =	veq.s32 v12, v15;
	v15 =	vsel vm2, $0x0, v12;
	vm2 =	vcmask $0x3F14;
	v14, _, _ =	vpop (xrf0)  }
0x4ee: {  	vm1 =	vmand vm1, vm2;
	v14 =	vbroadcast v14, $0xF  }
0x4ef: {  	vm2 =	veq.s32 v12, v55;
	(xrf0) =	vadd.scan.msk.s32 $0xffff, v15;
	v15 =	vsel vm1, $0x1, v2;
	vm1 =	vcmask $0x3F18  }
0x4f0: {  	v56 =	vsel vm5, $0x0, v12;
	vm1 =	vmand vm2, vm1;
	v13 =	vadd.s32 v15, v13  }
0x4f1: {  	vm2 =	vcmask $0x3F1C;
	v15 =	vsel vm1, $0x1, v2;
	vm1 =	veq.s32 v12, v14  }
0x4f2: {  	v58 =	vsel vm7, $0x0, v12;
	vm1 =	vmand vm1, vm2;
	v14, _, _ =	vpop (xrf0);
	(xrf0) =	vadd.scan.msk.s32 $0xffff, v56  }
0x4f3: {  	v13 =	vadd.s32 v15, v13;
	v15 =	vsel vm1, $0x1, v2;
	v14 =	vbroadcast v14, $0xF;
	v57, _, _ =	vpop (xrf0)  }
0x4f4: {  	vm2 =	vcmask $0x3F20;
	(xrf0) =	vadd.scan.msk.s32 $0xffff, v58;
	v16 =	vbroadcast v57, $0xF  }
0x4f5: {  	v13 =	vadd.s32 v15, v13;
	vm1 =	veq.s32 v12, v14;
	v14 =	vsel vm9, $0x0, v12  }
0x4f6: {  	v15, _, _ =	vpop (xrf0);
	vm1 =	vmand vm1, vm2;
	vm2 =	veq.s32 v12, v16;
	(xrf0) =	vadd.scan.msk.s32 $0xffff, v14;
	v14 =	vsel vm11, $0x0, v12  }
0x4f7: {  	v15 =	vbroadcast v15, $0xF;
	v59 =	vsel vm1, $0x1, v2;
	vm1 =	vcmask $0x3F24  }
0x4f8: {  	(xrf0) =	vadd.scan.msk.s32 $0xffff, v14;
	v14 =	vsel vm13, $0x0, v12;
	v13 =	vadd.s32 v59, v13;
	vm1 =	vmand vm2, vm1;
	v60, _, _ =	vpop (xrf0)  }
0x4f9: {  	(xrf0) =	vadd.scan.msk.s32 $0xffff, v14;
	v14 =	vsel vm1, $0x1, v2;
	vm1 =	veq.s32 v12, v15;
	v15 =	vbroadcast v60, $0xF  }
0x4fa: {  	v61, _, _ =	vpop (xrf0);
	v13 =	vadd.s32 v14, v13;
	vm1 =	vmand vm1, vm4  }
0x4fb: {  	v14 =	vsel vm1, $0x1, v2;
	vm1 =	veq.s32 v12, v15;
	v15 =	vbroadcast v61, $0xF  }
0x4fc: {  	vm1 =	vmand vm1, vm6  }
0x4fd: {  	vm2 =	veq.s32 v12, v15;
	v15 =	vsel vm1, $0x1, v2  }
0x4fe: {  	v62, _, _ =	vpop (xrf0)  }
0x4ff: {  	v13 =	vadd.s32 v14, v13;
	v16 =	vbroadcast v62, $0xF;
	v14, _, _ =	vpop (xrf0)  }
0x500: {  	v13 =	vadd.s32 v15, v13;
	vm1 =	vmand vm2, vm8;
	v14 =	vbroadcast v14, $0xF;
	v15, _, _ =	vpop (xrf0)  }
0x501: {  	vm2 =	veq.s32 v12, v16;
	v63 =	vsel vm1, $0x1, v2;
	v15 =	vbroadcast v15, $0xF  }
0x502: {  	v13 =	vadd.s32 v63, v13;
	vm1 =	vmand vm2, vm10;
	vm2 =	veq.s32 v12, v14  }
0x503: {  	v14 =	vsel vm1, $0x1, v2;
	vm2 =	vmand vm2, vm12;
	vm1 =	veq.s32 v12, v15  }
0x504: {  	v13 =	vadd.s32 v14, v13;
	v12 =	vsel vm2, $0x1, v2;
	vm1 =	vmand vm1, vm14  }
0x505: {  	v12 =	vadd.s32 v12, v13;
	v14 =	vsel vm1, $0x1, v2  }
0x506: {  	v12 =	vadd.s32 v14, v12  }
0x507: {  	v13 =	vxor.u32 $0x80000000, v12  }
0x508: {  	(xrf0) =	vmax.scan.msk.u32 $0xffff, v13;
	_ =	sdelay $0x5  }
0x509: {  	v13, _, _ =	vpop (xrf0)  }
0x50a: {  	(v2sf) =	vpush v13, $0xF;
	_ =	sdelay $0x9  }
0x50b: {  	v13 =	vld [tilespmem:s7+$0xC200];
	_ =	sdelay $0x4  }
0x50c: {  	s7 =	spop (v2sf)  }
0x50d: {  	p0 =	sgt.s32 s7, $0xFFFFFFFF  }
.Ltmp16:
0x50e: {  	_ = 	snop;
	(pc) =	sbr.rel @p0 .LBB2_27-.Ltmp16, $4  }
0x50f: {  	[tilespmem:s18], [sflag:$0x1] =	stream.indirect_vreg.gather [hbm4b:s6+s0], $0x80, v13, vm0, $0xb8;
	[tilespmem:$0x1CB80] =	vst v63  }
0x510: {  	_ =	swait.ge [sflag:s13], $0x800  }
0x511: {  	[sflag:s13] =	ssyncset.done $0x0  }
0x512: {  	[sflag:s13] =	ssyncadd.s32 $0xFFFFF800  }
0x513: {  	s7 =	sxor.u32 $0x80000000, s7;
	s28 =	simm.s32 $0x0  }
.LBB2_24:
0x514: {  	vm1 =	veq.s32 v12, s28  }
0x515: {  	s1 =	simm.s32 $0x0;
	vm1 =	vmand vm15, vm1  }
0x516: {  	v14 =	vmov s1;
	v13 =	vnsel vm1, $0xF4240, v11  }
0x517: {  	v14 =	vand.u32 $0x7C, v14  }
0x518: {  	v14 =	vbroadcast v14, $0x0;
	_ =	sdelay $0x1  }
0x519: {  	v14 =	vor.u32 v3, v14  }
0x51a: {  	[tilespmem:s29], [sflag:$0x2] =	stream.indirect_vreg.gather [hbm4b:s3+s1], $0x80, v13, vm0, $0xb8;
	[tilespmem:$0x1CB80] =	vst v63  }
0x51b: {  	_ =	swait.ge [sflag:s17], $0x800  }
0x51c: {  	[sflag:s17] =	ssyncset.done $0x0  }
0x51d: {  	s8 =	simm.s32 $0x1;
	[sflag:s17] =	ssyncadd.s32 $0xFFFFF800  }
0x51e: {  	v16 =	vmov s8;
	v15 =	vld.idx.msk [tilespmem:v14+s18+$0x0], $0xffff  }
0x51f: {  	v16 =	vand.u32 $0x7D, v16;
	v17 =	vld.idx.msk [tilespmem:v14+s29+$0x0], $0xffff  }
0x520: {  	v16 =	vbroadcast v16, $0x0;
	_ =	sdelay $0x1  }
0x521: {  	v16 =	vor.u32 v3, v16  }
0x522: {  	v15 =	vnsel vm1, $0x0, v15  }
0x523: {  	v15 =	vadd.f32 v15, v17;
	_ =	sdelay $0x1  }
0x524: {  	s9 =	simm.s32 $0x2;
	[tilespmem:v14+s29+$0x0] =	vst.idx.msk $0xffff, v15  }
0x525: {  	v15 =	vmov s9;
	v14 =	vld.idx.msk [tilespmem:v16+s18+$0x0], $0xffff  }
0x526: {  	v17 =	vld.idx.msk [tilespmem:v16+s29+$0x0], $0xffff;
	v15 =	vand.u32 $0x7E, v15  }
0x527: {  	v15 =	vbroadcast v15, $0x0;
	_ =	sdelay $0x1  }
0x528: {  	v18 =	vor.u32 v3, v15  }
0x529: {  	v14 =	vnsel vm1, $0x0, v14  }
0x52a: {  	v14 =	vadd.f32 v14, v17;
	_ =	sdelay $0x1  }
0x52b: {  	s30 =	simm.s32 $0x3;
	[tilespmem:v16+s29+$0x0] =	vst.idx.msk $0xffff, v14  }
0x52c: {  	v15 =	vmov s30;
	v14 =	vld.idx.msk [tilespmem:v18+s18+$0x0], $0xffff  }
0x52d: {  	v15 =	vand.u32 $0x7F, v15;
	v16 =	vld.idx.msk [tilespmem:v18+s29+$0x0], $0xffff  }
0x52e: {  	v15 =	vbroadcast v15, $0x0;
	_ =	sdelay $0x1  }
0x52f: {  	v15 =	vor.u32 v3, v15  }
0x530: {  	v14 =	vnsel vm1, $0x0, v14  }
0x531: {  	v14 =	vadd.f32 v14, v16;
	_ =	sdelay $0x1  }
0x532: {  	[tilespmem:v18+s29+$0x0] =	vst.idx.msk $0xffff, v14  }
0x533: {  	s8 =	simm.s32 $0x4;
	v14 =	vld.idx.msk [tilespmem:v15+s18+$0x0], $0xffff  }
0x534: {  	v17 =	vmov s8  }
0x535: {  	v17 =	vand.u32 $0x7C, v17;
	v16 =	vld.idx.msk [tilespmem:v15+s29+$0x0], $0xffff  }
0x536: {  	v17 =	vbroadcast v17, $0x0;
	_ =	sdelay $0x1  }
0x537: {  	v18 =	vnsel vm1, $0x0, v14;
	v14 =	vor.u32 v3, v17;
	_ =	sdelay $0x1  }
0x538: {  	s9 =	simm.s32 $0x8;
	v16 =	vadd.f32 v18, v16  }
.LBB2_25:
0x539: {  	_ = 	snop  }
0x53a: {  	p0 =	sne.s32 s9, $0x7C;
	s1 =	smov.u32 s9;
	s9 =	sadd.s32 $0x4, s9;
	[tilespmem:v15+s29+$0x0] =	vst.idx.msk $0xffff, v16  }
0x53b: {  	s30 =	sadd.s32 $0x1, s8;
	v15 =	vld.idx.msk [tilespmem:v14+s18+$0x0], $0xffff  }
0x53c: {  	v17 =	vmov s30;
	v16 =	vld.idx.msk [tilespmem:v14+s29+$0x0], $0xffff  }
0x53d: {  	v17 =	vand.u32 $0x7D, v17  }
0x53e: {  	v17 =	vbroadcast v17, $0x0;
	_ =	sdelay $0x1  }
0x53f: {  	v17 =	vor.u32 v3, v17  }
0x540: {  	v15 =	vnsel vm1, $0x0, v15  }
0x541: {  	v15 =	vadd.f32 v15, v16;
	_ =	sdelay $0x1  }
0x542: {  	[tilespmem:v14+s29+$0x0] =	vst.idx.msk $0xffff, v15  }
0x543: {  	s30 =	sadd.s32 $0x2, s8;
	v14 =	vld.idx.msk [tilespmem:v17+s18+$0x0], $0xffff  }
0x544: {  	v16 =	vmov s30;
	v15 =	vld.idx.msk [tilespmem:v17+s29+$0x0], $0xffff  }
0x545: {  	v16 =	vand.u32 $0x7E, v16  }
0x546: {  	v16 =	vbroadcast v16, $0x0;
	_ =	sdelay $0x1  }
0x547: {  	v16 =	vor.u32 v3, v16  }
0x548: {  	v14 =	vnsel vm1, $0x0, v14  }
0x549: {  	v14 =	vadd.f32 v14, v15;
	_ =	sdelay $0x1  }
0x54a: {  	[tilespmem:v17+s29+$0x0] =	vst.idx.msk $0xffff, v14  }
0x54b: {  	s30 =	sadd.s32 $0x3, s8;
	s8 =	smov.u32 s1;
	v14 =	vld.idx.msk [tilespmem:v16+s18+$0x0], $0xffff  }
0x54c: {  	v15 =	vmov s30;
	v17 =	vld.idx.msk [tilespmem:v16+s29+$0x0], $0xffff  }
0x54d: {  	v15 =	vand.u32 $0x7F, v15  }
0x54e: {  	v15 =	vbroadcast v15, $0x0;
	_ =	sdelay $0x1  }
0x54f: {  	v15 =	vor.u32 v3, v15  }
0x550: {  	v14 =	vnsel vm1, $0x0, v14  }
0x551: {  	v14 =	vadd.f32 v14, v17;
	_ =	sdelay $0x1  }
0x552: {  	[tilespmem:v16+s29+$0x0] =	vst.idx.msk $0xffff, v14  }
0x553: {  	v16 =	vld.idx.msk [tilespmem:v15+s18+$0x0], $0xffff  }
0x554: {  	v14 =	vmov s8;
	v17 =	vld.idx.msk [tilespmem:v15+s29+$0x0], $0xffff  }
0x555: {  	v14 =	vand.u32 $0x7C, v14  }
.Ltmp17:
0x556: {  	v14 =	vbroadcast v14, $0x0;
	(pc) =	sbr.rel @p0 .LBB2_25-.Ltmp17, $4  }
0x557: {  	_ = 	snop  }
0x558: {  	v14 =	vor.u32 v3, v14  }
0x559: {  	v16 =	vnsel vm1, $0x0, v16  }
0x55a: {  	v16 =	vadd.f32 v16, v17  }
0x55b: {  	_ =	sdelay $0x3  }
0x55c: {  	s1 =	sadd.s32 $0x1, s8;
	[tilespmem:v15+s29+$0x0] =	vst.idx.msk $0xffff, v16  }
0x55d: {  	v60 =	vmov s1;
	v15 =	vld.idx.msk [tilespmem:v14+s18+$0x0], $0xffff  }
0x55e: {  	v17 =	vld.idx.msk [tilespmem:v14+s29+$0x0], $0xffff;
	v16 =	vand.u32 $0x7D, v60  }
0x55f: {  	v16 =	vbroadcast v16, $0x0;
	_ =	sdelay $0x1  }
0x560: {  	v16 =	vor.u32 v3, v16  }
0x561: {  	v15 =	vnsel vm1, $0x0, v15  }
0x562: {  	v15 =	vadd.f32 v15, v17;
	_ =	sdelay $0x1  }
0x563: {  	s9 =	sadd.s32 $0x2, s8;
	[tilespmem:v14+s29+$0x0] =	vst.idx.msk $0xffff, v15  }
0x564: {  	v15 =	vmov s9;
	v14 =	vld.idx.msk [tilespmem:v16+s18+$0x0], $0xffff  }
0x565: {  	v61 =	vld.idx.msk [tilespmem:v16+s29+$0x0], $0xffff;
	v15 =	vand.u32 $0x7E, v15  }
0x566: {  	v15 =	vbroadcast v15, $0x0;
	_ =	sdelay $0x1  }
0x567: {  	v15 =	vor.u32 v3, v15  }
0x568: {  	v14 =	vnsel vm1, $0x0, v14  }
0x569: {  	v14 =	vadd.f32 v14, v61;
	_ =	sdelay $0x1  }
0x56a: {  	s30 =	sadd.s32 $0x3, s8;
	[tilespmem:v16+s29+$0x0] =	vst.idx.msk $0xffff, v14  }
0x56b: {  	v62 =	vmov s30;
	v14 =	vld.idx.msk [tilespmem:v15+s18+$0x0], $0xffff  }
0x56c: {  	v16 =	vand.u32 $0x7F, v62;
	v63 =	vld.idx.msk [tilespmem:v15+s29+$0x0], $0xffff  }
0x56d: {  	v16 =	vbroadcast v16, $0x0;
	_ =	sdelay $0x1  }
0x56e: {  	v16 =	vor.u32 v3, v16  }
0x56f: {  	v14 =	vnsel vm1, $0x0, v14  }
0x570: {  	v14 =	vadd.f32 v14, v63;
	_ =	sdelay $0x1  }
0x571: {  	[tilespmem:v15+s29+$0x0] =	vst.idx.msk $0xffff, v14  }
0x572: {  	v14 =	vld.idx.msk [tilespmem:v16+s18+$0x0], $0xffff  }
0x573: {  	v15 =	vld.idx.msk [tilespmem:v16+s29+$0x0], $0xffff;
	_ =	sdelay $0x3  }
0x574: {  	v14 =	vnsel vm1, $0x0, v14  }
0x575: {  	v14 =	vadd.f32 v14, v15  }
0x576: {  	s28 =	sadd.s32 $0x1, s28  }
0x577: {  	p0 =	sle.s32 s28, s7;
	[tilespmem:v16+s29+$0x0] =	vst.idx.msk $0xffff, v14  }
0x578: {  	[hbm4b:s3+s5] =	stream.indirect_vreg.scatter [tilespmem:s29], [sflag:$0x2], $0x80, v13, vm0, $0xb8;
	[tilespmem:$0x1CB80] =	vst v63  }
.Ltmp18:
0x579: {  	_ = 	snop;
	(pc) =	sbr.rel @p0 .LBB2_24-.Ltmp18, $4  }
.Ltmp19:
0x57a: {  	_ = 	snop;
	(pc) =	sbr.rel @!p0 .LBB2_27-.Ltmp19, $4  }
0x57b: {  	_ =	swait.ge [sflag:s17], $0x800  }
0x57c: {  	[sflag:s17] =	ssyncset.done $0x0  }
0x57d: {  	[sflag:s17] =	ssyncadd.s32 $0xFFFFF800  }
0x57e: {  	_ = 	snop  }
.LBB2_29:
0x57f: {  	_ =	sfence.sel $0x180000  }
0x580: {  	[bflag:$0x0] =	sbarrier.arrive $0xFFFF  }
0x581: {  	_ =	strace $0x90000047  }
0x582: {  	s0 =	stileid.u32;
	[bflag:$0x2] =	sbarrier.arrive $0xFFFF  }
0x583: {  	p0 =	sne.s32 s0, $0x0;
	s0 =	rddreg [dreg:$0x5]  }
0x584: {  	s0 =	sadd.s32 @!p0 $0x100000, s0  }
0x585: {  	[sflag:s0] =	ssyncadd.tile.s32 @!p0 $0x1;
	_ =	shalt  }
.Lfunc_end2:
_tile_overlayer_lowered:
.L_overlay_start_2:
0x586: {  	(tag) =	ssettag $0x2  }
0x587: {  	s0 =	rddreg [dreg:$0x0];
	s2 =	stileid.u32  }
0x588: {  	s1 =	rddreg [dreg:$0x1];
	p0 =	sne.s32 s2, $0x0  }
0x589: {  	s3 =	rddreg [dreg:$0x2];
	[bflag:$0x3] =	sbarrier.arrive $0xFFFF;
	s2 =	simm.s32 @!p0 $0x1C04  }
0x58a: {  	[timem:s3], [sflag:s2] =	dma.local @!p0 [hbm:s0], s1  }
0x58b: {  	s0 =	simm.s32 @!p0 $0x4  }
0x58c: {  	_ =	swait.ge @!p0 [sflag:s0], s1  }
0x58d: {  	s1 =	ssub.s32 @!p0 $0x0, s1;
	[sflag:s0] =	ssyncset.done @!p0 $0x0  }
0x58e: {  	[sflag:s0] =	ssyncadd.s32 @!p0 s1  }
0x58f: {  	[bflag:$0x3] =	sbarrier.arrive $0xFFFF  }
0x590: {  	_ =	shalt  }

</sc_bundles>
